<compile_context>
chip_gen: v7x
topology: tpu7x:2x2x1
jax: 0.10.2.dev20260603
libtpu: 0.0.44.dev20260713+nightly
codegen_flags: <defaults>
</compile_context>

<pallas_src>
import functools

import jax
import jax.numpy as jnp
from jax import lax
from jax.experimental import pallas as pl
from jax.experimental.pallas import tpu as pltpu
from jax.experimental.pallas import tpu_sc as plsc

INTERPRET = False

N = 10000
E = 320000
BE = 1600
BN = 1000



def _dot(a, b):
    return jnp.dot(a, b)

def _leaky(h):
    return jnp.where(h >= 0, h, 0.01 * h)


def _ln(h):
    mu = jnp.mean(h, axis=-1, keepdims=True)
    var = jnp.mean((h - mu) ** 2, axis=-1, keepdims=True)
    return (h - mu) * jax.lax.rsqrt(var + 1e-5)


def _vspec(shape):
    return pl.BlockSpec(shape, lambda i: (0,) * len(shape))




def _enc_edges_body(e_in, wenc, benc, we0, bcore, e_enc, p0):
    ee = _leaky(_dot(e_in[...], wenc[...]) + benc[...])
    e_enc[...] = ee
    p0[...] = _dot(ee, we0[...]) + bcore[...]


def _enc_edges(e_in, wenc, benc, we0, bcore):
    g = E // BE
    return pl.pallas_call(
        _enc_edges_body,
        grid=(g,),
        in_specs=[
            pl.BlockSpec((BE, 16), lambda i: (i, 0)),
            _vspec((16, 128)),
            _vspec((1, 128)),
            _vspec((128, 128)),
            _vspec((1, 128)),
        ],
        out_specs=[
            pl.BlockSpec((BE, 128), lambda i: (i, 0)),
            pl.BlockSpec((BE, 128), lambda i: (i, 0)),
        ],
        out_shape=[
            jax.ShapeDtypeStruct((E + 128, 128), jnp.float32),
            jax.ShapeDtypeStruct((E + 128, 128), jnp.float32),
        ],
        interpret=INTERPRET,
    )(e_in, wenc, benc, we0, bcore)


def _enc_nodes_body(x_in, wenc, benc, ws0, wd0, wx0, bx, x_enc, xs0, xd0, xc0):
    xe = _leaky(_dot(x_in[...], wenc[...]) + benc[...])
    x_enc[...] = xe
    xs0[...] = _dot(xe, ws0[...])
    xd0[...] = _dot(xe, wd0[...])
    xc0[...] = _dot(xe, wx0[...]) + bx[...]


def _enc_nodes(x_in, wenc, benc, ws0, wd0, wx0, bx):
    g = N // BN
    return pl.pallas_call(
        _enc_nodes_body,
        grid=(g,),
        in_specs=[
            pl.BlockSpec((BN, 128), lambda i: (i, 0)),
            _vspec((128, 128)),
            _vspec((1, 128)),
            _vspec((128, 128)),
            _vspec((128, 128)),
            _vspec((128, 128)),
            _vspec((1, 128)),
        ],
        out_specs=[pl.BlockSpec((BN, 128), lambda i: (i, 0))] * 4,
        out_shape=[jax.ShapeDtypeStruct((N, 128), jnp.float32)] * 4,
        interpret=INTERPRET,
    )(x_in, wenc, benc, ws0, wd0, wx0, bx)


def _g_enc_body(g_in, w, b, out):
    out[...] = _leaky(_dot(g_in[...], w[...]) + b[...])


def _g_enc(g_in, wpad, bpad):
    return pl.pallas_call(
        _g_enc_body,
        grid=(1,),
        in_specs=[_vspec((1, 16)), _vspec((16, 128)), _vspec((1, 128))],
        out_specs=_vspec((1, 128)),
        out_shape=jax.ShapeDtypeStruct((1, 128), jnp.float32),
        interpret=INTERPRET,
    )(g_in, wpad, bpad)




def _node_prep_body(x, ws1, wd1, xs0, xd0, xs, xd):
    xv = x[...]
    xs[...] = _dot(xv, ws1[...]) + xs0[...]
    xd[...] = _dot(xv, wd1[...]) + xd0[...]


def _node_prep(x, ws1, wd1, xs0, xd0):
    g = N // BN
    return pl.pallas_call(
        _node_prep_body,
        grid=(g,),
        in_specs=[
            pl.BlockSpec((BN, 128), lambda i: (i, 0)),
            _vspec((128, 128)),
            _vspec((128, 128)),
            pl.BlockSpec((BN, 128), lambda i: (i, 0)),
            pl.BlockSpec((BN, 128), lambda i: (i, 0)),
        ],
        out_specs=[pl.BlockSpec((BN, 128), lambda i: (i, 0))] * 2,
        out_shape=[jax.ShapeDtypeStruct((N, 128), jnp.float32)] * 2,
        interpret=INTERPRET,
    )(x, ws1, wd1, xs0, xd0)




def _edge_core_body(e, p0, xg, g0b, gb, wg2, we1, e_new, esum, emax, emin):
    i = pl.program_id(0)
    grow = g0b[...] * wg2[0:1, :] + gb[...] * wg2[1:2, :]
    h = _dot(e[...], we1[...]) + p0[...] + xg[...] + grow
    y = _ln(_leaky(h))
    e_new[...] = y
    bs = jnp.sum(y, axis=0, keepdims=True)
    bmx = jnp.max(y, axis=0, keepdims=True)
    bmn = jnp.min(y, axis=0, keepdims=True)

    @pl.when(i == 0)
    def _():
        esum[...] = bs
        emax[...] = bmx
        emin[...] = bmn

    @pl.when(i != 0)
    def _():
        esum[...] += bs
        emax[...] = jnp.maximum(emax[...], bmx)
        emin[...] = jnp.minimum(emin[...], bmn)


def _edge_core(e, p0, xg, g0b, gb, wg2, we1):
    g = E // BE
    return pl.pallas_call(
        _edge_core_body,
        grid=(g,),
        in_specs=[
            pl.BlockSpec((BE, 128), lambda i: (i, 0)),
            pl.BlockSpec((BE, 128), lambda i: (i, 0)),
            pl.BlockSpec((BE, 128), lambda i: (i, 0)),
            _vspec((1, 128)),
            _vspec((1, 128)),
            _vspec((2, 128)),
            _vspec((128, 128)),
        ],
        out_specs=[
            pl.BlockSpec((BE, 128), lambda i: (i, 0)),
            _vspec((1, 128)),
            _vspec((1, 128)),
            _vspec((1, 128)),
        ],
        out_shape=[
            jax.ShapeDtypeStruct((E + 128, 128), jnp.float32),
            jax.ShapeDtypeStruct((1, 128), jnp.float32),
            jax.ShapeDtypeStruct((1, 128), jnp.float32),
            jax.ShapeDtypeStruct((1, 128), jnp.float32),
        ],
        interpret=INTERPRET,
    )(e, p0, xg, g0b, gb, wg2, we1)




def _node_core_body(x, xc0, nsum, nmax, nmin, cnt, a1, a2, a3, a4, bagg, x1w,
                    xaw, g0b, gb, wgx, x_new, xsum, xmax, xmin):
    i = pl.program_id(0)
    c = cnt[...]
    has = c > 0.0
    mx = jnp.where(has, nmax[...], 0.0)
    mn = jnp.where(has, nmin[...], 0.0)
    s = jnp.where(has, nsum[...], 0.0)
    mean = s / jnp.maximum(c, 1.0)
    agg = _leaky(
        _dot(s, a1[...]) + _dot(mx, a2[...]) + _dot(mean, a3[...])
        + _dot(mn, a4[...]) + bagg[...]
    )
    grow = g0b[...] * wgx[0:1, :] + gb[...] * wgx[1:2, :]
    h = _dot(x[...], x1w[...]) + xc0[...] + _dot(agg, xaw[...]) + grow
    y = _ln(_leaky(h))
    x_new[...] = y
    bs = jnp.sum(y, axis=0, keepdims=True)
    bmx = jnp.max(y, axis=0, keepdims=True)
    bmn = jnp.min(y, axis=0, keepdims=True)

    @pl.when(i == 0)
    def _():
        xsum[...] = bs
        xmax[...] = bmx
        xmin[...] = bmn

    @pl.when(i != 0)
    def _():
        xsum[...] += bs
        xmax[...] = jnp.maximum(xmax[...], bmx)
        xmin[...] = jnp.minimum(xmin[...], bmn)


def _node_core(x, xc0, nsum, nmax, nmin, cnt, a1, a2, a3, a4, bagg, x1w, xaw,
               g0b, gb, wgx):
    g = N // BN
    bspec = pl.BlockSpec((BN, 128), lambda i: (i, 0))
    return pl.pallas_call(
        _node_core_body,
        grid=(g,),
        in_specs=[
            bspec, bspec, bspec, bspec, bspec,
            pl.BlockSpec((BN, 1), lambda i: (i, 0)),
            _vspec((128, 128)), _vspec((128, 128)), _vspec((128, 128)),
            _vspec((128, 128)), _vspec((1, 128)),
            _vspec((128, 128)), _vspec((128, 128)),
            _vspec((1, 128)), _vspec((1, 128)), _vspec((2, 128)),
        ],
        out_specs=[
            bspec,
            _vspec((1, 128)), _vspec((1, 128)), _vspec((1, 128)),
        ],
        out_shape=[
            jax.ShapeDtypeStruct((N, 128), jnp.float32),
            jax.ShapeDtypeStruct((1, 128), jnp.float32),
            jax.ShapeDtypeStruct((1, 128), jnp.float32),
            jax.ShapeDtypeStruct((1, 128), jnp.float32),
        ],
        interpret=INTERPRET,
    )(x, xc0, nsum, nmax, nmin, cnt, a1, a2, a3, a4, bagg, x1w, xaw, g0b, gb,
      wgx)




def _global_body(esum, emax, emin, xsum, xmax, xmin, g0b, gb, ge, bge, gn, bgn,
                 wcg, gb_new):
    es = esum[...]
    eagg = _leaky(
        _dot(es, ge[0:128, :]) + _dot(emax[...], ge[128:256, :])
        + _dot(es * (1.0 / E), ge[256:384, :])
        + _dot(emin[...], ge[384:512, :]) + bge[...]
    )
    xs = xsum[...]
    nagg = _leaky(
        _dot(xs, gn[0:128, :]) + _dot(xmax[...], gn[128:256, :])
        + _dot(xs * (1.0 / N), gn[256:384, :])
        + _dot(xmin[...], gn[384:512, :]) + bgn[...]
    )
    h = (
        g0b[0:1, 0:1] * wcg[0:1, 0:1] + gb[0:1, 0:1] * wcg[0:1, 1:2]
        + wcg[0:1, 2:3]
        + jnp.sum(eagg * wcg[1:2, :], axis=-1, keepdims=True)
        + jnp.sum(nagg * wcg[2:3, :], axis=-1, keepdims=True)
    )
    y = _leaky(h)
    gb_new[...] = jnp.broadcast_to((y - y) * jax.lax.rsqrt(1e-5),
                                   gb_new.shape)


def _global_core(esum, emax, emin, xsum, xmax, xmin, g0b, gb, ge, bge, gn, bgn,
                 wcg):
    return pl.pallas_call(
        _global_body,
        grid=(1,),
        in_specs=[
            _vspec((1, 128)), _vspec((1, 128)), _vspec((1, 128)),
            _vspec((1, 128)), _vspec((1, 128)), _vspec((1, 128)),
            _vspec((1, 128)), _vspec((1, 128)),
            _vspec((512, 128)), _vspec((1, 128)),
            _vspec((512, 128)), _vspec((1, 128)),
            _vspec((4, 128)),
        ],
        out_specs=_vspec((1, 128)),
        out_shape=jax.ShapeDtypeStruct((1, 128), jnp.float32),
        interpret=INTERPRET,
    )(esum, emax, emin, xsum, xmax, xmin, g0b, gb, ge, bge, gn, bgn, wcg)




def _dec_body(ow, z, d1, b1, d2, b2, wout, bout, out):
    h = _leaky(_dot(z[...], d1[...]) + b1[...])
    h = _leaky(_dot(h, d2[...]) + b2[...])
    val = jnp.sum(h * wout[...], axis=-1, keepdims=True) + bout[0:1, 0:1]
    out[...] = jnp.broadcast_to(val, out.shape)


def _decode(z, d1, b1, d2, b2, wout, bout, total, blk, ow=1):
    g = total // blk
    return pl.pallas_call(
        functools.partial(_dec_body, ow),
        grid=(g,),
        in_specs=[
            pl.BlockSpec((blk, 128), lambda i: (i, 0)),
            _vspec((128, 128)), _vspec((1, 128)),
            _vspec((128, 128)), _vspec((1, 128)),
            _vspec((1, 128)), _vspec((1, 128)),
        ],
        out_specs=pl.BlockSpec((blk, ow), lambda i: (i, 0)),
        out_shape=jax.ShapeDtypeStruct((total, ow), jnp.float32),
        interpret=INTERPRET,
    )(z, d1, b1, d2, b2, wout, bout)


def _dec_g_body(gb, wpack, out):
    h = _leaky(gb[...] * wpack[0:1, 0:1] + wpack[0:1, 1:2])
    out[...] = h * wpack[0:1, 2:3] + wpack[0:1, 3:4]


def _dec_g(gb, wpack):
    return pl.pallas_call(
        _dec_g_body,
        grid=(1,),
        in_specs=[_vspec((1, 128)), _vspec((1, 128))],
        out_specs=_vspec((1, 128)),
        out_shape=jax.ShapeDtypeStruct((1, 128), jnp.float32),
        interpret=INTERPRET,
    )(gb, wpack)



_NW = 32
_SPAN = E // _NW
_C = 80
_NCH = _SPAN // _C
_NB = 5


def _sc_gather_body(xs_hbm, xd_hbm, src_hbm, dst_hbm, out_hbm, src_v, dst_v,
                    *rest):
    bufs = rest[0:_NB]
    g1s = rest[_NB:2 * _NB]
    g2s = rest[2 * _NB:3 * _NB]
    wbs = rest[3 * _NB:4 * _NB]
    wid = lax.axis_index("s") * 2 + lax.axis_index("c")
    base = wid * _SPAN
    pltpu.sync_copy(src_hbm.at[pl.ds(base, _SPAN)], src_v)
    pltpu.sync_copy(dst_hbm.at[pl.ds(base, _SPAN)], dst_v)

    def g1_start(c, b):
        pltpu.async_copy(xs_hbm.at[src_v.at[pl.ds(c * _C, _C)]], bufs[b],
                         g1s[b])

    def g1_wait(b):
        pltpu.make_async_copy(xs_hbm.at[src_v.at[pl.ds(0, _C)]], bufs[b],
                              g1s[b]).wait()

    for b in range(_NB):
        g1_start(b, b)

    def round_body(it, _):
        c0 = it * _NB
        for b in range(_NB):
            g1_wait(b)
            pltpu.async_copy(xd_hbm.at[dst_v.at[pl.ds((c0 + b) * _C, _C)]],
                             bufs[b], g2s[b], add=True)
        for b in range(_NB):
            pltpu.make_async_copy(xd_hbm.at[dst_v.at[pl.ds(0, _C)]], bufs[b],
                                  g2s[b]).wait()
            pltpu.async_copy(
                bufs[b], out_hbm.at[pl.ds(base + (c0 + b) * _C, _C), :],
                wbs[b])
        for b in range(_NB):
            nxt = c0 + _NB + b

            @pl.when(nxt < _NCH)
            def _():
                pltpu.make_async_copy(
                    bufs[b], out_hbm.at[pl.ds(base, _C), :], wbs[b]).wait()
                g1_start(nxt, b)
        return 0

    lax.fori_loop(0, _NCH // _NB, round_body, 0)
    for b in range(_NB):
        pltpu.make_async_copy(bufs[b], out_hbm.at[pl.ds(base, _C), :],
                              wbs[b]).wait()


@functools.cache
def _sc_gather():
    return pl.kernel(
        _sc_gather_body,
        out_type=jax.ShapeDtypeStruct((E, 128), jnp.float32),
        mesh=plsc.VectorSubcoreMesh(core_axis_name="c", subcore_axis_name="s"),
        scratch_types=(
            [pltpu.VMEM((_SPAN,), jnp.int32)] * 2
            + [pltpu.VMEM((_C, 128), jnp.float32)] * _NB
            + [pltpu.SemaphoreType.DMA] * (3 * _NB)
        ),
    )


def _gather_xg(xs, xd, src, dst):
    return _sc_gather()(xs, xd, src, dst)




def _sc_permute_body(C, D, table_hbm, idx_hbm, out_hbm, idx_v, *rest):
    nch = _SPAN // C
    nb = 5
    bufs = rest[0:nb]
    g1s = rest[nb:2 * nb]
    wbs = rest[2 * nb:3 * nb]
    wid = lax.axis_index("s") * 2 + lax.axis_index("c")
    base = wid * _SPAN
    pltpu.sync_copy(idx_hbm.at[pl.ds(base, _SPAN)], idx_v)

    def g1_start(c, b):
        pltpu.async_copy(table_hbm.at[idx_v.at[pl.ds(c * C, C)]], bufs[b],
                         g1s[b])

    for b in range(nb):
        g1_start(b, b)

    def round_body(it, _):
        c0 = it * nb
        for b in range(nb):
            pltpu.make_async_copy(table_hbm.at[idx_v.at[pl.ds(0, C)]],
                                  bufs[b], g1s[b]).wait()
            pltpu.async_copy(bufs[b],
                             out_hbm.at[pl.ds(base + (c0 + b) * C, C), :],
                             wbs[b])
        for b in range(nb):
            nxt = c0 + nb + b

            @pl.when(nxt < nch)
            def _():
                pltpu.make_async_copy(bufs[b], out_hbm.at[pl.ds(base, C), :],
                                      wbs[b]).wait()
                g1_start(nxt, b)
        return 0

    lax.fori_loop(0, nch // nb, round_body, 0)
    for b in range(nb):
        pltpu.make_async_copy(bufs[b], out_hbm.at[pl.ds(base, C), :],
                              wbs[b]).wait()


@functools.cache
def _sc_permute():
    C = 80
    nb = 5
    D = 128
    return pl.kernel(
        functools.partial(_sc_permute_body, C, D),
        out_type=jax.ShapeDtypeStruct((E + 128, D), jnp.float32),
        mesh=plsc.VectorSubcoreMesh(core_axis_name="c", subcore_axis_name="s"),
        scratch_types=(
            [pltpu.VMEM((_SPAN,), jnp.int32)]
            + [pltpu.VMEM((C, D), jnp.float32)] * nb
            + [pltpu.SemaphoreType.DMA] * (2 * nb)
        ),
    )



_RN = 160
_NR = 64
_NP = _NR * _RN
_C2 = 128
_NEG = -3.0e38
_POS = 3.0e38


def _sc_segred_body(enf_hbm, sdst_hbm, bnd_hbm,
                    osum_hbm, omax_hbm, omin_hbm,
                    bnd_v, sdst_v, rowf, acc_s, acc_x, acc_n):
    wid = lax.axis_index("s") * 2 + lax.axis_index("c")
    pltpu.sync_copy(bnd_hbm, bnd_v.at[pl.ds(0, 8 * _NW)])
    bvec = bnd_v[pl.ds(wid * 8, 16)]
    for j in range(2):
        r = wid * 2 + j
        lo_e = pl.multiple_of(bvec[2 * j] & ~7, 8)
        hi_e = bvec[2 * j + 1]
        node_lo = r * _RN
        node_hi = jnp.minimum(node_lo + _RN, N)
        nch = lax.shift_right_logical(hi_e - lo_e + (_C2 - 1), 7)

        def flush(prev, svec, xvec, nvec):
            in_r = jnp.logical_and(prev >= node_lo, prev < node_hi)

            @pl.when(in_r)
            def _():
                off = (prev - node_lo) * 128
                for k in range(8):
                    acc_s[pl.ds(off + 16 * k, 16)] = svec[k]
                    acc_x[pl.ds(off + 16 * k, 16)] = xvec[k]
                    acc_n[pl.ds(off + 16 * k, 16)] = nvec[k]

        def chunk_body(ci, carry):
            pos = pl.multiple_of(lo_e + ci * _C2, 8)
            pltpu.sync_copy(sdst_hbm.at[pl.ds(pos, _C2)],
                            sdst_v.at[pl.ds(0, _C2)])
            pltpu.sync_copy(enf_hbm.at[pl.ds(pos * 128, _C2 * 128)], rowf)

            def group_body(gi, ec):
                dvec = sdst_v[pl.ds(gi * 8, 16)]
                for u in range(8):
                    prev = ec[0]
                    svec, xvec, nvec = ec[1:9], ec[9:17], ec[17:25]
                    d = dvec[u]
                    bdy = d != prev

                    @pl.when(bdy)
                    def _():
                        flush(prev, svec, xvec, nvec)

                    ro = (gi * 8 + u) * 128
                    rows = [rowf[pl.ds(ro + 16 * k, 16)] for k in range(8)]
                    m = jnp.where(bdy, 1.0, 0.0)
                    kv = jnp.broadcast_to(1.0 - m, (16,))
                    negv = jnp.broadcast_to(m * _NEG, (16,))
                    posv = jnp.broadcast_to(m * _POS, (16,))
                    sn = tuple(svec[k] * kv + rows[k] for k in range(8))
                    xn = tuple(
                        jnp.maximum(xvec[k] * kv + negv, rows[k])
                        for k in range(8))
                    nn = tuple(
                        jnp.minimum(nvec[k] * kv + posv, rows[k])
                        for k in range(8))
                    ec = (d,) + sn + xn + nn
                return ec

            return lax.fori_loop(0, _C2 // 8, group_body, carry)

        z = jnp.zeros((16,), jnp.float32)
        init = ((jnp.int32(-1),) + (z,) * 8
                + (jnp.full((16,), _NEG, jnp.float32),) * 8
                + (jnp.full((16,), _POS, jnp.float32),) * 8)
        fin = lax.fori_loop(0, nch, chunk_body, init)
        flush(fin[0], fin[1:9], fin[9:17], fin[17:25])
        pltpu.sync_copy(acc_s, osum_hbm.at[pl.ds(node_lo * 128, _RN * 128)])
        pltpu.sync_copy(acc_x, omax_hbm.at[pl.ds(node_lo * 128, _RN * 128)])
        pltpu.sync_copy(acc_n, omin_hbm.at[pl.ds(node_lo * 128, _RN * 128)])


@functools.cache
def _sc_segred():
    return pl.kernel(
        _sc_segred_body,
        out_type=[jax.ShapeDtypeStruct((_NP * 128,), jnp.float32)] * 3,
        mesh=plsc.VectorSubcoreMesh(core_axis_name="c", subcore_axis_name="s"),
        scratch_types=(
            [pltpu.VMEM((8 * _NW + 16,), jnp.int32)]
            + [pltpu.VMEM((_C2 + 16,), jnp.int32)]
            + [pltpu.VMEM((_C2 * 128,), jnp.float32)]
            + [pltpu.VMEM((_RN * 128,), jnp.float32)] * 3
        ),
    )


def _segment_reduce(e_new_pad, sdst_p, bnd):
    enf = e_new_pad.reshape(-1)
    osum, omax, omin = _sc_segred()(enf, sdst_p, bnd)
    return (osum.reshape(_NP, 128), omax.reshape(_NP, 128),
            omin.reshape(_NP, 128))




def kernel(x, e, g, edges, node_idx, edge_idx, steps, params):
    f32 = jnp.float32
    src, dst = edges[0], edges[1]

    def row(v):
        return v.reshape(1, -1).astype(f32)

    w_ence, b_ence = params['enc_e']
    w_encx, b_encx = params['enc_x']
    w_encg, b_encg = params['enc_g']
    w_ce, b_ce = params['core_e']
    we0, we1 = w_ce[0:128], w_ce[128:256]
    ws0, ws1 = w_ce[256:384], w_ce[384:512]
    wd0, wd1 = w_ce[512:640], w_ce[640:768]
    wg2 = w_ce[768:770]
    w_an, b_an = params['agg_n']
    a1, a2, a3, a4 = w_an[0:128], w_an[128:256], w_an[256:384], w_an[384:512]
    w_cx, b_cx = params['core_x']
    x0w, x1w, xaw, wgx = (w_cx[0:128], w_cx[128:256], w_cx[256:384],
                          w_cx[384:386])
    w_ge, b_ge = params['agg_ge']
    w_gn, b_gn = params['agg_gn']
    w_cg, b_cg = params['core_g']
    wcg = jnp.zeros((4, 128), f32)
    wcg = wcg.at[0, 0].set(w_cg[0, 0]).at[0, 1].set(w_cg[1, 0])
    wcg = wcg.at[0, 2].set(b_cg[0])
    wcg = wcg.at[1, :].set(w_cg[2:130, 0]).at[2, :].set(w_cg[130:258, 0])
    w_de1, b_de1 = params['dec_e1']
    w_de2, b_de2 = params['dec_e2']
    w_dx1, b_dx1 = params['dec_x1']
    w_dx2, b_dx2 = params['dec_x2']
    w_dg, b_dg = params['dec_g']
    w_oe, b_oe = params['out_e']
    w_ox, b_ox = params['out_x']
    w_og, b_og = params['out_g']
    wgp = jnp.zeros((16, 128), f32).at[:, 0:1].set(w_encg)
    bgp = jnp.zeros((1, 128), f32).at[0, 0].set(b_encg[0])
    wdgp = jnp.zeros((1, 128), f32)
    wdgp = wdgp.at[0, 0].set(w_dg[0, 0]).at[0, 1].set(b_dg[0])
    wdgp = wdgp.at[0, 2].set(w_og[0, 0]).at[0, 3].set(b_og[0])

    dst_p = jnp.concatenate([dst, jnp.full((128,), N, jnp.int32)])
    cnt = jax.ops.segment_sum(jnp.ones((E, 1), f32), dst,
                              num_segments=N)

    e0, p0 = _enc_edges(e, w_ence, row(b_ence), we0, row(b_ce))
    x0, xs0, xd0, xc0 = _enc_nodes(x, w_encx, row(b_encx), ws0, wd0, x0w,
                                   row(b_cx))
    genc = _g_enc(g, wgp, bgp)
    g0b = jnp.broadcast_to(genc[:, 0:1], (1, 128))

    def body(_, carry):
        ecur, xcur, gb = carry
        xs, xd = _node_prep(xcur, ws1, wd1, xs0, xd0)
        xg = _gather_xg(xs, xd, src, dst)
        e_new, esum, emax, emin = _edge_core(ecur, p0, xg, g0b, gb, wg2, we1)
        nsum = jax.ops.segment_sum(e_new, dst_p, num_segments=N + 1)[:N]
        nmax = jax.ops.segment_max(e_new, dst_p, num_segments=N + 1)[:N]
        nmin = -jax.ops.segment_max(-e_new, dst_p, num_segments=N + 1)[:N]
        x_new, xsum, xmax, xmin = _node_core(
            xcur, xc0, nsum, nmax, nmin, cnt, a1, a2, a3, a4, row(b_an),
            x1w, xaw, g0b, gb, wgx)
        gb_new = _global_core(esum, emax, emin, xsum, xmax, xmin, g0b, gb,
                              w_ge, row(b_ge), w_gn, row(b_gn), wcg)
        return (e_new, x_new, gb_new)

    ef, xf, gbf = jax.lax.fori_loop(0, steps, body, (e0, x0, g0b))

    def decode(_):
        oe = _decode(ef, w_de1, row(b_de1), w_de2, row(b_de2),
                     row(w_oe[:, 0]), row(jnp.broadcast_to(b_oe, (128,))),
                     E, BE)
        ox = _decode(xf, w_dx1, row(b_dx1), w_dx2, row(b_dx2),
                     row(w_ox[:, 0]), row(jnp.broadcast_to(b_ox, (128,))),
                     N, BN)
        og = _dec_g(gbf, wdgp)[:, 0:1]
        return ox, oe, og

    def zeros(_):
        return (jnp.zeros((N, 1), f32), jnp.zeros((E, 1), f32),
                jnp.zeros((1, 1), f32))

    return jax.lax.cond(steps > 0, decode, zeros, None)

# --- scband reference (transcript-rebuilt; emitter-appended) ---
"""Pipeline reference for scband-network-42554535968805 (READ-ONLY COPY).

The authoritative reference and input builder live on the scoring server;
editing this copy changes nothing except your own understanding.
"""

import jax, jax.numpy as jnp
import numpy as np

N = 10000
E = 320000
DX = 128
DE = 16
DG = 16
B = 1
STEPS = 3
L_E, L_X, L_G = 128, 128, 1


def _lin(key, din, dout):
    k1, _ = jax.random.split(key)
    W = jax.random.normal(k1, (din, dout), dtype=jnp.float32) * (1.0 / np.sqrt(din))
    b = jnp.zeros((dout,), dtype=jnp.float32)
    return (W, b)


def _make_params(key):
    ks = jax.random.split(key, 17)
    return {
        'enc_e': _lin(ks[0], DE, L_E),
        'enc_x': _lin(ks[1], DX, L_X),
        'enc_g': _lin(ks[2], DG, L_G),
        'core_e': _lin(ks[3], 2 * L_E + 2 * (2 * L_X) + 2 * L_G, L_E),
        'agg_n': _lin(ks[4], 4 * L_E, L_E),
        'core_x': _lin(ks[5], 2 * L_X + L_E + 2 * L_G, L_X),
        'agg_ge': _lin(ks[6], 4 * L_E, L_E),
        'agg_gn': _lin(ks[7], 4 * L_X, L_X),
        'core_g': _lin(ks[8], 2 * L_G + L_E + L_X, L_G),
        'dec_e1': _lin(ks[9], L_E, L_E),
        'dec_e2': _lin(ks[10], L_E, L_E),
        'dec_x1': _lin(ks[11], L_X, L_X),
        'dec_x2': _lin(ks[12], L_X, L_X),
        'dec_g': _lin(ks[13], L_G, L_G),
        'out_e': _lin(ks[14], L_E, 1),
        'out_x': _lin(ks[15], L_X, 1),
        'out_g': _lin(ks[16], L_G, 1),
    }


def setup_inputs(seed: int = 0):
    key = jax.random.key(seed)
    ks = jax.random.split(key, 8)
    x = jax.random.normal(ks[0], (N, DX), dtype=jnp.float32)
    e = jax.random.normal(ks[1], (E, DE), dtype=jnp.float32)
    g = jax.random.normal(ks[2], (B, DG), dtype=jnp.float32)
    edges = jax.random.randint(ks[3], (2, E), 0, N, dtype=jnp.int32)
    node_idx = jnp.zeros((N,), dtype=jnp.int32)
    edge_idx = jnp.zeros((E,), dtype=jnp.int32)
    params = _make_params(ks[4])
    return {'x': x, 'e': e, 'g': g, 'edges': edges, 'node_idx': node_idx,
            'edge_idx': edge_idx, 'steps': STEPS, 'params': params}


def _leaky(h):
    return jax.nn.leaky_relu(h)


def _layer_norm(h):
    mu = jnp.mean(h, axis=-1, keepdims=True)
    var = jnp.var(h, axis=-1, keepdims=True)
    return (h - mu) * jax.lax.rsqrt(var + 1e-5)


def _mlp1(p, h, ln=False):
    W, b = p
    h = _leaky(h @ W + b)
    if ln:
        h = _layer_norm(h)
    return h


def _multi_agg(p, vals, idx, num):
    s = jax.ops.segment_sum(vals, idx, num_segments=num)
    mx = jax.ops.segment_max(vals, idx, num_segments=num)
    mx = jnp.where(jnp.isfinite(mx), mx, 0.0)
    mn = -jax.ops.segment_max(-vals, idx, num_segments=num)
    mn = jnp.where(jnp.isfinite(mn), mn, 0.0)
    cnt = jax.ops.segment_sum(jnp.ones((vals.shape[0], 1), vals.dtype), idx, num_segments=num)
    mean = s / jnp.maximum(cnt, 1.0)
    cat = jnp.concatenate([s, mx, mean, mn], axis=1)
    W, b = p
    return _leaky(cat @ W + b)


def _forward(x_in, e_in, g_in, params, edges, node_idx, edge_idx, steps):
    # encoder
    e = _mlp1(params['enc_e'], e_in)
    x = _mlp1(params['enc_x'], x_in)
    g = _mlp1(params['enc_g'], g_in)
    e0, x0, g0 = e, x, g
    src, dst = edges[0], edges[1]

    def body(_, carry):
        e, x, g, _oe, _ox, _og = carry
        # concat latent0 with current latent
        e = jnp.concatenate([e0, e], axis=1)
        x = jnp.concatenate([x0, x], axis=1)
        g = jnp.concatenate([g0, g], axis=1)
        # core: aggregating edge block (gather src/dst node feats + global)
        e_inp = jnp.concatenate([e, x[src], x[dst], g[edge_idx]], axis=1)
        e = _mlp1(params['core_e'], e_inp, ln=True)
        # core: aggregating node block (multi-agg edges -> dst nodes)
        agg = _multi_agg(params['agg_n'], e, dst, x.shape[0])
        x_inp = jnp.concatenate([x, agg, g[node_idx]], axis=1)
        x = _mlp1(params['core_x'], x_inp, ln=True)
        # core: aggregating global block
        eagg = _multi_agg(params['agg_ge'], e, edge_idx, g.shape[0])
        nagg = _multi_agg(params['agg_gn'], x, node_idx, g.shape[0])
        g_inp = jnp.concatenate([g, eagg, nagg], axis=1)
        g = _mlp1(params['core_g'], g_inp, ln=True)
        # decoder
        de = _mlp1(params['dec_e2'], _mlp1(params['dec_e1'], e))
        dx = _mlp1(params['dec_x2'], _mlp1(params['dec_x1'], x))
        dg = _mlp1(params['dec_g'], g)
        # output transform (plain linear)
        oe = de @ params['out_e'][0] + params['out_e'][1]
        ox = dx @ params['out_x'][0] + params['out_x'][1]
        og = dg @ params['out_g'][0] + params['out_g'][1]
        return (e, x, g, oe, ox, og)

    oe0 = jnp.zeros((e0.shape[0], 1), dtype=jnp.float32)
    ox0 = jnp.zeros((x0.shape[0], 1), dtype=jnp.float32)
    og0 = jnp.zeros((g0.shape[0], 1), dtype=jnp.float32)
    _, _, _, oe, ox, og = jax.lax.fori_loop(0, steps, body, (e, x, g, oe0, ox0, og0))
    return (ox, oe, og)


def reference(x, e, g, edges, node_idx, edge_idx, steps, params):
    return _forward(x, e, g, params, edges, node_idx, edge_idx, steps)

if __name__ == "__main__":
    import jax
    _d = setup_inputs()
    print(jax.jit(kernel)(*tuple(_d.values())))

</pallas_src>

<mosaic_0001>
#map = affine_map<(d0, d1) -> (0, 0)>
#map1 = affine_map<(d0, d1) -> (0)>
module attributes {stable_mosaic.version = 14 : i64} {
  func.func @_sc_gather_body(%arg0: i32, %arg1: i32, %arg2: memref<10000x128xf32, #tpu.memory_space<hbm>>, %arg3: memref<10000x128xf32, #tpu.memory_space<hbm>>, %arg4: memref<320000xi32, #tpu.memory_space<hbm>>, %arg5: memref<320000xi32, #tpu.memory_space<hbm>>, %arg6: memref<320000x128xf32, #tpu.memory_space<hbm>>, %arg7: memref<10000xi32, #tpu.memory_space<vmem>>, %arg8: memref<10000xi32, #tpu.memory_space<vmem>>, %arg9: memref<80x128xf32, #tpu.memory_space<vmem>>, %arg10: memref<80x128xf32, #tpu.memory_space<vmem>>, %arg11: memref<80x128xf32, #tpu.memory_space<vmem>>, %arg12: memref<80x128xf32, #tpu.memory_space<vmem>>, %arg13: memref<80x128xf32, #tpu.memory_space<vmem>>, %arg14: memref<!tpu.dma_semaphore, #tpu.memory_space<semaphore_mem>>, %arg15: memref<!tpu.dma_semaphore, #tpu.memory_space<semaphore_mem>>, %arg16: memref<!tpu.dma_semaphore, #tpu.memory_space<semaphore_mem>>, %arg17: memref<!tpu.dma_semaphore, #tpu.memory_space<semaphore_mem>>, %arg18: memref<!tpu.dma_semaphore, #tpu.memory_space<semaphore_mem>>, %arg19: memref<!tpu.dma_semaphore, #tpu.memory_space<semaphore_mem>>, %arg20: memref<!tpu.dma_semaphore, #tpu.memory_space<semaphore_mem>>, %arg21: memref<!tpu.dma_semaphore, #tpu.memory_space<semaphore_mem>>, %arg22: memref<!tpu.dma_semaphore, #tpu.memory_space<semaphore_mem>>, %arg23: memref<!tpu.dma_semaphore, #tpu.memory_space<semaphore_mem>>, %arg24: memref<!tpu.dma_semaphore, #tpu.memory_space<semaphore_mem>>, %arg25: memref<!tpu.dma_semaphore, #tpu.memory_space<semaphore_mem>>, %arg26: memref<!tpu.dma_semaphore, #tpu.memory_space<semaphore_mem>>, %arg27: memref<!tpu.dma_semaphore, #tpu.memory_space<semaphore_mem>>, %arg28: memref<!tpu.dma_semaphore, #tpu.memory_space<semaphore_mem>>) attributes {dimension_semantics = [#tpu.dimension_semantics<core_parallel>, #tpu.dimension_semantics<subcore_parallel>], iteration_bounds = array<i64: 2, 16>, scalar_prefetch = 0 : i64, scratch_operands = 22 : i64, tpu.core_type = #tpu.core_type<sc_vector_subcore>, window_params = [{transform_indices = #map}, {transform_indices = #map}, {transform_indices = #map1}, {transform_indices = #map1}, {transform_indices = #map}]} {
    %mul3A = arith.constant 2 : i32
    %mul3A_0 = arith.muli %arg1, %mul3A : i32
    %add3A = arith.addi %mul3A_0, %arg0 : i32
    %mul3A_1 = arith.constant 10000 : i32
    %mul3A_2 = arith.muli %add3A, %mul3A_1 : i32
    "tpu.region"() ({
      %run_scoped3A = tpu.sem_alloc : memref<!tpu.dma_semaphore, #tpu.memory_space<semaphore_mem>>
      %dma_start3A_52 = tpu.memref_slice %arg4[%mul3A_2] : memref<320000xi32, #tpu.memory_space<hbm>> -> memref<10000xi32, #tpu.memory_space<hbm>>
      %dma_start3A_53 = tpu.memref_slice %arg4[%mul3A_2] : memref<320000xi32, #tpu.memory_space<hbm>> -> memref<10000xi32, #tpu.memory_space<hbm>>
      tpu.enqueue_dma source(%dma_start3A_53 : memref<10000xi32, #tpu.memory_space<hbm>>) target(%arg7 : memref<10000xi32, #tpu.memory_space<vmem>>) target_semaphore(%run_scoped3A : memref<!tpu.dma_semaphore, #tpu.memory_space<semaphore_mem>>)
      %dma_wait3A_54 = tpu.memref_slice %arg4[%mul3A_2] : memref<320000xi32, #tpu.memory_space<hbm>> -> memref<10000xi32, #tpu.memory_space<hbm>>
      %dma_wait3A_55 = tpu.memref_slice %arg4[%mul3A_2] : memref<320000xi32, #tpu.memory_space<hbm>> -> memref<10000xi32, #tpu.memory_space<hbm>>
      tpu.wait_dma2 semaphore(%run_scoped3A : memref<!tpu.dma_semaphore, #tpu.memory_space<semaphore_mem>>) src(%dma_wait3A_55 : memref<10000xi32, #tpu.memory_space<hbm>>) dst(%arg7 : memref<10000xi32, #tpu.memory_space<vmem>>)
      tpu.yield
    }) : () -> ()
    "tpu.region"() ({
      %run_scoped3A = tpu.sem_alloc : memref<!tpu.dma_semaphore, #tpu.memory_space<semaphore_mem>>
      %dma_start3A_52 = tpu.memref_slice %arg5[%mul3A_2] : memref<320000xi32, #tpu.memory_space<hbm>> -> memref<10000xi32, #tpu.memory_space<hbm>>
      %dma_start3A_53 = tpu.memref_slice %arg5[%mul3A_2] : memref<320000xi32, #tpu.memory_space<hbm>> -> memref<10000xi32, #tpu.memory_space<hbm>>
      tpu.enqueue_dma source(%dma_start3A_53 : memref<10000xi32, #tpu.memory_space<hbm>>) target(%arg8 : memref<10000xi32, #tpu.memory_space<vmem>>) target_semaphore(%run_scoped3A : memref<!tpu.dma_semaphore, #tpu.memory_space<semaphore_mem>>)
      %dma_wait3A_54 = tpu.memref_slice %arg5[%mul3A_2] : memref<320000xi32, #tpu.memory_space<hbm>> -> memref<10000xi32, #tpu.memory_space<hbm>>
      %dma_wait3A_55 = tpu.memref_slice %arg5[%mul3A_2] : memref<320000xi32, #tpu.memory_space<hbm>> -> memref<10000xi32, #tpu.memory_space<hbm>>
      tpu.wait_dma2 semaphore(%run_scoped3A : memref<!tpu.dma_semaphore, #tpu.memory_space<semaphore_mem>>) src(%dma_wait3A_55 : memref<10000xi32, #tpu.memory_space<hbm>>) dst(%arg8 : memref<10000xi32, #tpu.memory_space<vmem>>)
      tpu.yield
    }) : () -> ()
    %dma_start3A = arith.constant 0 : i32
    %dma_start3A_3 = tpu.memref_slice %arg7[%dma_start3A] : memref<10000xi32, #tpu.memory_space<vmem>> -> memref<80xi32, #tpu.memory_space<vmem>>
    %dma_start3A_4 = arith.constant 0 : i32
    %dma_start3A_5 = arith.constant 0 : i32
    %dma_start3A_6 = tpu.memref_slice %arg2[%dma_start3A_4, %dma_start3A_5] : memref<10000x128xf32, #tpu.memory_space<hbm>> -> memref<10000x128xf32, #tpu.memory_space<hbm>>
    tpu.enqueue_indirect_dma source(%dma_start3A_6 : memref<10000x128xf32, #tpu.memory_space<hbm>>) target(%arg9 : memref<80x128xf32, #tpu.memory_space<vmem>>) offsets(%dma_start3A_3 : memref<80xi32, #tpu.memory_space<vmem>>) semaphore(%arg14 : memref<!tpu.dma_semaphore, #tpu.memory_space<semaphore_mem>>)
    %dma_start3A_7 = arith.constant 80 : i32
    %dma_start3A_8 = tpu.memref_slice %arg7[%dma_start3A_7] : memref<10000xi32, #tpu.memory_space<vmem>> -> memref<80xi32, #tpu.memory_space<vmem>>
    %dma_start3A_9 = arith.constant 0 : i32
    %dma_start3A_10 = arith.constant 0 : i32
    %dma_start3A_11 = tpu.memref_slice %arg2[%dma_start3A_9, %dma_start3A_10] : memref<10000x128xf32, #tpu.memory_space<hbm>> -> memref<10000x128xf32, #tpu.memory_space<hbm>>
    tpu.enqueue_indirect_dma source(%dma_start3A_11 : memref<10000x128xf32, #tpu.memory_space<hbm>>) target(%arg10 : memref<80x128xf32, #tpu.memory_space<vmem>>) offsets(%dma_start3A_8 : memref<80xi32, #tpu.memory_space<vmem>>) semaphore(%arg15 : memref<!tpu.dma_semaphore, #tpu.memory_space<semaphore_mem>>)
    %dma_start3A_12 = arith.constant 160 : i32
    %dma_start3A_13 = tpu.memref_slice %arg7[%dma_start3A_12] : memref<10000xi32, #tpu.memory_space<vmem>> -> memref<80xi32, #tpu.memory_space<vmem>>
    %dma_start3A_14 = arith.constant 0 : i32
    %dma_start3A_15 = arith.constant 0 : i32
    %dma_start3A_16 = tpu.memref_slice %arg2[%dma_start3A_14, %dma_start3A_15] : memref<10000x128xf32, #tpu.memory_space<hbm>> -> memref<10000x128xf32, #tpu.memory_space<hbm>>
    tpu.enqueue_indirect_dma source(%dma_start3A_16 : memref<10000x128xf32, #tpu.memory_space<hbm>>) target(%arg11 : memref<80x128xf32, #tpu.memory_space<vmem>>) offsets(%dma_start3A_13 : memref<80xi32, #tpu.memory_space<vmem>>) semaphore(%arg16 : memref<!tpu.dma_semaphore, #tpu.memory_space<semaphore_mem>>)
    %dma_start3A_17 = arith.constant 240 : i32
    %dma_start3A_18 = tpu.memref_slice %arg7[%dma_start3A_17] : memref<10000xi32, #tpu.memory_space<vmem>> -> memref<80xi32, #tpu.memory_space<vmem>>
    %dma_start3A_19 = arith.constant 0 : i32
    %dma_start3A_20 = arith.constant 0 : i32
    %dma_start3A_21 = tpu.memref_slice %arg2[%dma_start3A_19, %dma_start3A_20] : memref<10000x128xf32, #tpu.memory_space<hbm>> -> memref<10000x128xf32, #tpu.memory_space<hbm>>
    tpu.enqueue_indirect_dma source(%dma_start3A_21 : memref<10000x128xf32, #tpu.memory_space<hbm>>) target(%arg12 : memref<80x128xf32, #tpu.memory_space<vmem>>) offsets(%dma_start3A_18 : memref<80xi32, #tpu.memory_space<vmem>>) semaphore(%arg17 : memref<!tpu.dma_semaphore, #tpu.memory_space<semaphore_mem>>)
    %dma_start3A_22 = arith.constant 320 : i32
    %dma_start3A_23 = tpu.memref_slice %arg7[%dma_start3A_22] : memref<10000xi32, #tpu.memory_space<vmem>> -> memref<80xi32, #tpu.memory_space<vmem>>
    %dma_start3A_24 = arith.constant 0 : i32
    %dma_start3A_25 = arith.constant 0 : i32
    %dma_start3A_26 = tpu.memref_slice %arg2[%dma_start3A_24, %dma_start3A_25] : memref<10000x128xf32, #tpu.memory_space<hbm>> -> memref<10000x128xf32, #tpu.memory_space<hbm>>
    tpu.enqueue_indirect_dma source(%dma_start3A_26 : memref<10000x128xf32, #tpu.memory_space<hbm>>) target(%arg13 : memref<80x128xf32, #tpu.memory_space<vmem>>) offsets(%dma_start3A_23 : memref<80xi32, #tpu.memory_space<vmem>>) semaphore(%arg18 : memref<!tpu.dma_semaphore, #tpu.memory_space<semaphore_mem>>)
    %scan3A = arith.constant 0 : i32
    %scan3A_27 = arith.constant 0 : i32
    %scan3A_28 = arith.constant 25 : i32
    %scan3A_29 = arith.addi %scan3A_27, %scan3A_28 : i32
    %scan3A_30 = arith.constant 1 : i32
    %scan3A_31 = scf.for %scan3A_52 = %scan3A_27 to %scan3A_29 step %scan3A_30 iter_args(%scan3A_53 = %scan3A) -> (i32)  : i32 {
      %mul3A_54 = arith.constant 5 : i32
      %mul3A_55 = arith.muli %scan3A_52, %mul3A_54 : i32
      %dma_wait3A_56 = arith.constant 0 : i32
      %dma_wait3A_57 = tpu.memref_slice %arg7[%dma_wait3A_56] : memref<10000xi32, #tpu.memory_space<vmem>> -> memref<80xi32, #tpu.memory_space<vmem>>
      %dma_wait3A_58 = arith.constant 0 : i32
      %dma_wait3A_59 = arith.constant 0 : i32
      %dma_wait3A_60 = tpu.memref_slice %arg2[%dma_wait3A_58, %dma_wait3A_59] : memref<10000x128xf32, #tpu.memory_space<hbm>> -> memref<10000x128xf32, #tpu.memory_space<hbm>>
      tpu.wait_indirect_dma semaphore(%arg14 : memref<!tpu.dma_semaphore, #tpu.memory_space<semaphore_mem>>) src(%dma_wait3A_60 : memref<10000x128xf32, #tpu.memory_space<hbm>>) dst(%arg9 : memref<80x128xf32, #tpu.memory_space<vmem>>)
      %add3A_61 = arith.constant 0 : i32
      %add3A_62 = arith.addi %mul3A_55, %add3A_61 : i32
      %mul3A_63 = arith.constant 80 : i32
      %mul3A_64 = arith.muli %add3A_62, %mul3A_63 : i32
      %dma_start3A_65 = tpu.memref_slice %arg8[%mul3A_64] : memref<10000xi32, #tpu.memory_space<vmem>> -> memref<80xi32, #tpu.memory_space<vmem>>
      %dma_start3A_66 = arith.constant 0 : i32
      %dma_start3A_67 = arith.constant 0 : i32
      %dma_start3A_68 = tpu.memref_slice %arg3[%dma_start3A_66, %dma_start3A_67] : memref<10000x128xf32, #tpu.memory_space<hbm>> -> memref<10000x128xf32, #tpu.memory_space<hbm>>
      tpu.enqueue_indirect_dma source(%dma_start3A_68 : memref<10000x128xf32, #tpu.memory_space<hbm>>) target(%arg9 : memref<80x128xf32, #tpu.memory_space<vmem>>) offsets(%dma_start3A_65 : memref<80xi32, #tpu.memory_space<vmem>>) semaphore(%arg19 : memref<!tpu.dma_semaphore, #tpu.memory_space<semaphore_mem>>) {add = true}
      %dma_wait3A_69 = arith.constant 0 : i32
      %dma_wait3A_70 = tpu.memref_slice %arg7[%dma_wait3A_69] : memref<10000xi32, #tpu.memory_space<vmem>> -> memref<80xi32, #tpu.memory_space<vmem>>
      %dma_wait3A_71 = arith.constant 0 : i32
      %dma_wait3A_72 = arith.constant 0 : i32
      %dma_wait3A_73 = tpu.memref_slice %arg2[%dma_wait3A_71, %dma_wait3A_72] : memref<10000x128xf32, #tpu.memory_space<hbm>> -> memref<10000x128xf32, #tpu.memory_space<hbm>>
      tpu.wait_indirect_dma semaphore(%arg15 : memref<!tpu.dma_semaphore, #tpu.memory_space<semaphore_mem>>) src(%dma_wait3A_73 : memref<10000x128xf32, #tpu.memory_space<hbm>>) dst(%arg10 : memref<80x128xf32, #tpu.memory_space<vmem>>)
      %add3A_74 = arith.constant 1 : i32
      %add3A_75 = arith.addi %mul3A_55, %add3A_74 : i32
      %mul3A_76 = arith.constant 80 : i32
      %mul3A_77 = arith.muli %add3A_75, %mul3A_76 : i32
      %dma_start3A_78 = tpu.memref_slice %arg8[%mul3A_77] : memref<10000xi32, #tpu.memory_space<vmem>> -> memref<80xi32, #tpu.memory_space<vmem>>
      %dma_start3A_79 = arith.constant 0 : i32
      %dma_start3A_80 = arith.constant 0 : i32
      %dma_start3A_81 = tpu.memref_slice %arg3[%dma_start3A_79, %dma_start3A_80] : memref<10000x128xf32, #tpu.memory_space<hbm>> -> memref<10000x128xf32, #tpu.memory_space<hbm>>
      tpu.enqueue_indirect_dma source(%dma_start3A_81 : memref<10000x128xf32, #tpu.memory_space<hbm>>) target(%arg10 : memref<80x128xf32, #tpu.memory_space<vmem>>) offsets(%dma_start3A_78 : memref<80xi32, #tpu.memory_space<vmem>>) semaphore(%arg20 : memref<!tpu.dma_semaphore, #tpu.memory_space<semaphore_mem>>) {add = true}
      %dma_wait3A_82 = arith.constant 0 : i32
      %dma_wait3A_83 = tpu.memref_slice %arg7[%dma_wait3A_82] : memref<10000xi32, #tpu.memory_space<vmem>> -> memref<80xi32, #tpu.memory_space<vmem>>
      %dma_wait3A_84 = arith.constant 0 : i32
      %dma_wait3A_85 = arith.constant 0 : i32
      %dma_wait3A_86 = tpu.memref_slice %arg2[%dma_wait3A_84, %dma_wait3A_85] : memref<10000x128xf32, #tpu.memory_space<hbm>> -> memref<10000x128xf32, #tpu.memory_space<hbm>>
      tpu.wait_indirect_dma semaphore(%arg16 : memref<!tpu.dma_semaphore, #tpu.memory_space<semaphore_mem>>) src(%dma_wait3A_86 : memref<10000x128xf32, #tpu.memory_space<hbm>>) dst(%arg11 : memref<80x128xf32, #tpu.memory_space<vmem>>)
      %add3A_87 = arith.constant 2 : i32
      %add3A_88 = arith.addi %mul3A_55, %add3A_87 : i32
      %mul3A_89 = arith.constant 80 : i32
      %mul3A_90 = arith.muli %add3A_88, %mul3A_89 : i32
      %dma_start3A_91 = tpu.memref_slice %arg8[%mul3A_90] : memref<10000xi32, #tpu.memory_space<vmem>> -> memref<80xi32, #tpu.memory_space<vmem>>
      %dma_start3A_92 = arith.constant 0 : i32
      %dma_start3A_93 = arith.constant 0 : i32
      %dma_start3A_94 = tpu.memref_slice %arg3[%dma_start3A_92, %dma_start3A_93] : memref<10000x128xf32, #tpu.memory_space<hbm>> -> memref<10000x128xf32, #tpu.memory_space<hbm>>
      tpu.enqueue_indirect_dma source(%dma_start3A_94 : memref<10000x128xf32, #tpu.memory_space<hbm>>) target(%arg11 : memref<80x128xf32, #tpu.memory_space<vmem>>) offsets(%dma_start3A_91 : memref<80xi32, #tpu.memory_space<vmem>>) semaphore(%arg21 : memref<!tpu.dma_semaphore, #tpu.memory_space<semaphore_mem>>) {add = true}
      %dma_wait3A_95 = arith.constant 0 : i32
      %dma_wait3A_96 = tpu.memref_slice %arg7[%dma_wait3A_95] : memref<10000xi32, #tpu.memory_space<vmem>> -> memref<80xi32, #tpu.memory_space<vmem>>
      %dma_wait3A_97 = arith.constant 0 : i32
      %dma_wait3A_98 = arith.constant 0 : i32
      %dma_wait3A_99 = tpu.memref_slice %arg2[%dma_wait3A_97, %dma_wait3A_98] : memref<10000x128xf32, #tpu.memory_space<hbm>> -> memref<10000x128xf32, #tpu.memory_space<hbm>>
      tpu.wait_indirect_dma semaphore(%arg17 : memref<!tpu.dma_semaphore, #tpu.memory_space<semaphore_mem>>) src(%dma_wait3A_99 : memref<10000x128xf32, #tpu.memory_space<hbm>>) dst(%arg12 : memref<80x128xf32, #tpu.memory_space<vmem>>)
      %add3A_100 = arith.constant 3 : i32
      %add3A_101 = arith.addi %mul3A_55, %add3A_100 : i32
      %mul3A_102 = arith.constant 80 : i32
      %mul3A_103 = arith.muli %add3A_101, %mul3A_102 : i32
      %dma_start3A_104 = tpu.memref_slice %arg8[%mul3A_103] : memref<10000xi32, #tpu.memory_space<vmem>> -> memref<80xi32, #tpu.memory_space<vmem>>
      %dma_start3A_105 = arith.constant 0 : i32
      %dma_start3A_106 = arith.constant 0 : i32
      %dma_start3A_107 = tpu.memref_slice %arg3[%dma_start3A_105, %dma_start3A_106] : memref<10000x128xf32, #tpu.memory_space<hbm>> -> memref<10000x128xf32, #tpu.memory_space<hbm>>
      tpu.enqueue_indirect_dma source(%dma_start3A_107 : memref<10000x128xf32, #tpu.memory_space<hbm>>) target(%arg12 : memref<80x128xf32, #tpu.memory_space<vmem>>) offsets(%dma_start3A_104 : memref<80xi32, #tpu.memory_space<vmem>>) semaphore(%arg22 : memref<!tpu.dma_semaphore, #tpu.memory_space<semaphore_mem>>) {add = true}
      %dma_wait3A_108 = arith.constant 0 : i32
      %dma_wait3A_109 = tpu.memref_slice %arg7[%dma_wait3A_108] : memref<10000xi32, #tpu.memory_space<vmem>> -> memref<80xi32, #tpu.memory_space<vmem>>
      %dma_wait3A_110 = arith.constant 0 : i32
      %dma_wait3A_111 = arith.constant 0 : i32
      %dma_wait3A_112 = tpu.memref_slice %arg2[%dma_wait3A_110, %dma_wait3A_111] : memref<10000x128xf32, #tpu.memory_space<hbm>> -> memref<10000x128xf32, #tpu.memory_space<hbm>>
      tpu.wait_indirect_dma semaphore(%arg18 : memref<!tpu.dma_semaphore, #tpu.memory_space<semaphore_mem>>) src(%dma_wait3A_112 : memref<10000x128xf32, #tpu.memory_space<hbm>>) dst(%arg13 : memref<80x128xf32, #tpu.memory_space<vmem>>)
      %add3A_113 = arith.constant 4 : i32
      %add3A_114 = arith.addi %mul3A_55, %add3A_113 : i32
      %mul3A_115 = arith.constant 80 : i32
      %mul3A_116 = arith.muli %add3A_114, %mul3A_115 : i32
      %dma_start3A_117 = tpu.memref_slice %arg8[%mul3A_116] : memref<10000xi32, #tpu.memory_space<vmem>> -> memref<80xi32, #tpu.memory_space<vmem>>
      %dma_start3A_118 = arith.constant 0 : i32
      %dma_start3A_119 = arith.constant 0 : i32
      %dma_start3A_120 = tpu.memref_slice %arg3[%dma_start3A_118, %dma_start3A_119] : memref<10000x128xf32, #tpu.memory_space<hbm>> -> memref<10000x128xf32, #tpu.memory_space<hbm>>
      tpu.enqueue_indirect_dma source(%dma_start3A_120 : memref<10000x128xf32, #tpu.memory_space<hbm>>) target(%arg13 : memref<80x128xf32, #tpu.memory_space<vmem>>) offsets(%dma_start3A_117 : memref<80xi32, #tpu.memory_space<vmem>>) semaphore(%arg23 : memref<!tpu.dma_semaphore, #tpu.memory_space<semaphore_mem>>) {add = true}
      %dma_wait3A_121 = arith.constant 0 : i32
      %dma_wait3A_122 = tpu.memref_slice %arg8[%dma_wait3A_121] : memref<10000xi32, #tpu.memory_space<vmem>> -> memref<80xi32, #tpu.memory_space<vmem>>
      %dma_wait3A_123 = arith.constant 0 : i32
      %dma_wait3A_124 = arith.constant 0 : i32
      %dma_wait3A_125 = tpu.memref_slice %arg3[%dma_wait3A_123, %dma_wait3A_124] : memref<10000x128xf32, #tpu.memory_space<hbm>> -> memref<10000x128xf32, #tpu.memory_space<hbm>>
      tpu.wait_indirect_dma semaphore(%arg19 : memref<!tpu.dma_semaphore, #tpu.memory_space<semaphore_mem>>) src(%dma_wait3A_125 : memref<10000x128xf32, #tpu.memory_space<hbm>>) dst(%arg9 : memref<80x128xf32, #tpu.memory_space<vmem>>)
      %add3A_126 = arith.constant 0 : i32
      %add3A_127 = arith.addi %mul3A_55, %add3A_126 : i32
      %mul3A_128 = arith.constant 80 : i32
      %mul3A_129 = arith.muli %add3A_127, %mul3A_128 : i32
      %add3A_130 = arith.addi %mul3A_2, %mul3A_129 : i32
      %dma_start3A_131 = arith.constant 0 : i32
      %dma_start3A_132 = tpu.memref_slice %arg6[%add3A_130, %dma_start3A_131] : memref<320000x128xf32, #tpu.memory_space<hbm>> -> memref<80x128xf32, #tpu.memory_space<hbm>>
      %dma_start3A_133 = arith.constant 0 : i32
      %dma_start3A_134 = tpu.memref_slice %arg6[%add3A_130, %dma_start3A_133] : memref<320000x128xf32, #tpu.memory_space<hbm>> -> memref<80x128xf32, #tpu.memory_space<hbm>>
      tpu.enqueue_dma source(%arg9 : memref<80x128xf32, #tpu.memory_space<vmem>>) target(%dma_start3A_134 : memref<80x128xf32, #tpu.memory_space<hbm>>) target_semaphore(%arg24 : memref<!tpu.dma_semaphore, #tpu.memory_space<semaphore_mem>>)
      %dma_wait3A_135 = arith.constant 0 : i32
      %dma_wait3A_136 = tpu.memref_slice %arg8[%dma_wait3A_135] : memref<10000xi32, #tpu.memory_space<vmem>> -> memref<80xi32, #tpu.memory_space<vmem>>
      %dma_wait3A_137 = arith.constant 0 : i32
      %dma_wait3A_138 = arith.constant 0 : i32
      %dma_wait3A_139 = tpu.memref_slice %arg3[%dma_wait3A_137, %dma_wait3A_138] : memref<10000x128xf32, #tpu.memory_space<hbm>> -> memref<10000x128xf32, #tpu.memory_space<hbm>>
      tpu.wait_indirect_dma semaphore(%arg20 : memref<!tpu.dma_semaphore, #tpu.memory_space<semaphore_mem>>) src(%dma_wait3A_139 : memref<10000x128xf32, #tpu.memory_space<hbm>>) dst(%arg10 : memref<80x128xf32, #tpu.memory_space<vmem>>)
      %add3A_140 = arith.constant 1 : i32
      %add3A_141 = arith.addi %mul3A_55, %add3A_140 : i32
      %mul3A_142 = arith.constant 80 : i32
      %mul3A_143 = arith.muli %add3A_141, %mul3A_142 : i32
      %add3A_144 = arith.addi %mul3A_2, %mul3A_143 : i32
      %dma_start3A_145 = arith.constant 0 : i32
      %dma_start3A_146 = tpu.memref_slice %arg6[%add3A_144, %dma_start3A_145] : memref<320000x128xf32, #tpu.memory_space<hbm>> -> memref<80x128xf32, #tpu.memory_space<hbm>>
      %dma_start3A_147 = arith.constant 0 : i32
      %dma_start3A_148 = tpu.memref_slice %arg6[%add3A_144, %dma_start3A_147] : memref<320000x128xf32, #tpu.memory_space<hbm>> -> memref<80x128xf32, #tpu.memory_space<hbm>>
      tpu.enqueue_dma source(%arg10 : memref<80x128xf32, #tpu.memory_space<vmem>>) target(%dma_start3A_148 : memref<80x128xf32, #tpu.memory_space<hbm>>) target_semaphore(%arg25 : memref<!tpu.dma_semaphore, #tpu.memory_space<semaphore_mem>>)
      %dma_wait3A_149 = arith.constant 0 : i32
      %dma_wait3A_150 = tpu.memref_slice %arg8[%dma_wait3A_149] : memref<10000xi32, #tpu.memory_space<vmem>> -> memref<80xi32, #tpu.memory_space<vmem>>
      %dma_wait3A_151 = arith.constant 0 : i32
      %dma_wait3A_152 = arith.constant 0 : i32
      %dma_wait3A_153 = tpu.memref_slice %arg3[%dma_wait3A_151, %dma_wait3A_152] : memref<10000x128xf32, #tpu.memory_space<hbm>> -> memref<10000x128xf32, #tpu.memory_space<hbm>>
      tpu.wait_indirect_dma semaphore(%arg21 : memref<!tpu.dma_semaphore, #tpu.memory_space<semaphore_mem>>) src(%dma_wait3A_153 : memref<10000x128xf32, #tpu.memory_space<hbm>>) dst(%arg11 : memref<80x128xf32, #tpu.memory_space<vmem>>)
      %add3A_154 = arith.constant 2 : i32
      %add3A_155 = arith.addi %mul3A_55, %add3A_154 : i32
      %mul3A_156 = arith.constant 80 : i32
      %mul3A_157 = arith.muli %add3A_155, %mul3A_156 : i32
      %add3A_158 = arith.addi %mul3A_2, %mul3A_157 : i32
      %dma_start3A_159 = arith.constant 0 : i32
      %dma_start3A_160 = tpu.memref_slice %arg6[%add3A_158, %dma_start3A_159] : memref<320000x128xf32, #tpu.memory_space<hbm>> -> memref<80x128xf32, #tpu.memory_space<hbm>>
      %dma_start3A_161 = arith.constant 0 : i32
      %dma_start3A_162 = tpu.memref_slice %arg6[%add3A_158, %dma_start3A_161] : memref<320000x128xf32, #tpu.memory_space<hbm>> -> memref<80x128xf32, #tpu.memory_space<hbm>>
      tpu.enqueue_dma source(%arg11 : memref<80x128xf32, #tpu.memory_space<vmem>>) target(%dma_start3A_162 : memref<80x128xf32, #tpu.memory_space<hbm>>) target_semaphore(%arg26 : memref<!tpu.dma_semaphore, #tpu.memory_space<semaphore_mem>>)
      %dma_wait3A_163 = arith.constant 0 : i32
      %dma_wait3A_164 = tpu.memref_slice %arg8[%dma_wait3A_163] : memref<10000xi32, #tpu.memory_space<vmem>> -> memref<80xi32, #tpu.memory_space<vmem>>
      %dma_wait3A_165 = arith.constant 0 : i32
      %dma_wait3A_166 = arith.constant 0 : i32
      %dma_wait3A_167 = tpu.memref_slice %arg3[%dma_wait3A_165, %dma_wait3A_166] : memref<10000x128xf32, #tpu.memory_space<hbm>> -> memref<10000x128xf32, #tpu.memory_space<hbm>>
      tpu.wait_indirect_dma semaphore(%arg22 : memref<!tpu.dma_semaphore, #tpu.memory_space<semaphore_mem>>) src(%dma_wait3A_167 : memref<10000x128xf32, #tpu.memory_space<hbm>>) dst(%arg12 : memref<80x128xf32, #tpu.memory_space<vmem>>)
      %add3A_168 = arith.constant 3 : i32
      %add3A_169 = arith.addi %mul3A_55, %add3A_168 : i32
      %mul3A_170 = arith.constant 80 : i32
      %mul3A_171 = arith.muli %add3A_169, %mul3A_170 : i32
      %add3A_172 = arith.addi %mul3A_2, %mul3A_171 : i32
      %dma_start3A_173 = arith.constant 0 : i32
      %dma_start3A_174 = tpu.memref_slice %arg6[%add3A_172, %dma_start3A_173] : memref<320000x128xf32, #tpu.memory_space<hbm>> -> memref<80x128xf32, #tpu.memory_space<hbm>>
      %dma_start3A_175 = arith.constant 0 : i32
      %dma_start3A_176 = tpu.memref_slice %arg6[%add3A_172, %dma_start3A_175] : memref<320000x128xf32, #tpu.memory_space<hbm>> -> memref<80x128xf32, #tpu.memory_space<hbm>>
      tpu.enqueue_dma source(%arg12 : memref<80x128xf32, #tpu.memory_space<vmem>>) target(%dma_start3A_176 : memref<80x128xf32, #tpu.memory_space<hbm>>) target_semaphore(%arg27 : memref<!tpu.dma_semaphore, #tpu.memory_space<semaphore_mem>>)
      %dma_wait3A_177 = arith.constant 0 : i32
      %dma_wait3A_178 = tpu.memref_slice %arg8[%dma_wait3A_177] : memref<10000xi32, #tpu.memory_space<vmem>> -> memref<80xi32, #tpu.memory_space<vmem>>
      %dma_wait3A_179 = arith.constant 0 : i32
      %dma_wait3A_180 = arith.constant 0 : i32
      %dma_wait3A_181 = tpu.memref_slice %arg3[%dma_wait3A_179, %dma_wait3A_180] : memref<10000x128xf32, #tpu.memory_space<hbm>> -> memref<10000x128xf32, #tpu.memory_space<hbm>>
      tpu.wait_indirect_dma semaphore(%arg23 : memref<!tpu.dma_semaphore, #tpu.memory_space<semaphore_mem>>) src(%dma_wait3A_181 : memref<10000x128xf32, #tpu.memory_space<hbm>>) dst(%arg13 : memref<80x128xf32, #tpu.memory_space<vmem>>)
      %add3A_182 = arith.constant 4 : i32
      %add3A_183 = arith.addi %mul3A_55, %add3A_182 : i32
      %mul3A_184 = arith.constant 80 : i32
      %mul3A_185 = arith.muli %add3A_183, %mul3A_184 : i32
      %add3A_186 = arith.addi %mul3A_2, %mul3A_185 : i32
      %dma_start3A_187 = arith.constant 0 : i32
      %dma_start3A_188 = tpu.memref_slice %arg6[%add3A_186, %dma_start3A_187] : memref<320000x128xf32, #tpu.memory_space<hbm>> -> memref<80x128xf32, #tpu.memory_space<hbm>>
      %dma_start3A_189 = arith.constant 0 : i32
      %dma_start3A_190 = tpu.memref_slice %arg6[%add3A_186, %dma_start3A_189] : memref<320000x128xf32, #tpu.memory_space<hbm>> -> memref<80x128xf32, #tpu.memory_space<hbm>>
      tpu.enqueue_dma source(%arg13 : memref<80x128xf32, #tpu.memory_space<vmem>>) target(%dma_start3A_190 : memref<80x128xf32, #tpu.memory_space<hbm>>) target_semaphore(%arg28 : memref<!tpu.dma_semaphore, #tpu.memory_space<semaphore_mem>>)
      %add3A_191 = arith.constant 5 : i32
      %add3A_192 = arith.addi %mul3A_55, %add3A_191 : i32
      %add3A_193 = arith.constant 0 : i32
      %add3A_194 = arith.addi %add3A_192, %add3A_193 : i32
      %lt3A = arith.constant 125 : i32
      %lt3A_195 = arith.cmpi slt, %add3A_194, %lt3A : i32
      %convert_element_type3A = arith.extui %lt3A_195 : i1 to i32
      %cond3A = arith.constant 0 : i32
      %cond3A_196 = arith.cmpi ne, %convert_element_type3A, %cond3A : i32
      scf.if %cond3A_196 {
        %dma_wait3A_234 = arith.constant 0 : i32
        %dma_wait3A_235 = tpu.memref_slice %arg6[%mul3A_2, %dma_wait3A_234] : memref<320000x128xf32, #tpu.memory_space<hbm>> -> memref<80x128xf32, #tpu.memory_space<hbm>>
        %dma_wait3A_236 = arith.constant 0 : i32
        %dma_wait3A_237 = tpu.memref_slice %arg6[%mul3A_2, %dma_wait3A_236] : memref<320000x128xf32, #tpu.memory_space<hbm>> -> memref<80x128xf32, #tpu.memory_space<hbm>>
        tpu.wait_dma2 semaphore(%arg24 : memref<!tpu.dma_semaphore, #tpu.memory_space<semaphore_mem>>) src(%arg9 : memref<80x128xf32, #tpu.memory_space<vmem>>) dst(%dma_wait3A_237 : memref<80x128xf32, #tpu.memory_space<hbm>>)
        %mul3A_238 = arith.constant 80 : i32
        %mul3A_239 = arith.muli %add3A_194, %mul3A_238 : i32
        %dma_start3A_240 = tpu.memref_slice %arg7[%mul3A_239] : memref<10000xi32, #tpu.memory_space<vmem>> -> memref<80xi32, #tpu.memory_space<vmem>>
        %dma_start3A_241 = arith.constant 0 : i32
        %dma_start3A_242 = arith.constant 0 : i32
        %dma_start3A_243 = tpu.memref_slice %arg2[%dma_start3A_241, %dma_start3A_242] : memref<10000x128xf32, #tpu.memory_space<hbm>> -> memref<10000x128xf32, #tpu.memory_space<hbm>>
        tpu.enqueue_indirect_dma source(%dma_start3A_243 : memref<10000x128xf32, #tpu.memory_space<hbm>>) target(%arg9 : memref<80x128xf32, #tpu.memory_space<vmem>>) offsets(%dma_start3A_240 : memref<80xi32, #tpu.memory_space<vmem>>) semaphore(%arg14 : memref<!tpu.dma_semaphore, #tpu.memory_space<semaphore_mem>>)
      } else {
      }
      %add3A_197 = arith.constant 5 : i32
      %add3A_198 = arith.addi %mul3A_55, %add3A_197 : i32
      %add3A_199 = arith.constant 1 : i32
      %add3A_200 = arith.addi %add3A_198, %add3A_199 : i32
      %lt3A_201 = arith.constant 125 : i32
      %lt3A_202 = arith.cmpi slt, %add3A_200, %lt3A_201 : i32
      %convert_element_type3A_203 = arith.extui %lt3A_202 : i1 to i32
      %cond3A_204 = arith.constant 0 : i32
      %cond3A_205 = arith.cmpi ne, %convert_element_type3A_203, %cond3A_204 : i32
      scf.if %cond3A_205 {
        %dma_wait3A_234 = arith.constant 0 : i32
        %dma_wait3A_235 = tpu.memref_slice %arg6[%mul3A_2, %dma_wait3A_234] : memref<320000x128xf32, #tpu.memory_space<hbm>> -> memref<80x128xf32, #tpu.memory_space<hbm>>
        %dma_wait3A_236 = arith.constant 0 : i32
        %dma_wait3A_237 = tpu.memref_slice %arg6[%mul3A_2, %dma_wait3A_236] : memref<320000x128xf32, #tpu.memory_space<hbm>> -> memref<80x128xf32, #tpu.memory_space<hbm>>
        tpu.wait_dma2 semaphore(%arg25 : memref<!tpu.dma_semaphore, #tpu.memory_space<semaphore_mem>>) src(%arg10 : memref<80x128xf32, #tpu.memory_space<vmem>>) dst(%dma_wait3A_237 : memref<80x128xf32, #tpu.memory_space<hbm>>)
        %mul3A_238 = arith.constant 80 : i32
        %mul3A_239 = arith.muli %add3A_200, %mul3A_238 : i32
        %dma_start3A_240 = tpu.memref_slice %arg7[%mul3A_239] : memref<10000xi32, #tpu.memory_space<vmem>> -> memref<80xi32, #tpu.memory_space<vmem>>
        %dma_start3A_241 = arith.constant 0 : i32
        %dma_start3A_242 = arith.constant 0 : i32
        %dma_start3A_243 = tpu.memref_slice %arg2[%dma_start3A_241, %dma_start3A_242] : memref<10000x128xf32, #tpu.memory_space<hbm>> -> memref<10000x128xf32, #tpu.memory_space<hbm>>
        tpu.enqueue_indirect_dma source(%dma_start3A_243 : memref<10000x128xf32, #tpu.memory_space<hbm>>) target(%arg10 : memref<80x128xf32, #tpu.memory_space<vmem>>) offsets(%dma_start3A_240 : memref<80xi32, #tpu.memory_space<vmem>>) semaphore(%arg15 : memref<!tpu.dma_semaphore, #tpu.memory_space<semaphore_mem>>)
      } else {
      }
      %add3A_206 = arith.constant 5 : i32
      %add3A_207 = arith.addi %mul3A_55, %add3A_206 : i32
      %add3A_208 = arith.constant 2 : i32
      %add3A_209 = arith.addi %add3A_207, %add3A_208 : i32
      %lt3A_210 = arith.constant 125 : i32
      %lt3A_211 = arith.cmpi slt, %add3A_209, %lt3A_210 : i32
      %convert_element_type3A_212 = arith.extui %lt3A_211 : i1 to i32
      %cond3A_213 = arith.constant 0 : i32
      %cond3A_214 = arith.cmpi ne, %convert_element_type3A_212, %cond3A_213 : i32
      scf.if %cond3A_214 {
        %dma_wait3A_234 = arith.constant 0 : i32
        %dma_wait3A_235 = tpu.memref_slice %arg6[%mul3A_2, %dma_wait3A_234] : memref<320000x128xf32, #tpu.memory_space<hbm>> -> memref<80x128xf32, #tpu.memory_space<hbm>>
        %dma_wait3A_236 = arith.constant 0 : i32
        %dma_wait3A_237 = tpu.memref_slice %arg6[%mul3A_2, %dma_wait3A_236] : memref<320000x128xf32, #tpu.memory_space<hbm>> -> memref<80x128xf32, #tpu.memory_space<hbm>>
        tpu.wait_dma2 semaphore(%arg26 : memref<!tpu.dma_semaphore, #tpu.memory_space<semaphore_mem>>) src(%arg11 : memref<80x128xf32, #tpu.memory_space<vmem>>) dst(%dma_wait3A_237 : memref<80x128xf32, #tpu.memory_space<hbm>>)
        %mul3A_238 = arith.constant 80 : i32
        %mul3A_239 = arith.muli %add3A_209, %mul3A_238 : i32
        %dma_start3A_240 = tpu.memref_slice %arg7[%mul3A_239] : memref<10000xi32, #tpu.memory_space<vmem>> -> memref<80xi32, #tpu.memory_space<vmem>>
        %dma_start3A_241 = arith.constant 0 : i32
        %dma_start3A_242 = arith.constant 0 : i32
        %dma_start3A_243 = tpu.memref_slice %arg2[%dma_start3A_241, %dma_start3A_242] : memref<10000x128xf32, #tpu.memory_space<hbm>> -> memref<10000x128xf32, #tpu.memory_space<hbm>>
        tpu.enqueue_indirect_dma source(%dma_start3A_243 : memref<10000x128xf32, #tpu.memory_space<hbm>>) target(%arg11 : memref<80x128xf32, #tpu.memory_space<vmem>>) offsets(%dma_start3A_240 : memref<80xi32, #tpu.memory_space<vmem>>) semaphore(%arg16 : memref<!tpu.dma_semaphore, #tpu.memory_space<semaphore_mem>>)
      } else {
      }
      %add3A_215 = arith.constant 5 : i32
      %add3A_216 = arith.addi %mul3A_55, %add3A_215 : i32
      %add3A_217 = arith.constant 3 : i32
      %add3A_218 = arith.addi %add3A_216, %add3A_217 : i32
      %lt3A_219 = arith.constant 125 : i32
      %lt3A_220 = arith.cmpi slt, %add3A_218, %lt3A_219 : i32
      %convert_element_type3A_221 = arith.extui %lt3A_220 : i1 to i32
      %cond3A_222 = arith.constant 0 : i32
      %cond3A_223 = arith.cmpi ne, %convert_element_type3A_221, %cond3A_222 : i32
      scf.if %cond3A_223 {
        %dma_wait3A_234 = arith.constant 0 : i32
        %dma_wait3A_235 = tpu.memref_slice %arg6[%mul3A_2, %dma_wait3A_234] : memref<320000x128xf32, #tpu.memory_space<hbm>> -> memref<80x128xf32, #tpu.memory_space<hbm>>
        %dma_wait3A_236 = arith.constant 0 : i32
        %dma_wait3A_237 = tpu.memref_slice %arg6[%mul3A_2, %dma_wait3A_236] : memref<320000x128xf32, #tpu.memory_space<hbm>> -> memref<80x128xf32, #tpu.memory_space<hbm>>
        tpu.wait_dma2 semaphore(%arg27 : memref<!tpu.dma_semaphore, #tpu.memory_space<semaphore_mem>>) src(%arg12 : memref<80x128xf32, #tpu.memory_space<vmem>>) dst(%dma_wait3A_237 : memref<80x128xf32, #tpu.memory_space<hbm>>)
        %mul3A_238 = arith.constant 80 : i32
        %mul3A_239 = arith.muli %add3A_218, %mul3A_238 : i32
        %dma_start3A_240 = tpu.memref_slice %arg7[%mul3A_239] : memref<10000xi32, #tpu.memory_space<vmem>> -> memref<80xi32, #tpu.memory_space<vmem>>
        %dma_start3A_241 = arith.constant 0 : i32
        %dma_start3A_242 = arith.constant 0 : i32
        %dma_start3A_243 = tpu.memref_slice %arg2[%dma_start3A_241, %dma_start3A_242] : memref<10000x128xf32, #tpu.memory_space<hbm>> -> memref<10000x128xf32, #tpu.memory_space<hbm>>
        tpu.enqueue_indirect_dma source(%dma_start3A_243 : memref<10000x128xf32, #tpu.memory_space<hbm>>) target(%arg12 : memref<80x128xf32, #tpu.memory_space<vmem>>) offsets(%dma_start3A_240 : memref<80xi32, #tpu.memory_space<vmem>>) semaphore(%arg17 : memref<!tpu.dma_semaphore, #tpu.memory_space<semaphore_mem>>)
      } else {
      }
      %add3A_224 = arith.constant 5 : i32
      %add3A_225 = arith.addi %mul3A_55, %add3A_224 : i32
      %add3A_226 = arith.constant 4 : i32
      %add3A_227 = arith.addi %add3A_225, %add3A_226 : i32
      %lt3A_228 = arith.constant 125 : i32
      %lt3A_229 = arith.cmpi slt, %add3A_227, %lt3A_228 : i32
      %convert_element_type3A_230 = arith.extui %lt3A_229 : i1 to i32
      %cond3A_231 = arith.constant 0 : i32
      %cond3A_232 = arith.cmpi ne, %convert_element_type3A_230, %cond3A_231 : i32
      scf.if %cond3A_232 {
        %dma_wait3A_234 = arith.constant 0 : i32
        %dma_wait3A_235 = tpu.memref_slice %arg6[%mul3A_2, %dma_wait3A_234] : memref<320000x128xf32, #tpu.memory_space<hbm>> -> memref<80x128xf32, #tpu.memory_space<hbm>>
        %dma_wait3A_236 = arith.constant 0 : i32
        %dma_wait3A_237 = tpu.memref_slice %arg6[%mul3A_2, %dma_wait3A_236] : memref<320000x128xf32, #tpu.memory_space<hbm>> -> memref<80x128xf32, #tpu.memory_space<hbm>>
        tpu.wait_dma2 semaphore(%arg28 : memref<!tpu.dma_semaphore, #tpu.memory_space<semaphore_mem>>) src(%arg13 : memref<80x128xf32, #tpu.memory_space<vmem>>) dst(%dma_wait3A_237 : memref<80x128xf32, #tpu.memory_space<hbm>>)
        %mul3A_238 = arith.constant 80 : i32
        %mul3A_239 = arith.muli %add3A_227, %mul3A_238 : i32
        %dma_start3A_240 = tpu.memref_slice %arg7[%mul3A_239] : memref<10000xi32, #tpu.memory_space<vmem>> -> memref<80xi32, #tpu.memory_space<vmem>>
        %dma_start3A_241 = arith.constant 0 : i32
        %dma_start3A_242 = arith.constant 0 : i32
        %dma_start3A_243 = tpu.memref_slice %arg2[%dma_start3A_241, %dma_start3A_242] : memref<10000x128xf32, #tpu.memory_space<hbm>> -> memref<10000x128xf32, #tpu.memory_space<hbm>>
        tpu.enqueue_indirect_dma source(%dma_start3A_243 : memref<10000x128xf32, #tpu.memory_space<hbm>>) target(%arg13 : memref<80x128xf32, #tpu.memory_space<vmem>>) offsets(%dma_start3A_240 : memref<80xi32, #tpu.memory_space<vmem>>) semaphore(%arg18 : memref<!tpu.dma_semaphore, #tpu.memory_space<semaphore_mem>>)
      } else {
      }
      %scan3A_233 = arith.constant 0 : i32
      scf.yield %scan3A_233 : i32
    }
    %scan3A_32 = arith.constant 25 : i32
    %dma_wait3A = arith.constant 0 : i32
    %dma_wait3A_33 = tpu.memref_slice %arg6[%mul3A_2, %dma_wait3A] : memref<320000x128xf32, #tpu.memory_space<hbm>> -> memref<80x128xf32, #tpu.memory_space<hbm>>
    %dma_wait3A_34 = arith.constant 0 : i32
    %dma_wait3A_35 = tpu.memref_slice %arg6[%mul3A_2, %dma_wait3A_34] : memref<320000x128xf32, #tpu.memory_space<hbm>> -> memref<80x128xf32, #tpu.memory_space<hbm>>
    tpu.wait_dma2 semaphore(%arg24 : memref<!tpu.dma_semaphore, #tpu.memory_space<semaphore_mem>>) src(%arg9 : memref<80x128xf32, #tpu.memory_space<vmem>>) dst(%dma_wait3A_35 : memref<80x128xf32, #tpu.memory_space<hbm>>)
    %dma_wait3A_36 = arith.constant 0 : i32
    %dma_wait3A_37 = tpu.memref_slice %arg6[%mul3A_2, %dma_wait3A_36] : memref<320000x128xf32, #tpu.memory_space<hbm>> -> memref<80x128xf32, #tpu.memory_space<hbm>>
    %dma_wait3A_38 = arith.constant 0 : i32
    %dma_wait3A_39 = tpu.memref_slice %arg6[%mul3A_2, %dma_wait3A_38] : memref<320000x128xf32, #tpu.memory_space<hbm>> -> memref<80x128xf32, #tpu.memory_space<hbm>>
    tpu.wait_dma2 semaphore(%arg25 : memref<!tpu.dma_semaphore, #tpu.memory_space<semaphore_mem>>) src(%arg10 : memref<80x128xf32, #tpu.memory_space<vmem>>) dst(%dma_wait3A_39 : memref<80x128xf32, #tpu.memory_space<hbm>>)
    %dma_wait3A_40 = arith.constant 0 : i32
    %dma_wait3A_41 = tpu.memref_slice %arg6[%mul3A_2, %dma_wait3A_40] : memref<320000x128xf32, #tpu.memory_space<hbm>> -> memref<80x128xf32, #tpu.memory_space<hbm>>
    %dma_wait3A_42 = arith.constant 0 : i32
    %dma_wait3A_43 = tpu.memref_slice %arg6[%mul3A_2, %dma_wait3A_42] : memref<320000x128xf32, #tpu.memory_space<hbm>> -> memref<80x128xf32, #tpu.memory_space<hbm>>
    tpu.wait_dma2 semaphore(%arg26 : memref<!tpu.dma_semaphore, #tpu.memory_space<semaphore_mem>>) src(%arg11 : memref<80x128xf32, #tpu.memory_space<vmem>>) dst(%dma_wait3A_43 : memref<80x128xf32, #tpu.memory_space<hbm>>)
    %dma_wait3A_44 = arith.constant 0 : i32
    %dma_wait3A_45 = tpu.memref_slice %arg6[%mul3A_2, %dma_wait3A_44] : memref<320000x128xf32, #tpu.memory_space<hbm>> -> memref<80x128xf32, #tpu.memory_space<hbm>>
    %dma_wait3A_46 = arith.constant 0 : i32
    %dma_wait3A_47 = tpu.memref_slice %arg6[%mul3A_2, %dma_wait3A_46] : memref<320000x128xf32, #tpu.memory_space<hbm>> -> memref<80x128xf32, #tpu.memory_space<hbm>>
    tpu.wait_dma2 semaphore(%arg27 : memref<!tpu.dma_semaphore, #tpu.memory_space<semaphore_mem>>) src(%arg12 : memref<80x128xf32, #tpu.memory_space<vmem>>) dst(%dma_wait3A_47 : memref<80x128xf32, #tpu.memory_space<hbm>>)
    %dma_wait3A_48 = arith.constant 0 : i32
    %dma_wait3A_49 = tpu.memref_slice %arg6[%mul3A_2, %dma_wait3A_48] : memref<320000x128xf32, #tpu.memory_space<hbm>> -> memref<80x128xf32, #tpu.memory_space<hbm>>
    %dma_wait3A_50 = arith.constant 0 : i32
    %dma_wait3A_51 = tpu.memref_slice %arg6[%mul3A_2, %dma_wait3A_50] : memref<320000x128xf32, #tpu.memory_space<hbm>> -> memref<80x128xf32, #tpu.memory_space<hbm>>
    tpu.wait_dma2 semaphore(%arg28 : memref<!tpu.dma_semaphore, #tpu.memory_space<semaphore_mem>>) src(%arg13 : memref<80x128xf32, #tpu.memory_space<vmem>>) dst(%dma_wait3A_51 : memref<80x128xf32, #tpu.memory_space<hbm>>)
    return
  }
}

module attributes {stable_mosaic.version = 14 : i64} {
  func.func @_g_enc_body(%arg0: i32, %arg1: memref<1x16xf32, #tpu.memory_space<vmem>>, %arg2: memref<16x128xf32, #tpu.memory_space<vmem>>, %arg3: memref<1x128xf32, #tpu.memory_space<vmem>>, %arg4: memref<1x128xf32, #tpu.memory_space<vmem>>) attributes {dimension_semantics = [#tpu.dimension_semantics<arbitrary>], iteration_bounds = array<i64: 1>, scalar_prefetch = 0 : i64, scratch_operands = 0 : i64, tpu.core_type = #tpu.core_type<tc>, window_params = [{pipeline_mode = #tpu.pipeline_mode<synchronous>, transform_indices = @transform_0, window_bounds = array<i64: 1, 16>}, {pipeline_mode = #tpu.pipeline_mode<synchronous>, transform_indices = @transform_1, window_bounds = array<i64: 16, 128>}, {pipeline_mode = #tpu.pipeline_mode<synchronous>, transform_indices = @transform_2, window_bounds = array<i64: 1, 128>}, {pipeline_mode = #tpu.pipeline_mode<synchronous>, transform_indices = @transform_3, window_bounds = array<i64: 1, 128>}]} {
    %get3A = arith.constant 0 : index
    %get3A_0 = arith.constant 0 : index
    %get3A_1 = vector.load %arg1[%get3A, %get3A_0] : memref<1x16xf32, #tpu.memory_space<vmem>>, vector<1x16xf32>
    %get3A_2 = arith.constant 0 : index
    %get3A_3 = arith.constant 0 : index
    %get3A_4 = vector.load %arg2[%get3A_2, %get3A_3] : memref<16x128xf32, #tpu.memory_space<vmem>>, vector<16x128xf32>
    %dot_general3A = arith.constant dense<0.000000e+00> : vector<1x128xf32>
    %dot_general3A_5 = tpu.matmul %get3A_1, %get3A_4, %dot_general3A {dimension_numbers = #tpu.dot_dimension_numbers<[1], [0], [0], [1], [0, 0, 1, 1], [], []>, transpose_lhs_hint = false} : vector<1x16xf32>, vector<16x128xf32>, vector<1x128xf32> -> vector<1x128xf32>
    %get3A_6 = arith.constant 0 : index
    %get3A_7 = arith.constant 0 : index
    %get3A_8 = vector.load %arg3[%get3A_6, %get3A_7] : memref<1x128xf32, #tpu.memory_space<vmem>>, vector<1x128xf32>
    %add3A = arith.addf %dot_general3A_5, %get3A_8 : vector<1x128xf32>
    %ge3A = arith.constant 0.000000e+00 : f32
    %ge3A_9 = vector.broadcast %ge3A : f32 to vector<1x128xf32>
    %ge3A_10 = arith.cmpf oge, %add3A, %ge3A_9 : vector<1x128xf32>
    %mul3A = arith.constant 0.00999999977 : f32
    %mul3A_11 = vector.broadcast %mul3A : f32 to vector<1x128xf32>
    %mul3A_12 = arith.mulf %mul3A_11, %add3A : vector<1x128xf32>
    %select_n3A = arith.select %ge3A_10, %add3A, %mul3A_12 : vector<1x128xi1>, vector<1x128xf32>
    %swap3A = arith.constant 0 : index
    %swap3A_13 = arith.constant 0 : index
    %swap3A_14 = vector.load %arg4[%swap3A, %swap3A_13] : memref<1x128xf32, #tpu.memory_space<vmem>>, vector<1x128xf32>
    tpu.vector_store %arg4[%swap3A, %swap3A_13], %select_n3A {strides = array<i32>} : memref<1x128xf32, #tpu.memory_space<vmem>>, vector<1x128xf32>,
    return
  }
  func.func @transform_0(%arg0: i32) -> (i32, i32) {
    %c0_i32 = arith.constant 0 : i32
    %c0_i32_0 = arith.constant 0 : i32
    %c0_i32_1 = arith.constant 0 : i32
    return %c0_i32, %c0_i32_0 : i32, i32
  }
  func.func @transform_1(%arg0: i32) -> (i32, i32) {
    %c0_i32 = arith.constant 0 : i32
    %c0_i32_0 = arith.constant 0 : i32
    %c0_i32_1 = arith.constant 0 : i32
    return %c0_i32, %c0_i32_0 : i32, i32
  }
  func.func @transform_2(%arg0: i32) -> (i32, i32) {
    %c0_i32 = arith.constant 0 : i32
    %c0_i32_0 = arith.constant 0 : i32
    %c0_i32_1 = arith.constant 0 : i32
    return %c0_i32, %c0_i32_0 : i32, i32
  }
  func.func @transform_3(%arg0: i32) -> (i32, i32) {
    %c0_i32 = arith.constant 0 : i32
    %c0_i32_0 = arith.constant 0 : i32
    %c0_i32_1 = arith.constant 0 : i32
    return %c0_i32, %c0_i32_0 : i32, i32
  }
}

module attributes {stable_mosaic.version = 14 : i64} {
  func.func @_enc_edges_body(%arg0: i32, %arg1: memref<1600x16xf32, #tpu.memory_space<vmem>>, %arg2: memref<16x128xf32, #tpu.memory_space<vmem>>, %arg3: memref<1x128xf32, #tpu.memory_space<vmem>>, %arg4: memref<128x128xf32, #tpu.memory_space<vmem>>, %arg5: memref<1x128xf32, #tpu.memory_space<vmem>>, %arg6: memref<1600x128xf32, #tpu.memory_space<vmem>>, %arg7: memref<1600x128xf32, #tpu.memory_space<vmem>>) attributes {dimension_semantics = [#tpu.dimension_semantics<arbitrary>], iteration_bounds = array<i64: 200>, scalar_prefetch = 0 : i64, scratch_operands = 0 : i64, tpu.core_type = #tpu.core_type<tc>, window_params = [{transform_indices = @transform_0, window_bounds = array<i64: 1600, 16>}, {pipeline_mode = #tpu.pipeline_mode<synchronous>, transform_indices = @transform_1, window_bounds = array<i64: 16, 128>}, {pipeline_mode = #tpu.pipeline_mode<synchronous>, transform_indices = @transform_2, window_bounds = array<i64: 1, 128>}, {pipeline_mode = #tpu.pipeline_mode<synchronous>, transform_indices = @transform_3, window_bounds = array<i64: 128, 128>}, {pipeline_mode = #tpu.pipeline_mode<synchronous>, transform_indices = @transform_4, window_bounds = array<i64: 1, 128>}, {transform_indices = @transform_5, window_bounds = array<i64: 1600, 128>}, {transform_indices = @transform_6, window_bounds = array<i64: 1600, 128>}]} {
    %get3A = arith.constant 0 : index
    %get3A_0 = arith.constant 0 : index
    %get3A_1 = vector.load %arg1[%get3A, %get3A_0] : memref<1600x16xf32, #tpu.memory_space<vmem>>, vector<1600x16xf32>
    %get3A_2 = arith.constant 0 : index
    %get3A_3 = arith.constant 0 : index
    %get3A_4 = vector.load %arg2[%get3A_2, %get3A_3] : memref<16x128xf32, #tpu.memory_space<vmem>>, vector<16x128xf32>
    %dot_general3A = arith.constant dense<0.000000e+00> : vector<1600x128xf32>
    %dot_general3A_5 = tpu.matmul %get3A_1, %get3A_4, %dot_general3A {dimension_numbers = #tpu.dot_dimension_numbers<[1], [0], [0], [1], [0, 0, 1, 1], [], []>, transpose_lhs_hint = false} : vector<1600x16xf32>, vector<16x128xf32>, vector<1600x128xf32> -> vector<1600x128xf32>
    %get3A_6 = arith.constant 0 : index
    %get3A_7 = arith.constant 0 : index
    %get3A_8 = vector.load %arg3[%get3A_6, %get3A_7] : memref<1x128xf32, #tpu.memory_space<vmem>>, vector<1x128xf32>
    %add3A = vector.broadcast %get3A_8 : vector<1x128xf32> to vector<1600x128xf32>
    %add3A_9 = arith.addf %dot_general3A_5, %add3A : vector<1600x128xf32>
    %ge3A = arith.constant 0.000000e+00 : f32
    %ge3A_10 = vector.broadcast %ge3A : f32 to vector<1600x128xf32>
    %ge3A_11 = arith.cmpf oge, %add3A_9, %ge3A_10 : vector<1600x128xf32>
    %mul3A = arith.constant 0.00999999977 : f32
    %mul3A_12 = vector.broadcast %mul3A : f32 to vector<1600x128xf32>
    %mul3A_13 = arith.mulf %mul3A_12, %add3A_9 : vector<1600x128xf32>
    %select_n3A = arith.select %ge3A_11, %add3A_9, %mul3A_13 : vector<1600x128xi1>, vector<1600x128xf32>
    %swap3A = arith.constant 0 : index
    %swap3A_14 = arith.constant 0 : index
    %swap3A_15 = vector.load %arg6[%swap3A, %swap3A_14] : memref<1600x128xf32, #tpu.memory_space<vmem>>, vector<1600x128xf32>
    tpu.vector_store %arg6[%swap3A, %swap3A_14], %select_n3A {strides = array<i32>} : memref<1600x128xf32, #tpu.memory_space<vmem>>, vector<1600x128xf32>,
    %get3A_16 = arith.constant 0 : index
    %get3A_17 = arith.constant 0 : index
    %get3A_18 = vector.load %arg4[%get3A_16, %get3A_17] : memref<128x128xf32, #tpu.memory_space<vmem>>, vector<128x128xf32>
    %dot_general3A_19 = arith.constant dense<0.000000e+00> : vector<1600x128xf32>
    %dot_general3A_20 = tpu.matmul %select_n3A, %get3A_18, %dot_general3A_19 {dimension_numbers = #tpu.dot_dimension_numbers<[1], [0], [0], [1], [0, 0, 1, 1], [], []>, transpose_lhs_hint = false} : vector<1600x128xf32>, vector<128x128xf32>, vector<1600x128xf32> -> vector<1600x128xf32>
    %get3A_21 = arith.constant 0 : index
    %get3A_22 = arith.constant 0 : index
    %get3A_23 = vector.load %arg5[%get3A_21, %get3A_22] : memref<1x128xf32, #tpu.memory_space<vmem>>, vector<1x128xf32>
    %add3A_24 = vector.broadcast %get3A_23 : vector<1x128xf32> to vector<1600x128xf32>
    %add3A_25 = arith.addf %dot_general3A_20, %add3A_24 : vector<1600x128xf32>
    %swap3A_26 = arith.constant 0 : index
    %swap3A_27 = arith.constant 0 : index
    %swap3A_28 = vector.load %arg7[%swap3A_26, %swap3A_27] : memref<1600x128xf32, #tpu.memory_space<vmem>>, vector<1600x128xf32>
    tpu.vector_store %arg7[%swap3A_26, %swap3A_27], %add3A_25 {strides = array<i32>} : memref<1600x128xf32, #tpu.memory_space<vmem>>, vector<1600x128xf32>,
    return
  }
  func.func @transform_0(%arg0: i32) -> (i32, i32) {
    %c0_i32 = arith.constant 0 : i32
    %c0_i32_0 = arith.constant 0 : i32
    return %arg0, %c0_i32 : i32, i32
  }
  func.func @transform_1(%arg0: i32) -> (i32, i32) {
    %c0_i32 = arith.constant 0 : i32
    %c0_i32_0 = arith.constant 0 : i32
    %c0_i32_1 = arith.constant 0 : i32
    return %c0_i32, %c0_i32_0 : i32, i32
  }
  func.func @transform_2(%arg0: i32) -> (i32, i32) {
    %c0_i32 = arith.constant 0 : i32
    %c0_i32_0 = arith.constant 0 : i32
    %c0_i32_1 = arith.constant 0 : i32
    return %c0_i32, %c0_i32_0 : i32, i32
  }
  func.func @transform_3(%arg0: i32) -> (i32, i32) {
    %c0_i32 = arith.constant 0 : i32
    %c0_i32_0 = arith.constant 0 : i32
    %c0_i32_1 = arith.constant 0 : i32
    return %c0_i32, %c0_i32_0 : i32, i32
  }
  func.func @transform_4(%arg0: i32) -> (i32, i32) {
    %c0_i32 = arith.constant 0 : i32
    %c0_i32_0 = arith.constant 0 : i32
    %c0_i32_1 = arith.constant 0 : i32
    return %c0_i32, %c0_i32_0 : i32, i32
  }
  func.func @transform_5(%arg0: i32) -> (i32, i32) {
    %c0_i32 = arith.constant 0 : i32
    %c0_i32_0 = arith.constant 0 : i32
    return %arg0, %c0_i32 : i32, i32
  }
  func.func @transform_6(%arg0: i32) -> (i32, i32) {
    %c0_i32 = arith.constant 0 : i32
    %c0_i32_0 = arith.constant 0 : i32
    return %arg0, %c0_i32 : i32, i32
  }
}

module attributes {stable_mosaic.version = 14 : i64} {
  func.func @_enc_nodes_body(%arg0: i32, %arg1: memref<1000x128xf32, #tpu.memory_space<vmem>>, %arg2: memref<128x128xf32, #tpu.memory_space<vmem>>, %arg3: memref<1x128xf32, #tpu.memory_space<vmem>>, %arg4: memref<128x128xf32, #tpu.memory_space<vmem>>, %arg5: memref<128x128xf32, #tpu.memory_space<vmem>>, %arg6: memref<128x128xf32, #tpu.memory_space<vmem>>, %arg7: memref<1x128xf32, #tpu.memory_space<vmem>>, %arg8: memref<1000x128xf32, #tpu.memory_space<vmem>>, %arg9: memref<1000x128xf32, #tpu.memory_space<vmem>>, %arg10: memref<1000x128xf32, #tpu.memory_space<vmem>>, %arg11: memref<1000x128xf32, #tpu.memory_space<vmem>>) attributes {dimension_semantics = [#tpu.dimension_semantics<arbitrary>], iteration_bounds = array<i64: 10>, scalar_prefetch = 0 : i64, scratch_operands = 0 : i64, tpu.core_type = #tpu.core_type<tc>, window_params = [{transform_indices = @transform_0, window_bounds = array<i64: 1000, 128>}, {pipeline_mode = #tpu.pipeline_mode<synchronous>, transform_indices = @transform_1, window_bounds = array<i64: 128, 128>}, {pipeline_mode = #tpu.pipeline_mode<synchronous>, transform_indices = @transform_2, window_bounds = array<i64: 1, 128>}, {pipeline_mode = #tpu.pipeline_mode<synchronous>, transform_indices = @transform_3, window_bounds = array<i64: 128, 128>}, {pipeline_mode = #tpu.pipeline_mode<synchronous>, transform_indices = @transform_4, window_bounds = array<i64: 128, 128>}, {pipeline_mode = #tpu.pipeline_mode<synchronous>, transform_indices = @transform_5, window_bounds = array<i64: 128, 128>}, {pipeline_mode = #tpu.pipeline_mode<synchronous>, transform_indices = @transform_6, window_bounds = array<i64: 1, 128>}, {transform_indices = @transform_7, window_bounds = array<i64: 1000, 128>}, {transform_indices = @transform_8, window_bounds = array<i64: 1000, 128>}, {transform_indices = @transform_9, window_bounds = array<i64: 1000, 128>}, {transform_indices = @transform_10, window_bounds = array<i64: 1000, 128>}]} {
    %get3A = arith.constant 0 : index
    %get3A_0 = arith.constant 0 : index
    %get3A_1 = vector.load %arg1[%get3A, %get3A_0] : memref<1000x128xf32, #tpu.memory_space<vmem>>, vector<1000x128xf32>
    %get3A_2 = arith.constant 0 : index
    %get3A_3 = arith.constant 0 : index
    %get3A_4 = vector.load %arg2[%get3A_2, %get3A_3] : memref<128x128xf32, #tpu.memory_space<vmem>>, vector<128x128xf32>
    %dot_general3A = arith.constant dense<0.000000e+00> : vector<1000x128xf32>
    %dot_general3A_5 = tpu.matmul %get3A_1, %get3A_4, %dot_general3A {dimension_numbers = #tpu.dot_dimension_numbers<[1], [0], [0], [1], [0, 0, 1, 1], [], []>, transpose_lhs_hint = false} : vector<1000x128xf32>, vector<128x128xf32>, vector<1000x128xf32> -> vector<1000x128xf32>
    %get3A_6 = arith.constant 0 : index
    %get3A_7 = arith.constant 0 : index
    %get3A_8 = vector.load %arg3[%get3A_6, %get3A_7] : memref<1x128xf32, #tpu.memory_space<vmem>>, vector<1x128xf32>
    %add3A = vector.broadcast %get3A_8 : vector<1x128xf32> to vector<1000x128xf32>
    %add3A_9 = arith.addf %dot_general3A_5, %add3A : vector<1000x128xf32>
    %ge3A = arith.constant 0.000000e+00 : f32
    %ge3A_10 = vector.broadcast %ge3A : f32 to vector<1000x128xf32>
    %ge3A_11 = arith.cmpf oge, %add3A_9, %ge3A_10 : vector<1000x128xf32>
    %mul3A = arith.constant 0.00999999977 : f32
    %mul3A_12 = vector.broadcast %mul3A : f32 to vector<1000x128xf32>
    %mul3A_13 = arith.mulf %mul3A_12, %add3A_9 : vector<1000x128xf32>
    %select_n3A = arith.select %ge3A_11, %add3A_9, %mul3A_13 : vector<1000x128xi1>, vector<1000x128xf32>
    %swap3A = arith.constant 0 : index
    %swap3A_14 = arith.constant 0 : index
    %swap3A_15 = vector.load %arg8[%swap3A, %swap3A_14] : memref<1000x128xf32, #tpu.memory_space<vmem>>, vector<1000x128xf32>
    tpu.vector_store %arg8[%swap3A, %swap3A_14], %select_n3A {strides = array<i32>} : memref<1000x128xf32, #tpu.memory_space<vmem>>, vector<1000x128xf32>,
    %get3A_16 = arith.constant 0 : index
    %get3A_17 = arith.constant 0 : index
    %get3A_18 = vector.load %arg4[%get3A_16, %get3A_17] : memref<128x128xf32, #tpu.memory_space<vmem>>, vector<128x128xf32>
    %dot_general3A_19 = arith.constant dense<0.000000e+00> : vector<1000x128xf32>
    %dot_general3A_20 = tpu.matmul %select_n3A, %get3A_18, %dot_general3A_19 {dimension_numbers = #tpu.dot_dimension_numbers<[1], [0], [0], [1], [0, 0, 1, 1], [], []>, transpose_lhs_hint = false} : vector<1000x128xf32>, vector<128x128xf32>, vector<1000x128xf32> -> vector<1000x128xf32>
    %swap3A_21 = arith.constant 0 : index
    %swap3A_22 = arith.constant 0 : index
    %swap3A_23 = vector.load %arg9[%swap3A_21, %swap3A_22] : memref<1000x128xf32, #tpu.memory_space<vmem>>, vector<1000x128xf32>
    tpu.vector_store %arg9[%swap3A_21, %swap3A_22], %dot_general3A_20 {strides = array<i32>} : memref<1000x128xf32, #tpu.memory_space<vmem>>, vector<1000x128xf32>,
    %get3A_24 = arith.constant 0 : index
    %get3A_25 = arith.constant 0 : index
    %get3A_26 = vector.load %arg5[%get3A_24, %get3A_25] : memref<128x128xf32, #tpu.memory_space<vmem>>, vector<128x128xf32>
    %dot_general3A_27 = arith.constant dense<0.000000e+00> : vector<1000x128xf32>
    %dot_general3A_28 = tpu.matmul %select_n3A, %get3A_26, %dot_general3A_27 {dimension_numbers = #tpu.dot_dimension_numbers<[1], [0], [0], [1], [0, 0, 1, 1], [], []>, transpose_lhs_hint = false} : vector<1000x128xf32>, vector<128x128xf32>, vector<1000x128xf32> -> vector<1000x128xf32>
    %swap3A_29 = arith.constant 0 : index
    %swap3A_30 = arith.constant 0 : index
    %swap3A_31 = vector.load %arg10[%swap3A_29, %swap3A_30] : memref<1000x128xf32, #tpu.memory_space<vmem>>, vector<1000x128xf32>
    tpu.vector_store %arg10[%swap3A_29, %swap3A_30], %dot_general3A_28 {strides = array<i32>} : memref<1000x128xf32, #tpu.memory_space<vmem>>, vector<1000x128xf32>,
    %get3A_32 = arith.constant 0 : index
    %get3A_33 = arith.constant 0 : index
    %get3A_34 = vector.load %arg6[%get3A_32, %get3A_33] : memref<128x128xf32, #tpu.memory_space<vmem>>, vector<128x128xf32>
    %dot_general3A_35 = arith.constant dense<0.000000e+00> : vector<1000x128xf32>
    %dot_general3A_36 = tpu.matmul %select_n3A, %get3A_34, %dot_general3A_35 {dimension_numbers = #tpu.dot_dimension_numbers<[1], [0], [0], [1], [0, 0, 1, 1], [], []>, transpose_lhs_hint = false} : vector<1000x128xf32>, vector<128x128xf32>, vector<1000x128xf32> -> vector<1000x128xf32>
    %get3A_37 = arith.constant 0 : index
    %get3A_38 = arith.constant 0 : index
    %get3A_39 = vector.load %arg7[%get3A_37, %get3A_38] : memref<1x128xf32, #tpu.memory_space<vmem>>, vector<1x128xf32>
    %add3A_40 = vector.broadcast %get3A_39 : vector<1x128xf32> to vector<1000x128xf32>
    %add3A_41 = arith.addf %dot_general3A_36, %add3A_40 : vector<1000x128xf32>
    %swap3A_42 = arith.constant 0 : index
    %swap3A_43 = arith.constant 0 : index
    %swap3A_44 = vector.load %arg11[%swap3A_42, %swap3A_43] : memref<1000x128xf32, #tpu.memory_space<vmem>>, vector<1000x128xf32>
    tpu.vector_store %arg11[%swap3A_42, %swap3A_43], %add3A_41 {strides = array<i32>} : memref<1000x128xf32, #tpu.memory_space<vmem>>, vector<1000x128xf32>,
    return
  }
  func.func @transform_0(%arg0: i32) -> (i32, i32) {
    %c0_i32 = arith.constant 0 : i32
    %c0_i32_0 = arith.constant 0 : i32
    return %arg0, %c0_i32 : i32, i32
  }
  func.func @transform_1(%arg0: i32) -> (i32, i32) {
    %c0_i32 = arith.constant 0 : i32
    %c0_i32_0 = arith.constant 0 : i32
    %c0_i32_1 = arith.constant 0 : i32
    return %c0_i32, %c0_i32_0 : i32, i32
  }
  func.func @transform_2(%arg0: i32) -> (i32, i32) {
    %c0_i32 = arith.constant 0 : i32
    %c0_i32_0 = arith.constant 0 : i32
    %c0_i32_1 = arith.constant 0 : i32
    return %c0_i32, %c0_i32_0 : i32, i32
  }
  func.func @transform_3(%arg0: i32) -> (i32, i32) {
    %c0_i32 = arith.constant 0 : i32
    %c0_i32_0 = arith.constant 0 : i32
    %c0_i32_1 = arith.constant 0 : i32
    return %c0_i32, %c0_i32_0 : i32, i32
  }
  func.func @transform_4(%arg0: i32) -> (i32, i32) {
    %c0_i32 = arith.constant 0 : i32
    %c0_i32_0 = arith.constant 0 : i32
    %c0_i32_1 = arith.constant 0 : i32
    return %c0_i32, %c0_i32_0 : i32, i32
  }
  func.func @transform_5(%arg0: i32) -> (i32, i32) {
    %c0_i32 = arith.constant 0 : i32
    %c0_i32_0 = arith.constant 0 : i32
    %c0_i32_1 = arith.constant 0 : i32
    return %c0_i32, %c0_i32_0 : i32, i32
  }
  func.func @transform_6(%arg0: i32) -> (i32, i32) {
    %c0_i32 = arith.constant 0 : i32
    %c0_i32_0 = arith.constant 0 : i32
    %c0_i32_1 = arith.constant 0 : i32
    return %c0_i32, %c0_i32_0 : i32, i32
  }
  func.func @transform_7(%arg0: i32) -> (i32, i32) {
    %c0_i32 = arith.constant 0 : i32
    %c0_i32_0 = arith.constant 0 : i32
    return %arg0, %c0_i32 : i32, i32
  }
  func.func @transform_8(%arg0: i32) -> (i32, i32) {
    %c0_i32 = arith.constant 0 : i32
    %c0_i32_0 = arith.constant 0 : i32
    return %arg0, %c0_i32 : i32, i32
  }
  func.func @transform_9(%arg0: i32) -> (i32, i32) {
    %c0_i32 = arith.constant 0 : i32
    %c0_i32_0 = arith.constant 0 : i32
    return %arg0, %c0_i32 : i32, i32
  }
  func.func @transform_10(%arg0: i32) -> (i32, i32) {
    %c0_i32 = arith.constant 0 : i32
    %c0_i32_0 = arith.constant 0 : i32
    return %arg0, %c0_i32 : i32, i32
  }
}

module attributes {stable_mosaic.version = 14 : i64} {
  func.func @_node_prep_body(%arg0: i32, %arg1: memref<1000x128xf32, #tpu.memory_space<vmem>>, %arg2: memref<128x128xf32, #tpu.memory_space<vmem>>, %arg3: memref<128x128xf32, #tpu.memory_space<vmem>>, %arg4: memref<1000x128xf32, #tpu.memory_space<vmem>>, %arg5: memref<1000x128xf32, #tpu.memory_space<vmem>>, %arg6: memref<1000x128xf32, #tpu.memory_space<vmem>>, %arg7: memref<1000x128xf32, #tpu.memory_space<vmem>>) attributes {dimension_semantics = [#tpu.dimension_semantics<arbitrary>], iteration_bounds = array<i64: 10>, scalar_prefetch = 0 : i64, scratch_operands = 0 : i64, tpu.core_type = #tpu.core_type<tc>, window_params = [{transform_indices = @transform_0, window_bounds = array<i64: 1000, 128>}, {pipeline_mode = #tpu.pipeline_mode<synchronous>, transform_indices = @transform_1, window_bounds = array<i64: 128, 128>}, {pipeline_mode = #tpu.pipeline_mode<synchronous>, transform_indices = @transform_2, window_bounds = array<i64: 128, 128>}, {transform_indices = @transform_3, window_bounds = array<i64: 1000, 128>}, {transform_indices = @transform_4, window_bounds = array<i64: 1000, 128>}, {transform_indices = @transform_5, window_bounds = array<i64: 1000, 128>}, {transform_indices = @transform_6, window_bounds = array<i64: 1000, 128>}]} {
    %get3A = arith.constant 0 : index
    %get3A_0 = arith.constant 0 : index
    %get3A_1 = vector.load %arg1[%get3A, %get3A_0] : memref<1000x128xf32, #tpu.memory_space<vmem>>, vector<1000x128xf32>
    %get3A_2 = arith.constant 0 : index
    %get3A_3 = arith.constant 0 : index
    %get3A_4 = vector.load %arg2[%get3A_2, %get3A_3] : memref<128x128xf32, #tpu.memory_space<vmem>>, vector<128x128xf32>
    %dot_general3A = arith.constant dense<0.000000e+00> : vector<1000x128xf32>
    %dot_general3A_5 = tpu.matmul %get3A_1, %get3A_4, %dot_general3A {dimension_numbers = #tpu.dot_dimension_numbers<[1], [0], [0], [1], [0, 0, 1, 1], [], []>, transpose_lhs_hint = false} : vector<1000x128xf32>, vector<128x128xf32>, vector<1000x128xf32> -> vector<1000x128xf32>
    %get3A_6 = arith.constant 0 : index
    %get3A_7 = arith.constant 0 : index
    %get3A_8 = vector.load %arg4[%get3A_6, %get3A_7] : memref<1000x128xf32, #tpu.memory_space<vmem>>, vector<1000x128xf32>
    %add3A = arith.addf %dot_general3A_5, %get3A_8 : vector<1000x128xf32>
    %swap3A = arith.constant 0 : index
    %swap3A_9 = arith.constant 0 : index
    %swap3A_10 = vector.load %arg6[%swap3A, %swap3A_9] : memref<1000x128xf32, #tpu.memory_space<vmem>>, vector<1000x128xf32>
    tpu.vector_store %arg6[%swap3A, %swap3A_9], %add3A {strides = array<i32>} : memref<1000x128xf32, #tpu.memory_space<vmem>>, vector<1000x128xf32>,
    %get3A_11 = arith.constant 0 : index
    %get3A_12 = arith.constant 0 : index
    %get3A_13 = vector.load %arg3[%get3A_11, %get3A_12] : memref<128x128xf32, #tpu.memory_space<vmem>>, vector<128x128xf32>
    %dot_general3A_14 = arith.constant dense<0.000000e+00> : vector<1000x128xf32>
    %dot_general3A_15 = tpu.matmul %get3A_1, %get3A_13, %dot_general3A_14 {dimension_numbers = #tpu.dot_dimension_numbers<[1], [0], [0], [1], [0, 0, 1, 1], [], []>, transpose_lhs_hint = false} : vector<1000x128xf32>, vector<128x128xf32>, vector<1000x128xf32> -> vector<1000x128xf32>
    %get3A_16 = arith.constant 0 : index
    %get3A_17 = arith.constant 0 : index
    %get3A_18 = vector.load %arg5[%get3A_16, %get3A_17] : memref<1000x128xf32, #tpu.memory_space<vmem>>, vector<1000x128xf32>
    %add3A_19 = arith.addf %dot_general3A_15, %get3A_18 : vector<1000x128xf32>
    %swap3A_20 = arith.constant 0 : index
    %swap3A_21 = arith.constant 0 : index
    %swap3A_22 = vector.load %arg7[%swap3A_20, %swap3A_21] : memref<1000x128xf32, #tpu.memory_space<vmem>>, vector<1000x128xf32>
    tpu.vector_store %arg7[%swap3A_20, %swap3A_21], %add3A_19 {strides = array<i32>} : memref<1000x128xf32, #tpu.memory_space<vmem>>, vector<1000x128xf32>,
    return
  }
  func.func @transform_0(%arg0: i32) -> (i32, i32) {
    %c0_i32 = arith.constant 0 : i32
    %c0_i32_0 = arith.constant 0 : i32
    return %arg0, %c0_i32 : i32, i32
  }
  func.func @transform_1(%arg0: i32) -> (i32, i32) {
    %c0_i32 = arith.constant 0 : i32
    %c0_i32_0 = arith.constant 0 : i32
    %c0_i32_1 = arith.constant 0 : i32
    return %c0_i32, %c0_i32_0 : i32, i32
  }
  func.func @transform_2(%arg0: i32) -> (i32, i32) {
    %c0_i32 = arith.constant 0 : i32
    %c0_i32_0 = arith.constant 0 : i32
    %c0_i32_1 = arith.constant 0 : i32
    return %c0_i32, %c0_i32_0 : i32, i32
  }
  func.func @transform_3(%arg0: i32) -> (i32, i32) {
    %c0_i32 = arith.constant 0 : i32
    %c0_i32_0 = arith.constant 0 : i32
    return %arg0, %c0_i32 : i32, i32
  }
  func.func @transform_4(%arg0: i32) -> (i32, i32) {
    %c0_i32 = arith.constant 0 : i32
    %c0_i32_0 = arith.constant 0 : i32
    return %arg0, %c0_i32 : i32, i32
  }
  func.func @transform_5(%arg0: i32) -> (i32, i32) {
    %c0_i32 = arith.constant 0 : i32
    %c0_i32_0 = arith.constant 0 : i32
    return %arg0, %c0_i32 : i32, i32
  }
  func.func @transform_6(%arg0: i32) -> (i32, i32) {
    %c0_i32 = arith.constant 0 : i32
    %c0_i32_0 = arith.constant 0 : i32
    return %arg0, %c0_i32 : i32, i32
  }
}

module attributes {stable_mosaic.version = 14 : i64} {
  func.func @_edge_core_body(%arg0: i32, %arg1: memref<1600x128xf32, #tpu.memory_space<vmem>>, %arg2: memref<1600x128xf32, #tpu.memory_space<vmem>>, %arg3: memref<1600x128xf32, #tpu.memory_space<vmem>>, %arg4: memref<1x128xf32, #tpu.memory_space<vmem>>, %arg5: memref<1x128xf32, #tpu.memory_space<vmem>>, %arg6: memref<2x128xf32, #tpu.memory_space<vmem>>, %arg7: memref<128x128xf32, #tpu.memory_space<vmem>>, %arg8: memref<1600x128xf32, #tpu.memory_space<vmem>>, %arg9: memref<1x128xf32, #tpu.memory_space<vmem>>, %arg10: memref<1x128xf32, #tpu.memory_space<vmem>>, %arg11: memref<1x128xf32, #tpu.memory_space<vmem>>) attributes {dimension_semantics = [#tpu.dimension_semantics<arbitrary>], iteration_bounds = array<i64: 200>, scalar_prefetch = 0 : i64, scratch_operands = 0 : i64, tpu.core_type = #tpu.core_type<tc>, window_params = [{transform_indices = @transform_0, window_bounds = array<i64: 1600, 128>}, {transform_indices = @transform_1, window_bounds = array<i64: 1600, 128>}, {transform_indices = @transform_2, window_bounds = array<i64: 1600, 128>}, {pipeline_mode = #tpu.pipeline_mode<synchronous>, transform_indices = @transform_3, window_bounds = array<i64: 1, 128>}, {pipeline_mode = #tpu.pipeline_mode<synchronous>, transform_indices = @transform_4, window_bounds = array<i64: 1, 128>}, {pipeline_mode = #tpu.pipeline_mode<synchronous>, transform_indices = @transform_5, window_bounds = array<i64: 2, 128>}, {pipeline_mode = #tpu.pipeline_mode<synchronous>, transform_indices = @transform_6, window_bounds = array<i64: 128, 128>}, {transform_indices = @transform_7, window_bounds = array<i64: 1600, 128>}, {pipeline_mode = #tpu.pipeline_mode<synchronous>, transform_indices = @transform_8, window_bounds = array<i64: 1, 128>}, {pipeline_mode = #tpu.pipeline_mode<synchronous>, transform_indices = @transform_9, window_bounds = array<i64: 1, 128>}, {pipeline_mode = #tpu.pipeline_mode<synchronous>, transform_indices = @transform_10, window_bounds = array<i64: 1, 128>}]} {
    %get3A = arith.constant 0 : index
    %get3A_0 = arith.constant 0 : index
    %get3A_1 = vector.load %arg4[%get3A, %get3A_0] : memref<1x128xf32, #tpu.memory_space<vmem>>, vector<1x128xf32>
    %get3A_2 = arith.constant 0 : index
    %get3A_3 = arith.constant 0 : index
    %get3A_4 = vector.load %arg6[%get3A_2, %get3A_3] : memref<2x128xf32, #tpu.memory_space<vmem>>, vector<1x128xf32>
    %mul3A = arith.mulf %get3A_1, %get3A_4 : vector<1x128xf32>
    %get3A_5 = arith.constant 0 : index
    %get3A_6 = arith.constant 0 : index
    %get3A_7 = vector.load %arg5[%get3A_5, %get3A_6] : memref<1x128xf32, #tpu.memory_space<vmem>>, vector<1x128xf32>
    %get3A_8 = arith.constant 1 : index
    %get3A_9 = arith.constant 0 : index
    %get3A_10 = vector.load %arg6[%get3A_8, %get3A_9] : memref<2x128xf32, #tpu.memory_space<vmem>>, vector<1x128xf32>
    %mul3A_11 = arith.mulf %get3A_7, %get3A_10 : vector<1x128xf32>
    %add3A = arith.addf %mul3A, %mul3A_11 : vector<1x128xf32>
    %get3A_12 = arith.constant 0 : index
    %get3A_13 = arith.constant 0 : index
    %get3A_14 = vector.load %arg1[%get3A_12, %get3A_13] : memref<1600x128xf32, #tpu.memory_space<vmem>>, vector<1600x128xf32>
    %get3A_15 = arith.constant 0 : index
    %get3A_16 = arith.constant 0 : index
    %get3A_17 = vector.load %arg7[%get3A_15, %get3A_16] : memref<128x128xf32, #tpu.memory_space<vmem>>, vector<128x128xf32>
    %dot_general3A = arith.constant dense<0.000000e+00> : vector<1600x128xf32>
    %dot_general3A_18 = tpu.matmul %get3A_14, %get3A_17, %dot_general3A {dimension_numbers = #tpu.dot_dimension_numbers<[1], [0], [0], [1], [0, 0, 1, 1], [], []>, transpose_lhs_hint = false} : vector<1600x128xf32>, vector<128x128xf32>, vector<1600x128xf32> -> vector<1600x128xf32>
    %get3A_19 = arith.constant 0 : index
    %get3A_20 = arith.constant 0 : index
    %get3A_21 = vector.load %arg2[%get3A_19, %get3A_20] : memref<1600x128xf32, #tpu.memory_space<vmem>>, vector<1600x128xf32>
    %add3A_22 = arith.addf %dot_general3A_18, %get3A_21 : vector<1600x128xf32>
    %get3A_23 = arith.constant 0 : index
    %get3A_24 = arith.constant 0 : index
    %get3A_25 = vector.load %arg3[%get3A_23, %get3A_24] : memref<1600x128xf32, #tpu.memory_space<vmem>>, vector<1600x128xf32>
    %add3A_26 = arith.addf %add3A_22, %get3A_25 : vector<1600x128xf32>
    %add3A_27 = vector.broadcast %add3A : vector<1x128xf32> to vector<1600x128xf32>
    %add3A_28 = arith.addf %add3A_26, %add3A_27 : vector<1600x128xf32>
    %ge3A = arith.constant 0.000000e+00 : f32
    %ge3A_29 = vector.broadcast %ge3A : f32 to vector<1600x128xf32>
    %ge3A_30 = arith.cmpf oge, %add3A_28, %ge3A_29 : vector<1600x128xf32>
    %mul3A_31 = arith.constant 0.00999999977 : f32
    %mul3A_32 = vector.broadcast %mul3A_31 : f32 to vector<1600x128xf32>
    %mul3A_33 = arith.mulf %mul3A_32, %add3A_28 : vector<1600x128xf32>
    %select_n3A = arith.select %ge3A_30, %add3A_28, %mul3A_33 : vector<1600x128xi1>, vector<1600x128xf32>
    %reduce_sum3A = arith.constant dense<0.000000e+00> : vector<1600xf32>
    %reduce_sum3A_34 = vector.multi_reduction <add>, %select_n3A, %reduce_sum3A [1] : vector<1600x128xf32> to vector<1600xf32>
    %broadcast_in_dim3A = vector.shape_cast %reduce_sum3A_34 : vector<1600xf32> to vector<1600x1xf32>
    %div3A = arith.constant 1.280000e+02 : f32
    %div3A_35 = vector.broadcast %div3A : f32 to vector<1600x1xf32>
    %div3A_36 = arith.divf %broadcast_in_dim3A, %div3A_35 : vector<1600x1xf32>
    %sub3A = vector.broadcast %div3A_36 : vector<1600x1xf32> to vector<1600x128xf32>
    %sub3A_37 = arith.subf %select_n3A, %sub3A : vector<1600x128xf32>
    %integer_pow3A = arith.mulf %sub3A_37, %sub3A_37 : vector<1600x128xf32>
    %reduce_sum3A_38 = arith.constant dense<0.000000e+00> : vector<1600xf32>
    %reduce_sum3A_39 = vector.multi_reduction <add>, %integer_pow3A, %reduce_sum3A_38 [1] : vector<1600x128xf32> to vector<1600xf32>
    %broadcast_in_dim3A_40 = vector.shape_cast %reduce_sum3A_39 : vector<1600xf32> to vector<1600x1xf32>
    %div3A_41 = arith.constant 1.280000e+02 : f32
    %div3A_42 = vector.broadcast %div3A_41 : f32 to vector<1600x1xf32>
    %div3A_43 = arith.divf %broadcast_in_dim3A_40, %div3A_42 : vector<1600x1xf32>
    %sub3A_44 = vector.broadcast %div3A_36 : vector<1600x1xf32> to vector<1600x128xf32>
    %sub3A_45 = arith.subf %select_n3A, %sub3A_44 : vector<1600x128xf32>
    %add3A_46 = arith.constant 9.99999974E-6 : f32
    %add3A_47 = vector.broadcast %add3A_46 : f32 to vector<1600x1xf32>
    %add3A_48 = arith.addf %div3A_43, %add3A_47 : vector<1600x1xf32>
    %rsqrt3A = math.rsqrt %add3A_48 : vector<1600x1xf32>
    %mul3A_49 = vector.broadcast %rsqrt3A : vector<1600x1xf32> to vector<1600x128xf32>
    %mul3A_50 = arith.mulf %sub3A_45, %mul3A_49 : vector<1600x128xf32>
    %swap3A = arith.constant 0 : index
    %swap3A_51 = arith.constant 0 : index
    %swap3A_52 = vector.load %arg8[%swap3A, %swap3A_51] : memref<1600x128xf32, #tpu.memory_space<vmem>>, vector<1600x128xf32>
    tpu.vector_store %arg8[%swap3A, %swap3A_51], %mul3A_50 {strides = array<i32>} : memref<1600x128xf32, #tpu.memory_space<vmem>>, vector<1600x128xf32>,
    %reduce_sum3A_53 = arith.constant dense<0.000000e+00> : vector<128xf32>
    %reduce_sum3A_54 = vector.multi_reduction <add>, %mul3A_50, %reduce_sum3A_53 [0] : vector<1600x128xf32> to vector<128xf32>
    %broadcast_in_dim3A_55 = vector.shape_cast %reduce_sum3A_54 : vector<128xf32> to vector<1x128xf32>
    %reduce_max3A = arith.constant dense<0xFF800000> : vector<128xf32>
    %reduce_max3A_56 = vector.multi_reduction <maximumf>, %mul3A_50, %reduce_max3A [0] : vector<1600x128xf32> to vector<128xf32>
    %broadcast_in_dim3A_57 = vector.shape_cast %reduce_max3A_56 : vector<128xf32> to vector<1x128xf32>
    %reduce_min3A = arith.constant dense<0x7F800000> : vector<128xf32>
    %reduce_min3A_58 = vector.multi_reduction <minimumf>, %mul3A_50, %reduce_min3A [0] : vector<1600x128xf32> to vector<128xf32>
    %broadcast_in_dim3A_59 = vector.shape_cast %reduce_min3A_58 : vector<128xf32> to vector<1x128xf32>
    %eq3A = arith.constant 0 : i32
    %eq3A_60 = arith.cmpi eq, %arg0, %eq3A : i32
    %convert_element_type3A = arith.extui %eq3A_60 : i1 to i32
    %cond3A = arith.constant 0 : i32
    %cond3A_61 = arith.cmpi ne, %convert_element_type3A, %cond3A : i32
    scf.if %cond3A_61 {
      %swap3A_66 = arith.constant 0 : index
      %swap3A_67 = arith.constant 0 : index
      %swap3A_68 = vector.load %arg9[%swap3A_66, %swap3A_67] : memref<1x128xf32, #tpu.memory_space<vmem>>, vector<1x128xf32>
      tpu.vector_store %arg9[%swap3A_66, %swap3A_67], %broadcast_in_dim3A_55 {strides = array<i32>} : memref<1x128xf32, #tpu.memory_space<vmem>>, vector<1x128xf32>,
      %swap3A_69 = arith.constant 0 : index
      %swap3A_70 = arith.constant 0 : index
      %swap3A_71 = vector.load %arg10[%swap3A_69, %swap3A_70] : memref<1x128xf32, #tpu.memory_space<vmem>>, vector<1x128xf32>
      tpu.vector_store %arg10[%swap3A_69, %swap3A_70], %broadcast_in_dim3A_57 {strides = array<i32>} : memref<1x128xf32, #tpu.memory_space<vmem>>, vector<1x128xf32>,
      %swap3A_72 = arith.constant 0 : index
      %swap3A_73 = arith.constant 0 : index
      %swap3A_74 = vector.load %arg11[%swap3A_72, %swap3A_73] : memref<1x128xf32, #tpu.memory_space<vmem>>, vector<1x128xf32>
      tpu.vector_store %arg11[%swap3A_72, %swap3A_73], %broadcast_in_dim3A_59 {strides = array<i32>} : memref<1x128xf32, #tpu.memory_space<vmem>>, vector<1x128xf32>,
    } else {
    }
    %ne3A = arith.constant 0 : i32
    %ne3A_62 = arith.cmpi ne, %arg0, %ne3A : i32
    %convert_element_type3A_63 = arith.extui %ne3A_62 : i1 to i32
    %cond3A_64 = arith.constant 0 : i32
    %cond3A_65 = arith.cmpi ne, %convert_element_type3A_63, %cond3A_64 : i32
    scf.if %cond3A_65 {
      %get3A_66 = arith.constant 0 : index
      %get3A_67 = arith.constant 0 : index
      %get3A_68 = vector.load %arg9[%get3A_66, %get3A_67] : memref<1x128xf32, #tpu.memory_space<vmem>>, vector<1x128xf32>
      %add3A_69 = arith.addf %get3A_68, %broadcast_in_dim3A_55 : vector<1x128xf32>
      %swap3A_70 = arith.constant 0 : index
      %swap3A_71 = arith.constant 0 : index
      %swap3A_72 = vector.load %arg9[%swap3A_70, %swap3A_71] : memref<1x128xf32, #tpu.memory_space<vmem>>, vector<1x128xf32>
      tpu.vector_store %arg9[%swap3A_70, %swap3A_71], %add3A_69 {strides = array<i32>} : memref<1x128xf32, #tpu.memory_space<vmem>>, vector<1x128xf32>,
      %get3A_73 = arith.constant 0 : index
      %get3A_74 = arith.constant 0 : index
      %get3A_75 = vector.load %arg10[%get3A_73, %get3A_74] : memref<1x128xf32, #tpu.memory_space<vmem>>, vector<1x128xf32>
      %max3A = arith.maximumf %get3A_75, %broadcast_in_dim3A_57 : vector<1x128xf32>
      %swap3A_76 = arith.constant 0 : index
      %swap3A_77 = arith.constant 0 : index
      %swap3A_78 = vector.load %arg10[%swap3A_76, %swap3A_77] : memref<1x128xf32, #tpu.memory_space<vmem>>, vector<1x128xf32>
      tpu.vector_store %arg10[%swap3A_76, %swap3A_77], %max3A {strides = array<i32>} : memref<1x128xf32, #tpu.memory_space<vmem>>, vector<1x128xf32>,
      %get3A_79 = arith.constant 0 : index
      %get3A_80 = arith.constant 0 : index
      %get3A_81 = vector.load %arg11[%get3A_79, %get3A_80] : memref<1x128xf32, #tpu.memory_space<vmem>>, vector<1x128xf32>
      %min3A = arith.minimumf %get3A_81, %broadcast_in_dim3A_59 : vector<1x128xf32>
      %swap3A_82 = arith.constant 0 : index
      %swap3A_83 = arith.constant 0 : index
      %swap3A_84 = vector.load %arg11[%swap3A_82, %swap3A_83] : memref<1x128xf32, #tpu.memory_space<vmem>>, vector<1x128xf32>
      tpu.vector_store %arg11[%swap3A_82, %swap3A_83], %min3A {strides = array<i32>} : memref<1x128xf32, #tpu.memory_space<vmem>>, vector<1x128xf32>,
    } else {
    }
    return
  }
  func.func @transform_0(%arg0: i32) -> (i32, i32) {
    %c0_i32 = arith.constant 0 : i32
    %c0_i32_0 = arith.constant 0 : i32
    return %arg0, %c0_i32 : i32, i32
  }
  func.func @transform_1(%arg0: i32) -> (i32, i32) {
    %c0_i32 = arith.constant 0 : i32
    %c0_i32_0 = arith.constant 0 : i32
    return %arg0, %c0_i32 : i32, i32
  }
  func.func @transform_2(%arg0: i32) -> (i32, i32) {
    %c0_i32 = arith.constant 0 : i32
    %c0_i32_0 = arith.constant 0 : i32
    return %arg0, %c0_i32 : i32, i32
  }
  func.func @transform_3(%arg0: i32) -> (i32, i32) {
    %c0_i32 = arith.constant 0 : i32
    %c0_i32_0 = arith.constant 0 : i32
    %c0_i32_1 = arith.constant 0 : i32
    return %c0_i32, %c0_i32_0 : i32, i32
  }
  func.func @transform_4(%arg0: i32) -> (i32, i32) {
    %c0_i32 = arith.constant 0 : i32
    %c0_i32_0 = arith.constant 0 : i32
    %c0_i32_1 = arith.constant 0 : i32
    return %c0_i32, %c0_i32_0 : i32, i32
  }
  func.func @transform_5(%arg0: i32) -> (i32, i32) {
    %c0_i32 = arith.constant 0 : i32
    %c0_i32_0 = arith.constant 0 : i32
    %c0_i32_1 = arith.constant 0 : i32
    return %c0_i32, %c0_i32_0 : i32, i32
  }
  func.func @transform_6(%arg0: i32) -> (i32, i32) {
    %c0_i32 = arith.constant 0 : i32
    %c0_i32_0 = arith.constant 0 : i32
    %c0_i32_1 = arith.constant 0 : i32
    return %c0_i32, %c0_i32_0 : i32, i32
  }
  func.func @transform_7(%arg0: i32) -> (i32, i32) {
    %c0_i32 = arith.constant 0 : i32
    %c0_i32_0 = arith.constant 0 : i32
    return %arg0, %c0_i32 : i32, i32
  }
  func.func @transform_8(%arg0: i32) -> (i32, i32) {
    %c0_i32 = arith.constant 0 : i32
    %c0_i32_0 = arith.constant 0 : i32
    %c0_i32_1 = arith.constant 0 : i32
    return %c0_i32, %c0_i32_0 : i32, i32
  }
  func.func @transform_9(%arg0: i32) -> (i32, i32) {
    %c0_i32 = arith.constant 0 : i32
    %c0_i32_0 = arith.constant 0 : i32
    %c0_i32_1 = arith.constant 0 : i32
    return %c0_i32, %c0_i32_0 : i32, i32
  }
  func.func @transform_10(%arg0: i32) -> (i32, i32) {
    %c0_i32 = arith.constant 0 : i32
    %c0_i32_0 = arith.constant 0 : i32
    %c0_i32_1 = arith.constant 0 : i32
    return %c0_i32, %c0_i32_0 : i32, i32
  }
}

module attributes {stable_mosaic.version = 14 : i64} {
  func.func @_node_core_body(%arg0: i32, %arg1: memref<1000x128xf32, #tpu.memory_space<vmem>>, %arg2: memref<1000x128xf32, #tpu.memory_space<vmem>>, %arg3: memref<1000x128xf32, #tpu.memory_space<vmem>>, %arg4: memref<1000x128xf32, #tpu.memory_space<vmem>>, %arg5: memref<1000x128xf32, #tpu.memory_space<vmem>>, %arg6: memref<1000x1xf32, #tpu.memory_space<vmem>>, %arg7: memref<128x128xf32, #tpu.memory_space<vmem>>, %arg8: memref<128x128xf32, #tpu.memory_space<vmem>>, %arg9: memref<128x128xf32, #tpu.memory_space<vmem>>, %arg10: memref<128x128xf32, #tpu.memory_space<vmem>>, %arg11: memref<1x128xf32, #tpu.memory_space<vmem>>, %arg12: memref<128x128xf32, #tpu.memory_space<vmem>>, %arg13: memref<128x128xf32, #tpu.memory_space<vmem>>, %arg14: memref<1x128xf32, #tpu.memory_space<vmem>>, %arg15: memref<1x128xf32, #tpu.memory_space<vmem>>, %arg16: memref<2x128xf32, #tpu.memory_space<vmem>>, %arg17: memref<1000x128xf32, #tpu.memory_space<vmem>>, %arg18: memref<1x128xf32, #tpu.memory_space<vmem>>, %arg19: memref<1x128xf32, #tpu.memory_space<vmem>>, %arg20: memref<1x128xf32, #tpu.memory_space<vmem>>) attributes {dimension_semantics = [#tpu.dimension_semantics<arbitrary>], iteration_bounds = array<i64: 10>, scalar_prefetch = 0 : i64, scratch_operands = 0 : i64, tpu.core_type = #tpu.core_type<tc>, window_params = [{transform_indices = @transform_0, window_bounds = array<i64: 1000, 128>}, {transform_indices = @transform_1, window_bounds = array<i64: 1000, 128>}, {transform_indices = @transform_2, window_bounds = array<i64: 1000, 128>}, {transform_indices = @transform_3, window_bounds = array<i64: 1000, 128>}, {transform_indices = @transform_4, window_bounds = array<i64: 1000, 128>}, {transform_indices = @transform_5, window_bounds = array<i64: 1000, 1>}, {pipeline_mode = #tpu.pipeline_mode<synchronous>, transform_indices = @transform_6, window_bounds = array<i64: 128, 128>}, {pipeline_mode = #tpu.pipeline_mode<synchronous>, transform_indices = @transform_7, window_bounds = array<i64: 128, 128>}, {pipeline_mode = #tpu.pipeline_mode<synchronous>, transform_indices = @transform_8, window_bounds = array<i64: 128, 128>}, {pipeline_mode = #tpu.pipeline_mode<synchronous>, transform_indices = @transform_9, window_bounds = array<i64: 128, 128>}, {pipeline_mode = #tpu.pipeline_mode<synchronous>, transform_indices = @transform_10, window_bounds = array<i64: 1, 128>}, {pipeline_mode = #tpu.pipeline_mode<synchronous>, transform_indices = @transform_11, window_bounds = array<i64: 128, 128>}, {pipeline_mode = #tpu.pipeline_mode<synchronous>, transform_indices = @transform_12, window_bounds = array<i64: 128, 128>}, {pipeline_mode = #tpu.pipeline_mode<synchronous>, transform_indices = @transform_13, window_bounds = array<i64: 1, 128>}, {pipeline_mode = #tpu.pipeline_mode<synchronous>, transform_indices = @transform_14, window_bounds = array<i64: 1, 128>}, {pipeline_mode = #tpu.pipeline_mode<synchronous>, transform_indices = @transform_15, window_bounds = array<i64: 2, 128>}, {transform_indices = @transform_16, window_bounds = array<i64: 1000, 128>}, {pipeline_mode = #tpu.pipeline_mode<synchronous>, transform_indices = @transform_17, window_bounds = array<i64: 1, 128>}, {pipeline_mode = #tpu.pipeline_mode<synchronous>, transform_indices = @transform_18, window_bounds = array<i64: 1, 128>}, {pipeline_mode = #tpu.pipeline_mode<synchronous>, transform_indices = @transform_19, window_bounds = array<i64: 1, 128>}]} {
    %get3A = arith.constant 0 : index
    %get3A_0 = arith.constant 0 : index
    %get3A_1 = vector.load %arg6[%get3A, %get3A_0] : memref<1000x1xf32, #tpu.memory_space<vmem>>, vector<1000x1xf32>
    %gt3A = arith.constant 0.000000e+00 : f32
    %gt3A_2 = vector.broadcast %gt3A : f32 to vector<1000x1xf32>
    %gt3A_3 = arith.cmpf ogt, %get3A_1, %gt3A_2 : vector<1000x1xf32>
    %get3A_4 = arith.constant 0 : index
    %get3A_5 = arith.constant 0 : index
    %get3A_6 = vector.load %arg4[%get3A_4, %get3A_5] : memref<1000x128xf32, #tpu.memory_space<vmem>>, vector<1000x128xf32>
    %jit3A = arith.constant 0.000000e+00 : f32
    %broadcast_in_dim3A = vector.shape_cast %gt3A_3 : vector<1000x1xi1> to vector<1000x1xi1>
    %broadcast_in_dim3A_7 = vector.broadcast %broadcast_in_dim3A : vector<1000x1xi1> to vector<1000x128xi1>
    %broadcast_in_dim3A_8 = vector.broadcast %jit3A : f32 to vector<1000x128xf32>
    %select_n3A = arith.select %broadcast_in_dim3A_7, %get3A_6, %broadcast_in_dim3A_8 : vector<1000x128xi1>, vector<1000x128xf32>
    %get3A_9 = arith.constant 0 : index
    %get3A_10 = arith.constant 0 : index
    %get3A_11 = vector.load %arg5[%get3A_9, %get3A_10] : memref<1000x128xf32, #tpu.memory_space<vmem>>, vector<1000x128xf32>
    %jit3A_12 = arith.constant 0.000000e+00 : f32
    %broadcast_in_dim3A_13 = vector.shape_cast %gt3A_3 : vector<1000x1xi1> to vector<1000x1xi1>
    %broadcast_in_dim3A_14 = vector.broadcast %broadcast_in_dim3A_13 : vector<1000x1xi1> to vector<1000x128xi1>
    %broadcast_in_dim3A_15 = vector.broadcast %jit3A_12 : f32 to vector<1000x128xf32>
    %select_n3A_16 = arith.select %broadcast_in_dim3A_14, %get3A_11, %broadcast_in_dim3A_15 : vector<1000x128xi1>, vector<1000x128xf32>
    %get3A_17 = arith.constant 0 : index
    %get3A_18 = arith.constant 0 : index
    %get3A_19 = vector.load %arg3[%get3A_17, %get3A_18] : memref<1000x128xf32, #tpu.memory_space<vmem>>, vector<1000x128xf32>
    %jit3A_20 = arith.constant 0.000000e+00 : f32
    %broadcast_in_dim3A_21 = vector.shape_cast %gt3A_3 : vector<1000x1xi1> to vector<1000x1xi1>
    %broadcast_in_dim3A_22 = vector.broadcast %broadcast_in_dim3A_21 : vector<1000x1xi1> to vector<1000x128xi1>
    %broadcast_in_dim3A_23 = vector.broadcast %jit3A_20 : f32 to vector<1000x128xf32>
    %select_n3A_24 = arith.select %broadcast_in_dim3A_22, %get3A_19, %broadcast_in_dim3A_23 : vector<1000x128xi1>, vector<1000x128xf32>
    %max3A = arith.constant 1.000000e+00 : f32
    %max3A_25 = vector.broadcast %max3A : f32 to vector<1000x1xf32>
    %max3A_26 = arith.maximumf %get3A_1, %max3A_25 : vector<1000x1xf32>
    %div3A = vector.broadcast %max3A_26 : vector<1000x1xf32> to vector<1000x128xf32>
    %div3A_27 = arith.divf %select_n3A_24, %div3A : vector<1000x128xf32>
    %get3A_28 = arith.constant 0 : index
    %get3A_29 = arith.constant 0 : index
    %get3A_30 = vector.load %arg7[%get3A_28, %get3A_29] : memref<128x128xf32, #tpu.memory_space<vmem>>, vector<128x128xf32>
    %dot_general3A = arith.constant dense<0.000000e+00> : vector<1000x128xf32>
    %dot_general3A_31 = tpu.matmul %select_n3A_24, %get3A_30, %dot_general3A {dimension_numbers = #tpu.dot_dimension_numbers<[1], [0], [0], [1], [0, 0, 1, 1], [], []>, transpose_lhs_hint = false} : vector<1000x128xf32>, vector<128x128xf32>, vector<1000x128xf32> -> vector<1000x128xf32>
    %get3A_32 = arith.constant 0 : index
    %get3A_33 = arith.constant 0 : index
    %get3A_34 = vector.load %arg8[%get3A_32, %get3A_33] : memref<128x128xf32, #tpu.memory_space<vmem>>, vector<128x128xf32>
    %dot_general3A_35 = arith.constant dense<0.000000e+00> : vector<1000x128xf32>
    %dot_general3A_36 = tpu.matmul %select_n3A, %get3A_34, %dot_general3A_35 {dimension_numbers = #tpu.dot_dimension_numbers<[1], [0], [0], [1], [0, 0, 1, 1], [], []>, transpose_lhs_hint = false} : vector<1000x128xf32>, vector<128x128xf32>, vector<1000x128xf32> -> vector<1000x128xf32>
    %add3A = arith.addf %dot_general3A_31, %dot_general3A_36 : vector<1000x128xf32>
    %get3A_37 = arith.constant 0 : index
    %get3A_38 = arith.constant 0 : index
    %get3A_39 = vector.load %arg9[%get3A_37, %get3A_38] : memref<128x128xf32, #tpu.memory_space<vmem>>, vector<128x128xf32>
    %dot_general3A_40 = arith.constant dense<0.000000e+00> : vector<1000x128xf32>
    %dot_general3A_41 = tpu.matmul %div3A_27, %get3A_39, %dot_general3A_40 {dimension_numbers = #tpu.dot_dimension_numbers<[1], [0], [0], [1], [0, 0, 1, 1], [], []>, transpose_lhs_hint = false} : vector<1000x128xf32>, vector<128x128xf32>, vector<1000x128xf32> -> vector<1000x128xf32>
    %add3A_42 = arith.addf %add3A, %dot_general3A_41 : vector<1000x128xf32>
    %get3A_43 = arith.constant 0 : index
    %get3A_44 = arith.constant 0 : index
    %get3A_45 = vector.load %arg10[%get3A_43, %get3A_44] : memref<128x128xf32, #tpu.memory_space<vmem>>, vector<128x128xf32>
    %dot_general3A_46 = arith.constant dense<0.000000e+00> : vector<1000x128xf32>
    %dot_general3A_47 = tpu.matmul %select_n3A_16, %get3A_45, %dot_general3A_46 {dimension_numbers = #tpu.dot_dimension_numbers<[1], [0], [0], [1], [0, 0, 1, 1], [], []>, transpose_lhs_hint = false} : vector<1000x128xf32>, vector<128x128xf32>, vector<1000x128xf32> -> vector<1000x128xf32>
    %add3A_48 = arith.addf %add3A_42, %dot_general3A_47 : vector<1000x128xf32>
    %get3A_49 = arith.constant 0 : index
    %get3A_50 = arith.constant 0 : index
    %get3A_51 = vector.load %arg11[%get3A_49, %get3A_50] : memref<1x128xf32, #tpu.memory_space<vmem>>, vector<1x128xf32>
    %add3A_52 = vector.broadcast %get3A_51 : vector<1x128xf32> to vector<1000x128xf32>
    %add3A_53 = arith.addf %add3A_48, %add3A_52 : vector<1000x128xf32>
    %ge3A = arith.constant 0.000000e+00 : f32
    %ge3A_54 = vector.broadcast %ge3A : f32 to vector<1000x128xf32>
    %ge3A_55 = arith.cmpf oge, %add3A_53, %ge3A_54 : vector<1000x128xf32>
    %mul3A = arith.constant 0.00999999977 : f32
    %mul3A_56 = vector.broadcast %mul3A : f32 to vector<1000x128xf32>
    %mul3A_57 = arith.mulf %mul3A_56, %add3A_53 : vector<1000x128xf32>
    %select_n3A_58 = arith.select %ge3A_55, %add3A_53, %mul3A_57 : vector<1000x128xi1>, vector<1000x128xf32>
    %get3A_59 = arith.constant 0 : index
    %get3A_60 = arith.constant 0 : index
    %get3A_61 = vector.load %arg14[%get3A_59, %get3A_60] : memref<1x128xf32, #tpu.memory_space<vmem>>, vector<1x128xf32>
    %get3A_62 = arith.constant 0 : index
    %get3A_63 = arith.constant 0 : index
    %get3A_64 = vector.load %arg16[%get3A_62, %get3A_63] : memref<2x128xf32, #tpu.memory_space<vmem>>, vector<1x128xf32>
    %mul3A_65 = arith.mulf %get3A_61, %get3A_64 : vector<1x128xf32>
    %get3A_66 = arith.constant 0 : index
    %get3A_67 = arith.constant 0 : index
    %get3A_68 = vector.load %arg15[%get3A_66, %get3A_67] : memref<1x128xf32, #tpu.memory_space<vmem>>, vector<1x128xf32>
    %get3A_69 = arith.constant 1 : index
    %get3A_70 = arith.constant 0 : index
    %get3A_71 = vector.load %arg16[%get3A_69, %get3A_70] : memref<2x128xf32, #tpu.memory_space<vmem>>, vector<1x128xf32>
    %mul3A_72 = arith.mulf %get3A_68, %get3A_71 : vector<1x128xf32>
    %add3A_73 = arith.addf %mul3A_65, %mul3A_72 : vector<1x128xf32>
    %get3A_74 = arith.constant 0 : index
    %get3A_75 = arith.constant 0 : index
    %get3A_76 = vector.load %arg1[%get3A_74, %get3A_75] : memref<1000x128xf32, #tpu.memory_space<vmem>>, vector<1000x128xf32>
    %get3A_77 = arith.constant 0 : index
    %get3A_78 = arith.constant 0 : index
    %get3A_79 = vector.load %arg12[%get3A_77, %get3A_78] : memref<128x128xf32, #tpu.memory_space<vmem>>, vector<128x128xf32>
    %dot_general3A_80 = arith.constant dense<0.000000e+00> : vector<1000x128xf32>
    %dot_general3A_81 = tpu.matmul %get3A_76, %get3A_79, %dot_general3A_80 {dimension_numbers = #tpu.dot_dimension_numbers<[1], [0], [0], [1], [0, 0, 1, 1], [], []>, transpose_lhs_hint = false} : vector<1000x128xf32>, vector<128x128xf32>, vector<1000x128xf32> -> vector<1000x128xf32>
    %get3A_82 = arith.constant 0 : index
    %get3A_83 = arith.constant 0 : index
    %get3A_84 = vector.load %arg2[%get3A_82, %get3A_83] : memref<1000x128xf32, #tpu.memory_space<vmem>>, vector<1000x128xf32>
    %add3A_85 = arith.addf %dot_general3A_81, %get3A_84 : vector<1000x128xf32>
    %get3A_86 = arith.constant 0 : index
    %get3A_87 = arith.constant 0 : index
    %get3A_88 = vector.load %arg13[%get3A_86, %get3A_87] : memref<128x128xf32, #tpu.memory_space<vmem>>, vector<128x128xf32>
    %dot_general3A_89 = arith.constant dense<0.000000e+00> : vector<1000x128xf32>
    %dot_general3A_90 = tpu.matmul %select_n3A_58, %get3A_88, %dot_general3A_89 {dimension_numbers = #tpu.dot_dimension_numbers<[1], [0], [0], [1], [0, 0, 1, 1], [], []>, transpose_lhs_hint = false} : vector<1000x128xf32>, vector<128x128xf32>, vector<1000x128xf32> -> vector<1000x128xf32>
    %add3A_91 = arith.addf %add3A_85, %dot_general3A_90 : vector<1000x128xf32>
    %add3A_92 = vector.broadcast %add3A_73 : vector<1x128xf32> to vector<1000x128xf32>
    %add3A_93 = arith.addf %add3A_91, %add3A_92 : vector<1000x128xf32>
    %ge3A_94 = arith.constant 0.000000e+00 : f32
    %ge3A_95 = vector.broadcast %ge3A_94 : f32 to vector<1000x128xf32>
    %ge3A_96 = arith.cmpf oge, %add3A_93, %ge3A_95 : vector<1000x128xf32>
    %mul3A_97 = arith.constant 0.00999999977 : f32
    %mul3A_98 = vector.broadcast %mul3A_97 : f32 to vector<1000x128xf32>
    %mul3A_99 = arith.mulf %mul3A_98, %add3A_93 : vector<1000x128xf32>
    %select_n3A_100 = arith.select %ge3A_96, %add3A_93, %mul3A_99 : vector<1000x128xi1>, vector<1000x128xf32>
    %reduce_sum3A = arith.constant dense<0.000000e+00> : vector<1000xf32>
    %reduce_sum3A_101 = vector.multi_reduction <add>, %select_n3A_100, %reduce_sum3A [1] : vector<1000x128xf32> to vector<1000xf32>
    %broadcast_in_dim3A_102 = vector.shape_cast %reduce_sum3A_101 : vector<1000xf32> to vector<1000x1xf32>
    %div3A_103 = arith.constant 1.280000e+02 : f32
    %div3A_104 = vector.broadcast %div3A_103 : f32 to vector<1000x1xf32>
    %div3A_105 = arith.divf %broadcast_in_dim3A_102, %div3A_104 : vector<1000x1xf32>
    %sub3A = vector.broadcast %div3A_105 : vector<1000x1xf32> to vector<1000x128xf32>
    %sub3A_106 = arith.subf %select_n3A_100, %sub3A : vector<1000x128xf32>
    %integer_pow3A = arith.mulf %sub3A_106, %sub3A_106 : vector<1000x128xf32>
    %reduce_sum3A_107 = arith.constant dense<0.000000e+00> : vector<1000xf32>
    %reduce_sum3A_108 = vector.multi_reduction <add>, %integer_pow3A, %reduce_sum3A_107 [1] : vector<1000x128xf32> to vector<1000xf32>
    %broadcast_in_dim3A_109 = vector.shape_cast %reduce_sum3A_108 : vector<1000xf32> to vector<1000x1xf32>
    %div3A_110 = arith.constant 1.280000e+02 : f32
    %div3A_111 = vector.broadcast %div3A_110 : f32 to vector<1000x1xf32>
    %div3A_112 = arith.divf %broadcast_in_dim3A_109, %div3A_111 : vector<1000x1xf32>
    %sub3A_113 = vector.broadcast %div3A_105 : vector<1000x1xf32> to vector<1000x128xf32>
    %sub3A_114 = arith.subf %select_n3A_100, %sub3A_113 : vector<1000x128xf32>
    %add3A_115 = arith.constant 9.99999974E-6 : f32
    %add3A_116 = vector.broadcast %add3A_115 : f32 to vector<1000x1xf32>
    %add3A_117 = arith.addf %div3A_112, %add3A_116 : vector<1000x1xf32>
    %rsqrt3A = math.rsqrt %add3A_117 : vector<1000x1xf32>
    %mul3A_118 = vector.broadcast %rsqrt3A : vector<1000x1xf32> to vector<1000x128xf32>
    %mul3A_119 = arith.mulf %sub3A_114, %mul3A_118 : vector<1000x128xf32>
    %swap3A = arith.constant 0 : index
    %swap3A_120 = arith.constant 0 : index
    %swap3A_121 = vector.load %arg17[%swap3A, %swap3A_120] : memref<1000x128xf32, #tpu.memory_space<vmem>>, vector<1000x128xf32>
    tpu.vector_store %arg17[%swap3A, %swap3A_120], %mul3A_119 {strides = array<i32>} : memref<1000x128xf32, #tpu.memory_space<vmem>>, vector<1000x128xf32>,
    %reduce_sum3A_122 = arith.constant dense<0.000000e+00> : vector<128xf32>
    %reduce_sum3A_123 = vector.multi_reduction <add>, %mul3A_119, %reduce_sum3A_122 [0] : vector<1000x128xf32> to vector<128xf32>
    %broadcast_in_dim3A_124 = vector.shape_cast %reduce_sum3A_123 : vector<128xf32> to vector<1x128xf32>
    %reduce_max3A = arith.constant dense<0xFF800000> : vector<128xf32>
    %reduce_max3A_125 = vector.multi_reduction <maximumf>, %mul3A_119, %reduce_max3A [0] : vector<1000x128xf32> to vector<128xf32>
    %broadcast_in_dim3A_126 = vector.shape_cast %reduce_max3A_125 : vector<128xf32> to vector<1x128xf32>
    %reduce_min3A = arith.constant dense<0x7F800000> : vector<128xf32>
    %reduce_min3A_127 = vector.multi_reduction <minimumf>, %mul3A_119, %reduce_min3A [0] : vector<1000x128xf32> to vector<128xf32>
    %broadcast_in_dim3A_128 = vector.shape_cast %reduce_min3A_127 : vector<128xf32> to vector<1x128xf32>
    %eq3A = arith.constant 0 : i32
    %eq3A_129 = arith.cmpi eq, %arg0, %eq3A : i32
    %convert_element_type3A = arith.extui %eq3A_129 : i1 to i32
    %cond3A = arith.constant 0 : i32
    %cond3A_130 = arith.cmpi ne, %convert_element_type3A, %cond3A : i32
    scf.if %cond3A_130 {
      %swap3A_135 = arith.constant 0 : index
      %swap3A_136 = arith.constant 0 : index
      %swap3A_137 = vector.load %arg18[%swap3A_135, %swap3A_136] : memref<1x128xf32, #tpu.memory_space<vmem>>, vector<1x128xf32>
      tpu.vector_store %arg18[%swap3A_135, %swap3A_136], %broadcast_in_dim3A_124 {strides = array<i32>} : memref<1x128xf32, #tpu.memory_space<vmem>>, vector<1x128xf32>,
      %swap3A_138 = arith.constant 0 : index
      %swap3A_139 = arith.constant 0 : index
      %swap3A_140 = vector.load %arg19[%swap3A_138, %swap3A_139] : memref<1x128xf32, #tpu.memory_space<vmem>>, vector<1x128xf32>
      tpu.vector_store %arg19[%swap3A_138, %swap3A_139], %broadcast_in_dim3A_126 {strides = array<i32>} : memref<1x128xf32, #tpu.memory_space<vmem>>, vector<1x128xf32>,
      %swap3A_141 = arith.constant 0 : index
      %swap3A_142 = arith.constant 0 : index
      %swap3A_143 = vector.load %arg20[%swap3A_141, %swap3A_142] : memref<1x128xf32, #tpu.memory_space<vmem>>, vector<1x128xf32>
      tpu.vector_store %arg20[%swap3A_141, %swap3A_142], %broadcast_in_dim3A_128 {strides = array<i32>} : memref<1x128xf32, #tpu.memory_space<vmem>>, vector<1x128xf32>,
    } else {
    }
    %ne3A = arith.constant 0 : i32
    %ne3A_131 = arith.cmpi ne, %arg0, %ne3A : i32
    %convert_element_type3A_132 = arith.extui %ne3A_131 : i1 to i32
    %cond3A_133 = arith.constant 0 : i32
    %cond3A_134 = arith.cmpi ne, %convert_element_type3A_132, %cond3A_133 : i32
    scf.if %cond3A_134 {
      %get3A_135 = arith.constant 0 : index
      %get3A_136 = arith.constant 0 : index
      %get3A_137 = vector.load %arg18[%get3A_135, %get3A_136] : memref<1x128xf32, #tpu.memory_space<vmem>>, vector<1x128xf32>
      %add3A_138 = arith.addf %get3A_137, %broadcast_in_dim3A_124 : vector<1x128xf32>
      %swap3A_139 = arith.constant 0 : index
      %swap3A_140 = arith.constant 0 : index
      %swap3A_141 = vector.load %arg18[%swap3A_139, %swap3A_140] : memref<1x128xf32, #tpu.memory_space<vmem>>, vector<1x128xf32>
      tpu.vector_store %arg18[%swap3A_139, %swap3A_140], %add3A_138 {strides = array<i32>} : memref<1x128xf32, #tpu.memory_space<vmem>>, vector<1x128xf32>,
      %get3A_142 = arith.constant 0 : index
      %get3A_143 = arith.constant 0 : index
      %get3A_144 = vector.load %arg19[%get3A_142, %get3A_143] : memref<1x128xf32, #tpu.memory_space<vmem>>, vector<1x128xf32>
      %max3A_145 = arith.maximumf %get3A_144, %broadcast_in_dim3A_126 : vector<1x128xf32>
      %swap3A_146 = arith.constant 0 : index
      %swap3A_147 = arith.constant 0 : index
      %swap3A_148 = vector.load %arg19[%swap3A_146, %swap3A_147] : memref<1x128xf32, #tpu.memory_space<vmem>>, vector<1x128xf32>
      tpu.vector_store %arg19[%swap3A_146, %swap3A_147], %max3A_145 {strides = array<i32>} : memref<1x128xf32, #tpu.memory_space<vmem>>, vector<1x128xf32>,
      %get3A_149 = arith.constant 0 : index
      %get3A_150 = arith.constant 0 : index
      %get3A_151 = vector.load %arg20[%get3A_149, %get3A_150] : memref<1x128xf32, #tpu.memory_space<vmem>>, vector<1x128xf32>
      %min3A = arith.minimumf %get3A_151, %broadcast_in_dim3A_128 : vector<1x128xf32>
      %swap3A_152 = arith.constant 0 : index
      %swap3A_153 = arith.constant 0 : index
      %swap3A_154 = vector.load %arg20[%swap3A_152, %swap3A_153] : memref<1x128xf32, #tpu.memory_space<vmem>>, vector<1x128xf32>
      tpu.vector_store %arg20[%swap3A_152, %swap3A_153], %min3A {strides = array<i32>} : memref<1x128xf32, #tpu.memory_space<vmem>>, vector<1x128xf32>,
    } else {
    }
    return
  }
  func.func @transform_0(%arg0: i32) -> (i32, i32) {
    %c0_i32 = arith.constant 0 : i32
    %c0_i32_0 = arith.constant 0 : i32
    return %arg0, %c0_i32 : i32, i32
  }
  func.func @transform_1(%arg0: i32) -> (i32, i32) {
    %c0_i32 = arith.constant 0 : i32
    %c0_i32_0 = arith.constant 0 : i32
    return %arg0, %c0_i32 : i32, i32
  }
  func.func @transform_2(%arg0: i32) -> (i32, i32) {
    %c0_i32 = arith.constant 0 : i32
    %c0_i32_0 = arith.constant 0 : i32
    return %arg0, %c0_i32 : i32, i32
  }
  func.func @transform_3(%arg0: i32) -> (i32, i32) {
    %c0_i32 = arith.constant 0 : i32
    %c0_i32_0 = arith.constant 0 : i32
    return %arg0, %c0_i32 : i32, i32
  }
  func.func @transform_4(%arg0: i32) -> (i32, i32) {
    %c0_i32 = arith.constant 0 : i32
    %c0_i32_0 = arith.constant 0 : i32
    return %arg0, %c0_i32 : i32, i32
  }
  func.func @transform_5(%arg0: i32) -> (i32, i32) {
    %c0_i32 = arith.constant 0 : i32
    %c0_i32_0 = arith.constant 0 : i32
    return %arg0, %c0_i32 : i32, i32
  }
  func.func @transform_6(%arg0: i32) -> (i32, i32) {
    %c0_i32 = arith.constant 0 : i32
    %c0_i32_0 = arith.constant 0 : i32
    %c0_i32_1 = arith.constant 0 : i32
    return %c0_i32, %c0_i32_0 : i32, i32
  }
  func.func @transform_7(%arg0: i32) -> (i32, i32) {
    %c0_i32 = arith.constant 0 : i32
    %c0_i32_0 = arith.constant 0 : i32
    %c0_i32_1 = arith.constant 0 : i32
    return %c0_i32, %c0_i32_0 : i32, i32
  }
  func.func @transform_8(%arg0: i32) -> (i32, i32) {
    %c0_i32 = arith.constant 0 : i32
    %c0_i32_0 = arith.constant 0 : i32
    %c0_i32_1 = arith.constant 0 : i32
    return %c0_i32, %c0_i32_0 : i32, i32
  }
  func.func @transform_9(%arg0: i32) -> (i32, i32) {
    %c0_i32 = arith.constant 0 : i32
    %c0_i32_0 = arith.constant 0 : i32
    %c0_i32_1 = arith.constant 0 : i32
    return %c0_i32, %c0_i32_0 : i32, i32
  }
  func.func @transform_10(%arg0: i32) -> (i32, i32) {
    %c0_i32 = arith.constant 0 : i32
    %c0_i32_0 = arith.constant 0 : i32
    %c0_i32_1 = arith.constant 0 : i32
    return %c0_i32, %c0_i32_0 : i32, i32
  }
  func.func @transform_11(%arg0: i32) -> (i32, i32) {
    %c0_i32 = arith.constant 0 : i32
    %c0_i32_0 = arith.constant 0 : i32
    %c0_i32_1 = arith.constant 0 : i32
    return %c0_i32, %c0_i32_0 : i32, i32
  }
  func.func @transform_12(%arg0: i32) -> (i32, i32) {
    %c0_i32 = arith.constant 0 : i32
    %c0_i32_0 = arith.constant 0 : i32
    %c0_i32_1 = arith.constant 0 : i32
    return %c0_i32, %c0_i32_0 : i32, i32
  }
  func.func @transform_13(%arg0: i32) -> (i32, i32) {
    %c0_i32 = arith.constant 0 : i32
    %c0_i32_0 = arith.constant 0 : i32
    %c0_i32_1 = arith.constant 0 : i32
    return %c0_i32, %c0_i32_0 : i32, i32
  }
  func.func @transform_14(%arg0: i32) -> (i32, i32) {
    %c0_i32 = arith.constant 0 : i32
    %c0_i32_0 = arith.constant 0 : i32
    %c0_i32_1 = arith.constant 0 : i32
    return %c0_i32, %c0_i32_0 : i32, i32
  }
  func.func @transform_15(%arg0: i32) -> (i32, i32) {
    %c0_i32 = arith.constant 0 : i32
    %c0_i32_0 = arith.constant 0 : i32
    %c0_i32_1 = arith.constant 0 : i32
    return %c0_i32, %c0_i32_0 : i32, i32
  }
  func.func @transform_16(%arg0: i32) -> (i32, i32) {
    %c0_i32 = arith.constant 0 : i32
    %c0_i32_0 = arith.constant 0 : i32
    return %arg0, %c0_i32 : i32, i32
  }
  func.func @transform_17(%arg0: i32) -> (i32, i32) {
    %c0_i32 = arith.constant 0 : i32
    %c0_i32_0 = arith.constant 0 : i32
    %c0_i32_1 = arith.constant 0 : i32
    return %c0_i32, %c0_i32_0 : i32, i32
  }
  func.func @transform_18(%arg0: i32) -> (i32, i32) {
    %c0_i32 = arith.constant 0 : i32
    %c0_i32_0 = arith.constant 0 : i32
    %c0_i32_1 = arith.constant 0 : i32
    return %c0_i32, %c0_i32_0 : i32, i32
  }
  func.func @transform_19(%arg0: i32) -> (i32, i32) {
    %c0_i32 = arith.constant 0 : i32
    %c0_i32_0 = arith.constant 0 : i32
    %c0_i32_1 = arith.constant 0 : i32
    return %c0_i32, %c0_i32_0 : i32, i32
  }
}

module attributes {stable_mosaic.version = 14 : i64} {
  func.func @_global_body(%arg0: i32, %arg1: memref<1x128xf32, #tpu.memory_space<vmem>>, %arg2: memref<1x128xf32, #tpu.memory_space<vmem>>, %arg3: memref<1x128xf32, #tpu.memory_space<vmem>>, %arg4: memref<1x128xf32, #tpu.memory_space<vmem>>, %arg5: memref<1x128xf32, #tpu.memory_space<vmem>>, %arg6: memref<1x128xf32, #tpu.memory_space<vmem>>, %arg7: memref<1x128xf32, #tpu.memory_space<vmem>>, %arg8: memref<1x128xf32, #tpu.memory_space<vmem>>, %arg9: memref<512x128xf32, #tpu.memory_space<vmem>>, %arg10: memref<1x128xf32, #tpu.memory_space<vmem>>, %arg11: memref<512x128xf32, #tpu.memory_space<vmem>>, %arg12: memref<1x128xf32, #tpu.memory_space<vmem>>, %arg13: memref<4x128xf32, #tpu.memory_space<vmem>>, %arg14: memref<1x128xf32, #tpu.memory_space<vmem>>) attributes {dimension_semantics = [#tpu.dimension_semantics<arbitrary>], iteration_bounds = array<i64: 1>, scalar_prefetch = 0 : i64, scratch_operands = 0 : i64, tpu.core_type = #tpu.core_type<tc>, window_params = [{pipeline_mode = #tpu.pipeline_mode<synchronous>, transform_indices = @transform_0, window_bounds = array<i64: 1, 128>}, {pipeline_mode = #tpu.pipeline_mode<synchronous>, transform_indices = @transform_1, window_bounds = array<i64: 1, 128>}, {pipeline_mode = #tpu.pipeline_mode<synchronous>, transform_indices = @transform_2, window_bounds = array<i64: 1, 128>}, {pipeline_mode = #tpu.pipeline_mode<synchronous>, transform_indices = @transform_3, window_bounds = array<i64: 1, 128>}, {pipeline_mode = #tpu.pipeline_mode<synchronous>, transform_indices = @transform_4, window_bounds = array<i64: 1, 128>}, {pipeline_mode = #tpu.pipeline_mode<synchronous>, transform_indices = @transform_5, window_bounds = array<i64: 1, 128>}, {pipeline_mode = #tpu.pipeline_mode<synchronous>, transform_indices = @transform_6, window_bounds = array<i64: 1, 128>}, {pipeline_mode = #tpu.pipeline_mode<synchronous>, transform_indices = @transform_7, window_bounds = array<i64: 1, 128>}, {pipeline_mode = #tpu.pipeline_mode<synchronous>, transform_indices = @transform_8, window_bounds = array<i64: 512, 128>}, {pipeline_mode = #tpu.pipeline_mode<synchronous>, transform_indices = @transform_9, window_bounds = array<i64: 1, 128>}, {pipeline_mode = #tpu.pipeline_mode<synchronous>, transform_indices = @transform_10, window_bounds = array<i64: 512, 128>}, {pipeline_mode = #tpu.pipeline_mode<synchronous>, transform_indices = @transform_11, window_bounds = array<i64: 1, 128>}, {pipeline_mode = #tpu.pipeline_mode<synchronous>, transform_indices = @transform_12, window_bounds = array<i64: 4, 128>}, {pipeline_mode = #tpu.pipeline_mode<synchronous>, transform_indices = @transform_13, window_bounds = array<i64: 1, 128>}]} {
    %get3A = arith.constant 0 : index
    %get3A_0 = arith.constant 0 : index
    %get3A_1 = vector.load %arg1[%get3A, %get3A_0] : memref<1x128xf32, #tpu.memory_space<vmem>>, vector<1x128xf32>
    %get3A_2 = arith.constant 0 : index
    %get3A_3 = arith.constant 0 : index
    %get3A_4 = vector.load %arg9[%get3A_2, %get3A_3] : memref<512x128xf32, #tpu.memory_space<vmem>>, vector<128x128xf32>
    %dot_general3A = arith.constant dense<0.000000e+00> : vector<1x128xf32>
    %dot_general3A_5 = tpu.matmul %get3A_1, %get3A_4, %dot_general3A {dimension_numbers = #tpu.dot_dimension_numbers<[1], [0], [0], [1], [0, 0, 1, 1], [], []>, transpose_lhs_hint = false} : vector<1x128xf32>, vector<128x128xf32>, vector<1x128xf32> -> vector<1x128xf32>
    %get3A_6 = arith.constant 0 : index
    %get3A_7 = arith.constant 0 : index
    %get3A_8 = vector.load %arg2[%get3A_6, %get3A_7] : memref<1x128xf32, #tpu.memory_space<vmem>>, vector<1x128xf32>
    %get3A_9 = arith.constant 128 : index
    %get3A_10 = arith.constant 0 : index
    %get3A_11 = vector.load %arg9[%get3A_9, %get3A_10] : memref<512x128xf32, #tpu.memory_space<vmem>>, vector<128x128xf32>
    %dot_general3A_12 = arith.constant dense<0.000000e+00> : vector<1x128xf32>
    %dot_general3A_13 = tpu.matmul %get3A_8, %get3A_11, %dot_general3A_12 {dimension_numbers = #tpu.dot_dimension_numbers<[1], [0], [0], [1], [0, 0, 1, 1], [], []>, transpose_lhs_hint = false} : vector<1x128xf32>, vector<128x128xf32>, vector<1x128xf32> -> vector<1x128xf32>
    %add3A = arith.addf %dot_general3A_5, %dot_general3A_13 : vector<1x128xf32>
    %mul3A = arith.constant 3.125000e-06 : f32
    %mul3A_14 = vector.broadcast %mul3A : f32 to vector<1x128xf32>
    %mul3A_15 = arith.mulf %get3A_1, %mul3A_14 : vector<1x128xf32>
    %get3A_16 = arith.constant 256 : index
    %get3A_17 = arith.constant 0 : index
    %get3A_18 = vector.load %arg9[%get3A_16, %get3A_17] : memref<512x128xf32, #tpu.memory_space<vmem>>, vector<128x128xf32>
    %dot_general3A_19 = arith.constant dense<0.000000e+00> : vector<1x128xf32>
    %dot_general3A_20 = tpu.matmul %mul3A_15, %get3A_18, %dot_general3A_19 {dimension_numbers = #tpu.dot_dimension_numbers<[1], [0], [0], [1], [0, 0, 1, 1], [], []>, transpose_lhs_hint = false} : vector<1x128xf32>, vector<128x128xf32>, vector<1x128xf32> -> vector<1x128xf32>
    %add3A_21 = arith.addf %add3A, %dot_general3A_20 : vector<1x128xf32>
    %get3A_22 = arith.constant 0 : index
    %get3A_23 = arith.constant 0 : index
    %get3A_24 = vector.load %arg3[%get3A_22, %get3A_23] : memref<1x128xf32, #tpu.memory_space<vmem>>, vector<1x128xf32>
    %get3A_25 = arith.constant 384 : index
    %get3A_26 = arith.constant 0 : index
    %get3A_27 = vector.load %arg9[%get3A_25, %get3A_26] : memref<512x128xf32, #tpu.memory_space<vmem>>, vector<128x128xf32>
    %dot_general3A_28 = arith.constant dense<0.000000e+00> : vector<1x128xf32>
    %dot_general3A_29 = tpu.matmul %get3A_24, %get3A_27, %dot_general3A_28 {dimension_numbers = #tpu.dot_dimension_numbers<[1], [0], [0], [1], [0, 0, 1, 1], [], []>, transpose_lhs_hint = false} : vector<1x128xf32>, vector<128x128xf32>, vector<1x128xf32> -> vector<1x128xf32>
    %add3A_30 = arith.addf %add3A_21, %dot_general3A_29 : vector<1x128xf32>
    %get3A_31 = arith.constant 0 : index
    %get3A_32 = arith.constant 0 : index
    %get3A_33 = vector.load %arg10[%get3A_31, %get3A_32] : memref<1x128xf32, #tpu.memory_space<vmem>>, vector<1x128xf32>
    %add3A_34 = arith.addf %add3A_30, %get3A_33 : vector<1x128xf32>
    %ge3A = arith.constant 0.000000e+00 : f32
    %ge3A_35 = vector.broadcast %ge3A : f32 to vector<1x128xf32>
    %ge3A_36 = arith.cmpf oge, %add3A_34, %ge3A_35 : vector<1x128xf32>
    %mul3A_37 = arith.constant 0.00999999977 : f32
    %mul3A_38 = vector.broadcast %mul3A_37 : f32 to vector<1x128xf32>
    %mul3A_39 = arith.mulf %mul3A_38, %add3A_34 : vector<1x128xf32>
    %select_n3A = arith.select %ge3A_36, %add3A_34, %mul3A_39 : vector<1x128xi1>, vector<1x128xf32>
    %get3A_40 = arith.constant 0 : index
    %get3A_41 = arith.constant 0 : index
    %get3A_42 = vector.load %arg4[%get3A_40, %get3A_41] : memref<1x128xf32, #tpu.memory_space<vmem>>, vector<1x128xf32>
    %get3A_43 = arith.constant 0 : index
    %get3A_44 = arith.constant 0 : index
    %get3A_45 = vector.load %arg11[%get3A_43, %get3A_44] : memref<512x128xf32, #tpu.memory_space<vmem>>, vector<128x128xf32>
    %dot_general3A_46 = arith.constant dense<0.000000e+00> : vector<1x128xf32>
    %dot_general3A_47 = tpu.matmul %get3A_42, %get3A_45, %dot_general3A_46 {dimension_numbers = #tpu.dot_dimension_numbers<[1], [0], [0], [1], [0, 0, 1, 1], [], []>, transpose_lhs_hint = false} : vector<1x128xf32>, vector<128x128xf32>, vector<1x128xf32> -> vector<1x128xf32>
    %get3A_48 = arith.constant 0 : index
    %get3A_49 = arith.constant 0 : index
    %get3A_50 = vector.load %arg5[%get3A_48, %get3A_49] : memref<1x128xf32, #tpu.memory_space<vmem>>, vector<1x128xf32>
    %get3A_51 = arith.constant 128 : index
    %get3A_52 = arith.constant 0 : index
    %get3A_53 = vector.load %arg11[%get3A_51, %get3A_52] : memref<512x128xf32, #tpu.memory_space<vmem>>, vector<128x128xf32>
    %dot_general3A_54 = arith.constant dense<0.000000e+00> : vector<1x128xf32>
    %dot_general3A_55 = tpu.matmul %get3A_50, %get3A_53, %dot_general3A_54 {dimension_numbers = #tpu.dot_dimension_numbers<[1], [0], [0], [1], [0, 0, 1, 1], [], []>, transpose_lhs_hint = false} : vector<1x128xf32>, vector<128x128xf32>, vector<1x128xf32> -> vector<1x128xf32>
    %add3A_56 = arith.addf %dot_general3A_47, %dot_general3A_55 : vector<1x128xf32>
    %mul3A_57 = arith.constant 9.99999974E-5 : f32
    %mul3A_58 = vector.broadcast %mul3A_57 : f32 to vector<1x128xf32>
    %mul3A_59 = arith.mulf %get3A_42, %mul3A_58 : vector<1x128xf32>
    %get3A_60 = arith.constant 256 : index
    %get3A_61 = arith.constant 0 : index
    %get3A_62 = vector.load %arg11[%get3A_60, %get3A_61] : memref<512x128xf32, #tpu.memory_space<vmem>>, vector<128x128xf32>
    %dot_general3A_63 = arith.constant dense<0.000000e+00> : vector<1x128xf32>
    %dot_general3A_64 = tpu.matmul %mul3A_59, %get3A_62, %dot_general3A_63 {dimension_numbers = #tpu.dot_dimension_numbers<[1], [0], [0], [1], [0, 0, 1, 1], [], []>, transpose_lhs_hint = false} : vector<1x128xf32>, vector<128x128xf32>, vector<1x128xf32> -> vector<1x128xf32>
    %add3A_65 = arith.addf %add3A_56, %dot_general3A_64 : vector<1x128xf32>
    %get3A_66 = arith.constant 0 : index
    %get3A_67 = arith.constant 0 : index
    %get3A_68 = vector.load %arg6[%get3A_66, %get3A_67] : memref<1x128xf32, #tpu.memory_space<vmem>>, vector<1x128xf32>
    %get3A_69 = arith.constant 384 : index
    %get3A_70 = arith.constant 0 : index
    %get3A_71 = vector.load %arg11[%get3A_69, %get3A_70] : memref<512x128xf32, #tpu.memory_space<vmem>>, vector<128x128xf32>
    %dot_general3A_72 = arith.constant dense<0.000000e+00> : vector<1x128xf32>
    %dot_general3A_73 = tpu.matmul %get3A_68, %get3A_71, %dot_general3A_72 {dimension_numbers = #tpu.dot_dimension_numbers<[1], [0], [0], [1], [0, 0, 1, 1], [], []>, transpose_lhs_hint = false} : vector<1x128xf32>, vector<128x128xf32>, vector<1x128xf32> -> vector<1x128xf32>
    %add3A_74 = arith.addf %add3A_65, %dot_general3A_73 : vector<1x128xf32>
    %get3A_75 = arith.constant 0 : index
    %get3A_76 = arith.constant 0 : index
    %get3A_77 = vector.load %arg12[%get3A_75, %get3A_76] : memref<1x128xf32, #tpu.memory_space<vmem>>, vector<1x128xf32>
    %add3A_78 = arith.addf %add3A_74, %get3A_77 : vector<1x128xf32>
    %ge3A_79 = arith.constant 0.000000e+00 : f32
    %ge3A_80 = vector.broadcast %ge3A_79 : f32 to vector<1x128xf32>
    %ge3A_81 = arith.cmpf oge, %add3A_78, %ge3A_80 : vector<1x128xf32>
    %mul3A_82 = arith.constant 0.00999999977 : f32
    %mul3A_83 = vector.broadcast %mul3A_82 : f32 to vector<1x128xf32>
    %mul3A_84 = arith.mulf %mul3A_83, %add3A_78 : vector<1x128xf32>
    %select_n3A_85 = arith.select %ge3A_81, %add3A_78, %mul3A_84 : vector<1x128xi1>, vector<1x128xf32>
    %get3A_86 = arith.constant 0 : index
    %get3A_87 = arith.constant 0 : index
    %get3A_88 = vector.load %arg7[%get3A_86, %get3A_87] : memref<1x128xf32, #tpu.memory_space<vmem>>, vector<1x1xf32>
    %get3A_89 = arith.constant 0 : index
    %get3A_90 = arith.constant 0 : index
    %get3A_91 = vector.load %arg13[%get3A_89, %get3A_90] : memref<4x128xf32, #tpu.memory_space<vmem>>, vector<1x1xf32>
    %mul3A_92 = arith.mulf %get3A_88, %get3A_91 : vector<1x1xf32>
    %get3A_93 = arith.constant 0 : index
    %get3A_94 = arith.constant 0 : index
    %get3A_95 = vector.load %arg8[%get3A_93, %get3A_94] : memref<1x128xf32, #tpu.memory_space<vmem>>, vector<1x1xf32>
    %get3A_96 = arith.constant 0 : index
    %get3A_97 = arith.constant 1 : index
    %get3A_98 = vector.load %arg13[%get3A_96, %get3A_97] : memref<4x128xf32, #tpu.memory_space<vmem>>, vector<1x1xf32>
    %mul3A_99 = arith.mulf %get3A_95, %get3A_98 : vector<1x1xf32>
    %add3A_100 = arith.addf %mul3A_92, %mul3A_99 : vector<1x1xf32>
    %get3A_101 = arith.constant 0 : index
    %get3A_102 = arith.constant 2 : index
    %get3A_103 = vector.load %arg13[%get3A_101, %get3A_102] : memref<4x128xf32, #tpu.memory_space<vmem>>, vector<1x1xf32>
    %add3A_104 = arith.addf %add3A_100, %get3A_103 : vector<1x1xf32>
    %get3A_105 = arith.constant 1 : index
    %get3A_106 = arith.constant 0 : index
    %get3A_107 = vector.load %arg13[%get3A_105, %get3A_106] : memref<4x128xf32, #tpu.memory_space<vmem>>, vector<1x128xf32>
    %mul3A_108 = arith.mulf %select_n3A, %get3A_107 : vector<1x128xf32>
    %reduce_sum3A = arith.constant dense<0.000000e+00> : vector<1xf32>
    %reduce_sum3A_109 = vector.multi_reduction <add>, %mul3A_108, %reduce_sum3A [1] : vector<1x128xf32> to vector<1xf32>
    %broadcast_in_dim3A = vector.shape_cast %reduce_sum3A_109 : vector<1xf32> to vector<1x1xf32>
    %add3A_110 = arith.addf %add3A_104, %broadcast_in_dim3A : vector<1x1xf32>
    %get3A_111 = arith.constant 2 : index
    %get3A_112 = arith.constant 0 : index
    %get3A_113 = vector.load %arg13[%get3A_111, %get3A_112] : memref<4x128xf32, #tpu.memory_space<vmem>>, vector<1x128xf32>
    %mul3A_114 = arith.mulf %select_n3A_85, %get3A_113 : vector<1x128xf32>
    %reduce_sum3A_115 = arith.constant dense<0.000000e+00> : vector<1xf32>
    %reduce_sum3A_116 = vector.multi_reduction <add>, %mul3A_114, %reduce_sum3A_115 [1] : vector<1x128xf32> to vector<1xf32>
    %broadcast_in_dim3A_117 = vector.shape_cast %reduce_sum3A_116 : vector<1xf32> to vector<1x1xf32>
    %add3A_118 = arith.addf %add3A_110, %broadcast_in_dim3A_117 : vector<1x1xf32>
    %ge3A_119 = arith.constant 0.000000e+00 : f32
    %ge3A_120 = vector.broadcast %ge3A_119 : f32 to vector<1x1xf32>
    %ge3A_121 = arith.cmpf oge, %add3A_118, %ge3A_120 : vector<1x1xf32>
    %mul3A_122 = arith.constant 0.00999999977 : f32
    %mul3A_123 = vector.broadcast %mul3A_122 : f32 to vector<1x1xf32>
    %mul3A_124 = arith.mulf %mul3A_123, %add3A_118 : vector<1x1xf32>
    %select_n3A_125 = arith.select %ge3A_121, %add3A_118, %mul3A_124 : vector<1x1xi1>, vector<1x1xf32>
    %sub3A = arith.subf %select_n3A_125, %select_n3A_125 : vector<1x1xf32>
    %rsqrt3A = arith.constant 9.99999974E-6 : f32
    %rsqrt3A_126 = math.rsqrt %rsqrt3A : f32
    %mul3A_127 = vector.broadcast %rsqrt3A_126 : f32 to vector<1x1xf32>
    %mul3A_128 = arith.mulf %sub3A, %mul3A_127 : vector<1x1xf32>
    %broadcast_in_dim3A_129 = vector.shape_cast %mul3A_128 : vector<1x1xf32> to vector<1x1xf32>
    %broadcast_in_dim3A_130 = vector.broadcast %broadcast_in_dim3A_129 : vector<1x1xf32> to vector<1x128xf32>
    %swap3A = arith.constant 0 : index
    %swap3A_131 = arith.constant 0 : index
    %swap3A_132 = vector.load %arg14[%swap3A, %swap3A_131] : memref<1x128xf32, #tpu.memory_space<vmem>>, vector<1x128xf32>
    tpu.vector_store %arg14[%swap3A, %swap3A_131], %broadcast_in_dim3A_130 {strides = array<i32>} : memref<1x128xf32, #tpu.memory_space<vmem>>, vector<1x128xf32>,
    return
  }
  func.func @transform_0(%arg0: i32) -> (i32, i32) {
    %c0_i32 = arith.constant 0 : i32
    %c0_i32_0 = arith.constant 0 : i32
    %c0_i32_1 = arith.constant 0 : i32
    return %c0_i32, %c0_i32_0 : i32, i32
  }
  func.func @transform_1(%arg0: i32) -> (i32, i32) {
    %c0_i32 = arith.constant 0 : i32
    %c0_i32_0 = arith.constant 0 : i32
    %c0_i32_1 = arith.constant 0 : i32
    return %c0_i32, %c0_i32_0 : i32, i32
  }
  func.func @transform_2(%arg0: i32) -> (i32, i32) {
    %c0_i32 = arith.constant 0 : i32
    %c0_i32_0 = arith.constant 0 : i32
    %c0_i32_1 = arith.constant 0 : i32
    return %c0_i32, %c0_i32_0 : i32, i32
  }
  func.func @transform_3(%arg0: i32) -> (i32, i32) {
    %c0_i32 = arith.constant 0 : i32
    %c0_i32_0 = arith.constant 0 : i32
    %c0_i32_1 = arith.constant 0 : i32
    return %c0_i32, %c0_i32_0 : i32, i32
  }
  func.func @transform_4(%arg0: i32) -> (i32, i32) {
    %c0_i32 = arith.constant 0 : i32
    %c0_i32_0 = arith.constant 0 : i32
    %c0_i32_1 = arith.constant 0 : i32
    return %c0_i32, %c0_i32_0 : i32, i32
  }
  func.func @transform_5(%arg0: i32) -> (i32, i32) {
    %c0_i32 = arith.constant 0 : i32
    %c0_i32_0 = arith.constant 0 : i32
    %c0_i32_1 = arith.constant 0 : i32
    return %c0_i32, %c0_i32_0 : i32, i32
  }
  func.func @transform_6(%arg0: i32) -> (i32, i32) {
    %c0_i32 = arith.constant 0 : i32
    %c0_i32_0 = arith.constant 0 : i32
    %c0_i32_1 = arith.constant 0 : i32
    return %c0_i32, %c0_i32_0 : i32, i32
  }
  func.func @transform_7(%arg0: i32) -> (i32, i32) {
    %c0_i32 = arith.constant 0 : i32
    %c0_i32_0 = arith.constant 0 : i32
    %c0_i32_1 = arith.constant 0 : i32
    return %c0_i32, %c0_i32_0 : i32, i32
  }
  func.func @transform_8(%arg0: i32) -> (i32, i32) {
    %c0_i32 = arith.constant 0 : i32
    %c0_i32_0 = arith.constant 0 : i32
    %c0_i32_1 = arith.constant 0 : i32
    return %c0_i32, %c0_i32_0 : i32, i32
  }
  func.func @transform_9(%arg0: i32) -> (i32, i32) {
    %c0_i32 = arith.constant 0 : i32
    %c0_i32_0 = arith.constant 0 : i32
    %c0_i32_1 = arith.constant 0 : i32
    return %c0_i32, %c0_i32_0 : i32, i32
  }
  func.func @transform_10(%arg0: i32) -> (i32, i32) {
    %c0_i32 = arith.constant 0 : i32
    %c0_i32_0 = arith.constant 0 : i32
    %c0_i32_1 = arith.constant 0 : i32
    return %c0_i32, %c0_i32_0 : i32, i32
  }
  func.func @transform_11(%arg0: i32) -> (i32, i32) {
    %c0_i32 = arith.constant 0 : i32
    %c0_i32_0 = arith.constant 0 : i32
    %c0_i32_1 = arith.constant 0 : i32
    return %c0_i32, %c0_i32_0 : i32, i32
  }
  func.func @transform_12(%arg0: i32) -> (i32, i32) {
    %c0_i32 = arith.constant 0 : i32
    %c0_i32_0 = arith.constant 0 : i32
    %c0_i32_1 = arith.constant 0 : i32
    return %c0_i32, %c0_i32_0 : i32, i32
  }
  func.func @transform_13(%arg0: i32) -> (i32, i32) {
    %c0_i32 = arith.constant 0 : i32
    %c0_i32_0 = arith.constant 0 : i32
    %c0_i32_1 = arith.constant 0 : i32
    return %c0_i32, %c0_i32_0 : i32, i32
  }
}

module attributes {stable_mosaic.version = 14 : i64} {
  func.func @_dec_body(%arg0: i32, %arg1: memref<1600x128xf32, #tpu.memory_space<vmem>>, %arg2: memref<128x128xf32, #tpu.memory_space<vmem>>, %arg3: memref<1x128xf32, #tpu.memory_space<vmem>>, %arg4: memref<128x128xf32, #tpu.memory_space<vmem>>, %arg5: memref<1x128xf32, #tpu.memory_space<vmem>>, %arg6: memref<1x128xf32, #tpu.memory_space<vmem>>, %arg7: memref<1x128xf32, #tpu.memory_space<vmem>>, %arg8: memref<1600x1xf32, #tpu.memory_space<vmem>>) attributes {dimension_semantics = [#tpu.dimension_semantics<arbitrary>], iteration_bounds = array<i64: 200>, scalar_prefetch = 0 : i64, scratch_operands = 0 : i64, tpu.core_type = #tpu.core_type<tc>, window_params = [{transform_indices = @transform_0, window_bounds = array<i64: 1600, 128>}, {pipeline_mode = #tpu.pipeline_mode<synchronous>, transform_indices = @transform_1, window_bounds = array<i64: 128, 128>}, {pipeline_mode = #tpu.pipeline_mode<synchronous>, transform_indices = @transform_2, window_bounds = array<i64: 1, 128>}, {pipeline_mode = #tpu.pipeline_mode<synchronous>, transform_indices = @transform_3, window_bounds = array<i64: 128, 128>}, {pipeline_mode = #tpu.pipeline_mode<synchronous>, transform_indices = @transform_4, window_bounds = array<i64: 1, 128>}, {pipeline_mode = #tpu.pipeline_mode<synchronous>, transform_indices = @transform_5, window_bounds = array<i64: 1, 128>}, {pipeline_mode = #tpu.pipeline_mode<synchronous>, transform_indices = @transform_6, window_bounds = array<i64: 1, 128>}, {transform_indices = @transform_7, window_bounds = array<i64: 1600, 1>}]} {
    %get3A = arith.constant 0 : index
    %get3A_0 = arith.constant 0 : index
    %get3A_1 = vector.load %arg1[%get3A, %get3A_0] : memref<1600x128xf32, #tpu.memory_space<vmem>>, vector<1600x128xf32>
    %get3A_2 = arith.constant 0 : index
    %get3A_3 = arith.constant 0 : index
    %get3A_4 = vector.load %arg2[%get3A_2, %get3A_3] : memref<128x128xf32, #tpu.memory_space<vmem>>, vector<128x128xf32>
    %dot_general3A = arith.constant dense<0.000000e+00> : vector<1600x128xf32>
    %dot_general3A_5 = tpu.matmul %get3A_1, %get3A_4, %dot_general3A {dimension_numbers = #tpu.dot_dimension_numbers<[1], [0], [0], [1], [0, 0, 1, 1], [], []>, transpose_lhs_hint = false} : vector<1600x128xf32>, vector<128x128xf32>, vector<1600x128xf32> -> vector<1600x128xf32>
    %get3A_6 = arith.constant 0 : index
    %get3A_7 = arith.constant 0 : index
    %get3A_8 = vector.load %arg3[%get3A_6, %get3A_7] : memref<1x128xf32, #tpu.memory_space<vmem>>, vector<1x128xf32>
    %add3A = vector.broadcast %get3A_8 : vector<1x128xf32> to vector<1600x128xf32>
    %add3A_9 = arith.addf %dot_general3A_5, %add3A : vector<1600x128xf32>
    %ge3A = arith.constant 0.000000e+00 : f32
    %ge3A_10 = vector.broadcast %ge3A : f32 to vector<1600x128xf32>
    %ge3A_11 = arith.cmpf oge, %add3A_9, %ge3A_10 : vector<1600x128xf32>
    %mul3A = arith.constant 0.00999999977 : f32
    %mul3A_12 = vector.broadcast %mul3A : f32 to vector<1600x128xf32>
    %mul3A_13 = arith.mulf %mul3A_12, %add3A_9 : vector<1600x128xf32>
    %select_n3A = arith.select %ge3A_11, %add3A_9, %mul3A_13 : vector<1600x128xi1>, vector<1600x128xf32>
    %get3A_14 = arith.constant 0 : index
    %get3A_15 = arith.constant 0 : index
    %get3A_16 = vector.load %arg4[%get3A_14, %get3A_15] : memref<128x128xf32, #tpu.memory_space<vmem>>, vector<128x128xf32>
    %dot_general3A_17 = arith.constant dense<0.000000e+00> : vector<1600x128xf32>
    %dot_general3A_18 = tpu.matmul %select_n3A, %get3A_16, %dot_general3A_17 {dimension_numbers = #tpu.dot_dimension_numbers<[1], [0], [0], [1], [0, 0, 1, 1], [], []>, transpose_lhs_hint = false} : vector<1600x128xf32>, vector<128x128xf32>, vector<1600x128xf32> -> vector<1600x128xf32>
    %get3A_19 = arith.constant 0 : index
    %get3A_20 = arith.constant 0 : index
    %get3A_21 = vector.load %arg5[%get3A_19, %get3A_20] : memref<1x128xf32, #tpu.memory_space<vmem>>, vector<1x128xf32>
    %add3A_22 = vector.broadcast %get3A_21 : vector<1x128xf32> to vector<1600x128xf32>
    %add3A_23 = arith.addf %dot_general3A_18, %add3A_22 : vector<1600x128xf32>
    %ge3A_24 = arith.constant 0.000000e+00 : f32
    %ge3A_25 = vector.broadcast %ge3A_24 : f32 to vector<1600x128xf32>
    %ge3A_26 = arith.cmpf oge, %add3A_23, %ge3A_25 : vector<1600x128xf32>
    %mul3A_27 = arith.constant 0.00999999977 : f32
    %mul3A_28 = vector.broadcast %mul3A_27 : f32 to vector<1600x128xf32>
    %mul3A_29 = arith.mulf %mul3A_28, %add3A_23 : vector<1600x128xf32>
    %select_n3A_30 = arith.select %ge3A_26, %add3A_23, %mul3A_29 : vector<1600x128xi1>, vector<1600x128xf32>
    %get3A_31 = arith.constant 0 : index
    %get3A_32 = arith.constant 0 : index
    %get3A_33 = vector.load %arg6[%get3A_31, %get3A_32] : memref<1x128xf32, #tpu.memory_space<vmem>>, vector<1x128xf32>
    %mul3A_34 = vector.broadcast %get3A_33 : vector<1x128xf32> to vector<1600x128xf32>
    %mul3A_35 = arith.mulf %select_n3A_30, %mul3A_34 : vector<1600x128xf32>
    %reduce_sum3A = arith.constant dense<0.000000e+00> : vector<1600xf32>
    %reduce_sum3A_36 = vector.multi_reduction <add>, %mul3A_35, %reduce_sum3A [1] : vector<1600x128xf32> to vector<1600xf32>
    %broadcast_in_dim3A = vector.shape_cast %reduce_sum3A_36 : vector<1600xf32> to vector<1600x1xf32>
    %get3A_37 = arith.constant 0 : index
    %get3A_38 = arith.constant 0 : index
    %get3A_39 = vector.load %arg7[%get3A_37, %get3A_38] : memref<1x128xf32, #tpu.memory_space<vmem>>, vector<1x1xf32>
    %add3A_40 = vector.broadcast %get3A_39 : vector<1x1xf32> to vector<1600x1xf32>
    %add3A_41 = arith.addf %broadcast_in_dim3A, %add3A_40 : vector<1600x1xf32>
    %swap3A = arith.constant 0 : index
    %swap3A_42 = arith.constant 0 : index
    %swap3A_43 = vector.load %arg8[%swap3A, %swap3A_42] : memref<1600x1xf32, #tpu.memory_space<vmem>>, vector<1600x1xf32>
    tpu.vector_store %arg8[%swap3A, %swap3A_42], %add3A_41 {strides = array<i32>} : memref<1600x1xf32, #tpu.memory_space<vmem>>, vector<1600x1xf32>,
    return
  }
  func.func @transform_0(%arg0: i32) -> (i32, i32) {
    %c0_i32 = arith.constant 0 : i32
    %c0_i32_0 = arith.constant 0 : i32
    return %arg0, %c0_i32 : i32, i32
  }
  func.func @transform_1(%arg0: i32) -> (i32, i32) {
    %c0_i32 = arith.constant 0 : i32
    %c0_i32_0 = arith.constant 0 : i32
    %c0_i32_1 = arith.constant 0 : i32
    return %c0_i32, %c0_i32_0 : i32, i32
  }
  func.func @transform_2(%arg0: i32) -> (i32, i32) {
    %c0_i32 = arith.constant 0 : i32
    %c0_i32_0 = arith.constant 0 : i32
    %c0_i32_1 = arith.constant 0 : i32
    return %c0_i32, %c0_i32_0 : i32, i32
  }
  func.func @transform_3(%arg0: i32) -> (i32, i32) {
    %c0_i32 = arith.constant 0 : i32
    %c0_i32_0 = arith.constant 0 : i32
    %c0_i32_1 = arith.constant 0 : i32
    return %c0_i32, %c0_i32_0 : i32, i32
  }
  func.func @transform_4(%arg0: i32) -> (i32, i32) {
    %c0_i32 = arith.constant 0 : i32
    %c0_i32_0 = arith.constant 0 : i32
    %c0_i32_1 = arith.constant 0 : i32
    return %c0_i32, %c0_i32_0 : i32, i32
  }
  func.func @transform_5(%arg0: i32) -> (i32, i32) {
    %c0_i32 = arith.constant 0 : i32
    %c0_i32_0 = arith.constant 0 : i32
    %c0_i32_1 = arith.constant 0 : i32
    return %c0_i32, %c0_i32_0 : i32, i32
  }
  func.func @transform_6(%arg0: i32) -> (i32, i32) {
    %c0_i32 = arith.constant 0 : i32
    %c0_i32_0 = arith.constant 0 : i32
    %c0_i32_1 = arith.constant 0 : i32
    return %c0_i32, %c0_i32_0 : i32, i32
  }
  func.func @transform_7(%arg0: i32) -> (i32, i32) {
    %c0_i32 = arith.constant 0 : i32
    %c0_i32_0 = arith.constant 0 : i32
    return %arg0, %c0_i32 : i32, i32
  }
}

module attributes {stable_mosaic.version = 14 : i64} {
  func.func @_dec_body(%arg0: i32, %arg1: memref<1000x128xf32, #tpu.memory_space<vmem>>, %arg2: memref<128x128xf32, #tpu.memory_space<vmem>>, %arg3: memref<1x128xf32, #tpu.memory_space<vmem>>, %arg4: memref<128x128xf32, #tpu.memory_space<vmem>>, %arg5: memref<1x128xf32, #tpu.memory_space<vmem>>, %arg6: memref<1x128xf32, #tpu.memory_space<vmem>>, %arg7: memref<1x128xf32, #tpu.memory_space<vmem>>, %arg8: memref<1000x1xf32, #tpu.memory_space<vmem>>) attributes {dimension_semantics = [#tpu.dimension_semantics<arbitrary>], iteration_bounds = array<i64: 10>, scalar_prefetch = 0 : i64, scratch_operands = 0 : i64, tpu.core_type = #tpu.core_type<tc>, window_params = [{transform_indices = @transform_0, window_bounds = array<i64: 1000, 128>}, {pipeline_mode = #tpu.pipeline_mode<synchronous>, transform_indices = @transform_1, window_bounds = array<i64: 128, 128>}, {pipeline_mode = #tpu.pipeline_mode<synchronous>, transform_indices = @transform_2, window_bounds = array<i64: 1, 128>}, {pipeline_mode = #tpu.pipeline_mode<synchronous>, transform_indices = @transform_3, window_bounds = array<i64: 128, 128>}, {pipeline_mode = #tpu.pipeline_mode<synchronous>, transform_indices = @transform_4, window_bounds = array<i64: 1, 128>}, {pipeline_mode = #tpu.pipeline_mode<synchronous>, transform_indices = @transform_5, window_bounds = array<i64: 1, 128>}, {pipeline_mode = #tpu.pipeline_mode<synchronous>, transform_indices = @transform_6, window_bounds = array<i64: 1, 128>}, {transform_indices = @transform_7, window_bounds = array<i64: 1000, 1>}]} {
    %get3A = arith.constant 0 : index
    %get3A_0 = arith.constant 0 : index
    %get3A_1 = vector.load %arg1[%get3A, %get3A_0] : memref<1000x128xf32, #tpu.memory_space<vmem>>, vector<1000x128xf32>
    %get3A_2 = arith.constant 0 : index
    %get3A_3 = arith.constant 0 : index
    %get3A_4 = vector.load %arg2[%get3A_2, %get3A_3] : memref<128x128xf32, #tpu.memory_space<vmem>>, vector<128x128xf32>
    %dot_general3A = arith.constant dense<0.000000e+00> : vector<1000x128xf32>
    %dot_general3A_5 = tpu.matmul %get3A_1, %get3A_4, %dot_general3A {dimension_numbers = #tpu.dot_dimension_numbers<[1], [0], [0], [1], [0, 0, 1, 1], [], []>, transpose_lhs_hint = false} : vector<1000x128xf32>, vector<128x128xf32>, vector<1000x128xf32> -> vector<1000x128xf32>
    %get3A_6 = arith.constant 0 : index
    %get3A_7 = arith.constant 0 : index
    %get3A_8 = vector.load %arg3[%get3A_6, %get3A_7] : memref<1x128xf32, #tpu.memory_space<vmem>>, vector<1x128xf32>
    %add3A = vector.broadcast %get3A_8 : vector<1x128xf32> to vector<1000x128xf32>
    %add3A_9 = arith.addf %dot_general3A_5, %add3A : vector<1000x128xf32>
    %ge3A = arith.constant 0.000000e+00 : f32
    %ge3A_10 = vector.broadcast %ge3A : f32 to vector<1000x128xf32>
    %ge3A_11 = arith.cmpf oge, %add3A_9, %ge3A_10 : vector<1000x128xf32>
    %mul3A = arith.constant 0.00999999977 : f32
    %mul3A_12 = vector.broadcast %mul3A : f32 to vector<1000x128xf32>
    %mul3A_13 = arith.mulf %mul3A_12, %add3A_9 : vector<1000x128xf32>
    %select_n3A = arith.select %ge3A_11, %add3A_9, %mul3A_13 : vector<1000x128xi1>, vector<1000x128xf32>
    %get3A_14 = arith.constant 0 : index
    %get3A_15 = arith.constant 0 : index
    %get3A_16 = vector.load %arg4[%get3A_14, %get3A_15] : memref<128x128xf32, #tpu.memory_space<vmem>>, vector<128x128xf32>
    %dot_general3A_17 = arith.constant dense<0.000000e+00> : vector<1000x128xf32>
    %dot_general3A_18 = tpu.matmul %select_n3A, %get3A_16, %dot_general3A_17 {dimension_numbers = #tpu.dot_dimension_numbers<[1], [0], [0], [1], [0, 0, 1, 1], [], []>, transpose_lhs_hint = false} : vector<1000x128xf32>, vector<128x128xf32>, vector<1000x128xf32> -> vector<1000x128xf32>
    %get3A_19 = arith.constant 0 : index
    %get3A_20 = arith.constant 0 : index
    %get3A_21 = vector.load %arg5[%get3A_19, %get3A_20] : memref<1x128xf32, #tpu.memory_space<vmem>>, vector<1x128xf32>
    %add3A_22 = vector.broadcast %get3A_21 : vector<1x128xf32> to vector<1000x128xf32>
    %add3A_23 = arith.addf %dot_general3A_18, %add3A_22 : vector<1000x128xf32>
    %ge3A_24 = arith.constant 0.000000e+00 : f32
    %ge3A_25 = vector.broadcast %ge3A_24 : f32 to vector<1000x128xf32>
    %ge3A_26 = arith.cmpf oge, %add3A_23, %ge3A_25 : vector<1000x128xf32>
    %mul3A_27 = arith.constant 0.00999999977 : f32
    %mul3A_28 = vector.broadcast %mul3A_27 : f32 to vector<1000x128xf32>
    %mul3A_29 = arith.mulf %mul3A_28, %add3A_23 : vector<1000x128xf32>
    %select_n3A_30 = arith.select %ge3A_26, %add3A_23, %mul3A_29 : vector<1000x128xi1>, vector<1000x128xf32>
    %get3A_31 = arith.constant 0 : index
    %get3A_32 = arith.constant 0 : index
    %get3A_33 = vector.load %arg6[%get3A_31, %get3A_32] : memref<1x128xf32, #tpu.memory_space<vmem>>, vector<1x128xf32>
    %mul3A_34 = vector.broadcast %get3A_33 : vector<1x128xf32> to vector<1000x128xf32>
    %mul3A_35 = arith.mulf %select_n3A_30, %mul3A_34 : vector<1000x128xf32>
    %reduce_sum3A = arith.constant dense<0.000000e+00> : vector<1000xf32>
    %reduce_sum3A_36 = vector.multi_reduction <add>, %mul3A_35, %reduce_sum3A [1] : vector<1000x128xf32> to vector<1000xf32>
    %broadcast_in_dim3A = vector.shape_cast %reduce_sum3A_36 : vector<1000xf32> to vector<1000x1xf32>
    %get3A_37 = arith.constant 0 : index
    %get3A_38 = arith.constant 0 : index
    %get3A_39 = vector.load %arg7[%get3A_37, %get3A_38] : memref<1x128xf32, #tpu.memory_space<vmem>>, vector<1x1xf32>
    %add3A_40 = vector.broadcast %get3A_39 : vector<1x1xf32> to vector<1000x1xf32>
    %add3A_41 = arith.addf %broadcast_in_dim3A, %add3A_40 : vector<1000x1xf32>
    %swap3A = arith.constant 0 : index
    %swap3A_42 = arith.constant 0 : index
    %swap3A_43 = vector.load %arg8[%swap3A, %swap3A_42] : memref<1000x1xf32, #tpu.memory_space<vmem>>, vector<1000x1xf32>
    tpu.vector_store %arg8[%swap3A, %swap3A_42], %add3A_41 {strides = array<i32>} : memref<1000x1xf32, #tpu.memory_space<vmem>>, vector<1000x1xf32>,
    return
  }
  func.func @transform_0(%arg0: i32) -> (i32, i32) {
    %c0_i32 = arith.constant 0 : i32
    %c0_i32_0 = arith.constant 0 : i32
    return %arg0, %c0_i32 : i32, i32
  }
  func.func @transform_1(%arg0: i32) -> (i32, i32) {
    %c0_i32 = arith.constant 0 : i32
    %c0_i32_0 = arith.constant 0 : i32
    %c0_i32_1 = arith.constant 0 : i32
    return %c0_i32, %c0_i32_0 : i32, i32
  }
  func.func @transform_2(%arg0: i32) -> (i32, i32) {
    %c0_i32 = arith.constant 0 : i32
    %c0_i32_0 = arith.constant 0 : i32
    %c0_i32_1 = arith.constant 0 : i32
    return %c0_i32, %c0_i32_0 : i32, i32
  }
  func.func @transform_3(%arg0: i32) -> (i32, i32) {
    %c0_i32 = arith.constant 0 : i32
    %c0_i32_0 = arith.constant 0 : i32
    %c0_i32_1 = arith.constant 0 : i32
    return %c0_i32, %c0_i32_0 : i32, i32
  }
  func.func @transform_4(%arg0: i32) -> (i32, i32) {
    %c0_i32 = arith.constant 0 : i32
    %c0_i32_0 = arith.constant 0 : i32
    %c0_i32_1 = arith.constant 0 : i32
    return %c0_i32, %c0_i32_0 : i32, i32
  }
  func.func @transform_5(%arg0: i32) -> (i32, i32) {
    %c0_i32 = arith.constant 0 : i32
    %c0_i32_0 = arith.constant 0 : i32
    %c0_i32_1 = arith.constant 0 : i32
    return %c0_i32, %c0_i32_0 : i32, i32
  }
  func.func @transform_6(%arg0: i32) -> (i32, i32) {
    %c0_i32 = arith.constant 0 : i32
    %c0_i32_0 = arith.constant 0 : i32
    %c0_i32_1 = arith.constant 0 : i32
    return %c0_i32, %c0_i32_0 : i32, i32
  }
  func.func @transform_7(%arg0: i32) -> (i32, i32) {
    %c0_i32 = arith.constant 0 : i32
    %c0_i32_0 = arith.constant 0 : i32
    return %arg0, %c0_i32 : i32, i32
  }
}

module attributes {stable_mosaic.version = 14 : i64} {
  func.func @_dec_g_body(%arg0: i32, %arg1: memref<1x128xf32, #tpu.memory_space<vmem>>, %arg2: memref<1x128xf32, #tpu.memory_space<vmem>>, %arg3: memref<1x128xf32, #tpu.memory_space<vmem>>) attributes {dimension_semantics = [#tpu.dimension_semantics<arbitrary>], iteration_bounds = array<i64: 1>, scalar_prefetch = 0 : i64, scratch_operands = 0 : i64, tpu.core_type = #tpu.core_type<tc>, window_params = [{pipeline_mode = #tpu.pipeline_mode<synchronous>, transform_indices = @transform_0, window_bounds = array<i64: 1, 128>}, {pipeline_mode = #tpu.pipeline_mode<synchronous>, transform_indices = @transform_1, window_bounds = array<i64: 1, 128>}, {pipeline_mode = #tpu.pipeline_mode<synchronous>, transform_indices = @transform_2, window_bounds = array<i64: 1, 128>}]} {
    %get3A = arith.constant 0 : index
    %get3A_0 = arith.constant 0 : index
    %get3A_1 = vector.load %arg1[%get3A, %get3A_0] : memref<1x128xf32, #tpu.memory_space<vmem>>, vector<1x128xf32>
    %get3A_2 = arith.constant 0 : index
    %get3A_3 = arith.constant 0 : index
    %get3A_4 = vector.load %arg2[%get3A_2, %get3A_3] : memref<1x128xf32, #tpu.memory_space<vmem>>, vector<1x1xf32>
    %mul3A = vector.broadcast %get3A_4 : vector<1x1xf32> to vector<1x128xf32>
    %mul3A_5 = arith.mulf %get3A_1, %mul3A : vector<1x128xf32>
    %get3A_6 = arith.constant 0 : index
    %get3A_7 = arith.constant 1 : index
    %get3A_8 = vector.load %arg2[%get3A_6, %get3A_7] : memref<1x128xf32, #tpu.memory_space<vmem>>, vector<1x1xf32>
    %add3A = vector.broadcast %get3A_8 : vector<1x1xf32> to vector<1x128xf32>
    %add3A_9 = arith.addf %mul3A_5, %add3A : vector<1x128xf32>
    %ge3A = arith.constant 0.000000e+00 : f32
    %ge3A_10 = vector.broadcast %ge3A : f32 to vector<1x128xf32>
    %ge3A_11 = arith.cmpf oge, %add3A_9, %ge3A_10 : vector<1x128xf32>
    %mul3A_12 = arith.constant 0.00999999977 : f32
    %mul3A_13 = vector.broadcast %mul3A_12 : f32 to vector<1x128xf32>
    %mul3A_14 = arith.mulf %mul3A_13, %add3A_9 : vector<1x128xf32>
    %select_n3A = arith.select %ge3A_11, %add3A_9, %mul3A_14 : vector<1x128xi1>, vector<1x128xf32>
    %get3A_15 = arith.constant 0 : index
    %get3A_16 = arith.constant 2 : index
    %get3A_17 = vector.load %arg2[%get3A_15, %get3A_16] : memref<1x128xf32, #tpu.memory_space<vmem>>, vector<1x1xf32>
    %mul3A_18 = vector.broadcast %get3A_17 : vector<1x1xf32> to vector<1x128xf32>
    %mul3A_19 = arith.mulf %select_n3A, %mul3A_18 : vector<1x128xf32>
    %get3A_20 = arith.constant 0 : index
    %get3A_21 = arith.constant 3 : index
    %get3A_22 = vector.load %arg2[%get3A_20, %get3A_21] : memref<1x128xf32, #tpu.memory_space<vmem>>, vector<1x1xf32>
    %add3A_23 = vector.broadcast %get3A_22 : vector<1x1xf32> to vector<1x128xf32>
    %add3A_24 = arith.addf %mul3A_19, %add3A_23 : vector<1x128xf32>
    %swap3A = arith.constant 0 : index
    %swap3A_25 = arith.constant 0 : index
    %swap3A_26 = vector.load %arg3[%swap3A, %swap3A_25] : memref<1x128xf32, #tpu.memory_space<vmem>>, vector<1x128xf32>
    tpu.vector_store %arg3[%swap3A, %swap3A_25], %add3A_24 {strides = array<i32>} : memref<1x128xf32, #tpu.memory_space<vmem>>, vector<1x128xf32>,
    return
  }
  func.func @transform_0(%arg0: i32) -> (i32, i32) {
    %c0_i32 = arith.constant 0 : i32
    %c0_i32_0 = arith.constant 0 : i32
    %c0_i32_1 = arith.constant 0 : i32
    return %c0_i32, %c0_i32_0 : i32, i32
  }
  func.func @transform_1(%arg0: i32) -> (i32, i32) {
    %c0_i32 = arith.constant 0 : i32
    %c0_i32_0 = arith.constant 0 : i32
    %c0_i32_1 = arith.constant 0 : i32
    return %c0_i32, %c0_i32_0 : i32, i32
  }
  func.func @transform_2(%arg0: i32) -> (i32, i32) {
    %c0_i32 = arith.constant 0 : i32
    %c0_i32_0 = arith.constant 0 : i32
    %c0_i32_1 = arith.constant 0 : i32
    return %c0_i32, %c0_i32_0 : i32, i32
  }
}

</mosaic_0001>

<sc_bundles>
// kernel: body.22.cloned.1.call-start
scs
__scs_entry_jumppad:
0x0: {  	(pc) =	sbr.rel $0x88, $3  }
0x1: {  	(tag) =	ssettag $0x0;
	lr =	simm.s32 $0x1  }
0x2: {  	[smem:$0x3F7A] =	sst lr;
	_ =	strace $0xD0000000  }
0x3: {  	_ = 	snop  }
0x4: {  	_ = 	snop  }
0x5: {  	_ = 	snop  }
0x6: {  	_ = 	snop  }
0x7: {  	_ = 	snop  }
__scs_overlays_trampoline_lowered:
0x8: {  	[smem:$0x3F89] =	sst s0  }
0x9: {  	[smem:$0x3F8A] =	sst s1  }
0xa: {  	[smem:$0x3F8B] =	sst s2  }
0xb: {  	[smem:$0x3F8C] =	sst s3  }
0xc: {  	[smem:$0x3F8D] =	sst s4  }
0xd: {  	[smem:$0x3F8E] =	sst s5  }
0xe: {  	[smem:$0x3F8F] =	sst s6  }
0xf: {  	[smem:$0x3F90] =	sst s7  }
0x10: {  	[smem:$0x3F91] =	sst s8  }
0x11: {  	[smem:$0x3F92] =	sst s9;
	s0 =	simm.s32 @!p0 $0x0  }
0x12: {  	s1 =	sld [smem:$0x3F78];
	s0 =	simm.s32 @p0 $0x1  }
0x13: {  	[smem:$0x3F93] =	sst s0;
	s0 =	simm.s32 @!p1 $0x0  }
0x14: {  	s2 =	sld [smem:$0x3F77];
	s0 =	simm.s32 @p1 $0x1  }
0x15: {  	[smem:$0x3F94] =	sst s0;
	s0 =	simm.s32 @!p2 $0x0  }
0x16: {  	s3 =	sld [smem:$0x3FDB];
	s0 =	simm.s32 @p2 $0x1  }
0x17: {  	s4 =	simm.s32 $0x1BF5;
	[smem:$0x3F96] =	sst s0  }
0x18: {  	s0 =	sld [smem:$0x3F79];
	_ =	swait.ge [sflag:s4], $0x0  }
0x19: {  	s7 =	sld [smem:$0x3F7A]  }
0x1a: {  	s8 =	sadd.s32 $0xFFFFE003, lr  }
0x1b: {  	s9 =	sadd.s32 $0xFFFFFEF7, lr;
	s5 =	simm.s32 $0xFFFFFFFF;
	p2 =	slt.u32 s8, $0xFFFFF086  }
0x1c: {  	p1 =	slt.u32 s9, $0xF7A;
	s5 =	simm.s32 @!p2 $0x0  }
0x1d: {  	s5 =	simm.s32 @p1 $0x1;
	p0 =	seq.s32 s7, s2  }
0x1e: {  	s7 =	smul.u32 @!p0 $0xF7A, s2;
	p2 =	seq.s32 @!p0 s5, $0x0  }
0x1f: {  	s9 =	smul.u32 $0xF7A, s1;
	s8 =	simm.s32 @!p0 $0x1BF5;
	p2 =	por !p2, p0  }
0x20: {  	[sflag:s8] =	ssyncset.s32 @!p0 $0xFFFFF086;
	s6 =	sadd.s32 @!p0 s3, s7;
	s7 =	simm.s32 @!p0 $0x108  }
0x21: {  	s3 =	sadd.s32 s3, s9;
	s6 =	sadd.s32 @!p0 $0x88, s6;
	s7 =	simm.s32 @p2 $0x1082  }
0x22: {  	[simem:s7], [sflag:s8] =	dma.local @!p0 [hbm:s6], $0xF7A  }
0x23: {  	s9 =	sor.u32 $0xD0000000, s2;
	s6 =	simm.s32 $0x108;
	_ =	swait.ge @!p0 [sflag:s8], $0x0  }
0x24: {  	s3 =	sadd.s32 $0x88, s3;
	s6 =	simm.s32 @!p1 $0x1082;
	[sflag:s4] =	ssyncset.s32 $0xFFFFF086  }
0x25: {  	[simem:s6], [sflag:s4] =	dma.local [hbm:s3], $0xF7A  }
0x26: {  	[smem:$0x3F7A] =	sst s1;
	(tag) =	ssettag s2;
	_ =	strace s9  }
0x27: {  	s1 =	sld [smem:$0x3F8A]  }
0x28: {  	s2 =	sld [smem:$0x3F8B]  }
0x29: {  	s4 =	sld [smem:$0x3F8D]  }
0x2a: {  	p0 =	seq.s32 s5, $0x0;
	s5 =	sld [smem:$0x3F8E]  }
0x2b: {  	s6 =	sld [smem:$0x3F8F]  }
0x2c: {  	s7 =	sld [smem:$0x3F90]  }
0x2d: {  	s3 =	simm.s32 $0x108;
	s8 =	sld [smem:$0x3F91]  }
0x2e: {  	s3 =	simm.s32 @!p0 $0x1082;
	s9 =	sld [smem:$0x3F92]  }
0x2f: {  	lr =	sadd.s32 s0, s3;
	s0 =	sld [smem:$0x3F89]  }
0x30: {  	s3 =	sld [smem:$0x3F8C]  }
0x31: {  	[smem:$0x3F95] =	sst s10  }
0x32: {  	s10 =	sld [smem:$0x3F93];
	_ =	sdelay $0x3  }
0x33: {  	p0 =	seq.s32 s10, $0x1;
	s10 =	sld [smem:$0x3F95];
	_ =	sdelay $0x3  }
0x34: {  	[smem:$0x3F95] =	sst s10  }
0x35: {  	s10 =	sld [smem:$0x3F94];
	_ =	sdelay $0x3  }
0x36: {  	p1 =	seq.s32 s10, $0x1;
	s10 =	sld [smem:$0x3F95];
	_ =	sdelay $0x3  }
0x37: {  	[smem:$0x3F95] =	sst s10  }
0x38: {  	s10 =	sld [smem:$0x3F96]  }
0x39: {  	_ = 	snop;
	(pc) =	sbr.ind lr, $3  }
0x3a: {  	_ = 	snop  }
0x3b: {  	_ = 	snop  }
0x3c: {  	p2 =	seq.s32 s10, $0x1;
	s10 =	sld [smem:$0x3F95]  }
0x3d: {  	_ =	shalt  }
0x3e: {  	_ =	shalt  }
0x3f: {  	_ =	shalt  }
0x40: {  	_ =	shalt  }
0x41: {  	_ =	shalt  }
0x42: {  	_ =	shalt  }
0x43: {  	_ =	shalt  }
0x44: {  	_ =	shalt  }
0x45: {  	_ =	shalt  }
0x46: {  	_ =	shalt  }
0x47: {  	_ =	shalt  }
0x48: {  	_ =	shalt  }
0x49: {  	_ =	shalt  }
0x4a: {  	_ =	shalt  }
0x4b: {  	_ =	shalt  }
0x4c: {  	_ =	shalt  }
0x4d: {  	_ =	shalt  }
0x4e: {  	_ =	shalt  }
0x4f: {  	_ =	shalt  }
0x50: {  	_ =	shalt  }
0x51: {  	_ =	shalt  }
0x52: {  	_ =	shalt  }
0x53: {  	_ =	shalt  }
0x54: {  	_ =	shalt  }
0x55: {  	_ =	shalt  }
0x56: {  	_ =	shalt  }
0x57: {  	_ =	shalt  }
0x58: {  	_ =	shalt  }
0x59: {  	_ =	shalt  }
0x5a: {  	_ =	shalt  }
0x5b: {  	_ =	shalt  }
0x5c: {  	_ =	shalt  }
0x5d: {  	_ =	shalt  }
0x5e: {  	_ =	shalt  }
0x5f: {  	_ =	shalt  }
0x60: {  	_ =	shalt  }
0x61: {  	_ =	shalt  }
0x62: {  	_ =	shalt  }
0x63: {  	_ =	shalt  }
0x64: {  	_ =	shalt  }
0x65: {  	_ =	shalt  }
0x66: {  	_ =	shalt  }
0x67: {  	_ =	shalt  }
0x68: {  	_ =	shalt  }
0x69: {  	_ =	shalt  }
0x6a: {  	_ =	shalt  }
0x6b: {  	_ =	shalt  }
0x6c: {  	_ =	shalt  }
0x6d: {  	_ =	shalt  }
0x6e: {  	_ =	shalt  }
0x6f: {  	_ =	shalt  }
0x70: {  	_ =	shalt  }
0x71: {  	_ =	shalt  }
0x72: {  	_ =	shalt  }
0x73: {  	_ =	shalt  }
0x74: {  	_ =	shalt  }
0x75: {  	_ =	shalt  }
0x76: {  	_ =	shalt  }
0x77: {  	_ =	shalt  }
0x78: {  	_ =	shalt  }
0x79: {  	_ =	shalt  }
0x7a: {  	_ =	shalt  }
0x7b: {  	_ =	shalt  }
0x7c: {  	_ =	shalt  }
0x7d: {  	_ =	shalt  }
0x7e: {  	_ =	shalt  }
0x7f: {  	_ =	shalt  }
0x80: {  	_ =	shalt  }
0x81: {  	_ =	shalt  }
0x82: {  	_ =	shalt  }
0x83: {  	_ =	shalt  }
0x84: {  	_ =	shalt  }
0x85: {  	_ =	shalt  }
0x86: {  	_ =	shalt  }
0x87: {  	_ =	shalt  }
.Lfunc_end0:
.L_simem_size_0:
called_computation.4_lowered:
.L_overlay_start_0:
0x88: {  	s2 =	sld [smem:$0x3FD9]  }
0x89: {  	s3 =	sld [smem:$0x3FFE];
	_ =	sdelay $0x1  }
0x8a: {  	s1 =	srdreg.scid  }
0x8b: {  	s0 =	sand.u32 $0x1, s1  }
0x8c: {  	s16 =	sshll.u32 s0, $0xA;
	s2 =	sadd.s32 s3, s2  }
0x8d: {  	s2 =	sadd.s32 s2, s16  }
0x8e: {  	[smem:$0x3FA1] =	sst s2  }
0x8f: {  	_ = 	snop  }
0x90: {  	(tm) =	ssettm $0x1  }
0x91: {  	s17 =	sld [smem:$0x3FFB];
	_ =	sdelay $0x3  }
0x92: {  	_ =	strace s17  }
0x93: {  	s2 =	sld [smem:$0x3FFC];
	_ =	sdelay $0x3  }
0x94: {  	_ =	strace s2  }
0x95: {  	s2 =	sld [smem:$0x3FFD];
	_ =	sdelay $0x3  }
0x96: {  	_ =	strace s2  }
0x97: {  	_ =	strace $0x8FFFFFFF  }
0x98: {  	s18 =	sld [smem:$0x3FDB];
	_ =	sdelay $0x1  }
0x99: {  	s19 =	simm.s32 $_scs_section_size  }
0x9a: {  	s4 =	simm.s32 $_size__tile_overlayer_lowered;
	s5 =	simm.s32 $_tile_overlayer_lowered  }
0x9b: {  	s22 =	simm.s32 $0x1BFF;
	s21 =	sshll.u32 s5, $0x1;
	s2 =	sadd.s32 s19, s18  }
0x9c: {  	s6 =	simm.s32 $0x0;
	s20 =	sshll.u32 s4, $0x1;
	s4 =	sadd.s32 s21, s2  }
0x9d: {  	[timem:s6], [sflag:s22] =	dma.local [hbm:s4], s20  }
0x9e: {  	_ =	swait.ge [sflag:s22], s20  }
0x9f: {  	s3 =	ssub.s32 $0x0, s20;
	[sflag:s22] =	ssyncset.done $0x0  }
0xa0: {  	[sflag:s22] =	ssyncadd.s32 s3;
	_ =	sdelay $0x1  }
0xa1: {  	s23 =	simm.s32 $0x1B8B  }
0xa2: {  	_ =	swait.ge [sflag:s23], $0x1  }
0xa3: {  	[sflag:s23] =	ssyncset.done $0x0  }
0xa4: {  	s25 =	simm.s32 $0x1B8E;
	s24 =	sld [smem:$0x3FFE];
	[sflag:s23] =	ssyncadd.s32 $0xFFFFFFFF  }
0xa5: {  	s26 =	simm.s32 $execute0_lowered;
	[smem:$0x3FD2] =	sst s25  }
0xa6: {  	s4 =	sshll.u32 s26, $0x1;
	_ =	strace $0x80000049;
	[dreg:$0x1] =	wrdreg $0xFFFFFFFF  }
0xa7: {  	s28 =	simm.s32 $_size_execute0_lowered;
	s2 =	sadd.s32 s2, s4;
	[dreg:$0x0] =	wrdreg $0x0  }
0xa8: {  	s4 =	sshll.u32 s28, $0x1;
	[dreg:$0x2] =	wrdreg s2  }
0xa9: {  	[dreg:$0x3] =	wrdreg s4  }
0xaa: {  	[dreg:$0x4] =	wrdreg $0xC0  }
0xab: {  	_ =	task [dreg:s6], $0x5FFFF  }
0xac: {  	[dreg:$0x1] =	wrdreg $0xFFFFFFFF  }
0xad: {  	[dreg:$0x0] =	wrdreg $0x60  }
0xae: {  	[dreg:$0x2] =	wrdreg s24  }
0xaf: {  	[dreg:$0x3] =	wrdreg $0x9  }
0xb0: {  	_ =	task.clear_ibuf [dreg:s6], $0x4FFFF;
	_ =	strace $0x90000049  }
0xb1: {  	s29 =	simm.s32 $0x9;
	_ =	strace $0x8000004B  }
0xb2: {  	_ =	swait.ge [sflag:s29], $0x1  }
0xb3: {  	[sflag:s29] =	ssyncadd.s32 $0xFFFFFFFF  }
0xb4: {  	_ =	strace $0x9000004B  }
0xb5: {  	_ =	sfence  }
0xb6: {  	s30 =	sld [smem:$0x0];
	_ =	sdelay $0x2  }
0xb7: {  	s31 =	sshll.u32 s1, $0xD;
	s1 =	sshrl.u32 s1, $0x2  }
0xb8: {  	s3 =	sand.u32 $0x4000, s31;
	s1 =	sadd.s32 s1, s30  }
0xb9: {  	s0 =	sor.u32 s3, s0;
	s1 =	sshll.u32 s1, $0x11  }
0xba: {  	s0 =	sor.u32 s1, s0  }
0xbb: {  	s0 =	sadd.s32 $0x8F2B, s0  }
0xbc: {  	[sflag:s0] =	ssyncadd.remote.s32 $0x1  }
0xbd: {  	_ =	sfence.sel $0xFFFF  }
0xbe: {  	[dreg:$0x0] =	wrdreg $0xFFFFFFFF;
	(pc) =	sbr.abs _section_cstart, $3  }
0xbf: {  	[dreg:$0x1] =	wrdreg $0xFFFFFFFF  }
0xc0: {  	_ =	task.clear_ibuf [dreg:s6], $0x2FFFF;
	_ =	strace $0x9FFFFFFF  }
0xc1: {  	(tm) =	ssettm $0x7FFFFFFF  }
tec
execute0_lowered:
.L_overlay_start_1:
0x0: {  	(tag) =	ssettag $0x1  }
0x1: {  	s0 =	rddreg [dreg:$0x0]  }
0x2: {  	s1 =	srdreg.scid;
	s6 =	stileid.u32;
	s2 =	simm.s32 $0x0  }
0x3: {  	s9 =	simm.s32 $0x10;
	s11 =	simm.s32 $0x50;
	s12 =	simm.s32 $0x4F00  }
0x4: {  	s13 =	simm.s32 $0x7700;
	s15 =	simm.s32 $0x9F00;
	s17 =	simm.s32 $0xC700  }
0x5: {  	s19 =	simm.s32 $0xEF00;
	s20 =	simm.s32 $0x1;
	s21 =	simm.s32 $0x2  }
0x6: {  	s22 =	simm.s32 $0x3;
	s28 =	simm.s32 $0x8;
	s29 =	simm.s32 $0x9  }
0x7: {  	s30 =	simm.s32 $0xA;
	s31 =	simm.s32 $0xB;
	s10 =	simm.s32 $0xE  }
0x8: {  	s14 =	simm.s32 $0xF;
	s1 =	sand.u32 $0x1, s1;
	s3 =	sshll.u32 s6, $0x1  }
0x9: {  	s16 =	simm.s32 $0x0;
	s6 =	smul.u32 $0x4E200, s6;
	s3 =	sor.u32 s1, s3  }
0xa: {  	[smem:$0x7FF] =	sst s2;
	s4 =	sadd.s32 $0x11DA00, s0;
	s5 =	smul.u32 $0x2710, s3  }
0xb: {  	_ =	strace $0x8000004A;
	s7 =	ssub.s32 $0x2, s1;
	s1 =	smul.u32 $0x27100, s1  }
0xc: {  	s3 =	sadd.s32 $0xF6800, s0;
	s23 =	sshrl.u32 s7, $0x1;
	s5 =	sshrl.u32 s5, $0x3  }
0xd: {  	s5 =	sadd.s32 s5, s0;
	s0 =	sadd.s32 s6, s0;
	s6 =	ssub.s32 s7, s23  }
.Ltmp0:
0xe: {  	s23 =	simm.s32 $0x4;
	s24 =	sadd.s32 $0x4F8000, s5;
	(pc) =	sbr.rel .LBB2_1-.Ltmp0, $4  }
0xf: {  	s0 =	sadd.s32 s1, s0;
	s25 =	sadd.s32 $0x4EE200, s5;
	[dreg:$0x2] =	wrdreg s24  }
0x10: {  	s26 =	smax.u32 s6, $0x1;
	s1 =	simm.s32 $0xD;
	[dreg:$0x3] =	wrdreg s25  }
0x11: {  	[dreg:$0x4] =	wrdreg s26;
	s18 =	sadd.s32 $0xEE7C00, s0;
	s24 =	simm.s32 $0x5  }
0x12: {  	s25 =	simm.s32 $0x6;
	s26 =	simm.s32 $0x7;
	s0 =	simm.s32 $0xC  }
.LBB2_4:
0x13: {  	_ =	swait.ge [sflag:s0], $0x2800  }
0x14: {  	[sflag:s0] =	ssyncset.done $0x0  }
0x15: {  	[sflag:s0] =	ssyncadd.s32 $0xFFFFD800  }
0x16: {  	_ =	swait.ge [sflag:s1], $0x2800  }
0x17: {  	[sflag:s1] =	ssyncset.done $0x0  }
0x18: {  	[sflag:s1] =	ssyncadd.s32 $0xFFFFD800  }
0x19: {  	_ =	swait.ge [sflag:s10], $0x2800  }
0x1a: {  	[sflag:s10] =	ssyncset.done $0x0  }
0x1b: {  	[sflag:s10] =	ssyncadd.s32 $0xFFFFD800  }
0x1c: {  	_ =	swait.ge [sflag:s14], $0x2800  }
0x1d: {  	s16 =	sadd.s32 $0x1, s16;
	s5 =	rddreg [dreg:$0x4]  }
0x1e: {  	p0 =	sne.s32 s16, s5  }
.Ltmp1:
0x1f: {  	_ = 	snop;
	(pc) =	sbr.rel @!p0 .LBB2_5-.Ltmp1, $3  }
0x20: {  	_ =	sdelay $0x1  }
0x21: {  	[sflag:s14] =	ssyncset.done $0x0  }
0x22: {  	[sflag:s14] =	ssyncadd.s32 $0xFFFFD800  }
.LBB2_1:
0x23: {  	s5 =	rddreg [dreg:$0x2]  }
0x24: {  	[tilespmem:s2], [sflag:$0x10] =	stream.linear.gather [hbm4b:s5+s2], $0x2710, $0x38;
	[tilespmem:$0x11700] =	vst v63  }
0x25: {  	_ =	swait.ge [sflag:s9], $0x2710  }
0x26: {  	[sflag:s9] =	ssyncset.done $0x0  }
0x27: {  	s6 =	simm.s32 $0x2780;
	s8 =	rddreg [dreg:$0x3];
	[sflag:s9] =	ssyncadd.s32 $0xFFFFD8F0  }
0x28: {  	[tilespmem:s6], [sflag:$0x10] =	stream.linear.gather [hbm4b:s8+s2], $0x2710, $0x38;
	[tilespmem:$0x11700] =	vst v63  }
0x29: {  	_ =	swait.ge [sflag:s9], $0x2710  }
0x2a: {  	[sflag:s9] =	ssyncset.done $0x0  }
0x2b: {  	[sflag:s9] =	ssyncadd.s32 $0xFFFFD8F0  }
0x2c: {  	[tilespmem:s12], [sflag:$0x1] =	stream.indirect.gather [hbm4b:s3+s11], $0x80, s2, s11, $0xb8;
	[tilespmem:$0x11700] =	vst v63  }
0x2d: {  	_ = 	snop  }
0x2e: {  	[tilespmem:s13], [sflag:$0x2] =	stream.indirect.gather [hbm4b:s3+s11], $0x80, s11, s11, $0xb8;
	[tilespmem:$0x11700] =	vst v63  }
0x2f: {  	s6 =	simm.s32 $0xA0  }
0x30: {  	[tilespmem:s15], [sflag:$0x3] =	stream.indirect.gather [hbm4b:s3+s11], $0x80, s6, s11, $0xb8;
	[tilespmem:$0x11700] =	vst v63  }
0x31: {  	s7 =	simm.s32 $0xF0  }
0x32: {  	[tilespmem:s17], [sflag:$0x4] =	stream.indirect.gather [hbm4b:s3+s11], $0x80, s7, s11, $0xb8;
	[tilespmem:$0x11700] =	vst v63  }
0x33: {  	s8 =	simm.s32 $0x140  }
0x34: {  	[tilespmem:s19], [sflag:$0x5] =	stream.indirect.gather [hbm4b:s3+s11], $0x80, s8, s11, $0xb8;
	[tilespmem:$0x11700] =	vst v63  }
0x35: {  	s5 =	simm.s32 $0x0;
	s8 =	smov.u32 s18  }
.LBB2_2:
0x36: {  	_ =	swait.ge [sflag:s20], $0x2800  }
0x37: {  	s6 =	sshra.s32 s5, $0x2;
	[sflag:s20] =	ssyncset.done $0x0  }
0x38: {  	s7 =	sadd.s32 $0x2780, s6;
	[sflag:s20] =	ssyncadd.s32 $0xFFFFD800  }
0x39: {  	[tilespmem:s12], [sflag:$0x6] =	stream.indirect.gather.add.f32 [hbm:s4], $0x80, s7, s11, $0xb8;
	[tilespmem:$0x11700] =	vst v63  }
0x3a: {  	_ =	swait.ge [sflag:s21], $0x2800  }
0x3b: {  	[sflag:s21] =	ssyncset.done $0x0  }
0x3c: {  	s7 =	sadd.s32 $0x27D0, s6;
	[sflag:s21] =	ssyncadd.s32 $0xFFFFD800  }
0x3d: {  	[tilespmem:s13], [sflag:$0x7] =	stream.indirect.gather.add.f32 [hbm:s4], $0x80, s7, s11, $0xb8;
	[tilespmem:$0x11700] =	vst v63  }
0x3e: {  	_ =	swait.ge [sflag:s22], $0x2800  }
0x3f: {  	[sflag:s22] =	ssyncset.done $0x0  }
0x40: {  	s7 =	sadd.s32 $0x2820, s6;
	[sflag:s22] =	ssyncadd.s32 $0xFFFFD800  }
0x41: {  	[tilespmem:s15], [sflag:$0x8] =	stream.indirect.gather.add.f32 [hbm:s4], $0x80, s7, s11, $0xb8;
	[tilespmem:$0x11700] =	vst v63  }
0x42: {  	_ =	swait.ge [sflag:s23], $0x2800  }
0x43: {  	[sflag:s23] =	ssyncset.done $0x0  }
0x44: {  	s7 =	sadd.s32 $0x2870, s6;
	[sflag:s23] =	ssyncadd.s32 $0xFFFFD800  }
0x45: {  	[tilespmem:s17], [sflag:$0x9] =	stream.indirect.gather.add.f32 [hbm:s4], $0x80, s7, s11, $0xb8;
	[tilespmem:$0x11700] =	vst v63  }
0x46: {  	_ =	swait.ge [sflag:s24], $0x2800  }
0x47: {  	[sflag:s24] =	ssyncset.done $0x0  }
0x48: {  	s7 =	sadd.s32 $0x28C0, s6;
	[sflag:s24] =	ssyncadd.s32 $0xFFFFD800  }
0x49: {  	[tilespmem:s19], [sflag:$0xA] =	stream.indirect.gather.add.f32 [hbm:s4], $0x80, s7, s11, $0xb8;
	[tilespmem:$0x11700] =	vst v63  }
0x4a: {  	_ =	swait.ge [sflag:s25], $0x2800  }
0x4b: {  	[sflag:s25] =	ssyncset.done $0x0  }
0x4c: {  	s7 =	sadd.s32 $0xFFFFEC00, s8;
	[sflag:s25] =	ssyncadd.s32 $0xFFFFD800  }
0x4d: {  	[hbm4b:s7+s2] =	stream.linear.scatter [tilespmem:s12], [sflag:$0xB], $0x2800, $0x38;
	[tilespmem:$0x11700] =	vst v63  }
0x4e: {  	_ =	swait.ge [sflag:s26], $0x2800  }
0x4f: {  	[sflag:s26] =	ssyncset.done $0x0  }
0x50: {  	s7 =	sadd.s32 $0xFFFFF100, s8;
	[sflag:s26] =	ssyncadd.s32 $0xFFFFD800  }
0x51: {  	[hbm4b:s7+s2] =	stream.linear.scatter [tilespmem:s13], [sflag:$0xC], $0x2800, $0x38;
	[tilespmem:$0x11700] =	vst v63  }
0x52: {  	_ =	swait.ge [sflag:s28], $0x2800  }
0x53: {  	[sflag:s28] =	ssyncset.done $0x0  }
0x54: {  	s7 =	sadd.s32 $0xFFFFF600, s8;
	[sflag:s28] =	ssyncadd.s32 $0xFFFFD800  }
0x55: {  	[hbm4b:s7+s2] =	stream.linear.scatter [tilespmem:s15], [sflag:$0xD], $0x2800, $0x38;
	[tilespmem:$0x11700] =	vst v63  }
0x56: {  	_ =	swait.ge [sflag:s29], $0x2800  }
0x57: {  	[sflag:s29] =	ssyncset.done $0x0  }
0x58: {  	s7 =	sadd.s32 $0xFFFFFB00, s8;
	[sflag:s29] =	ssyncadd.s32 $0xFFFFD800  }
0x59: {  	[hbm4b:s7+s2] =	stream.linear.scatter [tilespmem:s17], [sflag:$0xE], $0x2800, $0x38;
	[tilespmem:$0x11700] =	vst v63  }
0x5a: {  	_ =	swait.ge [sflag:s30], $0x2800  }
0x5b: {  	p0 =	seq.s32 s5, $0x9600;
	[sflag:s30] =	ssyncset.done $0x0  }
.Ltmp2:
0x5c: {  	[sflag:s30] =	ssyncadd.s32 $0xFFFFD800;
	(pc) =	sbr.rel @p0 .LBB2_4-.Ltmp2, $4  }
0x5d: {  	[hbm4b:s8+s2] =	stream.linear.scatter [tilespmem:s19], [sflag:$0xF], $0x2800, $0x38;
	[tilespmem:$0x11700] =	vst v63  }
0x5e: {  	_ =	swait.ge [sflag:s31], $0x2800  }
0x5f: {  	[sflag:s31] =	ssyncset.done $0x0  }
0x60: {  	[sflag:s31] =	ssyncadd.s32 $0xFFFFD800  }
0x61: {  	s7 =	sadd.s32 $0x190, s6  }
0x62: {  	[tilespmem:s12], [sflag:$0x1] =	stream.indirect.gather [hbm4b:s3+s11], $0x80, s7, s11, $0xb8;
	[tilespmem:$0x11700] =	vst v63  }
0x63: {  	_ =	swait.ge [sflag:s0], $0x2800  }
0x64: {  	[sflag:s0] =	ssyncset.done $0x0  }
0x65: {  	s7 =	sadd.s32 $0x1E0, s6;
	[sflag:s0] =	ssyncadd.s32 $0xFFFFD800  }
0x66: {  	[tilespmem:s13], [sflag:$0x2] =	stream.indirect.gather [hbm4b:s3+s11], $0x80, s7, s11, $0xb8;
	[tilespmem:$0x11700] =	vst v63  }
0x67: {  	_ =	swait.ge [sflag:s1], $0x2800  }
0x68: {  	[sflag:s1] =	ssyncset.done $0x0  }
0x69: {  	s7 =	sadd.s32 $0x230, s6;
	[sflag:s1] =	ssyncadd.s32 $0xFFFFD800  }
0x6a: {  	[tilespmem:s15], [sflag:$0x3] =	stream.indirect.gather [hbm4b:s3+s11], $0x80, s7, s11, $0xb8;
	[tilespmem:$0x11700] =	vst v63  }
0x6b: {  	_ =	swait.ge [sflag:s10], $0x2800  }
0x6c: {  	[sflag:s10] =	ssyncset.done $0x0  }
0x6d: {  	s7 =	sadd.s32 $0x280, s6;
	[sflag:s10] =	ssyncadd.s32 $0xFFFFD800  }
0x6e: {  	[tilespmem:s17], [sflag:$0x4] =	stream.indirect.gather [hbm4b:s3+s11], $0x80, s7, s11, $0xb8;
	[tilespmem:$0x11700] =	vst v63  }
.Ltmp3:
0x6f: {  	_ = 	snop;
	(pc) =	sbr.rel .LBB2_2-.Ltmp3, $4  }
0x70: {  	_ =	swait.ge [sflag:s14], $0x2800  }
0x71: {  	s5 =	sadd.s32 $0x640, s5;
	[sflag:s14] =	ssyncset.done $0x0  }
0x72: {  	s8 =	sadd.s32 $0x1900, s8;
	s7 =	sadd.s32 $0x2D0, s6;
	[sflag:s14] =	ssyncadd.s32 $0xFFFFD800  }
0x73: {  	[tilespmem:s19], [sflag:$0x5] =	stream.indirect.gather [hbm4b:s3+s11], $0x80, s7, s11, $0xb8;
	[tilespmem:$0x11700] =	vst v63  }
.LBB2_5:
0x74: {  	_ =	sfence.sel $0x180000  }
0x75: {  	[bflag:$0x0] =	sbarrier.arrive $0xFFFF  }
0x76: {  	_ =	strace $0x9000004A  }
0x77: {  	s0 =	stileid.u32;
	[bflag:$0x2] =	sbarrier.arrive $0xFFFF  }
0x78: {  	p0 =	sne.s32 s0, $0x0;
	s0 =	rddreg [dreg:$0x1]  }
0x79: {  	s0 =	sadd.s32 @!p0 $0x100000, s0  }
0x7a: {  	[sflag:s0] =	ssyncadd.tile.s32 @!p0 $0x1;
	_ =	shalt  }
.Lfunc_end2:
_tile_overlayer_lowered:
.L_overlay_start_2:
0x7b: {  	(tag) =	ssettag $0x2  }
0x7c: {  	s0 =	rddreg [dreg:$0x0];
	s2 =	stileid.u32  }
0x7d: {  	s1 =	rddreg [dreg:$0x1];
	p0 =	sne.s32 s2, $0x0  }
0x7e: {  	s3 =	rddreg [dreg:$0x2];
	[bflag:$0x3] =	sbarrier.arrive $0xFFFF;
	s2 =	simm.s32 @!p0 $0x1C10  }
0x7f: {  	[timem:s3], [sflag:s2] =	dma.local @!p0 [hbm:s0], s1  }
0x80: {  	s0 =	simm.s32 @!p0 $0x10  }
0x81: {  	_ =	swait.ge @!p0 [sflag:s0], s1  }
0x82: {  	s1 =	ssub.s32 @!p0 $0x0, s1;
	[sflag:s0] =	ssyncset.done @!p0 $0x0  }
0x83: {  	[sflag:s0] =	ssyncadd.s32 @!p0 s1  }
0x84: {  	[bflag:$0x3] =	sbarrier.arrive $0xFFFF  }
0x85: {  	_ =	shalt  }

// kernel: scatter_offload_async_start.3
scs
__scs_entry_jumppad:
0x0: {  	(pc) =	sbr.rel $0x88, $3  }
0x1: {  	(tag) =	ssettag $0x0;
	lr =	simm.s32 $0x1  }
0x2: {  	[smem:$0x3F7A] =	sst lr;
	_ =	strace $0xD0000000  }
0x3: {  	_ = 	snop  }
0x4: {  	_ = 	snop  }
0x5: {  	_ = 	snop  }
0x6: {  	_ = 	snop  }
0x7: {  	_ = 	snop  }
__scs_overlays_trampoline_lowered:
0x8: {  	[smem:$0x3F89] =	sst s0  }
0x9: {  	[smem:$0x3F8A] =	sst s1  }
0xa: {  	[smem:$0x3F8B] =	sst s2  }
0xb: {  	[smem:$0x3F8C] =	sst s3  }
0xc: {  	[smem:$0x3F8D] =	sst s4  }
0xd: {  	[smem:$0x3F8E] =	sst s5  }
0xe: {  	[smem:$0x3F8F] =	sst s6  }
0xf: {  	[smem:$0x3F90] =	sst s7  }
0x10: {  	[smem:$0x3F91] =	sst s8  }
0x11: {  	[smem:$0x3F92] =	sst s9;
	s0 =	simm.s32 @!p0 $0x0  }
0x12: {  	s1 =	sld [smem:$0x3F78];
	s0 =	simm.s32 @p0 $0x1  }
0x13: {  	[smem:$0x3F93] =	sst s0;
	s0 =	simm.s32 @!p1 $0x0  }
0x14: {  	s2 =	sld [smem:$0x3F77];
	s0 =	simm.s32 @p1 $0x1  }
0x15: {  	[smem:$0x3F94] =	sst s0;
	s0 =	simm.s32 @!p2 $0x0  }
0x16: {  	s3 =	sld [smem:$0x3FDB];
	s0 =	simm.s32 @p2 $0x1  }
0x17: {  	s4 =	simm.s32 $0x1BF5;
	[smem:$0x3F96] =	sst s0  }
0x18: {  	s0 =	sld [smem:$0x3F79];
	_ =	swait.ge [sflag:s4], $0x0  }
0x19: {  	s7 =	sld [smem:$0x3F7A]  }
0x1a: {  	s8 =	sadd.s32 $0xFFFFE003, lr  }
0x1b: {  	s9 =	sadd.s32 $0xFFFFFEF7, lr;
	s5 =	simm.s32 $0xFFFFFFFF;
	p2 =	slt.u32 s8, $0xFFFFF086  }
0x1c: {  	p1 =	slt.u32 s9, $0xF7A;
	s5 =	simm.s32 @!p2 $0x0  }
0x1d: {  	s5 =	simm.s32 @p1 $0x1;
	p0 =	seq.s32 s7, s2  }
0x1e: {  	s7 =	smul.u32 @!p0 $0xF7A, s2;
	p2 =	seq.s32 @!p0 s5, $0x0  }
0x1f: {  	s9 =	smul.u32 $0xF7A, s1;
	s8 =	simm.s32 @!p0 $0x1BF5;
	p2 =	por !p2, p0  }
0x20: {  	[sflag:s8] =	ssyncset.s32 @!p0 $0xFFFFF086;
	s6 =	sadd.s32 @!p0 s3, s7;
	s7 =	simm.s32 @!p0 $0x108  }
0x21: {  	s3 =	sadd.s32 s3, s9;
	s6 =	sadd.s32 @!p0 $0x88, s6;
	s7 =	simm.s32 @p2 $0x1082  }
0x22: {  	[simem:s7], [sflag:s8] =	dma.local @!p0 [hbm:s6], $0xF7A  }
0x23: {  	s9 =	sor.u32 $0xD0000000, s2;
	s6 =	simm.s32 $0x108;
	_ =	swait.ge @!p0 [sflag:s8], $0x0  }
0x24: {  	s3 =	sadd.s32 $0x88, s3;
	s6 =	simm.s32 @!p1 $0x1082;
	[sflag:s4] =	ssyncset.s32 $0xFFFFF086  }
0x25: {  	[simem:s6], [sflag:s4] =	dma.local [hbm:s3], $0xF7A  }
0x26: {  	[smem:$0x3F7A] =	sst s1;
	(tag) =	ssettag s2;
	_ =	strace s9  }
0x27: {  	s1 =	sld [smem:$0x3F8A]  }
0x28: {  	s2 =	sld [smem:$0x3F8B]  }
0x29: {  	s4 =	sld [smem:$0x3F8D]  }
0x2a: {  	p0 =	seq.s32 s5, $0x0;
	s5 =	sld [smem:$0x3F8E]  }
0x2b: {  	s6 =	sld [smem:$0x3F8F]  }
0x2c: {  	s7 =	sld [smem:$0x3F90]  }
0x2d: {  	s3 =	simm.s32 $0x108;
	s8 =	sld [smem:$0x3F91]  }
0x2e: {  	s3 =	simm.s32 @!p0 $0x1082;
	s9 =	sld [smem:$0x3F92]  }
0x2f: {  	lr =	sadd.s32 s0, s3;
	s0 =	sld [smem:$0x3F89]  }
0x30: {  	s3 =	sld [smem:$0x3F8C]  }
0x31: {  	[smem:$0x3F95] =	sst s10  }
0x32: {  	s10 =	sld [smem:$0x3F93];
	_ =	sdelay $0x3  }
0x33: {  	p0 =	seq.s32 s10, $0x1;
	s10 =	sld [smem:$0x3F95];
	_ =	sdelay $0x3  }
0x34: {  	[smem:$0x3F95] =	sst s10  }
0x35: {  	s10 =	sld [smem:$0x3F94];
	_ =	sdelay $0x3  }
0x36: {  	p1 =	seq.s32 s10, $0x1;
	s10 =	sld [smem:$0x3F95];
	_ =	sdelay $0x3  }
0x37: {  	[smem:$0x3F95] =	sst s10  }
0x38: {  	s10 =	sld [smem:$0x3F96]  }
0x39: {  	_ = 	snop;
	(pc) =	sbr.ind lr, $3  }
0x3a: {  	_ = 	snop  }
0x3b: {  	_ = 	snop  }
0x3c: {  	p2 =	seq.s32 s10, $0x1;
	s10 =	sld [smem:$0x3F95]  }
0x3d: {  	_ =	shalt  }
0x3e: {  	_ =	shalt  }
0x3f: {  	_ =	shalt  }
0x40: {  	_ =	shalt  }
0x41: {  	_ =	shalt  }
0x42: {  	_ =	shalt  }
0x43: {  	_ =	shalt  }
0x44: {  	_ =	shalt  }
0x45: {  	_ =	shalt  }
0x46: {  	_ =	shalt  }
0x47: {  	_ =	shalt  }
0x48: {  	_ =	shalt  }
0x49: {  	_ =	shalt  }
0x4a: {  	_ =	shalt  }
0x4b: {  	_ =	shalt  }
0x4c: {  	_ =	shalt  }
0x4d: {  	_ =	shalt  }
0x4e: {  	_ =	shalt  }
0x4f: {  	_ =	shalt  }
0x50: {  	_ =	shalt  }
0x51: {  	_ =	shalt  }
0x52: {  	_ =	shalt  }
0x53: {  	_ =	shalt  }
0x54: {  	_ =	shalt  }
0x55: {  	_ =	shalt  }
0x56: {  	_ =	shalt  }
0x57: {  	_ =	shalt  }
0x58: {  	_ =	shalt  }
0x59: {  	_ =	shalt  }
0x5a: {  	_ =	shalt  }
0x5b: {  	_ =	shalt  }
0x5c: {  	_ =	shalt  }
0x5d: {  	_ =	shalt  }
0x5e: {  	_ =	shalt  }
0x5f: {  	_ =	shalt  }
0x60: {  	_ =	shalt  }
0x61: {  	_ =	shalt  }
0x62: {  	_ =	shalt  }
0x63: {  	_ =	shalt  }
0x64: {  	_ =	shalt  }
0x65: {  	_ =	shalt  }
0x66: {  	_ =	shalt  }
0x67: {  	_ =	shalt  }
0x68: {  	_ =	shalt  }
0x69: {  	_ =	shalt  }
0x6a: {  	_ =	shalt  }
0x6b: {  	_ =	shalt  }
0x6c: {  	_ =	shalt  }
0x6d: {  	_ =	shalt  }
0x6e: {  	_ =	shalt  }
0x6f: {  	_ =	shalt  }
0x70: {  	_ =	shalt  }
0x71: {  	_ =	shalt  }
0x72: {  	_ =	shalt  }
0x73: {  	_ =	shalt  }
0x74: {  	_ =	shalt  }
0x75: {  	_ =	shalt  }
0x76: {  	_ =	shalt  }
0x77: {  	_ =	shalt  }
0x78: {  	_ =	shalt  }
0x79: {  	_ =	shalt  }
0x7a: {  	_ =	shalt  }
0x7b: {  	_ =	shalt  }
0x7c: {  	_ =	shalt  }
0x7d: {  	_ =	shalt  }
0x7e: {  	_ =	shalt  }
0x7f: {  	_ =	shalt  }
0x80: {  	_ =	shalt  }
0x81: {  	_ =	shalt  }
0x82: {  	_ =	shalt  }
0x83: {  	_ =	shalt  }
0x84: {  	_ =	shalt  }
0x85: {  	_ =	shalt  }
0x86: {  	_ =	shalt  }
0x87: {  	_ =	shalt  }
.Lfunc_end0:
.L_simem_size_0:
called_computation.3_lowered:
.L_overlay_start_0:
0x88: {  	s0 =	sld [smem:$0x3FD9]  }
0x89: {  	s1 =	sld [smem:$0x3FFE];
	_ =	sdelay $0x3  }
0x8a: {  	s0 =	sadd.s32 s1, s0  }
0x8b: {  	[smem:$0x3FA1] =	sst s0  }
0x8c: {  	_ = 	snop  }
0x8d: {  	(tm) =	ssettm $0x1  }
0x8e: {  	s15 =	sld [smem:$0x3FFB];
	_ =	sdelay $0x3  }
0x8f: {  	_ =	strace s15  }
0x90: {  	s0 =	sld [smem:$0x3FFC];
	_ =	sdelay $0x3  }
0x91: {  	_ =	strace s0  }
0x92: {  	s0 =	sld [smem:$0x3FFD];
	_ =	sdelay $0x3  }
0x93: {  	_ =	strace s0  }
0x94: {  	_ =	strace $0x8FFFFFFF  }
0x95: {  	s16 =	sld [smem:$0x3FDB];
	_ =	sdelay $0x1  }
0x96: {  	s17 =	simm.s32 $_scs_section_size  }
0x97: {  	s2 =	simm.s32 $_size__tile_overlayer_lowered;
	s3 =	simm.s32 $_tile_overlayer_lowered  }
0x98: {  	s20 =	simm.s32 $0x1BFF;
	s19 =	sshll.u32 s3, $0x1;
	s0 =	sadd.s32 s17, s16  }
0x99: {  	s4 =	simm.s32 $0x0;
	s18 =	sshll.u32 s2, $0x1;
	s2 =	sadd.s32 s19, s0  }
0x9a: {  	[timem:s4], [sflag:s20] =	dma.local [hbm:s2], s18  }
0x9b: {  	_ =	swait.ge [sflag:s20], s18  }
0x9c: {  	s1 =	ssub.s32 $0x0, s18;
	[sflag:s20] =	ssyncset.done $0x0  }
0x9d: {  	[sflag:s20] =	ssyncadd.s32 s1;
	_ =	sdelay $0x1  }
0x9e: {  	s21 =	simm.s32 $0x1B8B  }
0x9f: {  	_ =	swait.ge [sflag:s21], $0x1  }
0xa0: {  	[sflag:s21] =	ssyncset.done $0x0  }
0xa1: {  	s23 =	simm.s32 $0x1B8E;
	s22 =	sld [smem:$0x3FFE];
	[sflag:s21] =	ssyncadd.s32 $0xFFFFFFFF  }
0xa2: {  	s24 =	simm.s32 $execute0_lowered;
	[smem:$0x3FD2] =	sst s23  }
0xa3: {  	s2 =	sshll.u32 s24, $0x1;
	_ =	strace $0x80000046;
	[dreg:$0x1] =	wrdreg $0xFFFFFFFF  }
0xa4: {  	s25 =	simm.s32 $_size_execute0_lowered;
	s0 =	sadd.s32 s0, s2;
	[dreg:$0x0] =	wrdreg $0x0  }
0xa5: {  	s2 =	sshll.u32 s25, $0x1;
	[dreg:$0x2] =	wrdreg s0  }
0xa6: {  	[dreg:$0x3] =	wrdreg s2  }
0xa7: {  	[dreg:$0x4] =	wrdreg $0xC0  }
0xa8: {  	_ =	task [dreg:s4], $0x5FFFF  }
0xa9: {  	[dreg:$0x1] =	wrdreg $0xFFFFFFFF  }
0xaa: {  	[dreg:$0x0] =	wrdreg $0x60  }
0xab: {  	[dreg:$0x2] =	wrdreg s22  }
0xac: {  	[dreg:$0x3] =	wrdreg $0x9  }
0xad: {  	_ =	task.clear_ibuf [dreg:s4], $0x4FFFF;
	_ =	strace $0x90000046  }
0xae: {  	s26 =	simm.s32 $0x9;
	_ =	strace $0x80000048  }
0xaf: {  	_ =	swait.ge [sflag:s26], $0x1  }
0xb0: {  	[sflag:s26] =	ssyncadd.s32 $0xFFFFFFFF  }
0xb1: {  	_ =	strace $0x90000048  }
0xb2: {  	_ =	sfence  }
0xb3: {  	s28 =	sld [smem:$0x0];
	_ =	sdelay $0x1  }
0xb4: {  	s29 =	srdreg.scid  }
0xb5: {  	s30 =	sshll.u32 s29, $0xD;
	s31 =	sshrl.u32 s29, $0x2  }
0xb6: {  	s1 =	sand.u32 $0x1, s29;
	s2 =	sand.u32 $0x4000, s30;
	s0 =	sadd.s32 s31, s28  }
0xb7: {  	s1 =	sor.u32 s2, s1;
	s0 =	sshll.u32 s0, $0x11  }
0xb8: {  	s0 =	sor.u32 s0, s1  }
0xb9: {  	s0 =	sadd.s32 $0x8F2B, s0  }
0xba: {  	[sflag:s0] =	ssyncadd.remote.s32 $0x1  }
0xbb: {  	_ =	sfence.sel $0xFFFF  }
0xbc: {  	[dreg:$0x0] =	wrdreg $0xFFFFFFFF;
	(pc) =	sbr.abs _section_cstart, $3  }
0xbd: {  	[dreg:$0x1] =	wrdreg $0xFFFFFFFF  }
0xbe: {  	_ =	task.clear_ibuf [dreg:s4], $0x2FFFF;
	_ =	strace $0x9FFFFFFF  }
0xbf: {  	(tm) =	ssettm $0x7FFFFFFF  }
tec
execute0_lowered:
.L_overlay_start_1:
0x0: {  	(tag) =	ssettag $0x1  }
0x1: {  	s0 =	rddreg [dreg:$0x0];
	_ =	strace $0x80000047;
	s15 =	stileid.u32  }
0x2: {  	s2 =	simm.s32 $0x1;
	s1 =	smin.u32 s15, $0x8;
	s3 =	sshll.u32 s15, $0x1  }
0x3: {  	v1 =	vimm.s32 $0xFFFFFFFF;
	[sflag:s2] =	ssyncpa.u1 $0x0;
	s1 =	sadd.s32 s1, s3  }
0x4: {  	p0 =	slt.u32 s15, $0x8;
	[tilespmem:$0x10] =	vst v1;
	s4 =	smul.u32 $0x1F40, s1;
	s1 =	simm.s32 $0x5DC0  }
0x5: {  	v0 =	vimm.f32 $0.0e+00;
	[tilespmem:$0x20] =	vst v1;
	s1 =	simm.s32 @!p0 $0x3E80  }
0x6: {  	[tilespmem:$0x30] =	vst v0;
	s1 =	sadd.s32 s1, s4  }
0x7: {  	[tilespmem:$0x40] =	vst v0;
	s5 =	smin.u32 s1, $0x4E200  }
0x8: {  	s7 =	simm.s32 $0x2;
	s8 =	simm.s32 $0x8;
	[tilespmem:$0x50] =	vst v0;
	s9 =	ssub.s32 s5, s4  }
0x9: {  	s31 =	simm.s32 $0x9;
	s16 =	simm.s32 $0x0;
	[tilespmem:$0x60] =	vst v1;
	p0 =	sgt.s32 s9, $0x0  }
0xa: {  	s17 =	simm.s32 $0xF0;
	s18 =	simm.s32 $0xFFFFFFFF;
	[tilespmem:$0x70] =	vst v1;
	s9 =	simm.s32 @!p0 $0x0  }
0xb: {  	s19 =	simm.s32 $0xFFFFC280;
	s20 =	simm.s32 $0xFFFFFFFE;
	[tilespmem:$0x80] =	vst v1;
	s30 =	smulhi.u32 $0x10624DD3, s9  }
0xc: {  	s21 =	simm.s32 $0xF;
	s25 =	simm.s32 $0x0;
	s24 =	simm.s32 $0x0;
	v1 =	vimm.s32 $0x0;
	[tilespmem:$0xB0] =	vst v0  }
0xd: {  	s6 =	sadd.s32 $0x501E00, s0;
	s15 =	sshllo.u32 s15, $0x1;
	[tilespmem:$0x90] =	vst v1;
	s10 =	sshrl.u32 s30, $0x9  }
0xe: {  	[tilespmem:$0xA0] =	vst v1;
	[sflag:s7] =	ssyncpa.u1 $0x0;
	s7 =	simm.s32 $0x7;
	s11 =	smul.u32 $0x1F40, s10  }
.Ltmp0:
0xf: {  	s13 =	sor.u32 $0x80, s3;
	[sflag:s7] =	ssyncpa.u1 $0x0;
	(pc) =	sbr.rel .LBB2_1-.Ltmp0, $4  }
0x10: {  	s14 =	sor.u32 $0x81, s3;
	[sflag:s8] =	ssyncpa.u1 $0x0;
	p0 =	sne.s32 s9, s11  }
0x11: {  	s23 =	smov.u32 s4;
	s1 =	sadd.s32 $0xB600, s0;
	s2 =	simm.s32 @!p0 $0x0  }
0x12: {  	vm0 =	vmmov $0xffff;
	v2 =	vlaneseq.u32;
	[sflag:s31] =	ssyncpa.u1 $0x0;
	s9 =	sadd.s32 $0x50BC00, s0;
	s10 =	sadd.s32 s2, s10  }
0x13: {  	vm1 =	vmxor vm1, vm1;
	vm2 =	vmmov $0x1;
	vm3 =	vcmask $0x3F3C;
	p0 =	por $0x0, $0x0;
	s11 =	sadd.s32 $0x1, s10;
	s12 =	sadd.s32 $0x2, s10  }
.LBB2_9:
0x14: {  	p1 =	slt.u32 s24, $0x3  }
0x15: {  	s0 =	simm.s32 @!p1 $0x2  }
0x16: {  	_ =	swait.ge @!p1 [sflag:s0], $0x1F40  }
0x17: {  	[sflag:s0] =	ssyncset.done @!p1 $0x0  }
0x18: {  	[sflag:s0] =	ssyncadd.s32 @!p1 $0xFFFFE0C0;
	s0 =	simm.s32 @!p1 $0x9  }
0x19: {  	_ =	swait.ge @!p1 [sflag:s0], $0x10  }
0x1a: {  	[sflag:s0] =	ssyncset.done @!p1 $0x0  }
0x1b: {  	[sflag:s0] =	ssyncadd.s32 @!p1 $0xFFFFFFF0;
	p1 =	sne.s32 s24, s12  }
.Ltmp1:
0x1c: {  	s2 =	sadd.s32 $0x1F40, s23;
	(pc) =	sbr.rel @!p1 .LBB2_10-.Ltmp1, $4  }
0x1d: {  	s22 =	smov.u32 s4;
	s31 =	sadd.s32 $0x1, s24;
	s17 =	sadd.s32 $0x1F40, s17  }
0x1e: {  	s18 =	sadd.s32 $0x1, s18;
	s25 =	smov.u32 s23;
	p2 =	slt.s32 s2, s5  }
0x1f: {  	p0 =	por !p0, !p0;
	s19 =	sadd.s32 $0x1F40, s19;
	s22 =	smov.u32 @p2 s2  }
0x20: {  	s20 =	sadd.s32 $0x1, s20;
	s23 =	smov.u32 s22;
	s24 =	smov.u32 s31  }
.LBB2_1:
0x21: {  	p1 =	sge.u32 s24, s10  }
0x22: {  	s0 =	smulhi.u32 @!p1 $0xAAAAAAAB, s24;
	_ =	sdelay $0x1  }
0x23: {  	s0 =	sshrl.u32 @!p1 s0, $0x1  }
0x24: {  	s0 =	smul.u32 @!p1 $0x3, s0;
	_ =	sdelay $0x1  }
0x25: {  	s0 =	ssub.s32 @!p1 s24, s0  }
0x26: {  	s0 =	smul.u32 @!p1 $0x7D00, s0;
	_ =	sdelay $0x1  }
0x27: {  	s2 =	sshrl.u32 @!p1 s23, $0x3;
	s0 =	sshrl.u32 @!p1 s0, $0x2  }
0x28: {  	s22 =	sand.u32 @!p1 $0x7, s23;
	s2 =	sadd.s32 @!p1 s6, s2;
	s0 =	sadd.s32 @!p1 $0x100, s0  }
0x29: {  	[tilespmem:s0], [sflag:$0x7] =	stream.linear.gather @!p1 [hbm4b:s2+s22], $0x1F40, $0x38;
	[tilespmem:$0x11A60] =	vst v63  }
0x2a: {  	s0 =	sadd.s32 $0xFFFFFFFF, s24  }
0x2b: {  	p1 =	sge.u32 s0, s10  }
.Ltmp2:
0x2c: {  	_ = 	snop;
	(pc) =	sbr.rel @p1 .LBB2_5-.Ltmp2, $1  }
0x2d: {  	_ =	sdelay $0x3  }
0x2e: {  	s2 =	smulhi.u32 $0xAAAAAAAB, s0;
	_ =	sdelay $0x1  }
0x2f: {  	s2 =	sshrl.u32 s2, $0x1  }
0x30: {  	s2 =	smul.u32 $0x3, s2;
	_ =	sdelay $0x1  }
0x31: {  	s2 =	ssub.s32 s0, s2  }
0x32: {  	s2 =	smul.u32 $0x7D00, s2  }
0x33: {  	_ =	swait.ge [sflag:s7], $0x1F40  }
0x34: {  	[sflag:s7] =	ssyncset.done $0x0;
	s2 =	sshrl.u32 s2, $0x2  }
0x35: {  	[sflag:s7] =	ssyncadd.s32 $0xFFFFE0C0;
	(ifvalue) =	ssetifvalue $0xFFFFFFFF;
	v3 =	vld.msk [tilespmem:s2+$0x100 ss:$0x1], $0xffff;
	_ =	sdelay $0x2  }
0x36: {  	s30 =	smulhi.u32 $0xAAAAAAAB, s18;
	p1 =	sne.s32 s24, $0x1  }
0x37: {  	v4 =	vimm.s32 @!p1 $0x0  }
0x38: {  	s2 =	sshrl.u32 s30, $0x1;
	v4 =	vperm.xlane @!p1 v3, v4  }
0x39: {  	s22 =	sshll.u32 s24, $0x4;
	s2 =	smul.u32 $0xFFFE8900, s2;
	vm4 =	vlt.u32 v3, $0x2800  }
0x3a: {  	s22 =	sand.u32 $0x10, s22;
	v3 =	vnsel vm4, $0xFFFFFFFE, v3;
	vm4 =	vlt.u32 @!p1 v4, $0x2800  }
0x3b: {  	s2 =	sshra.s32 s2, $0x2;
	[tilespmem:s22+$0x60] =	vst v3;
	v3 =	vnsel @!p1 vm4, $0xFFFFFFFE, v4  }
0x3c: {  	s28 =	sadd.s32 s2, s17;
	[tilespmem:$0x80] =	vst @!p1 v3  }
0x3d: {  	v3 =	vld.msk [tilespmem:s28+$0x0 ss:$0x1], $0xffff;
	_ =	sdelay $0x4  }
0x3e: {  	(xrf1) =	vunique.msk.u32 $0xffff, v3;
	_ =	sdelay $0xd  }
0x3f: {  	v4 =	vimm.s32 $0xFFFFFFFF;
	v5, _, _ =	vpop (xrf1)  }
0x40: {  	vm5 =	vne.s32 v3, v4;
	vm4 =	veq.s32 v5, v2  }
0x41: {  	vm6 =	vlt.u32 v3, $0x2800;
	vm4 =	vmand vm5, vm4  }
0x42: {  	vm4 =	vmand vm6, vm4  }
0x43: {  	v4 =	vnsel vm4, $0xFFFFFFFF, v3  }
0x44: {  	s31 =	sand.u32 $0x1, s0  }
0x45: {  	s0 =	simm.s32 $0x1F40;
	p1 =	seq.s32 s31, $0x1  }
0x46: {  	s0 =	simm.s32 @!p1 $0x0  }
0x47: {  	s26 =	sadd.s32 $0x7DF0, s0;
	(ifvalue) =	ssetifvalue $0xFFFFFFFF  }
0x48: {  	v3 =	vperm.xlane v3, v1;
	[tilespmem:s26], [sflag:$0x8] =	stream.indirect_vreg.gather [hbm4b:s1+s16], $0x1, v4, vm0, $0x4038;
	v4 =	vnsel vm6, $0xFFFFFFFE, v4;
	[tilespmem:$0x11A60] =	vst v63  }
0x49: {  	s2 =	simm.s32 $0x0;
	s22 =	sadd.s32 $0xFFFFFFF0, s28;
	[tilespmem:s28+$0x0] =	vst v4  }
.LBB2_3:
0x4a: {  	v4 =	vld.msk [tilespmem:s22+$0x0 ss:$0x1], $0xffff;
	s2 =	sadd.s32 $0x10, s2;
	v5 =	vmov v3;
	s28 =	smov.u32 s22  }
0x4b: {  	p1 =	slt.u32 s2, $0x1F30;
	_ =	sdelay $0x4  }
0x4c: {  	v3 =	vperm.xlane v4, v1;
	(xrf1) =	vunique.msk.u32 $0xffff, v4;
	_ =	sdelay $0xd  }
0x4d: {  	v6, _, _ =	vpop (xrf1)  }
0x4e: {  	vm5 =	vne.s32 v4, v5;
	vm4 =	veq.s32 v6, v2  }
0x4f: {  	vm6 =	vlt.u32 v4, $0x2800;
	vm4 =	vmand vm5, vm4  }
0x50: {  	vm4 =	vmand vm6, vm4  }
0x51: {  	v4 =	vnsel vm4, $0xFFFFFFFF, v4  }
.Ltmp3:
0x52: {  	v5 =	vnsel vm6, $0xFFFFFFFE, v4;
	(pc) =	sbr.rel @p1 .LBB2_3-.Ltmp3, $3  }
0x53: {  	_ =	sdelay $0x1  }
0x54: {  	s22 =	sadd.s32 $0xFFFFFFF0, s22;
	s26 =	sadd.s32 $0xFFFFFFF0, s26;
	(ifvalue) =	ssetifvalue $0xFFFFFFFF  }
0x55: {  	[tilespmem:s26], [sflag:$0x8] =	stream.indirect_vreg.gather [hbm4b:s1+s16], $0x1, v4, vm0, $0x4038;
	[tilespmem:s28+$0x0] =	vst v5  }
0x56: {  	s2 =	sshrl.u32 s25, $0x3  }
0x57: {  	s0 =	sadd.s32 $0x9D40, s0;
	s2 =	sadd.s32 s9, s2  }
0x58: {  	[tilespmem:s0], [sflag:$0x8] =	stream.linear.gather [hbm:s2], $0x1F40, $0x38;
	[tilespmem:$0x11A60] =	vst v63  }
.LBB2_5:
0x59: {  	p1 =	slt.u32 s24, $0x2  }
0x5a: {  	p2 =	sge.u32 @!p1 s24, s12  }
0x5b: {  	p1 =	por p1, p2  }
.Ltmp4:
0x5c: {  	_ = 	snop;
	(pc) =	sbr.rel @p1 .LBB2_9-.Ltmp4, $1  }
0x5d: {  	_ =	sdelay $0x3  }
0x5e: {  	s0 =	sadd.s32 $0xFFFFFFFE, s24  }
0x5f: {  	s2 =	smulhi.u32 $0xAAAAAAAB, s0;
	_ =	sdelay $0x1  }
0x60: {  	s2 =	sshrl.u32 s2, $0x1  }
0x61: {  	s2 =	smul.u32 $0x3, s2;
	_ =	sdelay $0x1  }
0x62: {  	s0 =	ssub.s32 s0, s2  }
0x63: {  	_ =	swait.ge [sflag:s8], $0x3E80;
	s0 =	smul.u32 $0x1F40, s0  }
0x64: {  	p1 =	sne.s32 s24, s11;
	[sflag:s8] =	ssyncset.done $0x0  }
0x65: {  	[sflag:s8] =	ssyncadd.s32 $0xFFFFC180;
	s2 =	sadd.s32 @!p1 $0x203F, s0  }
0x66: {  	[spmem:s14] =	stream.linear.scatter @!p1 [tilespmem:s2], [sflag:$0x1], $0x1, $0x38;
	[tilespmem:$0x11A60] =	vst v63  }
0x67: {  	s2 =	simm.s32 @!p1 $0x1  }
0x68: {  	_ =	swait.ge @!p1 [sflag:s2], $0x1  }
0x69: {  	s22 =	sshll.u32 s24, $0x4;
	[sflag:s2] =	ssyncset.done @!p1 $0x0  }
0x6a: {  	s25 =	sand.u32 $0x10, s22;
	[sflag:s2] =	ssyncadd.s32 @!p1 $0xFFFFFFFF  }
0x6b: {  	s2 =	sxor.u32 $0x10, s25;
	v4 =	vld [tilespmem:s25+$0x10]  }
0x6c: {  	v5 =	vld [tilespmem:s2+$0x60]  }
0x6d: {  	v3 =	vld [tilespmem:$0x80];
	_ =	sdelay $0x2  }
0x6e: {  	(v2sf) =	vpush v4, $0x0  }
0x6f: {  	(v2sf) =	vpush v5, $0x0  }
0x70: {  	(v2sf) =	vpush v3, $0x0;
	_ =	sdelay $0xc  }
0x71: {  	s22 =	spop (v2sf)  }
0x72: {  	s26 =	spop (v2sf)  }
0x73: {  	s28 =	spop (v2sf)  }
0x74: {  	p2 =	seq.s32 s22, s26;
	p3 =	seq.s32 s28, s22  }
0x75: {  	p3 =	por p2, p3  }
0x76: {  	s26 =	sand.u32 $0x1, s24;
	v4 =	vpsel p3, $0xFFFFFFFF, v4  }
0x77: {  	s29 =	smul.u32 $0x1F40, s26;
	[tilespmem:s25+$0x10] =	vst.msk $0x1, v4  }
0x78: {  	v4 =	vld [tilespmem:$0x30]  }
0x79: {  	v5 =	vld [tilespmem:s29+$0x9D40]  }
0x7a: {  	v6 =	vld [tilespmem:s25+$0x40];
	_ =	sdelay $0x3  }
0x7b: {  	vm4 =	vmmov vm1;
	v5 =	vadd.f32 v5, v4  }
0x7c: {  	vm5 =	vmmov vm2;
	vm4 =	vmmov @p2 vm2;
	s22 =	sshll.u32 s26, $0x4;
	v4 =	vadd.f32 v6, v4  }
0x7d: {  	s26 =	sor.u32 $0x11A40, s22;
	vm5 =	vmmov @p3 vm1;
	[tilespmem:s29+$0x9D40] =	vst.msk vm4, v5  }
0x7e: {  	[tilespmem:s26+$0x0] =	vst.msk vm5, v4  }
0x7f: {  	v4 =	vld [tilespmem:s29+$0x7DF0];
	_ =	sdelay $0x3  }
0x80: {  	v5 =	vimm.f32 $0.0e+00  }
0x81: {  	v4 =	vshift.insert v4, v5, s21  }
0x82: {  	s22 =	sor.u32 $0x40, s2  }
0x83: {  	[tilespmem:s22+$0x0] =	vst.msk $0x1, v4  }
0x84: {  	[tilespmem:s29+$0x7DFF] =	vst.msk $0x1, v5  }
0x85: {  	v4 =	vld [tilespmem:s0+$0x2030];
	_ =	sdelay $0x1  }
0x86: {  	s22 =	smulhi.u32 $0xAAAAAAAB, s20;
	s0 =	simm.s32 $0x1  }
0x87: {  	s0 =	simm.s32 @!p0 $0x0  }
0x88: {  	s22 =	sshrl.u32 s22, $0x1;
	s0 =	smul.u32 $0x7D00, s0  }
0x89: {  	s22 =	smul.u32 $0xFFFE8900, s22;
	v4 =	vshift.insert v4, v1, s21  }
0x8a: {  	s0 =	sshrl.u32 s0, $0x2  }
0x8b: {  	s22 =	sshra.s32 s22, $0x2;
	s30 =	sadd.s32 $0x9D40, s0;
	[tilespmem:s2+$0x10] =	vst.msk $0x1, v4  }
0x8c: {  	s22 =	sadd.s32 s22, s19;
	v6 =	vld [tilespmem:s30+$0x0]  }
0x8d: {  	v7 =	vld [tilespmem:s22+$0x0];
	_ =	sdelay $0x3  }
0x8e: {  	v5 =	vadd.f32 v6, v5  }
0x8f: {  	vm4 =	vne.s32 v7, $0xFFFFFFFF  }
0x90: {  	(xrf2) =	vadd.seg.scan.f32 vm4, v5;
	_ =	sdelay $0x3  }
0x91: {  	s31 =	sadd.s32 $0x5EC0, s0;
	v5 =	vperm.xlane v4, v1  }
0x92: {  	v6 =	vld [tilespmem:s31+$0x0]  }
0x93: {  	vm5 =	veq.s32 v7, v3;
	vm6 =	veq.s32 v7, v5  }
0x94: {  	vm7 =	vgt.u32 v7, $0xFFFFFFFD;
	vm6 =	vmor vm6, vm5  }
0x95: {  	vm6 =	vmor vm6, vm7  }
0x96: {  	v9 =	vld [tilespmem:$0xA0];
	v7 =	vsel vm6, $0xFFFFFFFF, v7  }
0x97: {  	v10 =	vld [tilespmem:$0x90];
	v6 =	vsel vm5, $0x0, v6;
	v8, _, _ =	vpop (xrf2)  }
0x98: {  	v6 =	vadd.f32 v8, v6  }
0x99: {  	s0 =	sadd.s32 $0xDBC0, s0  }
0x9a: {  	vm4 =	vmand vm4, vm3;
	[tilespmem:s0+$0x0] =	vst v6;
	(ifvalue) =	ssetifvalue $0xFFFFFFFF  }
0x9b: {  	vm6 =	veq.s32 v9, $0x1;
	[hbm4b:s1+s16] =	stream.indirect_vreg.scatter [tilespmem:s0], [sflag:$0x2], $0x1, v7, vm0, $0x4038;
	v7 =	vsel vm4, $0x0, v8;
	[tilespmem:$0x11A60] =	vst v63  }
0x9c: {  	s2 =	simm.s32 $0x0;
	s22 =	sadd.s32 $0x10, s22;
	vm4 =	vmor vm6, vm5;
	v6 =	vsel vm5, v8, v10;
	v7 =	vshift.insert v7, v0, s21  }
.LBB2_7:
0x9d: {  	v8 =	vld [tilespmem:s22+$0x0];
	s30 =	sadd.s32 $0x10, s30  }
0x9e: {  	s31 =	sadd.s32 $0x10, s31;
	v9 =	vld [tilespmem:s30+$0x0]  }
0x9f: {  	s2 =	sadd.s32 $0x10, s2;
	v10 =	vld [tilespmem:s31+$0x0]  }
0xa0: {  	p2 =	slt.u32 s2, $0x1F30;
	_ =	sdelay $0x2  }
0xa1: {  	v7 =	vadd.f32 v9, v7  }
0xa2: {  	vm5 =	vne.s32 v8, $0xFFFFFFFF  }
0xa3: {  	vm6 =	vmand vm5, vm3;
	(xrf2) =	vadd.seg.scan.f32 vm5, v7;
	_ =	sdelay $0x5  }
0xa4: {  	vm7 =	veq.s32 v8, v5;
	vm5 =	veq.s32 v8, v3  }
0xa5: {  	vm8 =	vgt.u32 v8, $0xFFFFFFFD;
	vm4 =	vmor vm4, vm5;
	vm7 =	vmor vm7, vm5  }
0xa6: {  	vm7 =	vmor vm7, vm8  }
0xa7: {  	v8 =	vsel vm7, $0xFFFFFFFF, v8  }
.Ltmp5:
0xa8: {  	v7 =	vsel vm5, $0x0, v10;
	v9, _, _ =	vpop (xrf2);
	(pc) =	sbr.rel @p2 .LBB2_7-.Ltmp5, $4  }
0xa9: {  	v6 =	vsel vm5, v9, v6;
	v10 =	vadd.f32 v9, v7;
	v7 =	vsel vm6, $0x0, v9  }
0xaa: {  	s0 =	sadd.s32 $0x10, s0;
	v7 =	vshift.insert v7, v0, s21  }
0xab: {  	s22 =	sadd.s32 $0x10, s22;
	[tilespmem:s0+$0x0] =	vst v10;
	(ifvalue) =	ssetifvalue $0xFFFFFFFF  }
0xac: {  	[hbm4b:s1+s16] =	stream.indirect_vreg.scatter [tilespmem:s0], [sflag:$0x2], $0x1, v8, vm0, $0x4038;
	[tilespmem:$0x11A60] =	vst v63  }
0xad: {  	v3 =	vld [tilespmem:s29+$0xFAF0];
	_ =	sdelay $0x4  }
0xae: {  	v3 =	vshift.insert v3, v0, s21  }
0xaf: {  	s0 =	simm.s32 $0x30  }
0xb0: {  	[tilespmem:s0+$0x0] =	vst.msk $0x1, v3  }
0xb1: {  	v3 =	vsel vm4, $0x1, v1;
	[tilespmem:$0x90] =	vst v6  }
0xb2: {  	s0 =	sadd.s32 @!p1 $0xFAFF, s29;
	[tilespmem:$0xA0] =	vst v3  }
0xb3: {  	[spmem:s15] =	stream.linear.scatter @!p1 [tilespmem:s0], [sflag:$0x1], $0x1, $0x38;
	[tilespmem:$0x11A60] =	vst v63  }
0xb4: {  	s0 =	simm.s32 @!p1 $0x1  }
0xb5: {  	v3 =	vmctz.xlane @!p1 vm4;
	_ =	swait.ge @!p1 [sflag:s0], $0x1  }
0xb6: {  	(v2sf) =	vpush @!p1 v4, $0x0  }
0xb7: {  	(v2sf) =	vpush @!p1 v3, $0x0;
	_ =	sdelay $0xd  }
0xb8: {  	s2 =	spop @!p1 (v2sf)  }
0xb9: {  	s22 =	spop @!p1 (v2sf)  }
0xba: {  	p2 =	sne.s32 @!p1 s28, s2;
	p3 =	slt.s32 @!p1 s22, $0xF  }
0xbb: {  	[sflag:s0] =	ssyncset.done @!p1 $0x0;
	p2 =	por p2, p1;
	p3 =	por !p3, p1  }
0xbc: {  	[sflag:s0] =	ssyncadd.s32 @!p1 $0xFFFFFFFF;
	v3 =	vimm.s32 @!p2 $0xFFFFFFFF;
	s22 =	simm.s32 @p3 $0xF  }
0xbd: {  	[tilespmem:$0x80] =	vst @!p2 v3;
	s2 =	sadd.s32 @!p1 $0x90, s22  }
0xbe: {  	[spmem:s3] =	stream.linear.scatter @!p1 [tilespmem:s2], [sflag:$0x1], $0x1, $0x38;
	[tilespmem:$0x11A60] =	vst v63  }
0xbf: {  	_ =	swait.ge @!p1 [sflag:s0], $0x1  }
0xc0: {  	[sflag:s0] =	ssyncset.done @!p1 $0x0  }
0xc1: {  	s2 =	simm.s32 @!p1 $0x80;
	[sflag:s0] =	ssyncadd.s32 @!p1 $0xFFFFFFFF  }
0xc2: {  	[spmem:s13] =	stream.linear.scatter @!p1 [tilespmem:s2], [sflag:$0x1], $0x1, $0x38;
	[tilespmem:$0x11A60] =	vst v63  }
0xc3: {  	_ =	swait.ge @!p1 [sflag:s0], $0x1  }
0xc4: {  	[sflag:s0] =	ssyncset.done @!p1 $0x0  }
0xc5: {  	[sflag:s0] =	ssyncadd.s32 @!p1 $0xFFFFFFFF;
	(ifvalue) =	ssetifvalue $0xFFFFFFFF;
	v3 =	vld [tilespmem:s25+$0x10];
	_ =	sdelay $0x3  }
.Ltmp6:
0xc6: {  	_ = 	snop;
	(pc) =	sbr.rel .LBB2_9-.Ltmp6, $3  }
0xc7: {  	_ =	sdelay $0x1  }
0xc8: {  	(ifvalue) =	ssetifvalue $0xFFFFFFFF  }
0xc9: {  	[hbm4b:s1+s16] =	stream.indirect_vreg.scatter [tilespmem:s26], [sflag:$0x9], $0x1, v3, vm0, $0x4038;
	[tilespmem:$0x11A60] =	vst v63  }
.LBB2_10:
0xca: {  	_ =	sfence.sel $0x180000  }
0xcb: {  	s0 =	simm.s32 $0x7;
	[bflag:$0x0] =	sbarrier.arrive $0xFFFF  }
0xcc: {  	s26 =	simm.s32 $0x8;
	[sflag:s0] =	ssyncpa.u1 $0x1  }
0xcd: {  	s28 =	simm.s32 $0x9;
	[sflag:s26] =	ssyncpa.u1 $0x1  }
0xce: {  	[sflag:s28] =	ssyncpa.u1 $0x1  }
0xcf: {  	_ =	sfence.stream.spmem  }
0xd0: {  	s29 =	simm.s32 $0x3;
	[bflag:$0x0] =	sbarrier.arrive $0xFFFF  }
0xd1: {  	s30 =	simm.s32 $0x4;
	[sflag:s29] =	ssyncpa.u1 $0x1  }
0xd2: {  	s31 =	simm.s32 $0x3C;
	s2 =	stileid.u32;
	[sflag:s30] =	ssyncpa.u1 $0x1  }
0xd3: {  	p0 =	sne.s32 s2, $0x0;
	[sflag:s31] =	ssyncpa.u1 $0x1  }
0xd4: {  	s0 =	simm.s32 @p0 $0x1;
	_ =	sfence @p0  }
0xd5: {  	[sflag:s0] =	ssyncpa.u1 @p0 $0x1;
	s0 =	simm.s32 @p0 $0x2  }
0xd6: {  	[sflag:s0] =	ssyncpa.u1 @p0 $0x1  }
0xd7: {  	_ =	strace @p0 $0x90000047  }
0xd8: {  	[bflag:$0x2] =	sbarrier.arrive @p0 $0xFFFF  }
0xd9: {  	_ =	shalt @p0  }
.LBB2_11:
0xda: {  	_ =	sfence.stream.spmem;
	s0 =	simm.s32 $0x5  }
0xdb: {  	s2 =	simm.s32 $0x80;
	s3 =	simm.s32 $0xC0;
	[sflag:s0] =	ssyncpa.u1 $0x0  }
0xdc: {  	[tilespmem:s3], [sflag:$0x5] =	stream.linear.gather [spmem:s2], $0x20, $0x38;
	[tilespmem:$0x11A60] =	vst v63  }
0xdd: {  	s2 =	simm.s32 $0x0;
	s3 =	simm.s32 $0xE0  }
0xde: {  	[tilespmem:s3], [sflag:$0x5] =	stream.linear.gather [spmem:s2], $0x20, $0x38;
	[tilespmem:$0x11A60] =	vst v63  }
.Ltmp7:
0xdf: {  	_ = 	snop;
	(pc) =	sbr.rel .LBB2_12-.Ltmp7, $4  }
0xe0: {  	_ =	swait.ge [sflag:s0], $0x40  }
0xe1: {  	[sflag:s0] =	ssyncset.done $0x0  }
0xe2: {  	s31 =	simm.s32 $0x6;
	[sflag:s0] =	ssyncadd.s32 $0xFFFFFFC0  }
0xe3: {  	s4 =	simm.s32 $0x0;
	[sflag:s31] =	ssyncpa.u1 $0x0  }
.LBB2_17:
0xe4: {  	p0 =	sgt.u32 s5, $0x27FF  }
0xe5: {  	s0 =	sshrl.u32 @!p0 s5, $0x3  }
0xe6: {  	s5 =	sand.u32 @!p0 $0x7, s5;
	s6 =	simm.s32 @!p0 $0xB0;
	s0 =	sadd.s32 @!p0 s1, s0  }
0xe7: {  	[tilespmem:s6], [sflag:$0x6] =	stream.linear.gather @!p0 [hbm4b:s0+s5], $0x1, $0x38;
	[tilespmem:$0x11A60] =	vst v63  }
0xe8: {  	s0 =	simm.s32 @!p0 $0x6  }
0xe9: {  	_ =	swait.ge @!p0 [sflag:s0], $0x1  }
0xea: {  	[sflag:s0] =	ssyncset.done @!p0 $0x0  }
0xeb: {  	[sflag:s0] =	ssyncadd.s32 @!p0 $0xFFFFFFFF  }
0xec: {  	v2 =	vmov @!p0 s4;
	v1 =	vld.msk @!p0 [tilespmem:$0xB0], $0x1;
	_ =	sdelay $0x3  }
0xed: {  	s0 =	simm.s32 @!p0 $0xE0  }
0xee: {  	[tilespmem:v2+s0+$0x0], v1 =	vst.idx.ret.add.f32.msk @!p0 $0x1, v1  }
0xef: {  	[tilespmem:s2+$0xC0] =	vst.msk $0x1, v0  }
0xf0: {  	v0 =	vld.msk [tilespmem:s4+$0xE0], $0x1;
	_ =	sdelay $0x4  }
0xf1: {  	[tilespmem:s2+$0xE0] =	vst.msk $0x1, v0;
	s2 =	sadd.s32 $0x1, s2  }
.LBB2_19:
0xf2: {  	s4 =	sadd.s32 $0x1, s4  }
0xf3: {  	p0 =	sne.s32 s4, $0x20  }
.Ltmp8:
0xf4: {  	_ = 	snop;
	(pc) =	sbr.rel @!p0 .LBB2_20-.Ltmp8, $1  }
0xf5: {  	_ =	sdelay $0x3  }
.LBB2_12:
0xf6: {  	v0 =	vld.msk [tilespmem:s4+$0xC0], $0x1;
	_ =	sdelay $0x4  }
0xf7: {  	(v2sf) =	vpush v0, $0x0;
	_ =	sdelay $0xe  }
0xf8: {  	s5 =	spop (v2sf)  }
0xf9: {  	p0 =	seq.s32 s5, $0xFFFFFFFF  }
.Ltmp9:
0xfa: {  	_ = 	snop;
	(pc) =	sbr.rel @p0 .LBB2_19-.Ltmp9, $1  }
0xfb: {  	_ =	sdelay $0x3  }
0xfc: {  	p0 =	slt.s32 s2, $0x1  }
.Ltmp10:
0xfd: {  	_ = 	snop;
	(pc) =	sbr.rel @p0 .LBB2_17-.Ltmp10, $1  }
0xfe: {  	_ =	sdelay $0x3  }
0xff: {  	s0 =	simm.s32 $0xC0;
	p0 =	por $0x0, $0x0  }
0x100: {  	v1 =	vld.msk @!p0 [tilespmem:s0+$0x0], $0x1;
	_ =	sdelay $0x4  }
0x101: {  	(v2sf) =	vpush @!p0 v1, $0x0;
	_ =	sdelay $0xd  }
0x102: {  	p2 =	sne.s32 s2, $0x1  }
.Ltmp11:
0x103: {  	s6 =	spop @!p0 (v2sf);
	(pc) =	sbr.rel @!p2 .LBB2_16-.Ltmp11, $4  }
0x104: {  	p1 =	seq.s32 @!p0 s5, s6  }
0x105: {  	s6 =	simm.s32 $0x0;
	p1 =	por !p1, p0  }
0x106: {  	s8 =	simm.s32 $0xFFFFFFFF;
	s6 =	simm.s32 @p1 $0xFFFFFFFF  }
0x107: {  	s7 =	simm.s32 $0x1;
	s6 =	smov.u32 @p0 s8  }
.LBB2_15:
0x108: {  	s8 =	smov.u32 s6;
	p0 =	sne.s32 s6, $0xFFFFFFFF  }
0x109: {  	s0 =	sadd.s32 $0x1, s0;
	s6 =	smov.u32 s7;
	s7 =	sadd.s32 $0x1, s7  }
0x10a: {  	p1 =	sne.s32 s2, s7;
	v1 =	vld.msk @!p0 [tilespmem:s0+$0x0], $0x1;
	_ =	sdelay $0x4  }
0x10b: {  	(v2sf) =	vpush @!p0 v1, $0x0;
	_ =	sdelay $0xe  }
.Ltmp12:
0x10c: {  	s9 =	spop @!p0 (v2sf);
	(pc) =	sbr.rel @p1 .LBB2_15-.Ltmp12, $4  }
0x10d: {  	p2 =	seq.s32 @!p0 s5, s9  }
0x10e: {  	p2 =	por !p2, p0  }
0x10f: {  	s6 =	simm.s32 @p2 $0xFFFFFFFF  }
0x110: {  	s6 =	smov.u32 @p0 s8  }
.LBB2_16:
0x111: {  	p0 =	sne.s32 s6, $0xFFFFFFFF  }
.Ltmp13:
0x112: {  	_ = 	snop;
	(pc) =	sbr.rel @!p0 .LBB2_17-.Ltmp13, $1  }
0x113: {  	_ =	sdelay $0x3  }
0x114: {  	v0 =	vld.msk [tilespmem:s4+$0xE0], $0x1;
	v1 =	vmov s6  }
.Ltmp14:
0x115: {  	_ = 	snop;
	(pc) =	sbr.rel .LBB2_19-.Ltmp14, $2  }
0x116: {  	_ =	sdelay $0x2  }
0x117: {  	[tilespmem:v1+s3+$0x0], v0 =	vst.idx.ret.add.f32.msk $0x1, v0  }
.LBB2_20:
0x118: {  	p0 =	slt.s32 s2, $0x1  }
.Ltmp15:
0x119: {  	_ = 	snop;
	(pc) =	sbr.rel @p0 .LBB2_24-.Ltmp15, $3  }
0x11a: {  	_ =	sdelay $0x1  }
0x11b: {  	s0 =	simm.s32 $0x6  }
0x11c: {  	s3 =	simm.s32 $0x0;
	[sflag:s0] =	ssyncpa.u1 $0x1  }
0x11d: {  	s0 =	simm.s32 $0xC0  }
0x11e: {  	v0 =	vld.msk [tilespmem:s0+$0x0], $0x1;
	_ =	sdelay $0x4  }
0x11f: {  	(v2sf) =	vpush v0, $0x0;
	_ =	sdelay $0xe  }
0x120: {  	s2 =	sadd.s32 $0xFFFFFFFF, s2;
	s4 =	spop (v2sf)  }
0x121: {  	p1 =	sne.s32 s2, $0x0;
	p0 =	sgt.u32 s4, $0x27FF  }
.Ltmp16:
0x122: {  	s5 =	sshrl.u32 @!p0 s4, $0x3;
	(pc) =	sbr.rel @!p1 .LBB2_23-.Ltmp16, $4  }
0x123: {  	s0 =	simm.s32 $0xE0;
	s4 =	sand.u32 @!p0 $0x7, s4;
	s5 =	sadd.s32 @!p0 s1, s5  }
0x124: {  	[hbm4b:s5+s4] =	stream.linear.scatter @!p0 [tilespmem:s0], [sflag:$0x5], $0x1, $0x38;
	[tilespmem:$0x11A60] =	vst v63  }
0x125: {  	s5 =	simm.s32 $0x0  }
0x126: {  	s4 =	simm.s32 $0xC1;
	s5 =	simm.s32 @!p0 $0x4  }
.LBB2_22:
0x127: {  	v0 =	vld.msk [tilespmem:s4+$0x0], $0x1;
	s2 =	sadd.s32 $0xFFFFFFFF, s2;
	s3 =	sadd.s32 s3, s5  }
0x128: {  	p0 =	sne.s32 s2, $0x0;
	_ =	sdelay $0x3  }
0x129: {  	(v2sf) =	vpush v0, $0x0;
	_ =	sdelay $0xe  }
.Ltmp17:
0x12a: {  	s6 =	spop (v2sf);
	(pc) =	sbr.rel @p0 .LBB2_22-.Ltmp17, $4  }
0x12b: {  	s5 =	simm.s32 $0x0;
	p1 =	sgt.u32 s6, $0x27FF  }
0x12c: {  	s0 =	sadd.s32 $0x1, s0;
	s5 =	simm.s32 @!p1 $0x4;
	s7 =	sshrl.u32 @!p1 s6, $0x3  }
0x12d: {  	s4 =	sadd.s32 $0x1, s4;
	s6 =	sand.u32 @!p1 $0x7, s6;
	s7 =	sadd.s32 @!p1 s1, s7  }
0x12e: {  	[hbm4b:s7+s6] =	stream.linear.scatter @!p1 [tilespmem:s0], [sflag:$0x5], $0x1, $0x38;
	[tilespmem:$0x11A60] =	vst v63  }
.LBB2_23:
0x12f: {  	s0 =	sadd.s32 s3, s5  }
0x130: {  	s3 =	sshrl.u32 s0, $0x2  }
.LBB2_24:
0x131: {  	s0 =	simm.s32 $0x5  }
0x132: {  	_ =	swait.ge [sflag:s0], s3  }
0x133: {  	s1 =	ssub.s32 $0x0, s3;
	[sflag:s0] =	ssyncset.done $0x0  }
0x134: {  	[sflag:s0] =	ssyncadd.s32 s1  }
0x135: {  	[sflag:s0] =	ssyncpa.u1 $0x1  }
0x136: {  	s29 =	simm.s32 $0x1;
	_ =	sfence  }
0x137: {  	s30 =	simm.s32 $0x2;
	[sflag:s29] =	ssyncpa.u1 $0x1  }
0x138: {  	[sflag:s30] =	ssyncpa.u1 $0x1  }
0x139: {  	_ =	strace $0x90000047  }
0x13a: {  	[bflag:$0x2] =	sbarrier.arrive $0xFFFF  }
0x13b: {  	s31 =	rddreg [dreg:$0x1]  }
0x13c: {  	s0 =	sadd.s32 $0x100000, s31  }
0x13d: {  	[sflag:s0] =	ssyncadd.tile.s32 $0x1;
	_ =	shalt  }
.Lfunc_end2:
_tile_overlayer_lowered:
.L_overlay_start_2:
0x13e: {  	(tag) =	ssettag $0x2  }
0x13f: {  	s0 =	rddreg [dreg:$0x0];
	s2 =	stileid.u32  }
0x140: {  	s1 =	rddreg [dreg:$0x1];
	p0 =	sne.s32 s2, $0x0  }
0x141: {  	s3 =	rddreg [dreg:$0x2];
	[bflag:$0x3] =	sbarrier.arrive $0xFFFF;
	s2 =	simm.s32 @!p0 $0x1C01  }
0x142: {  	[timem:s3], [sflag:s2] =	dma.local @!p0 [hbm:s0], s1  }
0x143: {  	s0 =	simm.s32 @!p0 $0x1  }
0x144: {  	_ =	swait.ge @!p0 [sflag:s0], s1  }
0x145: {  	s1 =	ssub.s32 @!p0 $0x0, s1;
	[sflag:s0] =	ssyncset.done @!p0 $0x0  }
0x146: {  	[sflag:s0] =	ssyncadd.s32 @!p0 s1  }
0x147: {  	[bflag:$0x3] =	sbarrier.arrive $0xFFFF  }
0x148: {  	_ =	shalt  }

// kernel: scatter_offload_async_start.7
scs
__scs_entry_jumppad:
0x0: {  	(pc) =	sbr.rel $0x88, $3  }
0x1: {  	(tag) =	ssettag $0x0;
	lr =	simm.s32 $0x1  }
0x2: {  	[smem:$0x3F7A] =	sst lr;
	_ =	strace $0xD0000000  }
0x3: {  	_ = 	snop  }
0x4: {  	_ = 	snop  }
0x5: {  	_ = 	snop  }
0x6: {  	_ = 	snop  }
0x7: {  	_ = 	snop  }
__scs_overlays_trampoline_lowered:
0x8: {  	[smem:$0x3F89] =	sst s0  }
0x9: {  	[smem:$0x3F8A] =	sst s1  }
0xa: {  	[smem:$0x3F8B] =	sst s2  }
0xb: {  	[smem:$0x3F8C] =	sst s3  }
0xc: {  	[smem:$0x3F8D] =	sst s4  }
0xd: {  	[smem:$0x3F8E] =	sst s5  }
0xe: {  	[smem:$0x3F8F] =	sst s6  }
0xf: {  	[smem:$0x3F90] =	sst s7  }
0x10: {  	[smem:$0x3F91] =	sst s8  }
0x11: {  	[smem:$0x3F92] =	sst s9;
	s0 =	simm.s32 @!p0 $0x0  }
0x12: {  	s1 =	sld [smem:$0x3F78];
	s0 =	simm.s32 @p0 $0x1  }
0x13: {  	[smem:$0x3F93] =	sst s0;
	s0 =	simm.s32 @!p1 $0x0  }
0x14: {  	s2 =	sld [smem:$0x3F77];
	s0 =	simm.s32 @p1 $0x1  }
0x15: {  	[smem:$0x3F94] =	sst s0;
	s0 =	simm.s32 @!p2 $0x0  }
0x16: {  	s3 =	sld [smem:$0x3FDB];
	s0 =	simm.s32 @p2 $0x1  }
0x17: {  	s4 =	simm.s32 $0x1BF5;
	[smem:$0x3F96] =	sst s0  }
0x18: {  	s0 =	sld [smem:$0x3F79];
	_ =	swait.ge [sflag:s4], $0x0  }
0x19: {  	s7 =	sld [smem:$0x3F7A]  }
0x1a: {  	s8 =	sadd.s32 $0xFFFFE003, lr  }
0x1b: {  	s9 =	sadd.s32 $0xFFFFFEF7, lr;
	s5 =	simm.s32 $0xFFFFFFFF;
	p2 =	slt.u32 s8, $0xFFFFF086  }
0x1c: {  	p1 =	slt.u32 s9, $0xF7A;
	s5 =	simm.s32 @!p2 $0x0  }
0x1d: {  	s5 =	simm.s32 @p1 $0x1;
	p0 =	seq.s32 s7, s2  }
0x1e: {  	s7 =	smul.u32 @!p0 $0xF7A, s2;
	p2 =	seq.s32 @!p0 s5, $0x0  }
0x1f: {  	s9 =	smul.u32 $0xF7A, s1;
	s8 =	simm.s32 @!p0 $0x1BF5;
	p2 =	por !p2, p0  }
0x20: {  	[sflag:s8] =	ssyncset.s32 @!p0 $0xFFFFF086;
	s6 =	sadd.s32 @!p0 s3, s7;
	s7 =	simm.s32 @!p0 $0x108  }
0x21: {  	s3 =	sadd.s32 s3, s9;
	s6 =	sadd.s32 @!p0 $0x88, s6;
	s7 =	simm.s32 @p2 $0x1082  }
0x22: {  	[simem:s7], [sflag:s8] =	dma.local @!p0 [hbm:s6], $0xF7A  }
0x23: {  	s9 =	sor.u32 $0xD0000000, s2;
	s6 =	simm.s32 $0x108;
	_ =	swait.ge @!p0 [sflag:s8], $0x0  }
0x24: {  	s3 =	sadd.s32 $0x88, s3;
	s6 =	simm.s32 @!p1 $0x1082;
	[sflag:s4] =	ssyncset.s32 $0xFFFFF086  }
0x25: {  	[simem:s6], [sflag:s4] =	dma.local [hbm:s3], $0xF7A  }
0x26: {  	[smem:$0x3F7A] =	sst s1;
	(tag) =	ssettag s2;
	_ =	strace s9  }
0x27: {  	s1 =	sld [smem:$0x3F8A]  }
0x28: {  	s2 =	sld [smem:$0x3F8B]  }
0x29: {  	s4 =	sld [smem:$0x3F8D]  }
0x2a: {  	p0 =	seq.s32 s5, $0x0;
	s5 =	sld [smem:$0x3F8E]  }
0x2b: {  	s6 =	sld [smem:$0x3F8F]  }
0x2c: {  	s7 =	sld [smem:$0x3F90]  }
0x2d: {  	s3 =	simm.s32 $0x108;
	s8 =	sld [smem:$0x3F91]  }
0x2e: {  	s3 =	simm.s32 @!p0 $0x1082;
	s9 =	sld [smem:$0x3F92]  }
0x2f: {  	lr =	sadd.s32 s0, s3;
	s0 =	sld [smem:$0x3F89]  }
0x30: {  	s3 =	sld [smem:$0x3F8C]  }
0x31: {  	[smem:$0x3F95] =	sst s10  }
0x32: {  	s10 =	sld [smem:$0x3F93];
	_ =	sdelay $0x3  }
0x33: {  	p0 =	seq.s32 s10, $0x1;
	s10 =	sld [smem:$0x3F95];
	_ =	sdelay $0x3  }
0x34: {  	[smem:$0x3F95] =	sst s10  }
0x35: {  	s10 =	sld [smem:$0x3F94];
	_ =	sdelay $0x3  }
0x36: {  	p1 =	seq.s32 s10, $0x1;
	s10 =	sld [smem:$0x3F95];
	_ =	sdelay $0x3  }
0x37: {  	[smem:$0x3F95] =	sst s10  }
0x38: {  	s10 =	sld [smem:$0x3F96]  }
0x39: {  	_ = 	snop;
	(pc) =	sbr.ind lr, $3  }
0x3a: {  	_ = 	snop  }
0x3b: {  	_ = 	snop  }
0x3c: {  	p2 =	seq.s32 s10, $0x1;
	s10 =	sld [smem:$0x3F95]  }
0x3d: {  	_ =	shalt  }
0x3e: {  	_ =	shalt  }
0x3f: {  	_ =	shalt  }
0x40: {  	_ =	shalt  }
0x41: {  	_ =	shalt  }
0x42: {  	_ =	shalt  }
0x43: {  	_ =	shalt  }
0x44: {  	_ =	shalt  }
0x45: {  	_ =	shalt  }
0x46: {  	_ =	shalt  }
0x47: {  	_ =	shalt  }
0x48: {  	_ =	shalt  }
0x49: {  	_ =	shalt  }
0x4a: {  	_ =	shalt  }
0x4b: {  	_ =	shalt  }
0x4c: {  	_ =	shalt  }
0x4d: {  	_ =	shalt  }
0x4e: {  	_ =	shalt  }
0x4f: {  	_ =	shalt  }
0x50: {  	_ =	shalt  }
0x51: {  	_ =	shalt  }
0x52: {  	_ =	shalt  }
0x53: {  	_ =	shalt  }
0x54: {  	_ =	shalt  }
0x55: {  	_ =	shalt  }
0x56: {  	_ =	shalt  }
0x57: {  	_ =	shalt  }
0x58: {  	_ =	shalt  }
0x59: {  	_ =	shalt  }
0x5a: {  	_ =	shalt  }
0x5b: {  	_ =	shalt  }
0x5c: {  	_ =	shalt  }
0x5d: {  	_ =	shalt  }
0x5e: {  	_ =	shalt  }
0x5f: {  	_ =	shalt  }
0x60: {  	_ =	shalt  }
0x61: {  	_ =	shalt  }
0x62: {  	_ =	shalt  }
0x63: {  	_ =	shalt  }
0x64: {  	_ =	shalt  }
0x65: {  	_ =	shalt  }
0x66: {  	_ =	shalt  }
0x67: {  	_ =	shalt  }
0x68: {  	_ =	shalt  }
0x69: {  	_ =	shalt  }
0x6a: {  	_ =	shalt  }
0x6b: {  	_ =	shalt  }
0x6c: {  	_ =	shalt  }
0x6d: {  	_ =	shalt  }
0x6e: {  	_ =	shalt  }
0x6f: {  	_ =	shalt  }
0x70: {  	_ =	shalt  }
0x71: {  	_ =	shalt  }
0x72: {  	_ =	shalt  }
0x73: {  	_ =	shalt  }
0x74: {  	_ =	shalt  }
0x75: {  	_ =	shalt  }
0x76: {  	_ =	shalt  }
0x77: {  	_ =	shalt  }
0x78: {  	_ =	shalt  }
0x79: {  	_ =	shalt  }
0x7a: {  	_ =	shalt  }
0x7b: {  	_ =	shalt  }
0x7c: {  	_ =	shalt  }
0x7d: {  	_ =	shalt  }
0x7e: {  	_ =	shalt  }
0x7f: {  	_ =	shalt  }
0x80: {  	_ =	shalt  }
0x81: {  	_ =	shalt  }
0x82: {  	_ =	shalt  }
0x83: {  	_ =	shalt  }
0x84: {  	_ =	shalt  }
0x85: {  	_ =	shalt  }
0x86: {  	_ =	shalt  }
0x87: {  	_ =	shalt  }
.Lfunc_end0:
.L_simem_size_0:
called_computation_lowered:
.L_overlay_start_0:
0x88: {  	s2 =	sld [smem:$0x3FD9]  }
0x89: {  	s3 =	sld [smem:$0x3FFE];
	_ =	sdelay $0x1  }
0x8a: {  	s1 =	srdreg.scid  }
0x8b: {  	s0 =	sand.u32 $0x1, s1  }
0x8c: {  	s15 =	sshll.u32 s0, $0xA;
	s2 =	sadd.s32 s3, s2  }
0x8d: {  	s2 =	sadd.s32 s2, s15  }
0x8e: {  	[smem:$0x3FA1] =	sst s2  }
0x8f: {  	_ = 	snop  }
0x90: {  	(tm) =	ssettm $0x1  }
0x91: {  	s16 =	sld [smem:$0x3FFB];
	_ =	sdelay $0x3  }
0x92: {  	_ =	strace s16  }
0x93: {  	s2 =	sld [smem:$0x3FFC];
	_ =	sdelay $0x3  }
0x94: {  	_ =	strace s2  }
0x95: {  	s2 =	sld [smem:$0x3FFD];
	_ =	sdelay $0x3  }
0x96: {  	_ =	strace s2  }
0x97: {  	_ =	strace $0x8FFFFFFF  }
0x98: {  	s17 =	sld [smem:$0x3FDB];
	_ =	sdelay $0x1  }
0x99: {  	s18 =	simm.s32 $_scs_section_size  }
0x9a: {  	s4 =	simm.s32 $_size__tile_overlayer_lowered;
	s5 =	simm.s32 $_tile_overlayer_lowered  }
0x9b: {  	s21 =	simm.s32 $0x1BFF;
	s20 =	sshll.u32 s5, $0x1;
	s2 =	sadd.s32 s18, s17  }
0x9c: {  	s6 =	simm.s32 $0x0;
	s19 =	sshll.u32 s4, $0x1;
	s4 =	sadd.s32 s20, s2  }
0x9d: {  	[timem:s6], [sflag:s21] =	dma.local [hbm:s4], s19  }
0x9e: {  	_ =	swait.ge [sflag:s21], s19  }
0x9f: {  	s3 =	ssub.s32 $0x0, s19;
	[sflag:s21] =	ssyncset.done $0x0  }
0xa0: {  	[sflag:s21] =	ssyncadd.s32 s3;
	_ =	sdelay $0x1  }
0xa1: {  	s22 =	simm.s32 $0x1B8B  }
0xa2: {  	_ =	swait.ge [sflag:s22], $0x1  }
0xa3: {  	[sflag:s22] =	ssyncset.done $0x0  }
0xa4: {  	s23 =	sld [smem:$0x3FFE];
	[sflag:s22] =	ssyncadd.s32 $0xFFFFFFFF  }
0xa5: {  	s25 =	simm.s32 $0x1B8E;
	s24 =	sld [smem:$0x0]  }
0xa6: {  	s26 =	simm.s32 $execute0_lowered;
	[smem:$0x3FD2] =	sst s25  }
0xa7: {  	s5 =	sshll.u32 s26, $0x1;
	_ =	strace $0x8000004C;
	[dreg:$0x1] =	wrdreg $0xFFFFFFFF  }
0xa8: {  	s28 =	simm.s32 $_size_execute0_lowered;
	s2 =	sadd.s32 s2, s5;
	[dreg:$0x0] =	wrdreg $0x0  }
0xa9: {  	s5 =	sshll.u32 s28, $0x1;
	[dreg:$0x2] =	wrdreg s2  }
0xaa: {  	[dreg:$0x3] =	wrdreg s5  }
0xab: {  	[dreg:$0x4] =	wrdreg $0xC0  }
0xac: {  	_ =	task [dreg:s6], $0x5FFFF  }
0xad: {  	[dreg:$0x1] =	wrdreg $0xFFFFFFFF  }
0xae: {  	[dreg:$0x0] =	wrdreg $0x60  }
0xaf: {  	[dreg:$0x2] =	wrdreg s23  }
0xb0: {  	[dreg:$0x3] =	wrdreg s1  }
0xb1: {  	[dreg:$0x4] =	wrdreg s24  }
0xb2: {  	[dreg:$0x5] =	wrdreg $0x9  }
0xb3: {  	_ =	task.clear_ibuf [dreg:s6], $0x6FFFF;
	_ =	strace $0x9000004C  }
0xb4: {  	s29 =	simm.s32 $0x9;
	_ =	strace $0x8000004E  }
0xb5: {  	_ =	swait.ge [sflag:s29], $0x1  }
0xb6: {  	[sflag:s29] =	ssyncadd.s32 $0xFFFFFFFF  }
0xb7: {  	_ =	strace $0x9000004E  }
0xb8: {  	_ =	sfence  }
0xb9: {  	s30 =	sld [smem:$0x0];
	_ =	sdelay $0x2  }
0xba: {  	s31 =	sshll.u32 s1, $0xD;
	s1 =	sshrl.u32 s1, $0x2  }
0xbb: {  	s3 =	sand.u32 $0x4000, s31;
	s1 =	sadd.s32 s1, s30  }
0xbc: {  	s0 =	sor.u32 s3, s0;
	s1 =	sshll.u32 s1, $0x11  }
0xbd: {  	s0 =	sor.u32 s1, s0  }
0xbe: {  	s0 =	sadd.s32 $0x8F2B, s0  }
0xbf: {  	[sflag:s0] =	ssyncadd.remote.s32 $0x1  }
0xc0: {  	_ =	sfence.sel $0xFFFF  }
0xc1: {  	[dreg:$0x0] =	wrdreg $0xFFFFFFFF;
	(pc) =	sbr.abs _section_cstart, $3  }
0xc2: {  	[dreg:$0x1] =	wrdreg $0xFFFFFFFF  }
0xc3: {  	_ =	task.clear_ibuf [dreg:s6], $0x2FFFF;
	_ =	strace $0x9FFFFFFF  }
0xc4: {  	(tm) =	ssettm $0x7FFFFFFF  }
0xc5: {  	_ =	shalt  }
tec
execute0_lowered:
.L_overlay_start_1:
0x0: {  	(tag) =	ssettag $0x1  }
0x1: {  	s2 =	rddreg [dreg:$0x0]  }
0x2: {  	s3 =	rddreg [dreg:$0x1];
	_ =	strace $0x8000004D;
	s0 =	simm.s32 $0x1  }
0x3: {  	v0 =	vimm.s32 $0x0;
	[sflag:s0] =	ssyncpa.u1 $0x0;
	s0 =	simm.s32 $0x108  }
0x4: {  	[tilespmem:s0+$0x70] =	vst v0  }
0x5: {  	[tilespmem:s0+$0x60] =	vst v0  }
0x6: {  	[tilespmem:s0+$0x50] =	vst v0  }
0x7: {  	[tilespmem:s0+$0x40] =	vst v0  }
0x8: {  	s1 =	sadd.s32 $0xF6800, s2;
	[tilespmem:s0+$0x30] =	vst v0  }
0x9: {  	s15 =	sadd.s32 $0x501E00, s2;
	s6 =	sadd.s32 $0x13C8800, s2;
	[tilespmem:s0+$0x20] =	vst v0  }
0xa: {  	s14 =	sadd.s32 $0x50BC00, s2;
	s5 =	sand.u32 $0x1, s3;
	s3 =	simm.s32 $0x40;
	[tilespmem:s0+$0x10] =	vst v0  }
.LBB2_1:
0xb: {  	s3 =	sadd.s32 $0x40, s3;
	[tilespmem:s0+$0x0] =	vst v0;
	s0 =	sadd.s32 $0x80, s0  }
0xc: {  	p0 =	slt.u32 s3, $0x3C40;
	[tilespmem:s0+$0x70] =	vst v0  }
0xd: {  	[tilespmem:s0+$0x60] =	vst v0  }
.Ltmp0:
0xe: {  	[tilespmem:s0+$0x50] =	vst v0;
	(pc) =	sbr.rel @p0 .LBB2_1-.Ltmp0, $4  }
0xf: {  	[tilespmem:s0+$0x40] =	vst v0  }
0x10: {  	[tilespmem:s0+$0x30] =	vst v0  }
0x11: {  	[tilespmem:s0+$0x20] =	vst v0  }
0x12: {  	[tilespmem:s0+$0x10] =	vst v0  }
0x13: {  	s9 =	stileid.u32  }
0x14: {  	s2 =	smul.u32 $0x29, s9  }
0x15: {  	s3 =	smin.u32 s9, $0xB  }
0x16: {  	s2 =	sadd.s32 s3, s2  }
0x17: {  	p0 =	slt.u32 s9, $0xB;
	s7 =	smul.u32 $0xF0, s2;
	s2 =	simm.s32 $0x2760  }
0x18: {  	s2 =	simm.s32 @!p0 $0x2670  }
0x19: {  	s2 =	sadd.s32 s2, s7  }
0x1a: {  	s8 =	smin.u32 s2, $0x27140  }
0x1b: {  	s2 =	ssub.s32 s8, s7  }
0x1c: {  	p0 =	sgt.s32 s2, $0x0  }
0x1d: {  	s29 =	simm.s32 $0x2;
	s10 =	simm.s32 $0x9;
	s2 =	simm.s32 @!p0 $0x0  }
0x1e: {  	s4 =	simm.s32 $0xA;
	s11 =	simm.s32 $0xB;
	s28 =	smulhi.u32 $0x88888889, s2  }
0x1f: {  	[dreg:$0x4] =	wrdreg s5;
	s31 =	smul.u32 $0x4E28, s5;
	s12 =	simm.s32 $0x1  }
0x20: {  	s22 =	simm.s32 $0x0;
	s18 =	simm.s32 $0xC;
	s30 =	sshrl.u32 s28, $0x7  }
0x21: {  	s20 =	simm.s32 $0x0;
	s21 =	simm.s32 $0x0;
	s3 =	smul.u32 $0xF0, s30  }
.Ltmp1:
0x22: {  	[tilespmem:s0+$0x0] =	vst v0;
	v0 =	vimm.s32 $0xFFFFFFFF;
	[sflag:s29] =	ssyncpa.u1 $0x0;
	s16 =	sshll.u32 s9, $0x8;
	(pc) =	sbr.rel .LBB2_3-.Ltmp1, $4  }
0x23: {  	[tilespmem:$0xF208] =	vst v0;
	[sflag:s10] =	ssyncpa.u1 $0x0;
	p0 =	sne.s32 s2, s3;
	s2 =	simm.s32 $0x1  }
0x24: {  	s14 =	sadd.s32 s31, s14;
	[sflag:s4] =	ssyncpa.u1 $0x0;
	s2 =	simm.s32 @!p0 $0x0  }
0x25: {  	s15 =	sadd.s32 s31, s15;
	[sflag:s11] =	ssyncpa.u1 $0x0;
	s13 =	sadd.s32 s2, s30  }
0x26: {  	v0 =	vlaneseq.u32;
	s19 =	smov.u32 s7;
	p0 =	por $0x0, $0x0;
	s17 =	sadd.s32 $0x1, s13  }
.LBB2_18:
0x27: {  	s0 =	sshrl.u32 s31, $0x2  }
.LBB2_20:
0x28: {  	_ =	swait.ge [sflag:s18], s0  }
0x29: {  	s31 =	ssub.s32 $0x0, s0;
	v1 =	vmov s24;
	vm0 =	veq.s32 v0, $0x0;
	[sflag:s18] =	ssyncset.done $0x0  }
0x2a: {  	vm15 =	veq.s32 v0, $0x2;
	v1 =	vsel vm0, s30, v1;
	[sflag:s18] =	ssyncadd.s32 s31  }
0x2b: {  	v1 =	vsel vm15, s22, v1;
	[sflag:s18] =	ssyncpa.u1 $0x1  }
0x2c: {  	[tilespmem:$0xF208] =	vst v1  }
.LBB2_21:
0x2d: {  	s0 =	sadd.s32 $0xF0, s19  }
0x2e: {  	s2 =	smov.u32 s7;
	p1 =	slt.s32 s0, s8  }
0x2f: {  	s2 =	smov.u32 @p1 s0;
	p1 =	sne.s32 s21, s17  }
.Ltmp2:
0x30: {  	_ = 	snop;
	(pc) =	sbr.rel @!p1 .LBB2_22-.Ltmp2, $3  }
0x31: {  	_ =	sdelay $0x1  }
0x32: {  	s22 =	smov.u32 s20;
	s31 =	sadd.s32 $0x1, s21;
	s20 =	smov.u32 s19  }
0x33: {  	p0 =	por !p0, !p0;
	s21 =	smov.u32 s31;
	s19 =	smov.u32 s2  }
.LBB2_3:
0x34: {  	p1 =	sge.u32 s21, s13  }
0x35: {  	s0 =	smulhi.u32 @!p1 $0xAAAAAAAB, s21  }
0x36: {  	s2 =	smov.u32 s19;
	p2 =	sgt.s32 @!p1 s19, $0x27050  }
0x37: {  	s3 =	sshra.s32 @!p1 s19, $0x1F;
	p2 =	por !p2, p1;
	s0 =	sshrl.u32 @!p1 s0, $0x1  }
0x38: {  	s3 =	sand.u32 @!p1 s3, s19;
	s2 =	simm.s32 @p2 $0x27050;
	s0 =	smul.u32 @!p1 $0x3, s0  }
0x39: {  	s2 =	ssub.s32 @!p1 s2, s3  }
0x3a: {  	s2 =	sadd.s32 @!p1 $0xFFFD8FB0, s2;
	s0 =	ssub.s32 @!p1 s21, s0  }
0x3b: {  	s3 =	sshll.u32 @!p1 s2, $0x2;
	p2 =	sgt.s32 @!p1 s2, $0xEF;
	s0 =	smul.u32 @!p1 $0x3C0, s0  }
0x3c: {  	s4 =	sand.u32 @!p1 $0x7, s19;
	s2 =	ssub.s32 @!p1 $0x3C0, s3;
	p2 =	por !p2, p1  }
0x3d: {  	s3 =	sshrl.u32 @!p1 s19, $0x3;
	s2 =	sshrl.u32 @!p1 s2, $0x2;
	s0 =	sshrl.u32 @!p1 s0, $0x2  }
0x3e: {  	s3 =	sadd.s32 @!p1 s3, s14;
	s2 =	simm.s32 @!p2 $0x0;
	s0 =	sadd.s32 @!p1 $0x10248, s0  }
0x3f: {  	[tilespmem:s0], [sflag:$0xA] =	stream.linear.gather @!p1 [hbm4b:s3+s4], s2, $0x38;
	[tilespmem:$0x1F6F8] =	vst v63  }
0x40: {  	s0 =	sadd.s32 $0xFFFFFFFF, s21  }
0x41: {  	p1 =	sge.u32 s0, s13  }
0x42: {  	p2 =	sgt.s32 @!p1 s20, $0x27050  }
0x43: {  	s2 =	smov.u32 s20;
	s3 =	sshra.s32 @!p1 s20, $0x1F;
	p2 =	por !p2, p1  }
0x44: {  	s3 =	sand.u32 @!p1 s3, s20;
	s2 =	simm.s32 @p2 $0x27050  }
0x45: {  	s2 =	ssub.s32 @!p1 s2, s3  }
0x46: {  	s2 =	sadd.s32 @!p1 $0xFFFD8FB0, s2  }
0x47: {  	s4 =	sand.u32 @!p1 $0x1, s0;
	s3 =	sshll.u32 @!p1 s2, $0x2  }
0x48: {  	p2 =	sgt.s32 @!p1 s2, $0xEF;
	s2 =	ssub.s32 @!p1 $0x3C0, s3;
	s3 =	smulhi.u32 @!p1 $0xAAAAAAAB, s0  }
0x49: {  	s23 =	smul.u32 @!p1 $0x3C0, s4;
	p2 =	por !p2, p1;
	s2 =	sshrl.u32 @!p1 s2, $0x2  }
0x4a: {  	s5 =	simm.s32 @!p1 $0xA;
	s2 =	simm.s32 @!p2 $0x0;
	s3 =	sshrl.u32 @!p1 s3, $0x1  }
0x4b: {  	s23 =	sshrl.u32 @!p1 s23, $0x2;
	_ =	swait.ge @!p1 [sflag:s5], s2;
	s3 =	smul.u32 @!p1 $0x3, s3  }
0x4c: {  	s23 =	sadd.s32 @!p1 $0x10518, s23;
	s24 =	ssub.s32 @!p1 $0x0, s2;
	[sflag:s5] =	ssyncset.done @!p1 $0x0  }
0x4d: {  	[sflag:s5] =	ssyncadd.s32 @!p1 s24;
	s5 =	sshrl.u32 @!p1 s20, $0x3;
	s0 =	ssub.s32 @!p1 s0, s3  }
0x4e: {  	s24 =	sand.u32 @!p1 $0x7, s20;
	s5 =	sadd.s32 @!p1 s5, s15;
	s0 =	smul.u32 @!p1 $0x3C0, s0  }
0x4f: {  	[tilespmem:s23], [sflag:$0xB] =	stream.linear.gather @!p1 [hbm4b:s5+s24], s2, $0x38;
	[tilespmem:$0x1F6F8] =	vst v63  }
0x50: {  	s3 =	ssub.s32 @!p1 $0x27140, s20;
	s2 =	smul.u32 @!p1 $0x1E000, s4  }
0x51: {  	p2 =	slt.s32 @!p1 s3, $0xF0  }
0x52: {  	p2 =	por !p2, p1;
	s0 =	sshrl.u32 @!p1 s0, $0x2;
	s2 =	sshrl.u32 @!p1 s2, $0x2  }
0x53: {  	s3 =	simm.s32 @p2 $0xF0;
	s0 =	sadd.s32 @!p1 $0x10248, s0;
	s2 =	sor.u32 @!p1 $0x106F8, s2  }
0x54: {  	[tilespmem:s2], [sflag:$0x9] =	stream.indirect.gather @!p1 [hbm4b:s6+s3], $0x80, s0, s3, $0xb8;
	[tilespmem:$0x1F6F8] =	vst v63  }
0x55: {  	p1 =	slt.u32 s21, $0x2  }
.Ltmp3:
0x56: {  	_ = 	snop;
	(pc) =	sbr.rel @p1 .LBB2_21-.Ltmp3, $1  }
0x57: {  	_ =	sdelay $0x3  }
0x58: {  	p1 =	sgt.s32 s22, $0x27050  }
0x59: {  	s0 =	smov.u32 s22;
	s2 =	sshra.s32 s22, $0x1F;
	s3 =	ssub.s32 $0x27140, s22  }
0x5a: {  	s0 =	simm.s32 @!p1 $0x27050;
	s2 =	sand.u32 s2, s22;
	p1 =	slt.s32 s3, $0xF0  }
0x5b: {  	s0 =	ssub.s32 s0, s2;
	s3 =	simm.s32 @!p1 $0xF0  }
0x5c: {  	s0 =	sadd.s32 $0xFFFD8FB0, s0;
	s25 =	sshll.u32 s3, $0x7  }
0x5d: {  	s26 =	sshll.u32 s0, $0x2;
	s2 =	sand.u32 $0x3FFFFF80, s25  }
0x5e: {  	p1 =	sgt.s32 s0, $0xEF;
	s29 =	ssub.s32 $0x3C0, s26;
	_ =	swait.ge [sflag:s10], s2  }
0x5f: {  	s2 =	ssub.s32 $0x0, s2;
	[sflag:s10] =	ssyncset.done $0x0;
	s0 =	sshrl.u32 s29, $0x2  }
0x60: {  	[sflag:s10] =	ssyncadd.s32 s2;
	s0 =	simm.s32 @p1 $0x0  }
0x61: {  	_ =	swait.ge [sflag:s11], s0  }
0x62: {  	s0 =	ssub.s32 $0x0, s0;
	[sflag:s11] =	ssyncset.done $0x0  }
0x63: {  	[sflag:s11] =	ssyncadd.s32 s0  }
0x64: {  	v1 =	vld [tilespmem:$0xF208];
	_ =	sdelay $0x4  }
0x65: {  	(v2sf) =	vpush v1, $0x0  }
0x66: {  	(v2sf) =	vpush v1, $0x1  }
0x67: {  	(v2sf) =	vpush v1, $0x2;
	_ =	sdelay $0x3  }
0x68: {  	s0 =	sadd.s32 $0xF0, s22  }
0x69: {  	s2 =	ssub.s32 $0x4E280, s22;
	p1 =	slt.s32 s8, s0  }
0x6a: {  	s0 =	smov.u32 @p1 s8;
	p1 =	sgt.s32 s2, $0x0  }
0x6b: {  	s26 =	ssub.s32 s0, s22;
	s2 =	simm.s32 @!p1 $0x0  }
0x6c: {  	p1 =	slt.s32 s2, s26  }
0x6d: {  	s26 =	smov.u32 @p1 s2  }
0x6e: {  	s25 =	simm.s32 $0x1;
	p1 =	slt.s32 s26, $0x1  }
.Ltmp4:
0x6f: {  	s25 =	simm.s32 @!p0 $0x0;
	(pc) =	sbr.rel @p1 .LBB2_8-.Ltmp4, $4  }
0x70: {  	s31 =	smul.u32 $0x3C0, s25  }
0x71: {  	s28 =	spop (v2sf)  }
0x72: {  	s0 =	sshrl.u32 s31, $0x2;
	s30 =	spop (v2sf)  }
0x73: {  	s23 =	sadd.s32 $0x10518, s0;
	s22 =	spop (v2sf)  }
0x74: {  	s0 =	smin.u32 s26, $0x10  }
0x75: {  	v1 =	vmov s0  }
0x76: {  	p2 =	sgt.s32 s26, $0x10;
	vm1 =	vgt.u32 v1, v0  }
.Ltmp5:
0x77: {  	_ = 	snop;
	(pc) =	sbr.rel @!p2 .LBB2_7-.Ltmp5, $2  }
0x78: {  	_ =	sdelay $0x2  }
0x79: {  	s4 =	simm.s32 $0x10;
	s24 =	sadd.s32 $0xFFFFFFF0, s26;
	s0 =	smov.u32 s23;
	vm0 =	vmmov vm1  }
.LBB2_6:
0x7a: {  	s2 =	smin.u32 s24, $0x10;
	s4 =	sadd.s32 $0x10, s4;
	v1 =	vld.msk [tilespmem:s0+$0x0 ss:$0x1], vm1  }
0x7b: {  	v2 =	vmov s2;
	p2 =	slt.s32 s4, s26  }
0x7c: {  	vm1 =	vgt.u32 v2, v0  }
.Ltmp6:
0x7d: {  	(pc) =	sbr.rel @p2 .LBB2_6-.Ltmp6, $3  }
0x7e: {  	_ =	sdelay $0x1  }
0x7f: {  	v1 =	vshll.u32 v1, $0x4  }
0x80: {  	s24 =	sadd.s32 $0xFFFFFFF0, s24;
	[tilespmem:s0+$0x0] =	vst.msk vm0, v1;
	s0 =	sadd.s32 $0x10, s0;
	vm0 =	vmmov vm1  }
.LBB2_7:
0x81: {  	_ =	sdelay $0x4  }
0x82: {  	v1 =	vld.msk [tilespmem:s0+$0x0 ss:$0x1], vm1;
	_ =	sdelay $0x4  }
0x83: {  	v1 =	vshll.u32 v1, $0x4  }
0x84: {  	[tilespmem:s0+$0x0] =	vst.msk vm0, v1  }
.LBB2_8:
0x85: {  	s0 =	sand.u32 $0x1, s21  }
0x86: {  	s0 =	smul.u32 $0xF0, s0  }
0x87: {  	p2 =	sne.s32 s30, $0xFFFFFFFF  }
0x88: {  	v1 =	vld.msk @!p2 [tilespmem:s0+$0x10518], $0x1;
	_ =	sdelay $0x4  }
0x89: {  	(v2sf) =	vpush @!p2 v1, $0x0;
	_ =	sdelay $0xc  }
.Ltmp7:
0x8a: {  	_ = 	snop;
	(pc) =	sbr.rel @p1 .LBB2_19-.Ltmp7, $4  }
0x8b: {  	_ = 	snop  }
0x8c: {  	s29 =	spop @!p2 (v2sf)  }
0x8d: {  	s22 =	simm.s32 @!p2 $0x0;
	s24 =	smov.u32 s29  }
0x8e: {  	[sflag:s18] =	ssyncpa.u1 $0x0;
	s29 =	smov.u32 @p2 s28;
	s24 =	smov.u32 @p2 s30  }
0x8f: {  	v1 =	vld.msk [tilespmem:s23+$0x0], $0x1;
	_ =	sdelay $0x4  }
0x90: {  	(v2sf) =	vpush v1, $0x0;
	_ =	sdelay $0xe  }
0x91: {  	s2 =	smul.u32 $0x1E000, s25;
	s0 =	spop (v2sf)  }
0x92: {  	s26 =	ssub.s32 $0x0, s26;
	p1 =	seq.s32 s29, s0  }
0x93: {  	s30 =	sadd.s32 $0x1, s26;
	s2 =	sshrl.u32 s2, $0x2;
	p2 =	sgt.s32 @!p1 s29, $0x0  }
0x94: {  	s25 =	sor.u32 $0x10738, s2;
	s2 =	smov.u32 s29;
	p2 =	por !p2, p1  }
0x95: {  	s2 =	simm.s32 @p2 $0x0;
	p2 =	seq.s32 s30, $0x0  }
.Ltmp8:
0x96: {  	_ = 	snop;
	(pc) =	sbr.rel @p2 .LBB2_11-.Ltmp8, $4  }
0x97: {  	_ = 	snop  }
0x98: {  	s28 =	simm.s32 $0x0;
	s31 =	sadd.s32 $0x1, s23;
	s2 =	smin.u32 @!p1 s2, $0x27170  }
0x99: {  	s4 =	simm.s32 @!p1 $0x1;
	s5 =	simm.s32 @!p1 $0x7988;
	s3 =	sand.u32 @!p1 $0x3FFF8, s2  }
0x9a: {  	s4 =	smov.u32 @p1 s28;
	s2 =	sand.u32 @!p1 $0x7, s2;
	s3 =	sadd.s32 @!p1 s1, s3  }
.LBB2_10:
0x9b: {  	s9 =	smov.u32 s4  }
0x9c: {  	[tilespmem:s5], [sflag:$0x2] =	stream.linear.gather @!p1 [hbm4b:s3+s2], $0x80, $0x38;
	[tilespmem:$0x1F6F8] =	vst v63  }
0x9d: {  	s30 =	sadd.s32 $0x1, s30;
	s2 =	smov.u32 s0;
	v1 =	vld.msk [tilespmem:s31+$0x0], $0x1  }
0x9e: {  	p2 =	seq.s32 s30, $0x0;
	_ =	sdelay $0x3  }
0x9f: {  	(v2sf) =	vpush v1, $0x0;
	_ =	sdelay $0xe  }
0xa0: {  	s0 =	spop (v2sf)  }
0xa1: {  	p1 =	seq.s32 s2, s0  }
0xa2: {  	p3 =	sgt.s32 @!p1 s2, $0x0;
	s3 =	sshll.u32 @!p1 s4, $0x9;
	s4 =	sadd.s32 @!p1 $0x1, s4  }
.Ltmp9:
0xa3: {  	p3 =	por !p3, p1;
	s3 =	sshra.s32 @!p1 s3, $0x2;
	(pc) =	sbr.rel @!p2 .LBB2_10-.Ltmp9, $4  }
0xa4: {  	s4 =	smov.u32 @p1 s9;
	s2 =	simm.s32 @p3 $0x0;
	s5 =	sadd.s32 @!p1 $0x7988, s3  }
0xa5: {  	s2 =	smin.u32 @!p1 s2, $0x27170  }
0xa6: {  	s3 =	sand.u32 @!p1 $0x3FFF8, s2;
	s2 =	sand.u32 @!p1 $0x7, s2  }
0xa7: {  	s31 =	sadd.s32 $0x1, s31;
	s3 =	sadd.s32 @!p1 s1, s3  }
.LBB2_11:
0xa8: {  	[tilespmem:s5], [sflag:$0x2] =	stream.linear.gather @!p1 [hbm4b:s3+s2], $0x80, $0x38;
	[tilespmem:$0x1F6F8] =	vst v63  }
.Ltmp10:
0xa9: {  	s0 =	sshll.u32 s4, $0x7;
	(pc) =	sbr.rel .LBB2_12-.Ltmp10, $4  }
0xaa: {  	s30 =	simm.s32 $0x2;
	s0 =	sand.u32 $0x3FFFFF80, s0  }
0xab: {  	_ =	swait.ge [sflag:s30], s0  }
0xac: {  	s0 =	ssub.s32 $0x0, s0;
	[sflag:s30] =	ssyncset.done $0x0  }
0xad: {  	s31 =	simm.s32 $0x0;
	[sflag:s30] =	ssyncadd.s32 s0  }
.LBB2_13:
0xae: {  	v1 =	vld [tilespmem:s25+$0xFFFFFFC0];
	_ =	sdelay $0x3  }
0xaf: {  	s0 =	sshra.s32 s0, $0x2  }
0xb0: {  	[tilespmem:s0+$0x108] =	vst.add.f32.msk $0xffff, v1  }
0xb1: {  	v1 =	vld [tilespmem:s25+$0xFFFFFFD0];
	_ =	sdelay $0x4  }
0xb2: {  	[tilespmem:s0+$0x118] =	vst.add.f32.msk $0xffff, v1  }
0xb3: {  	v1 =	vld [tilespmem:s25+$0xFFFFFFE0];
	_ =	sdelay $0x4  }
0xb4: {  	[tilespmem:s0+$0x128] =	vst.add.f32.msk $0xffff, v1  }
0xb5: {  	v1 =	vld [tilespmem:s25+$0xFFFFFFF0];
	_ =	sdelay $0x4  }
0xb6: {  	[tilespmem:s0+$0x138] =	vst.add.f32.msk $0xffff, v1  }
0xb7: {  	v1 =	vld [tilespmem:s25+$0x0];
	_ =	sdelay $0x4  }
0xb8: {  	[tilespmem:s0+$0x148] =	vst.add.f32.msk $0xffff, v1  }
0xb9: {  	v1 =	vld [tilespmem:s25+$0x10];
	_ =	sdelay $0x4  }
0xba: {  	[tilespmem:s0+$0x158] =	vst.add.f32.msk $0xffff, v1  }
0xbb: {  	v1 =	vld [tilespmem:s25+$0x20];
	_ =	sdelay $0x4  }
0xbc: {  	[tilespmem:s0+$0x168] =	vst.add.f32.msk $0xffff, v1  }
0xbd: {  	v1 =	vld [tilespmem:s25+$0x30];
	_ =	sdelay $0x4  }
0xbe: {  	[tilespmem:s0+$0x178] =	vst.add.f32.msk $0xffff, v1  }
.LBB2_17:
0xbf: {  	s26 =	sadd.s32 $0x1, s26  }
0xc0: {  	p1 =	seq.s32 s26, $0x0  }
.Ltmp11:
0xc1: {  	_ = 	snop;
	(pc) =	sbr.rel @p1 .LBB2_18-.Ltmp11, $2  }
0xc2: {  	_ =	sdelay $0x2  }
0xc3: {  	s23 =	sadd.s32 $0x1, s23;
	s25 =	sadd.s32 $0x80, s25;
	s29 =	smov.u32 s30  }
.LBB2_12:
0xc4: {  	v1 =	vld.msk [tilespmem:s23+$0x0], $0x1;
	_ =	sdelay $0x4  }
0xc5: {  	(v2sf) =	vpush v1, $0x0;
	_ =	sdelay $0xe  }
0xc6: {  	s30 =	spop (v2sf)  }
0xc7: {  	p1 =	sne.s32 s29, s30  }
.Ltmp12:
0xc8: {  	_ = 	snop;
	(pc) =	sbr.rel @!p1 .LBB2_13-.Ltmp12, $2  }
0xc9: {  	_ =	sdelay $0x2  }
0xca: {  	s0 =	sshll.u32 s22, $0x9  }
0xcb: {  	p1 =	seq.s32 s29, s24  }
.Ltmp13:
0xcc: {  	_ = 	snop;
	(pc) =	sbr.rel @!p1 .LBB2_15-.Ltmp13, $1  }
0xcd: {  	_ =	sdelay $0x3  }
0xce: {  	s0 =	sshra.s32 s0, $0x2  }
.Ltmp14:
0xcf: {  	s0 =	sadd.s32 $0x108, s0;
	(pc) =	sbr.rel .LBB2_16-.Ltmp14, $4  }
0xd0: {  	[spmem:s16] =	stream.linear.scatter [tilespmem:s0], [sflag:$0x1], $0x80, $0x38;
	[tilespmem:$0x1F6F8] =	vst v63  }
0xd1: {  	_ =	swait.ge [sflag:s12], $0x80  }
0xd2: {  	[sflag:s12] =	ssyncset.done $0x0  }
0xd3: {  	[sflag:s12] =	ssyncadd.s32 $0xFFFFFF80  }
.LBB2_15:
0xd4: {  	s2 =	sshll.u32 s28, $0x9  }
0xd5: {  	s2 =	sshra.s32 s2, $0x2  }
0xd6: {  	v1 =	vld [tilespmem:s2+$0x7988];
	_ =	sdelay $0x3  }
0xd7: {  	s0 =	sshra.s32 s0, $0x2  }
0xd8: {  	[tilespmem:s0+$0x108] =	vst.add.f32.msk $0xffff, v1  }
0xd9: {  	v1 =	vld [tilespmem:s2+$0x7998];
	_ =	sdelay $0x4  }
0xda: {  	[tilespmem:s0+$0x118] =	vst.add.f32.msk $0xffff, v1  }
0xdb: {  	v1 =	vld [tilespmem:s2+$0x79A8];
	_ =	sdelay $0x4  }
0xdc: {  	[tilespmem:s0+$0x128] =	vst.add.f32.msk $0xffff, v1  }
0xdd: {  	v1 =	vld [tilespmem:s2+$0x79B8];
	_ =	sdelay $0x4  }
0xde: {  	[tilespmem:s0+$0x138] =	vst.add.f32.msk $0xffff, v1  }
0xdf: {  	v1 =	vld [tilespmem:s2+$0x79C8];
	_ =	sdelay $0x4  }
0xe0: {  	[tilespmem:s0+$0x148] =	vst.add.f32.msk $0xffff, v1  }
0xe1: {  	v1 =	vld [tilespmem:s2+$0x79D8];
	_ =	sdelay $0x4  }
0xe2: {  	[tilespmem:s0+$0x158] =	vst.add.f32.msk $0xffff, v1  }
0xe3: {  	v1 =	vld [tilespmem:s2+$0x79E8];
	_ =	sdelay $0x4  }
0xe4: {  	[tilespmem:s0+$0x168] =	vst.add.f32.msk $0xffff, v1  }
0xe5: {  	v1 =	vld [tilespmem:s2+$0x79F8];
	_ =	sdelay $0x2  }
0xe6: {  	p1 =	sgt.u32 s29, $0x27170  }
0xe7: {  	s2 =	sand.u32 @!p1 $0x3FFF8, s29  }
0xe8: {  	s3 =	sadd.s32 $0x108, s0;
	[tilespmem:s0+$0x178] =	vst.add.f32.msk $0xffff, v1;
	s0 =	sadd.s32 @!p1 s1, s2;
	s2 =	sand.u32 @!p1 $0x7, s29  }
0xe9: {  	[hbm4b:s0+s2] =	stream.linear.scatter @!p1 [tilespmem:s3], [sflag:$0xC], $0x80, $0x38;
	[tilespmem:$0x1F6F8] =	vst v63  }
0xea: {  	s0 =	simm.s32 $0x0  }
0xeb: {  	s0 =	simm.s32 @!p1 $0x200  }
0xec: {  	s31 =	sadd.s32 s0, s31  }
.LBB2_16:
0xed: {  	s0 =	sadd.s32 $0x1, s22  }
0xee: {  	s2 =	smulhi.u32 $0x88888889, s0;
	_ =	sdelay $0x1  }
0xef: {  	v1 =	vld [tilespmem:s25+$0xFFFFFFC0];
	s2 =	sshrl.u32 s2, $0x7  }
0xf0: {  	s2 =	smul.u32 $0xF0, s2;
	_ =	sdelay $0x1  }
0xf1: {  	s22 =	ssub.s32 s0, s2  }
0xf2: {  	s0 =	sshll.u32 s22, $0x7  }
0xf3: {  	[tilespmem:s0+$0x108] =	vst v1  }
0xf4: {  	v1 =	vld [tilespmem:s25+$0xFFFFFFD0];
	_ =	sdelay $0x4  }
0xf5: {  	[tilespmem:s0+$0x118] =	vst v1  }
0xf6: {  	v1 =	vld [tilespmem:s25+$0xFFFFFFE0];
	_ =	sdelay $0x4  }
0xf7: {  	[tilespmem:s0+$0x128] =	vst v1  }
0xf8: {  	v1 =	vld [tilespmem:s25+$0xFFFFFFF0];
	_ =	sdelay $0x4  }
0xf9: {  	[tilespmem:s0+$0x138] =	vst v1  }
0xfa: {  	v1 =	vld [tilespmem:s25+$0x0];
	_ =	sdelay $0x4  }
0xfb: {  	[tilespmem:s0+$0x148] =	vst v1  }
0xfc: {  	v1 =	vld [tilespmem:s25+$0x10];
	_ =	sdelay $0x4  }
0xfd: {  	[tilespmem:s0+$0x158] =	vst v1  }
0xfe: {  	v1 =	vld [tilespmem:s25+$0x20];
	_ =	sdelay $0x4  }
0xff: {  	[tilespmem:s0+$0x168] =	vst v1  }
0x100: {  	v1 =	vld [tilespmem:s25+$0x30]  }
.Ltmp15:
0x101: {  	_ = 	snop;
	(pc) =	sbr.rel .LBB2_17-.Ltmp15, $2  }
0x102: {  	_ =	sdelay $0x2  }
0x103: {  	s28 =	sadd.s32 $0x1, s28;
	[tilespmem:s0+$0x178] =	vst v1  }
.LBB2_19:
.Ltmp16:
0x104: {  	(pc) =	sbr.rel .LBB2_20-.Ltmp16, $4  }
0x105: {  	_ = 	snop  }
0x106: {  	s0 =	simm.s32 $0x2  }
0x107: {  	_ =	swait.ge [sflag:s0], $0x0  }
0x108: {  	s30 =	smov.u32 s29;
	[sflag:s0] =	ssyncset.done $0x0;
	s0 =	simm.s32 $0x0  }
.LBB2_22:
0x109: {  	_ =	sfence.sel $0x180000  }
0x10a: {  	s0 =	simm.s32 $0x9;
	[bflag:$0x0] =	sbarrier.arrive $0xFFFF  }
0x10b: {  	s24 =	simm.s32 $0xA;
	[sflag:s0] =	ssyncpa.u1 $0x1  }
0x10c: {  	s25 =	simm.s32 $0xB;
	[sflag:s24] =	ssyncpa.u1 $0x1  }
0x10d: {  	s26 =	simm.s32 $0x2;
	[sflag:s25] =	ssyncpa.u1 $0x1  }
0x10e: {  	[sflag:s26] =	ssyncpa.u1 $0x1  }
0x10f: {  	v0 =	vld [tilespmem:$0xF208];
	_ =	sdelay $0x4  }
0x110: {  	(v2sf) =	vpush v0, $0x0  }
0x111: {  	(v2sf) =	vpush v0, $0x1;
	_ =	sdelay $0x1  }
0x112: {  	(v2sf) =	vpush v0, $0x2;
	_ =	sdelay $0xb  }
0x113: {  	s0 =	spop (v2sf)  }
0x114: {  	s2 =	spop (v2sf)  }
0x115: {  	s3 =	smov.u32 s0;
	p0 =	sne.s32 s0, s2  }
0x116: {  	s4 =	spop (v2sf);
	s3 =	simm.s32 @!p0 $0xFFFFFFFF  }
0x117: {  	v2 =	vimm.s32 $0x1;
	v3 =	vlaneseq.u32;
	p0 =	seq.s32 s4, $0xFFFFFFFF;
	v1 =	vmov s3  }
0x118: {  	s16 =	stileid.u32;
	v0 =	vperm.xlane v0, v2;
	p1 =	sne.s32 @!p0 s0, s2;
	v1 =	vperm.xlane v1, v3  }
0x119: {  	vm0 =	vcmask $0x3F04;
	s6 =	simm.s32 $0xF208;
	s0 =	simm.s32 @!p0 $0x1;
	p1 =	por !p1, p0  }
0x11a: {  	s3 =	sshll.u32 s16, $0x1;
	s2 =	sshll.u32 @!p0 s4, $0x9;
	s0 =	simm.s32 @p1 $0x0;
	v0 =	vsel vm0, v1, v0  }
0x11b: {  	s5 =	sor.u32 $0x1000, s3;
	s2 =	sshra.s32 @!p0 s2, $0x2;
	s0 =	sor.u32 @!p0 s0, s3;
	[tilespmem:$0xF208] =	vst v0  }
0x11c: {  	[spmem:s5] =	stream.linear.scatter [tilespmem:s6], [sflag:$0x1], $0x2, $0x38;
	[tilespmem:$0x1F6F8] =	vst v63  }
0x11d: {  	s2 =	sadd.s32 @!p0 $0x108, s2;
	s0 =	sshll.u32 @!p0 s0, $0x7  }
0x11e: {  	[spmem:s0] =	stream.linear.scatter @!p0 [tilespmem:s2], [sflag:$0x1], $0x80, $0x38;
	[tilespmem:$0x1F6F8] =	vst v63  }
0x11f: {  	s0 =	simm.s32 @!p0 $0x82  }
0x120: {  	s28 =	simm.s32 $0x1;
	s0 =	simm.s32 @p0 $0x2  }
0x121: {  	_ =	swait.ge [sflag:s28], s0  }
0x122: {  	s0 =	ssub.s32 $0x0, s0;
	[sflag:s28] =	ssyncset.done $0x0  }
0x123: {  	p0 =	sne.s32 s16, $0x0;
	[sflag:s28] =	ssyncadd.s32 s0  }
.Ltmp17:
0x124: {  	_ =	sfence.stream.spmem;
	(pc) =	sbr.rel @p0 .LBB2_39-.Ltmp17, $4  }
0x125: {  	s29 =	simm.s32 $0x3;
	[bflag:$0x0] =	sbarrier.arrive $0xFFFF  }
0x126: {  	s30 =	simm.s32 $0x4;
	[sflag:s29] =	ssyncpa.u1 $0x1  }
0x127: {  	s31 =	simm.s32 $0x3C;
	[sflag:s30] =	ssyncpa.u1 $0x1  }
0x128: {  	s15 =	rddreg [dreg:$0x4];
	[sflag:s31] =	ssyncpa.u1 $0x1  }
0x129: {  	_ =	sfence.stream.spmem;
	s0 =	simm.s32 $0x5  }
0x12a: {  	s2 =	simm.s32 $0x1000;
	s3 =	simm.s32 $0xF218;
	[sflag:s0] =	ssyncpa.u1 $0x0  }
0x12b: {  	[tilespmem:s3], [sflag:$0x5] =	stream.linear.gather [spmem:s2], $0x20, $0x38;
	[tilespmem:$0x1F6F8] =	vst v63  }
0x12c: {  	s26 =	simm.s32 $0x0;
	s28 =	simm.s32 $0xF238  }
0x12d: {  	[tilespmem:s28], [sflag:$0x5] =	stream.linear.gather [spmem:s26], $0x1000, $0x38;
	[tilespmem:$0x1F6F8] =	vst v63  }
0x12e: {  	_ =	swait.ge [sflag:s0], $0x1020  }
0x12f: {  	[sflag:s0] =	ssyncset.done $0x0  }
0x130: {  	s29 =	simm.s32 $0x0;
	[sflag:s0] =	ssyncadd.s32 $0xFFFFEFE0  }
0x131: {  	v0 =	vld.msk [tilespmem:s29+$0xF218], $0x1;
	_ =	sdelay $0x1  }
0x132: {  	s30 =	simm.s32 $0x1  }
0x133: {  	v1 =	vld.msk [tilespmem:s30+$0xF218], $0x1;
	_ =	sdelay $0x1  }
0x134: {  	(v2sf) =	vpush v0, $0x0;
	_ =	sdelay $0x2  }
0x135: {  	(v2sf) =	vpush v1, $0x0;
	_ =	sdelay $0x2  }
0x136: {  	s31 =	simm.s32 $0x2  }
0x137: {  	v0 =	vld.msk [tilespmem:s31+$0xF218], $0x1;
	_ =	sdelay $0x2  }
0x138: {  	s4 =	simm.s32 $0xFFFFFFFF;
	s5 =	simm.s32 $0xFFFFFFFF;
	s0 =	simm.s32 $0xC  }
.LBB2_24:
0x139: {  	s2 =	smov.u32 s5;
	s3 =	smov.u32 s4  }
0x13a: {  	s4 =	sshra.s32 s0, $0x2;
	p1 =	sne.s32 s0, $0x7C;
	s0 =	sadd.s32 $0x4, s0;
	(v2sf) =	vpush v0, $0x0  }
0x13b: {  	v0 =	vld.msk [tilespmem:s4+$0xF218], $0x1  }
.Ltmp18:
0x13c: {  	(pc) =	sbr.rel @p1 .LBB2_24-.Ltmp18, $4  }
0x13d: {  	s5 =	spop (v2sf)  }
0x13e: {  	p2 =	sne.s32 s3, $0xFFFFFFFF;
	s4 =	smov.u32 s5  }
0x13f: {  	p3 =	seq.s32 s5, $0xFFFFFFFF;
	s4 =	smov.u32 @p2 s3  }
0x140: {  	s5 =	smov.u32 @p3 s2;
	s4 =	smov.u32 @p3 s3  }
0x141: {  	(v2sf) =	vpush v0, $0x0;
	_ =	sdelay $0x8  }
0x142: {  	s0 =	spop (v2sf)  }
0x143: {  	p1 =	sne.s32 s4, $0xFFFFFFFF;
	s2 =	smov.u32 s0  }
0x144: {  	s9 =	simm.s32 $0x6;
	p2 =	seq.s32 s0, $0xFFFFFFFF;
	s2 =	smov.u32 @p1 s4  }
0x145: {  	s6 =	simm.s32 $0x0;
	s2 =	smov.u32 @p2 s4;
	s3 =	spop (v2sf)  }
0x146: {  	s0 =	smov.u32 @p2 s5;
	p1 =	sne.s32 s2, $0xFFFFFFFF;
	s4 =	smov.u32 s3  }
.Ltmp19:
0x147: {  	p2 =	seq.s32 s3, $0xFFFFFFFF;
	s4 =	smov.u32 @p1 s2;
	(pc) =	sbr.rel .LBB2_26-.Ltmp19, $4  }
0x148: {  	s10 =	simm.s32 $0xF188;
	s4 =	smov.u32 @p2 s2;
	s7 =	spop (v2sf)  }
0x149: {  	s11 =	simm.s32 $0x0;
	p1 =	sne.s32 s4, $0xFFFFFFFF;
	s8 =	smov.u32 s7  }
0x14a: {  	s3 =	smov.u32 @p2 s0;
	p2 =	seq.s32 s7, $0xFFFFFFFF;
	s8 =	smov.u32 @p1 s4  }
0x14b: {  	[sflag:s9] =	ssyncpa.u1 $0x0;
	s7 =	smov.u32 @p2 s3;
	s8 =	smov.u32 @p2 s4  }
.LBB2_32:
0x14c: {  	p1 =	sgt.u32 s12, $0x27170  }
0x14d: {  	p2 =	seq.s32 @!p1 s12, s8  }
0x14e: {  	p1 =	por p1, p2  }
0x14f: {  	p2 =	sne.s32 @!p1 s12, s7  }
0x150: {  	p1 =	por p1, !p2  }
0x151: {  	s0 =	sshll.u32 @p1 s11, $0x9  }
0x152: {  	s0 =	sand.u32 @!p1 $0x3FFF8, s12  }
0x153: {  	s2 =	sand.u32 @!p1 $0x7, s12;
	s0 =	sadd.s32 @!p1 s1, s0  }
0x154: {  	[tilespmem:s10], [sflag:$0x6] =	stream.linear.gather @!p1 [hbm4b:s0+s2], $0x80, $0x38;
	[tilespmem:$0x1F6F8] =	vst v63  }
0x155: {  	_ =	swait.ge @!p1 [sflag:s9], $0x80  }
0x156: {  	[sflag:s9] =	ssyncset.done @!p1 $0x0  }
0x157: {  	[sflag:s9] =	ssyncadd.s32 @!p1 $0xFFFFFF80  }
0x158: {  	v1 =	vld @!p1 [tilespmem:$0xF188];
	_ =	sdelay $0x2  }
0x159: {  	s0 =	sshll.u32 @!p1 s11, $0x9  }
0x15a: {  	s2 =	sshrl.u32 @!p1 s0, $0x2  }
0x15b: {  	[tilespmem:s2+$0xF238] =	vst.add.f32.msk @!p1 $0xffff, v1  }
0x15c: {  	v1 =	vld @!p1 [tilespmem:$0xF198];
	_ =	sdelay $0x4  }
0x15d: {  	[tilespmem:s2+$0xF248] =	vst.add.f32.msk @!p1 $0xffff, v1  }
0x15e: {  	v1 =	vld @!p1 [tilespmem:$0xF1A8];
	_ =	sdelay $0x4  }
0x15f: {  	[tilespmem:s2+$0xF258] =	vst.add.f32.msk @!p1 $0xffff, v1  }
0x160: {  	v1 =	vld @!p1 [tilespmem:$0xF1B8];
	_ =	sdelay $0x4  }
0x161: {  	[tilespmem:s2+$0xF268] =	vst.add.f32.msk @!p1 $0xffff, v1  }
0x162: {  	v1 =	vld @!p1 [tilespmem:$0xF1C8];
	_ =	sdelay $0x4  }
0x163: {  	[tilespmem:s2+$0xF278] =	vst.add.f32.msk @!p1 $0xffff, v1  }
0x164: {  	v1 =	vld @!p1 [tilespmem:$0xF1D8];
	_ =	sdelay $0x4  }
0x165: {  	[tilespmem:s2+$0xF288] =	vst.add.f32.msk @!p1 $0xffff, v1  }
0x166: {  	v1 =	vld @!p1 [tilespmem:$0xF1E8];
	_ =	sdelay $0x4  }
0x167: {  	[tilespmem:s2+$0xF298] =	vst.add.f32.msk @!p1 $0xffff, v1  }
0x168: {  	v1 =	vld @!p1 [tilespmem:$0xF1F8];
	_ =	sdelay $0x4  }
0x169: {  	[tilespmem:s2+$0xF2A8] =	vst.add.f32.msk @!p1 $0xffff, v1  }
0x16a: {  	s0 =	sshrl.u32 s0, $0x2;
	[tilespmem:s6+$0xF218] =	vst.msk $0x1, v0  }
0x16b: {  	v0 =	vld [tilespmem:s0+$0xF238];
	_ =	sdelay $0x2  }
0x16c: {  	s31 =	sshll.u32 s6, $0x9  }
0x16d: {  	s2 =	sshra.s32 s31, $0x2  }
0x16e: {  	[tilespmem:s2+$0xF238] =	vst v0  }
0x16f: {  	v0 =	vld [tilespmem:s0+$0xF248];
	_ =	sdelay $0x4  }
0x170: {  	[tilespmem:s2+$0xF248] =	vst v0  }
0x171: {  	v0 =	vld [tilespmem:s0+$0xF258];
	_ =	sdelay $0x4  }
0x172: {  	[tilespmem:s2+$0xF258] =	vst v0  }
0x173: {  	v0 =	vld [tilespmem:s0+$0xF268];
	_ =	sdelay $0x4  }
0x174: {  	[tilespmem:s2+$0xF268] =	vst v0  }
0x175: {  	v0 =	vld [tilespmem:s0+$0xF278];
	_ =	sdelay $0x4  }
0x176: {  	[tilespmem:s2+$0xF278] =	vst v0  }
0x177: {  	v0 =	vld [tilespmem:s0+$0xF288];
	_ =	sdelay $0x4  }
0x178: {  	[tilespmem:s2+$0xF288] =	vst v0  }
0x179: {  	v0 =	vld [tilespmem:s0+$0xF298];
	_ =	sdelay $0x4  }
0x17a: {  	[tilespmem:s2+$0xF298] =	vst v0  }
0x17b: {  	v0 =	vld [tilespmem:s0+$0xF2A8];
	_ =	sdelay $0x4  }
0x17c: {  	s6 =	sadd.s32 $0x1, s6;
	[tilespmem:s2+$0xF2A8] =	vst v0  }
.LBB2_33:
0x17d: {  	s11 =	sadd.s32 $0x1, s11  }
0x17e: {  	p1 =	sne.s32 s11, $0x20  }
.Ltmp20:
0x17f: {  	_ = 	snop;
	(pc) =	sbr.rel @!p1 .LBB2_34-.Ltmp20, $1  }
0x180: {  	_ =	sdelay $0x3  }
.LBB2_26:
0x181: {  	v0 =	vld.msk [tilespmem:s11+$0xF218], $0x1;
	_ =	sdelay $0x4  }
0x182: {  	(v2sf) =	vpush v0, $0x0;
	_ =	sdelay $0xe  }
0x183: {  	s12 =	spop (v2sf)  }
0x184: {  	p1 =	seq.s32 s12, $0xFFFFFFFF  }
.Ltmp21:
0x185: {  	_ = 	snop;
	(pc) =	sbr.rel @p1 .LBB2_33-.Ltmp21, $1  }
0x186: {  	_ =	sdelay $0x3  }
0x187: {  	p1 =	slt.s32 s6, $0x1  }
.Ltmp22:
0x188: {  	_ = 	snop;
	(pc) =	sbr.rel @p1 .LBB2_32-.Ltmp22, $1  }
0x189: {  	_ =	sdelay $0x3  }
0x18a: {  	s13 =	simm.s32 $0xF218;
	p1 =	por $0x0, $0x0  }
0x18b: {  	v1 =	vld.msk @!p1 [tilespmem:s13+$0x0], $0x1;
	_ =	sdelay $0x4  }
0x18c: {  	(v2sf) =	vpush @!p1 v1, $0x0;
	_ =	sdelay $0xd  }
0x18d: {  	p3 =	sne.s32 s6, $0x1  }
.Ltmp23:
0x18e: {  	s0 =	spop @!p1 (v2sf);
	(pc) =	sbr.rel @!p3 .LBB2_30-.Ltmp23, $4  }
0x18f: {  	p2 =	seq.s32 @!p1 s12, s0  }
0x190: {  	s14 =	simm.s32 $0x0;
	p2 =	por !p2, p1  }
0x191: {  	s2 =	simm.s32 $0xFFFFFFFF;
	s14 =	simm.s32 @p2 $0xFFFFFFFF  }
0x192: {  	s0 =	simm.s32 $0x1;
	s14 =	smov.u32 @p1 s2  }
.LBB2_29:
0x193: {  	s2 =	smov.u32 s14;
	p1 =	sne.s32 s14, $0xFFFFFFFF  }
0x194: {  	s13 =	sadd.s32 $0x1, s13;
	s14 =	smov.u32 s0;
	s0 =	sadd.s32 $0x1, s0  }
0x195: {  	p2 =	sne.s32 s6, s0;
	v1 =	vld.msk @!p1 [tilespmem:s13+$0x0], $0x1;
	_ =	sdelay $0x4  }
0x196: {  	(v2sf) =	vpush @!p1 v1, $0x0;
	_ =	sdelay $0xe  }
.Ltmp24:
0x197: {  	s3 =	spop @!p1 (v2sf);
	(pc) =	sbr.rel @p2 .LBB2_29-.Ltmp24, $4  }
0x198: {  	p3 =	seq.s32 @!p1 s12, s3  }
0x199: {  	p3 =	por !p3, p1  }
0x19a: {  	s14 =	simm.s32 @p3 $0xFFFFFFFF  }
0x19b: {  	s14 =	smov.u32 @p1 s2  }
.LBB2_30:
0x19c: {  	p1 =	seq.s32 s14, $0xFFFFFFFF  }
.Ltmp25:
0x19d: {  	_ = 	snop;
	(pc) =	sbr.rel @p1 .LBB2_32-.Ltmp25, $1  }
0x19e: {  	_ =	sdelay $0x3  }
0x19f: {  	s0 =	sshll.u32 s11, $0x7  }
0x1a0: {  	s0 =	sand.u32 $0x3FFFFF80, s0  }
0x1a1: {  	v0 =	vld [tilespmem:s0+$0xF238];
	_ =	sdelay $0x2  }
0x1a2: {  	s2 =	sshll.u32 s14, $0x9  }
0x1a3: {  	s2 =	sshra.s32 s2, $0x2  }
0x1a4: {  	[tilespmem:s2+$0xF238] =	vst.add.f32.msk $0xffff, v0  }
0x1a5: {  	v0 =	vld [tilespmem:s0+$0xF248];
	_ =	sdelay $0x4  }
0x1a6: {  	[tilespmem:s2+$0xF248] =	vst.add.f32.msk $0xffff, v0  }
0x1a7: {  	v0 =	vld [tilespmem:s0+$0xF258];
	_ =	sdelay $0x4  }
0x1a8: {  	[tilespmem:s2+$0xF258] =	vst.add.f32.msk $0xffff, v0  }
0x1a9: {  	v0 =	vld [tilespmem:s0+$0xF268];
	_ =	sdelay $0x4  }
0x1aa: {  	[tilespmem:s2+$0xF268] =	vst.add.f32.msk $0xffff, v0  }
0x1ab: {  	v0 =	vld [tilespmem:s0+$0xF278];
	_ =	sdelay $0x4  }
0x1ac: {  	[tilespmem:s2+$0xF278] =	vst.add.f32.msk $0xffff, v0  }
0x1ad: {  	v0 =	vld [tilespmem:s0+$0xF288];
	_ =	sdelay $0x4  }
0x1ae: {  	[tilespmem:s2+$0xF288] =	vst.add.f32.msk $0xffff, v0  }
0x1af: {  	v0 =	vld [tilespmem:s0+$0xF298];
	_ =	sdelay $0x4  }
0x1b0: {  	[tilespmem:s2+$0xF298] =	vst.add.f32.msk $0xffff, v0  }
0x1b1: {  	v0 =	vld [tilespmem:s0+$0xF2A8]  }
.Ltmp26:
0x1b2: {  	_ = 	snop;
	(pc) =	sbr.rel .LBB2_33-.Ltmp26, $2  }
0x1b3: {  	_ =	sdelay $0x2  }
0x1b4: {  	[tilespmem:s2+$0xF2A8] =	vst.add.f32.msk $0xffff, v0  }
.LBB2_34:
0x1b5: {  	s0 =	simm.s32 $0x6;
	p1 =	seq.s32 s6, $0x0  }
0x1b6: {  	[sflag:s0] =	ssyncpa.u1 $0x1;
	v0 =	vimm.s32 @p1 $0xFFFFFFFF  }
0x1b7: {  	s9 =	sadd.s32 $0xFFFFFFFF, s6;
	[tilespmem:$0x10238] =	vst @p1 v0  }
0x1b8: {  	v0 =	vld.msk @!p1 [tilespmem:s9+$0xF218], $0x1;
	_ =	sdelay $0x1  }
0x1b9: {  	v1 =	vld.msk @!p1 [tilespmem:$0xF218], $0x1;
	_ =	sdelay $0x2  }
0x1ba: {  	p2 =	seq.s32 @!p1 s9, $0x0;
	v0 =	vbroadcast @!p1 v0, $0x0  }
0x1bb: {  	vm0 =	vmmov @!p1 $0x1;
	p2 =	por !p2, p1  }
0x1bc: {  	v1 =	vnsel @!p1 vm0, $0xFFFFFFFF, v1;
	vm0 =	vcmask @!p1 $0x308;
	v0 =	vpsel !p2, $0xFFFFFFFF, v0  }
0x1bd: {  	p2 =	sne.s32 @!p1 s8, s7;
	v0 =	vsel @!p1 vm0, v1, v0  }
0x1be: {  	s0 =	simm.s32 @!p1 $0xF238;
	s2 =	simm.s32 @!p1 $0x0;
	p3 =	por !p2, p1;
	[tilespmem:$0x10238] =	vst @!p1 v0  }
0x1bf: {  	[spmem:s2] =	stream.linear.scatter @!p1 [tilespmem:s0], [sflag:$0x1], $0x80, $0x38;
	[tilespmem:$0x1F6F8] =	vst v63  }
0x1c0: {  	s0 =	sshll.u32 @!p3 s9, $0x9  }
0x1c1: {  	s0 =	sshra.s32 @!p3 s0, $0x2  }
0x1c2: {  	s2 =	simm.s32 @!p3 $0x80;
	s0 =	sadd.s32 @!p3 $0xF238, s0  }
0x1c3: {  	[spmem:s2] =	stream.linear.scatter @!p3 [tilespmem:s0], [sflag:$0x1], $0x80, $0x38;
	[tilespmem:$0x1F6F8] =	vst v63  }
0x1c4: {  	s0 =	simm.s32 @!p3 $0x1  }
0x1c5: {  	_ =	swait.ge @!p3 [sflag:s0], $0x100  }
0x1c6: {  	p1 =	por p2, p1;
	[sflag:s0] =	ssyncset.done @!p3 $0x0  }
0x1c7: {  	[sflag:s0] =	ssyncadd.s32 @!p3 $0xFFFFFF00;
	s0 =	simm.s32 @!p1 $0x1  }
0x1c8: {  	_ =	swait.ge @!p1 [sflag:s0], $0x80  }
0x1c9: {  	s29 =	simm.s32 $0x10238;
	[sflag:s0] =	ssyncset.done @!p1 $0x0  }
0x1ca: {  	s30 =	simm.s32 $0x1000;
	s31 =	simm.s32 $0x1;
	[sflag:s0] =	ssyncadd.s32 @!p1 $0xFFFFFF80  }
0x1cb: {  	[spmem:s30] =	stream.linear.scatter [tilespmem:s29], [sflag:$0x1], $0x10, $0x38;
	[tilespmem:$0x1F6F8] =	vst v63  }
0x1cc: {  	_ =	swait.ge [sflag:s31], $0x10  }
0x1cd: {  	[sflag:s31] =	ssyncset.done $0x0  }
0x1ce: {  	p1 =	seq.s32 s15, $0x0;
	s8 =	rddreg [dreg:$0x1];
	[sflag:s31] =	ssyncadd.s32 $0xFFFFFFF0  }
0x1cf: {  	s2 =	sshll.u32 @p1 s8, $0xE;
	s7 =	rddreg [dreg:$0x2]  }
0x1d0: {  	s0 =	sadd.s32 @p1 $0x15C3C, s2;
	s2 =	sshll.u32 @p1 s7, $0x11  }
0x1d1: {  	_ =	sfence.stream.spmem;
	s0 =	sor.u32 @p1 s2, s0  }
0x1d2: {  	[sflag:s0] =	ssyncadd.remote.s32 @p1 $0x1;
	s0 =	simm.s32 @p1 $0x4  }
0x1d3: {  	s3 =	simm.s32 @!p1 $0x3C;
	s2 =	sand.u32 $0xFFFFFFFE, s8;
	_ =	swait.ge @p1 [sflag:s0], $0x22  }
0x1d4: {  	s4 =	simm.s32 @!p1 $0x0;
	s2 =	sadd.s32 @!p1 $0x4, s2;
	[sflag:s0] =	ssyncset.done @p1 $0x0  }
0x1d5: {  	s5 =	simm.s32 @!p1 $0x100;
	[sflag:s0] =	ssyncadd.s32 @p1 $0xFFFFFFDE;
	s0 =	sshll.u32 @!p1 s2, $0x1A  }
0x1d6: {  	s2 =	sshll.u32 @!p1 s2, $0xD;
	s0 =	sor.u32 @!p1 s0, s7;
	_ =	swait.eq @!p1 [sflag:s3], $0x1  }
0x1d7: {  	s2 =	sor.u32 @!p1 $0x1C04, s2;
	s3 =	simm.s32 @!p1 $0x1C03;
	s0 =	sor.u32 @!p1 $0x80004000, s0  }
0x1d8: {  	[spmem:s5], [sflag:s2] =	dma.general @!p1 [spmem:s4], [sflag:s3], length:$0x20, [dreg:$0x0], stride_count:$0x0, ici_dest:s0, dma_misc:DstOpCode:WRITE  }
0x1d9: {  	p2 =	slt.s32 s9, $0x2;
	s4 =	simm.s32 @!p1 $0x200;
	s5 =	simm.s32 @!p1 $0x202  }
0x1da: {  	[spmem:s5], [sflag:s2] =	dma.general @!p1 [spmem:s4], [sflag:s3], length:$0x2, [dreg:$0x0], stride_count:$0x0, ici_dest:s0, dma_misc:DstOpCode:WRITE  }
.Ltmp27:
0x1db: {  	s0 =	simm.s32 @!p1 $0x3;
	(pc) =	sbr.rel @p2 .LBB2_38-.Ltmp27, $4  }
0x1dc: {  	s2 =	sshll.u32 @!p1 s8, $0xE;
	_ =	swait.ge @!p1 [sflag:s0], $0x22  }
0x1dd: {  	s3 =	sshll.u32 @!p1 s7, $0x11;
	s2 =	sadd.s32 @!p1 $0x11C3C, s2;
	[sflag:s0] =	ssyncset.done @!p1 $0x0  }
0x1de: {  	[sflag:s0] =	ssyncadd.s32 @!p1 $0xFFFFFFDE;
	s0 =	sor.u32 @!p1 s3, s2  }
0x1df: {  	[sflag:s0] =	ssyncadd.remote.s32 @!p1 $0xFFFFFFFF;
	s0 =	simm.s32 $0x0  }
0x1e0: {  	s0 =	simm.s32 $0xF219  }
0x1e1: {  	v0 =	vld.msk [tilespmem:s0+$0x0], $0x1;
	_ =	sdelay $0x4  }
0x1e2: {  	(v2sf) =	vpush v0, $0x0;
	_ =	sdelay $0xb  }
0x1e3: {  	s31 =	sadd.s32 $0xFFFFFFFE, s6  }
0x1e4: {  	s0 =	sadd.s32 $0xFFFFFFFF, s31  }
0x1e5: {  	p2 =	sne.s32 s0, $0x0  }
.Ltmp28:
0x1e6: {  	s2 =	spop (v2sf);
	(pc) =	sbr.rel @!p2 .LBB2_37-.Ltmp28, $4  }
0x1e7: {  	s4 =	simm.s32 $0xF2B8;
	s7 =	simm.s32 $0x0;
	p1 =	sgt.u32 s2, $0x27170  }
0x1e8: {  	s5 =	simm.s32 $0x0;
	s6 =	simm.s32 $0xF21A;
	s3 =	sand.u32 @!p1 $0x3FFF8, s2  }
0x1e9: {  	s2 =	sand.u32 @!p1 $0x7, s2;
	s7 =	simm.s32 @!p1 $0x200;
	s3 =	sadd.s32 @!p1 s1, s3  }
0x1ea: {  	[hbm4b:s3+s2] =	stream.linear.scatter @!p1 [tilespmem:s4], [sflag:$0x5], $0x80, $0x38;
	[tilespmem:$0x1F6F8] =	vst v63  }
.LBB2_36:
0x1eb: {  	v0 =	vld.msk [tilespmem:s6+$0x0], $0x1;
	s0 =	sadd.s32 $0xFFFFFFFF, s0;
	s5 =	sadd.s32 s5, s7  }
0x1ec: {  	p1 =	sne.s32 s0, $0x0;
	_ =	sdelay $0x3  }
0x1ed: {  	(v2sf) =	vpush v0, $0x0;
	_ =	sdelay $0xe  }
.Ltmp29:
0x1ee: {  	s2 =	spop (v2sf);
	(pc) =	sbr.rel @p1 .LBB2_36-.Ltmp29, $4  }
0x1ef: {  	s7 =	simm.s32 $0x0;
	p2 =	sgt.u32 s2, $0x27170  }
0x1f0: {  	s4 =	sadd.s32 $0x80, s4;
	s7 =	simm.s32 @!p2 $0x200;
	s3 =	sand.u32 @!p2 $0x3FFF8, s2  }
0x1f1: {  	s6 =	sadd.s32 $0x1, s6;
	s2 =	sand.u32 @!p2 $0x7, s2;
	s3 =	sadd.s32 @!p2 s1, s3  }
0x1f2: {  	[hbm4b:s3+s2] =	stream.linear.scatter @!p2 [tilespmem:s4], [sflag:$0x5], $0x80, $0x38;
	[tilespmem:$0x1F6F8] =	vst v63  }
.LBB2_37:
0x1f3: {  	s0 =	sadd.s32 s5, s7  }
0x1f4: {  	s0 =	sshrl.u32 s0, $0x2  }
.LBB2_38:
0x1f5: {  	s2 =	simm.s32 $0x5  }
0x1f6: {  	_ =	swait.ge [sflag:s2], s0  }
0x1f7: {  	s31 =	ssub.s32 $0x0, s0;
	[sflag:s2] =	ssyncset.done $0x0  }
0x1f8: {  	[sflag:s2] =	ssyncadd.s32 s31  }
0x1f9: {  	[sflag:s2] =	ssyncpa.u1 $0x1  }
.LBB2_39:
0x1fa: {  	s0 =	sor.u32 s15, s16  }
0x1fb: {  	p1 =	sne.s32 s0, $0x0  }
.Ltmp30:
0x1fc: {  	_ = 	snop;
	(pc) =	sbr.rel @p1 .LBB2_54-.Ltmp30, $3  }
0x1fd: {  	_ =	sdelay $0x1  }
0x1fe: {  	[bflag:$0x0] =	sbarrier.arrive $0xFFFF  }
0x1ff: {  	_ =	sfence  }
0x200: {  	s0 =	simm.s32 $0x7  }
0x201: {  	s2 =	simm.s32 $0x1000;
	s3 =	simm.s32 $0xF218;
	[sflag:s0] =	ssyncpa.u1 $0x0  }
0x202: {  	[tilespmem:s3], [sflag:$0x7] =	stream.linear.gather [spmem:s2], $0x20, $0x38;
	[tilespmem:$0x1F6F8] =	vst v63  }
0x203: {  	s30 =	simm.s32 $0xF238;
	s2 =	simm.s32 $0x0  }
0x204: {  	[tilespmem:s30], [sflag:$0x7] =	stream.linear.gather [spmem:s2], $0x1000, $0x38;
	[tilespmem:$0x1F6F8] =	vst v63  }
.Ltmp31:
0x205: {  	_ = 	snop;
	(pc) =	sbr.rel .LBB2_41-.Ltmp31, $4  }
0x206: {  	_ =	swait.ge [sflag:s0], $0x1020  }
0x207: {  	[sflag:s0] =	ssyncset.done $0x0  }
0x208: {  	s31 =	simm.s32 $0x8;
	[sflag:s0] =	ssyncadd.s32 $0xFFFFEFE0  }
0x209: {  	s3 =	simm.s32 $0x0;
	[sflag:s31] =	ssyncpa.u1 $0x0  }
.LBB2_47:
0x20a: {  	p1 =	slt.u32 s4, $0x27171  }
0x20b: {  	s0 =	sand.u32 @p1 $0x3FFF8, s4  }
0x20c: {  	s4 =	sand.u32 @p1 $0x7, s4;
	s5 =	simm.s32 @p1 $0xF188;
	s0 =	sadd.s32 @p1 s1, s0  }
0x20d: {  	[tilespmem:s5], [sflag:$0x8] =	stream.linear.gather @p1 [hbm4b:s0+s4], $0x80, $0x38;
	[tilespmem:$0x1F6F8] =	vst v63  }
0x20e: {  	s0 =	simm.s32 @p1 $0x8  }
0x20f: {  	_ =	swait.ge @p1 [sflag:s0], $0x80  }
0x210: {  	[sflag:s0] =	ssyncset.done @p1 $0x0  }
0x211: {  	[sflag:s0] =	ssyncadd.s32 @p1 $0xFFFFFF80  }
0x212: {  	v1 =	vld @p1 [tilespmem:$0xF188];
	_ =	sdelay $0x2  }
0x213: {  	s0 =	sshll.u32 @p1 s3, $0x9  }
0x214: {  	s4 =	sshrl.u32 @p1 s0, $0x2  }
0x215: {  	[tilespmem:s4+$0xF238] =	vst.add.f32.msk @p1 $0xffff, v1  }
0x216: {  	v1 =	vld @p1 [tilespmem:$0xF198];
	_ =	sdelay $0x4  }
0x217: {  	[tilespmem:s4+$0xF248] =	vst.add.f32.msk @p1 $0xffff, v1  }
0x218: {  	v1 =	vld @p1 [tilespmem:$0xF1A8];
	_ =	sdelay $0x4  }
0x219: {  	[tilespmem:s4+$0xF258] =	vst.add.f32.msk @p1 $0xffff, v1  }
0x21a: {  	v1 =	vld @p1 [tilespmem:$0xF1B8];
	_ =	sdelay $0x4  }
0x21b: {  	[tilespmem:s4+$0xF268] =	vst.add.f32.msk @p1 $0xffff, v1  }
0x21c: {  	v1 =	vld @p1 [tilespmem:$0xF1C8];
	_ =	sdelay $0x4  }
0x21d: {  	[tilespmem:s4+$0xF278] =	vst.add.f32.msk @p1 $0xffff, v1  }
0x21e: {  	v1 =	vld @p1 [tilespmem:$0xF1D8];
	_ =	sdelay $0x4  }
0x21f: {  	[tilespmem:s4+$0xF288] =	vst.add.f32.msk @p1 $0xffff, v1  }
0x220: {  	v1 =	vld @p1 [tilespmem:$0xF1E8];
	_ =	sdelay $0x4  }
0x221: {  	[tilespmem:s4+$0xF298] =	vst.add.f32.msk @p1 $0xffff, v1  }
0x222: {  	v1 =	vld @p1 [tilespmem:$0xF1F8];
	_ =	sdelay $0x3  }
0x223: {  	s5 =	sshll.u32 @!p1 s3, $0x9  }
0x224: {  	s5 =	smov.u32 @p1 s0;
	[tilespmem:s4+$0xF2A8] =	vst.add.f32.msk @p1 $0xffff, v1  }
0x225: {  	s0 =	sshrl.u32 s5, $0x2;
	[tilespmem:s2+$0xF218] =	vst.msk $0x1, v0  }
0x226: {  	v0 =	vld [tilespmem:s0+$0xF238];
	_ =	sdelay $0x2  }
0x227: {  	s31 =	sshll.u32 s2, $0x9  }
0x228: {  	s4 =	sshra.s32 s31, $0x2  }
0x229: {  	[tilespmem:s4+$0xF238] =	vst v0  }
0x22a: {  	v0 =	vld [tilespmem:s0+$0xF248];
	_ =	sdelay $0x4  }
0x22b: {  	[tilespmem:s4+$0xF248] =	vst v0  }
0x22c: {  	v0 =	vld [tilespmem:s0+$0xF258];
	_ =	sdelay $0x4  }
0x22d: {  	[tilespmem:s4+$0xF258] =	vst v0  }
0x22e: {  	v0 =	vld [tilespmem:s0+$0xF268];
	_ =	sdelay $0x4  }
0x22f: {  	[tilespmem:s4+$0xF268] =	vst v0  }
0x230: {  	v0 =	vld [tilespmem:s0+$0xF278];
	_ =	sdelay $0x4  }
0x231: {  	[tilespmem:s4+$0xF278] =	vst v0  }
0x232: {  	v0 =	vld [tilespmem:s0+$0xF288];
	_ =	sdelay $0x4  }
0x233: {  	[tilespmem:s4+$0xF288] =	vst v0  }
0x234: {  	v0 =	vld [tilespmem:s0+$0xF298];
	_ =	sdelay $0x4  }
0x235: {  	[tilespmem:s4+$0xF298] =	vst v0  }
0x236: {  	v0 =	vld [tilespmem:s0+$0xF2A8];
	_ =	sdelay $0x4  }
0x237: {  	s2 =	sadd.s32 $0x1, s2;
	[tilespmem:s4+$0xF2A8] =	vst v0  }
.LBB2_48:
0x238: {  	s3 =	sadd.s32 $0x1, s3  }
0x239: {  	p1 =	sne.s32 s3, $0x20  }
.Ltmp32:
0x23a: {  	_ = 	snop;
	(pc) =	sbr.rel @!p1 .LBB2_49-.Ltmp32, $1  }
0x23b: {  	_ =	sdelay $0x3  }
.LBB2_41:
0x23c: {  	v0 =	vld.msk [tilespmem:s3+$0xF218], $0x1;
	_ =	sdelay $0x4  }
0x23d: {  	(v2sf) =	vpush v0, $0x0;
	_ =	sdelay $0xe  }
0x23e: {  	s4 =	spop (v2sf)  }
0x23f: {  	p1 =	seq.s32 s4, $0xFFFFFFFF  }
.Ltmp33:
0x240: {  	_ = 	snop;
	(pc) =	sbr.rel @p1 .LBB2_48-.Ltmp33, $1  }
0x241: {  	_ =	sdelay $0x3  }
0x242: {  	p1 =	slt.s32 s2, $0x1  }
.Ltmp34:
0x243: {  	_ = 	snop;
	(pc) =	sbr.rel @p1 .LBB2_47-.Ltmp34, $1  }
0x244: {  	_ =	sdelay $0x3  }
0x245: {  	s5 =	simm.s32 $0xF218;
	p1 =	por $0x0, $0x0  }
0x246: {  	v1 =	vld.msk @!p1 [tilespmem:s5+$0x0], $0x1;
	_ =	sdelay $0x4  }
0x247: {  	(v2sf) =	vpush @!p1 v1, $0x0;
	_ =	sdelay $0xd  }
0x248: {  	p3 =	sne.s32 s2, $0x1  }
.Ltmp35:
0x249: {  	s0 =	spop @!p1 (v2sf);
	(pc) =	sbr.rel @!p3 .LBB2_45-.Ltmp35, $4  }
0x24a: {  	p2 =	seq.s32 @!p1 s4, s0  }
0x24b: {  	s6 =	simm.s32 $0x0;
	p2 =	por !p2, p1  }
0x24c: {  	s7 =	simm.s32 $0xFFFFFFFF;
	s6 =	simm.s32 @p2 $0xFFFFFFFF  }
0x24d: {  	s0 =	simm.s32 $0x1;
	s6 =	smov.u32 @p1 s7  }
.LBB2_44:
0x24e: {  	s7 =	smov.u32 s6;
	p1 =	sne.s32 s6, $0xFFFFFFFF  }
0x24f: {  	s5 =	sadd.s32 $0x1, s5;
	s6 =	smov.u32 s0;
	s0 =	sadd.s32 $0x1, s0  }
0x250: {  	p2 =	sne.s32 s2, s0;
	v1 =	vld.msk @!p1 [tilespmem:s5+$0x0], $0x1;
	_ =	sdelay $0x4  }
0x251: {  	(v2sf) =	vpush @!p1 v1, $0x0;
	_ =	sdelay $0xe  }
.Ltmp36:
0x252: {  	s8 =	spop @!p1 (v2sf);
	(pc) =	sbr.rel @p2 .LBB2_44-.Ltmp36, $4  }
0x253: {  	p3 =	seq.s32 @!p1 s4, s8  }
0x254: {  	p3 =	por !p3, p1  }
0x255: {  	s6 =	simm.s32 @p3 $0xFFFFFFFF  }
0x256: {  	s6 =	smov.u32 @p1 s7  }
.LBB2_45:
0x257: {  	p1 =	seq.s32 s6, $0xFFFFFFFF  }
.Ltmp37:
0x258: {  	_ = 	snop;
	(pc) =	sbr.rel @p1 .LBB2_47-.Ltmp37, $1  }
0x259: {  	_ =	sdelay $0x3  }
0x25a: {  	s0 =	sshll.u32 s3, $0x7  }
0x25b: {  	s0 =	sand.u32 $0x3FFFFF80, s0  }
0x25c: {  	v0 =	vld [tilespmem:s0+$0xF238];
	_ =	sdelay $0x2  }
0x25d: {  	s4 =	sshll.u32 s6, $0x9  }
0x25e: {  	s4 =	sshra.s32 s4, $0x2  }
0x25f: {  	[tilespmem:s4+$0xF238] =	vst.add.f32.msk $0xffff, v0  }
0x260: {  	v0 =	vld [tilespmem:s0+$0xF248];
	_ =	sdelay $0x4  }
0x261: {  	[tilespmem:s4+$0xF248] =	vst.add.f32.msk $0xffff, v0  }
0x262: {  	v0 =	vld [tilespmem:s0+$0xF258];
	_ =	sdelay $0x4  }
0x263: {  	[tilespmem:s4+$0xF258] =	vst.add.f32.msk $0xffff, v0  }
0x264: {  	v0 =	vld [tilespmem:s0+$0xF268];
	_ =	sdelay $0x4  }
0x265: {  	[tilespmem:s4+$0xF268] =	vst.add.f32.msk $0xffff, v0  }
0x266: {  	v0 =	vld [tilespmem:s0+$0xF278];
	_ =	sdelay $0x4  }
0x267: {  	[tilespmem:s4+$0xF278] =	vst.add.f32.msk $0xffff, v0  }
0x268: {  	v0 =	vld [tilespmem:s0+$0xF288];
	_ =	sdelay $0x4  }
0x269: {  	[tilespmem:s4+$0xF288] =	vst.add.f32.msk $0xffff, v0  }
0x26a: {  	v0 =	vld [tilespmem:s0+$0xF298];
	_ =	sdelay $0x4  }
0x26b: {  	[tilespmem:s4+$0xF298] =	vst.add.f32.msk $0xffff, v0  }
0x26c: {  	v0 =	vld [tilespmem:s0+$0xF2A8]  }
.Ltmp38:
0x26d: {  	_ = 	snop;
	(pc) =	sbr.rel .LBB2_48-.Ltmp38, $2  }
0x26e: {  	_ =	sdelay $0x2  }
0x26f: {  	[tilespmem:s4+$0xF2A8] =	vst.add.f32.msk $0xffff, v0  }
.LBB2_49:
0x270: {  	p1 =	slt.s32 s2, $0x1  }
.Ltmp39:
0x271: {  	_ = 	snop;
	(pc) =	sbr.rel @p1 .LBB2_53-.Ltmp39, $3  }
0x272: {  	_ =	sdelay $0x1  }
0x273: {  	s0 =	simm.s32 $0x8  }
0x274: {  	s3 =	simm.s32 $0x0;
	[sflag:s0] =	ssyncpa.u1 $0x1  }
0x275: {  	s0 =	simm.s32 $0xF218  }
0x276: {  	v0 =	vld.msk [tilespmem:s0+$0x0], $0x1;
	_ =	sdelay $0x4  }
0x277: {  	(v2sf) =	vpush v0, $0x0;
	_ =	sdelay $0xe  }
0x278: {  	s0 =	sadd.s32 $0xFFFFFFFF, s2;
	s5 =	spop (v2sf)  }
0x279: {  	p2 =	sne.s32 s0, $0x0;
	p1 =	sgt.u32 s5, $0x27170  }
.Ltmp40:
0x27a: {  	s6 =	sand.u32 @!p1 $0x3FFF8, s5;
	(pc) =	sbr.rel @!p2 .LBB2_52-.Ltmp40, $4  }
0x27b: {  	s4 =	simm.s32 $0xF238;
	s5 =	sand.u32 @!p1 $0x7, s5;
	s2 =	sadd.s32 @!p1 s1, s6  }
0x27c: {  	[hbm4b:s2+s5] =	stream.linear.scatter @!p1 [tilespmem:s4], [sflag:$0x7], $0x80, $0x38;
	[tilespmem:$0x1F6F8] =	vst v63  }
0x27d: {  	s5 =	simm.s32 $0x0  }
0x27e: {  	s2 =	simm.s32 $0xF219;
	s5 =	simm.s32 @!p1 $0x200  }
.LBB2_51:
0x27f: {  	v0 =	vld.msk [tilespmem:s2+$0x0], $0x1;
	s0 =	sadd.s32 $0xFFFFFFFF, s0;
	s3 =	sadd.s32 s3, s5  }
0x280: {  	p1 =	sne.s32 s0, $0x0;
	_ =	sdelay $0x3  }
0x281: {  	(v2sf) =	vpush v0, $0x0;
	_ =	sdelay $0xe  }
.Ltmp41:
0x282: {  	s6 =	spop (v2sf);
	(pc) =	sbr.rel @p1 .LBB2_51-.Ltmp41, $4  }
0x283: {  	s5 =	simm.s32 $0x0;
	p2 =	sgt.u32 s6, $0x27170  }
0x284: {  	s4 =	sadd.s32 $0x80, s4;
	s5 =	simm.s32 @!p2 $0x200;
	s7 =	sand.u32 @!p2 $0x3FFF8, s6  }
0x285: {  	s2 =	sadd.s32 $0x1, s2;
	s6 =	sand.u32 @!p2 $0x7, s6;
	s7 =	sadd.s32 @!p2 s1, s7  }
0x286: {  	[hbm4b:s7+s6] =	stream.linear.scatter @!p2 [tilespmem:s4], [sflag:$0x7], $0x80, $0x38;
	[tilespmem:$0x1F6F8] =	vst v63  }
.LBB2_52:
0x287: {  	s0 =	sadd.s32 s3, s5  }
0x288: {  	s3 =	sshrl.u32 s0, $0x2  }
.LBB2_53:
0x289: {  	s0 =	simm.s32 $0x7  }
0x28a: {  	_ =	swait.ge [sflag:s0], s3  }
0x28b: {  	s1 =	ssub.s32 $0x0, s3;
	[sflag:s0] =	ssyncset.done $0x0  }
0x28c: {  	[sflag:s0] =	ssyncadd.s32 s1  }
0x28d: {  	[sflag:s0] =	ssyncpa.u1 $0x1  }
.LBB2_54:
0x28e: {  	_ =	sfence;
	s0 =	simm.s32 $0x1  }
0x28f: {  	[sflag:s0] =	ssyncpa.u1 $0x1  }
0x290: {  	_ =	strace $0x9000004D  }
0x291: {  	[bflag:$0x2] =	sbarrier.arrive $0xFFFF  }
0x292: {  	s0 =	rddreg [dreg:$0x3]  }
0x293: {  	s0 =	sadd.s32 @!p0 $0x100000, s0  }
0x294: {  	[sflag:s0] =	ssyncadd.tile.s32 @!p0 $0x1;
	_ =	shalt  }
.Lfunc_end2:
_tile_overlayer_lowered:
.L_overlay_start_2:
0x295: {  	(tag) =	ssettag $0x2  }
0x296: {  	s0 =	rddreg [dreg:$0x0];
	s2 =	stileid.u32  }
0x297: {  	s1 =	rddreg [dreg:$0x1];
	p0 =	sne.s32 s2, $0x0  }
0x298: {  	s3 =	rddreg [dreg:$0x2];
	[bflag:$0x3] =	sbarrier.arrive $0xFFFF;
	s2 =	simm.s32 @!p0 $0x1C01  }
0x299: {  	[timem:s3], [sflag:s2] =	dma.local @!p0 [hbm:s0], s1  }
0x29a: {  	s0 =	simm.s32 @!p0 $0x1  }
0x29b: {  	_ =	swait.ge @!p0 [sflag:s0], s1  }
0x29c: {  	s1 =	ssub.s32 @!p0 $0x0, s1;
	[sflag:s0] =	ssyncset.done @!p0 $0x0  }
0x29d: {  	[sflag:s0] =	ssyncadd.s32 @!p0 s1  }
0x29e: {  	[bflag:$0x3] =	sbarrier.arrive $0xFFFF  }
0x29f: {  	_ =	shalt  }

// kernel: scatter_offload_async_start.8
scs
__scs_entry_jumppad:
0x0: {  	(pc) =	sbr.rel $0x88, $3  }
0x1: {  	(tag) =	ssettag $0x0;
	lr =	simm.s32 $0x1  }
0x2: {  	[smem:$0x3F7A] =	sst lr;
	_ =	strace $0xD0000000  }
0x3: {  	_ = 	snop  }
0x4: {  	_ = 	snop  }
0x5: {  	_ = 	snop  }
0x6: {  	_ = 	snop  }
0x7: {  	_ = 	snop  }
__scs_overlays_trampoline_lowered:
0x8: {  	[smem:$0x3F89] =	sst s0  }
0x9: {  	[smem:$0x3F8A] =	sst s1  }
0xa: {  	[smem:$0x3F8B] =	sst s2  }
0xb: {  	[smem:$0x3F8C] =	sst s3  }
0xc: {  	[smem:$0x3F8D] =	sst s4  }
0xd: {  	[smem:$0x3F8E] =	sst s5  }
0xe: {  	[smem:$0x3F8F] =	sst s6  }
0xf: {  	[smem:$0x3F90] =	sst s7  }
0x10: {  	[smem:$0x3F91] =	sst s8  }
0x11: {  	[smem:$0x3F92] =	sst s9;
	s0 =	simm.s32 @!p0 $0x0  }
0x12: {  	s1 =	sld [smem:$0x3F78];
	s0 =	simm.s32 @p0 $0x1  }
0x13: {  	[smem:$0x3F93] =	sst s0;
	s0 =	simm.s32 @!p1 $0x0  }
0x14: {  	s2 =	sld [smem:$0x3F77];
	s0 =	simm.s32 @p1 $0x1  }
0x15: {  	[smem:$0x3F94] =	sst s0;
	s0 =	simm.s32 @!p2 $0x0  }
0x16: {  	s3 =	sld [smem:$0x3FDB];
	s0 =	simm.s32 @p2 $0x1  }
0x17: {  	s4 =	simm.s32 $0x1BF5;
	[smem:$0x3F96] =	sst s0  }
0x18: {  	s0 =	sld [smem:$0x3F79];
	_ =	swait.ge [sflag:s4], $0x0  }
0x19: {  	s7 =	sld [smem:$0x3F7A]  }
0x1a: {  	s8 =	sadd.s32 $0xFFFFE003, lr  }
0x1b: {  	s9 =	sadd.s32 $0xFFFFFEF7, lr;
	s5 =	simm.s32 $0xFFFFFFFF;
	p2 =	slt.u32 s8, $0xFFFFF086  }
0x1c: {  	p1 =	slt.u32 s9, $0xF7A;
	s5 =	simm.s32 @!p2 $0x0  }
0x1d: {  	s5 =	simm.s32 @p1 $0x1;
	p0 =	seq.s32 s7, s2  }
0x1e: {  	s7 =	smul.u32 @!p0 $0xF7A, s2;
	p2 =	seq.s32 @!p0 s5, $0x0  }
0x1f: {  	s9 =	smul.u32 $0xF7A, s1;
	s8 =	simm.s32 @!p0 $0x1BF5;
	p2 =	por !p2, p0  }
0x20: {  	[sflag:s8] =	ssyncset.s32 @!p0 $0xFFFFF086;
	s6 =	sadd.s32 @!p0 s3, s7;
	s7 =	simm.s32 @!p0 $0x108  }
0x21: {  	s3 =	sadd.s32 s3, s9;
	s6 =	sadd.s32 @!p0 $0x88, s6;
	s7 =	simm.s32 @p2 $0x1082  }
0x22: {  	[simem:s7], [sflag:s8] =	dma.local @!p0 [hbm:s6], $0xF7A  }
0x23: {  	s9 =	sor.u32 $0xD0000000, s2;
	s6 =	simm.s32 $0x108;
	_ =	swait.ge @!p0 [sflag:s8], $0x0  }
0x24: {  	s3 =	sadd.s32 $0x88, s3;
	s6 =	simm.s32 @!p1 $0x1082;
	[sflag:s4] =	ssyncset.s32 $0xFFFFF086  }
0x25: {  	[simem:s6], [sflag:s4] =	dma.local [hbm:s3], $0xF7A  }
0x26: {  	[smem:$0x3F7A] =	sst s1;
	(tag) =	ssettag s2;
	_ =	strace s9  }
0x27: {  	s1 =	sld [smem:$0x3F8A]  }
0x28: {  	s2 =	sld [smem:$0x3F8B]  }
0x29: {  	s4 =	sld [smem:$0x3F8D]  }
0x2a: {  	p0 =	seq.s32 s5, $0x0;
	s5 =	sld [smem:$0x3F8E]  }
0x2b: {  	s6 =	sld [smem:$0x3F8F]  }
0x2c: {  	s7 =	sld [smem:$0x3F90]  }
0x2d: {  	s3 =	simm.s32 $0x108;
	s8 =	sld [smem:$0x3F91]  }
0x2e: {  	s3 =	simm.s32 @!p0 $0x1082;
	s9 =	sld [smem:$0x3F92]  }
0x2f: {  	lr =	sadd.s32 s0, s3;
	s0 =	sld [smem:$0x3F89]  }
0x30: {  	s3 =	sld [smem:$0x3F8C]  }
0x31: {  	[smem:$0x3F95] =	sst s10  }
0x32: {  	s10 =	sld [smem:$0x3F93];
	_ =	sdelay $0x3  }
0x33: {  	p0 =	seq.s32 s10, $0x1;
	s10 =	sld [smem:$0x3F95];
	_ =	sdelay $0x3  }
0x34: {  	[smem:$0x3F95] =	sst s10  }
0x35: {  	s10 =	sld [smem:$0x3F94];
	_ =	sdelay $0x3  }
0x36: {  	p1 =	seq.s32 s10, $0x1;
	s10 =	sld [smem:$0x3F95];
	_ =	sdelay $0x3  }
0x37: {  	[smem:$0x3F95] =	sst s10  }
0x38: {  	s10 =	sld [smem:$0x3F96]  }
0x39: {  	_ = 	snop;
	(pc) =	sbr.ind lr, $3  }
0x3a: {  	_ = 	snop  }
0x3b: {  	_ = 	snop  }
0x3c: {  	p2 =	seq.s32 s10, $0x1;
	s10 =	sld [smem:$0x3F95]  }
0x3d: {  	_ =	shalt  }
0x3e: {  	_ =	shalt  }
0x3f: {  	_ =	shalt  }
0x40: {  	_ =	shalt  }
0x41: {  	_ =	shalt  }
0x42: {  	_ =	shalt  }
0x43: {  	_ =	shalt  }
0x44: {  	_ =	shalt  }
0x45: {  	_ =	shalt  }
0x46: {  	_ =	shalt  }
0x47: {  	_ =	shalt  }
0x48: {  	_ =	shalt  }
0x49: {  	_ =	shalt  }
0x4a: {  	_ =	shalt  }
0x4b: {  	_ =	shalt  }
0x4c: {  	_ =	shalt  }
0x4d: {  	_ =	shalt  }
0x4e: {  	_ =	shalt  }
0x4f: {  	_ =	shalt  }
0x50: {  	_ =	shalt  }
0x51: {  	_ =	shalt  }
0x52: {  	_ =	shalt  }
0x53: {  	_ =	shalt  }
0x54: {  	_ =	shalt  }
0x55: {  	_ =	shalt  }
0x56: {  	_ =	shalt  }
0x57: {  	_ =	shalt  }
0x58: {  	_ =	shalt  }
0x59: {  	_ =	shalt  }
0x5a: {  	_ =	shalt  }
0x5b: {  	_ =	shalt  }
0x5c: {  	_ =	shalt  }
0x5d: {  	_ =	shalt  }
0x5e: {  	_ =	shalt  }
0x5f: {  	_ =	shalt  }
0x60: {  	_ =	shalt  }
0x61: {  	_ =	shalt  }
0x62: {  	_ =	shalt  }
0x63: {  	_ =	shalt  }
0x64: {  	_ =	shalt  }
0x65: {  	_ =	shalt  }
0x66: {  	_ =	shalt  }
0x67: {  	_ =	shalt  }
0x68: {  	_ =	shalt  }
0x69: {  	_ =	shalt  }
0x6a: {  	_ =	shalt  }
0x6b: {  	_ =	shalt  }
0x6c: {  	_ =	shalt  }
0x6d: {  	_ =	shalt  }
0x6e: {  	_ =	shalt  }
0x6f: {  	_ =	shalt  }
0x70: {  	_ =	shalt  }
0x71: {  	_ =	shalt  }
0x72: {  	_ =	shalt  }
0x73: {  	_ =	shalt  }
0x74: {  	_ =	shalt  }
0x75: {  	_ =	shalt  }
0x76: {  	_ =	shalt  }
0x77: {  	_ =	shalt  }
0x78: {  	_ =	shalt  }
0x79: {  	_ =	shalt  }
0x7a: {  	_ =	shalt  }
0x7b: {  	_ =	shalt  }
0x7c: {  	_ =	shalt  }
0x7d: {  	_ =	shalt  }
0x7e: {  	_ =	shalt  }
0x7f: {  	_ =	shalt  }
0x80: {  	_ =	shalt  }
0x81: {  	_ =	shalt  }
0x82: {  	_ =	shalt  }
0x83: {  	_ =	shalt  }
0x84: {  	_ =	shalt  }
0x85: {  	_ =	shalt  }
0x86: {  	_ =	shalt  }
0x87: {  	_ =	shalt  }
.Lfunc_end0:
.L_simem_size_0:
called_computation.1_lowered:
.L_overlay_start_0:
0x88: {  	s2 =	sld [smem:$0x3FD9]  }
0x89: {  	s3 =	sld [smem:$0x3FFE];
	_ =	sdelay $0x1  }
0x8a: {  	s1 =	srdreg.scid  }
0x8b: {  	s0 =	sand.u32 $0x1, s1  }
0x8c: {  	s12 =	sshll.u32 s0, $0xA;
	s2 =	sadd.s32 s3, s2  }
0x8d: {  	s2 =	sadd.s32 s2, s12  }
0x8e: {  	[smem:$0x3FA1] =	sst s2  }
0x8f: {  	_ = 	snop  }
0x90: {  	(tm) =	ssettm $0x1  }
0x91: {  	s13 =	sld [smem:$0x3FFB];
	_ =	sdelay $0x3  }
0x92: {  	_ =	strace s13  }
0x93: {  	s2 =	sld [smem:$0x3FFC];
	_ =	sdelay $0x3  }
0x94: {  	_ =	strace s2  }
0x95: {  	s2 =	sld [smem:$0x3FFD];
	_ =	sdelay $0x3  }
0x96: {  	_ =	strace s2  }
0x97: {  	_ =	strace $0x8FFFFFFF  }
0x98: {  	s14 =	sld [smem:$0x3FDB];
	_ =	sdelay $0x1  }
0x99: {  	s15 =	simm.s32 $_scs_section_size  }
0x9a: {  	s4 =	simm.s32 $_size__tile_overlayer_lowered;
	s5 =	simm.s32 $_tile_overlayer_lowered  }
0x9b: {  	s19 =	simm.s32 $0x1BFF;
	s17 =	sshll.u32 s5, $0x1;
	s6 =	sadd.s32 s15, s14  }
0x9c: {  	s20 =	simm.s32 $0x0;
	s16 =	sshll.u32 s4, $0x1;
	s18 =	sadd.s32 s17, s6  }
0x9d: {  	[timem:s20], [sflag:s19] =	dma.local [hbm:s18], s16  }
0x9e: {  	_ =	swait.ge [sflag:s19], s16  }
0x9f: {  	s3 =	ssub.s32 $0x0, s16;
	[sflag:s19] =	ssyncset.done $0x0  }
0xa0: {  	[sflag:s19] =	ssyncadd.s32 s3;
	_ =	sdelay $0x1  }
0xa1: {  	s21 =	simm.s32 $0x1B8B  }
0xa2: {  	_ =	swait.ge [sflag:s21], $0x1  }
0xa3: {  	[sflag:s21] =	ssyncset.done $0x0  }
0xa4: {  	[sflag:s21] =	ssyncadd.s32 $0xFFFFFFFF  }
0xa5: {  	s3 =	sld [smem:$0x0]  }
0xa6: {  	s4 =	sand.u32 $0xFFFFFFFE, s1  }
0xa7: {  	p0 =	sne.s32 s1, s4  }
0xa8: {  	s4 =	sshll.u32 @p0 s4, $0xE  }
0xa9: {  	s5 =	sadd.s32 @p0 $0x11B8D, s4;
	s7 =	sshll.u32 @p0 s3, $0x11  }
0xaa: {  	s5 =	sor.u32 @p0 s7, s5  }
0xab: {  	[sflag:s5] =	ssyncadd.remote.s32 @p0 $0x1;
	_ =	sdelay $0x1  }
0xac: {  	s5 =	simm.s32 @p0 $0x1B8D  }
0xad: {  	_ =	swait.eq @p0 [sflag:s5], $0x1  }
0xae: {  	[sflag:s5] =	ssyncadd.s32 @p0 $0xFFFFFFFF  }
0xaf: {  	s7 =	sshll.u32 @!p0 s1, $0xE  }
0xb0: {  	s7 =	sor.u32 @!p0 $0x4000, s7;
	s5 =	simm.s32 @!p0 $0x1B8D  }
0xb1: {  	s9 =	sshll.u32 @!p0 s3, $0x11;
	s8 =	sadd.s32 @!p0 $0x11B8D, s7;
	_ =	swait.eq @!p0 [sflag:s5], $0x1  }
0xb2: {  	[sflag:s5] =	ssyncadd.s32 @!p0 $0xFFFFFFFF;
	s5 =	sor.u32 @!p0 s9, s8  }
0xb3: {  	s23 =	simm.s32 $0x1B8E;
	s22 =	sld [smem:$0x3FFE];
	[sflag:s5] =	ssyncadd.remote.s32 @!p0 $0x1  }
0xb4: {  	s24 =	simm.s32 $execute0_lowered;
	[smem:$0x3FD2] =	sst s23  }
0xb5: {  	s8 =	sshll.u32 s24, $0x1;
	_ =	strace $0x80000055;
	[dreg:$0x1] =	wrdreg $0xFFFFFFFF  }
0xb6: {  	s25 =	simm.s32 $_size_execute0_lowered;
	s8 =	sadd.s32 s6, s8;
	[dreg:$0x0] =	wrdreg $0x0  }
0xb7: {  	s9 =	sshll.u32 s25, $0x1;
	[dreg:$0x2] =	wrdreg s8  }
0xb8: {  	[dreg:$0x3] =	wrdreg s9  }
0xb9: {  	[dreg:$0x4] =	wrdreg $0xC0  }
0xba: {  	s26 =	simm.s32 $execute1_lowered;
	_ =	task [dreg:s20], $0x5FFFF  }
0xbb: {  	s8 =	sshll.u32 s26, $0x1;
	[dreg:$0x1] =	wrdreg $0xFFFFFFFF  }
0xbc: {  	s6 =	sadd.s32 s6, s8;
	[dreg:$0x0] =	wrdreg $0x60  }
0xbd: {  	[dreg:$0x2] =	wrdreg s6  }
0xbe: {  	[dreg:$0x3] =	wrdreg s22  }
0xbf: {  	[dreg:$0x4] =	wrdreg $0xA  }
0xc0: {  	_ =	task.clear_ibuf [dreg:s20], $0x5FFFF;
	_ =	strace $0x90000055  }
0xc1: {  	s28 =	simm.s32 $0xA;
	_ =	strace $0x80000057  }
0xc2: {  	_ =	swait.ge [sflag:s28], $0x1  }
0xc3: {  	[sflag:s28] =	ssyncadd.s32 $0xFFFFFFFF  }
0xc4: {  	_ =	strace $0x90000057  }
0xc5: {  	s6 =	sld [smem:$0x0];
	_ =	sdelay $0x3  }
0xc6: {  	s4 =	sadd.s32 @p0 $0x11BF3, s4;
	s8 =	sshll.u32 @p0 s6, $0x11  }
0xc7: {  	s4 =	sor.u32 @p0 s8, s4  }
0xc8: {  	[sflag:s4] =	ssyncadd.remote.s32 @p0 $0x1;
	_ =	sdelay $0x1  }
0xc9: {  	s4 =	simm.s32 @p0 $0x1BF3  }
0xca: {  	_ =	swait.eq @p0 [sflag:s4], $0x1  }
0xcb: {  	[sflag:s4] =	ssyncadd.s32 @p0 $0xFFFFFFFF;
	_ =	sdelay $0x1  }
0xcc: {  	s4 =	simm.s32 @!p0 $0x1BF3  }
0xcd: {  	s7 =	sadd.s32 @!p0 $0x11BF3, s7;
	s6 =	sshll.u32 @!p0 s6, $0x11;
	_ =	swait.eq @!p0 [sflag:s4], $0x1  }
0xce: {  	[sflag:s4] =	ssyncadd.s32 @!p0 $0xFFFFFFFF;
	s4 =	sor.u32 @!p0 s6, s7  }
0xcf: {  	[sflag:s4] =	ssyncadd.remote.s32 @!p0 $0x1  }
0xd0: {  	_ =	strace $0x80000058;
	[dreg:$0x1] =	wrdreg $0xFFFFFFFF  }
0xd1: {  	[dreg:$0x0] =	wrdreg $0x2030  }
0xd2: {  	[dreg:$0x2] =	wrdreg s22  }
0xd3: {  	[dreg:$0x3] =	wrdreg s1  }
0xd4: {  	[dreg:$0x4] =	wrdreg s3  }
0xd5: {  	[dreg:$0x5] =	wrdreg $0xB  }
0xd6: {  	_ =	task.clear_ibuf [dreg:s20], $0x6FFFF;
	_ =	strace $0x90000058  }
0xd7: {  	s29 =	simm.s32 $0xB;
	_ =	strace $0x8000005A  }
0xd8: {  	_ =	swait.ge [sflag:s29], $0x1  }
0xd9: {  	[sflag:s29] =	ssyncadd.s32 $0xFFFFFFFF  }
0xda: {  	_ =	strace $0x9000005A  }
0xdb: {  	_ =	sfence  }
0xdc: {  	s30 =	sld [smem:$0x0];
	_ =	sdelay $0x2  }
0xdd: {  	s31 =	sshll.u32 s1, $0xD;
	s1 =	sshrl.u32 s1, $0x2  }
0xde: {  	s4 =	sand.u32 $0x4000, s31;
	s1 =	sadd.s32 s1, s30  }
0xdf: {  	s0 =	sor.u32 s4, s0;
	s1 =	sshll.u32 s1, $0x11  }
0xe0: {  	s0 =	sor.u32 s1, s0  }
0xe1: {  	s0 =	sadd.s32 $0x8F2B, s0  }
0xe2: {  	[sflag:s0] =	ssyncadd.remote.s32 $0x1  }
0xe3: {  	_ =	sfence.sel $0xFFFF  }
0xe4: {  	[dreg:$0x0] =	wrdreg $0xFFFFFFFF;
	(pc) =	sbr.abs _section_cstart, $3  }
0xe5: {  	[dreg:$0x1] =	wrdreg $0xFFFFFFFF  }
0xe6: {  	_ =	task.clear_ibuf [dreg:s20], $0x2FFFF;
	_ =	strace $0x9FFFFFFF  }
0xe7: {  	(tm) =	ssettm $0x7FFFFFFF  }
tec
execute0_lowered:
.L_overlay_start_1:
0x0: {  	(tag) =	ssettag $0x1  }
0x1: {  	s2 =	rddreg [dreg:$0x0]  }
0x2: {  	s4 =	rddreg [dreg:$0x1]  }
0x3: {  	s0 =	rddreg [dreg:$0x2];
	s3 =	stileid.u32  }
0x4: {  	[bflag:$0x3] =	sbarrier.arrive $0xFFFF;
	s1 =	simm.s32 $_size_execute1_lowered;
	s29 =	srdreg.scid  }
0x5: {  	s7 =	simm.s32 $0x2;
	s8 =	simm.s32 $0x0;
	p0 =	sne.s32 s3, $0x0  }
0x6: {  	s1 =	sshll.u32 s1, $0x1;
	s5 =	simm.s32 @!p0 $0x1C3F;
	s6 =	simm.s32 @!p0 $0x4060  }
0x7: {  	[timem:s6], [sflag:s5] =	dma.local @!p0 [hbm:s2], s1  }
0x8: {  	s12 =	simm.s32 $0x0;
	s10 =	simm.s32 $0x0;
	s2 =	sshll.u32 s29, $0x7  }
.Ltmp0:
0x9: {  	s3 =	sshll.u32 s3, $0x8;
	s30 =	sand.u32 $0x80, s2;
	(pc) =	sbr.rel .LBB2_1-.Ltmp0, $4  }
0xa: {  	s11 =	simm.s32 $0x0;
	_ =	strace $0x80000056;
	s3 =	sor.u32 s3, s30  }
0xb: {  	s5 =	simm.s32 $0x1;
	s2 =	sadd.s32 $0x11DA00, s4;
	s31 =	ssub.s32 $0x2700, s3  }
0xc: {  	s4 =	sadd.s32 $0x16BE00, s4;
	[sflag:s5] =	ssyncpa.u1 $0x0;
	s6 =	sshrl.u32 s31, $0xC  }
0xd: {  	[sflag:s7] =	ssyncpa.u1 $0x0;
	s9 =	smov.u32 s3;
	s7 =	sadd.s32 $0x2, s6  }
.LBB2_4:
0xe: {  	_ = 	snop  }
.LBB2_7:
0xf: {  	_ =	sdelay $0x3  }
0x10: {  	[tilespmem:v0+s16+$0x0 ss:$0x1] =	vst.idx.msk @p1 $0xffff, v2  }
0x11: {  	v56 =	vld.idx.msk [tilespmem:v1+s15+$0x0 ss:$0x1], $0xffff;
	s24 =	sor.u32 $0x70, s15;
	[tilespmem:v0+s17+$0x0 ss:$0x1] =	vst.idx.msk @p1 $0xffff, v4  }
0x12: {  	s25 =	sor.u32 $0x10, s15;
	[tilespmem:v0+s18+$0x0 ss:$0x1] =	vst.idx.msk @p1 $0xffff, v3;
	v57 =	vld.idx.msk [tilespmem:v1+s24+$0x0 ss:$0x1], $0xffff  }
0x13: {  	s26 =	sor.u32 $0x20, s15;
	[tilespmem:v0+s19+$0x0 ss:$0x1] =	vst.idx.msk @p1 $0xffff, v5;
	v58 =	vld.idx.msk [tilespmem:v1+s25+$0x0 ss:$0x1], $0xffff  }
0x14: {  	s28 =	sor.u32 $0x30, s15;
	[tilespmem:v0+s20+$0x0 ss:$0x1] =	vst.idx.msk @p1 $0xffff, v6;
	v59 =	vld.idx.msk [tilespmem:v1+s26+$0x0 ss:$0x1], $0xffff  }
0x15: {  	s29 =	sor.u32 $0x40, s15;
	[tilespmem:v0+s21+$0x0 ss:$0x1] =	vst.idx.msk @p1 $0xffff, v7;
	v60 =	vld.idx.msk [tilespmem:v1+s28+$0x0 ss:$0x1], $0xffff  }
0x16: {  	s30 =	sor.u32 $0x50, s15;
	v61 =	vld.idx.msk [tilespmem:v1+s29+$0x0 ss:$0x1], $0xffff;
	[tilespmem:v0+s15+$0x0 ss:$0x1] =	vst.idx.msk $0xffff, v56  }
0x17: {  	s31 =	sor.u32 $0x60, s15;
	v62 =	vld.idx.msk [tilespmem:v1+s30+$0x0 ss:$0x1], $0xffff;
	[tilespmem:v0+s24+$0x0 ss:$0x1] =	vst.idx.msk $0xffff, v57  }
0x18: {  	v63 =	vld.idx.msk [tilespmem:v1+s31+$0x0 ss:$0x1], $0xffff;
	[tilespmem:v0+s25+$0x0 ss:$0x1] =	vst.idx.msk $0xffff, v58  }
0x19: {  	[tilespmem:v0+s26+$0x0 ss:$0x1] =	vst.idx.msk $0xffff, v59  }
0x1a: {  	[tilespmem:v0+s28+$0x0 ss:$0x1] =	vst.idx.msk $0xffff, v60  }
0x1b: {  	[tilespmem:v0+s29+$0x0 ss:$0x1] =	vst.idx.msk $0xffff, v61  }
0x1c: {  	[tilespmem:v0+s30+$0x0 ss:$0x1] =	vst.idx.msk $0xffff, v62  }
0x1d: {  	[tilespmem:v0+s31+$0x0 ss:$0x1] =	vst.idx.msk $0xffff, v63  }
.LBB2_8:
0x1e: {  	s15 =	sand.u32 $0x1FFFFFF, s10  }
0x1f: {  	s16 =	smulhi.u32 $0x34630B5, s15;
	_ =	sdelay $0x1  }
0x20: {  	s16 =	sshrl.u32 s16, $0x7  }
0x21: {  	s16 =	smul.u32 $0x2718, s16;
	_ =	sdelay $0x1  }
0x22: {  	s15 =	ssub.s32 s15, s16  }
0x23: {  	s15 =	sshll.u32 s15, $0x4  }
0x24: {  	s15 =	sadd.s32 s4, s15  }
0x25: {  	[hbm4b:s15+s8] =	stream.linear.scatter [tilespmem:s14], [sflag:$0x2], s13, $0x38;
	[tilespmem:$0x10000] =	vst v63  }
.LBB2_9:
0x26: {  	p1 =	slt.u32 s11, $0x2  }
0x27: {  	p2 =	sgt.s32 @!p1 s12, $0x2698  }
0x28: {  	s13 =	smov.u32 s12;
	s14 =	sshra.s32 @!p1 s12, $0x1F;
	p2 =	por !p2, p1  }
0x29: {  	s12 =	sand.u32 @!p1 s14, s12;
	s13 =	simm.s32 @p2 $0x2698  }
0x2a: {  	s12 =	ssub.s32 @!p1 s13, s12  }
0x2b: {  	s12 =	sadd.s32 @!p1 $0xFFFFD968, s12  }
0x2c: {  	s13 =	sshll.u32 @!p1 s12, $0x9  }
0x2d: {  	p2 =	sgt.s32 @!p1 s12, $0x7F;
	s12 =	ssub.s32 @!p1 $0x10000, s13  }
0x2e: {  	s14 =	sadd.s32 $0x1000, s9;
	p2 =	por !p2, p1;
	s12 =	sshrl.u32 @!p1 s12, $0x2  }
0x2f: {  	s12 =	simm.s32 @!p2 $0x0;
	p2 =	sgt.s32 s14, $0x2710  }
0x30: {  	s14 =	smov.u32 @p2 s3;
	p2 =	sne.s32 s11, s7  }
.Ltmp1:
0x31: {  	_ = 	snop;
	(pc) =	sbr.rel @!p2 .LBB2_10-.Ltmp1, $4  }
0x32: {  	s13 =	simm.s32 @!p1 $0x2  }
0x33: {  	_ =	swait.ge @!p1 [sflag:s13], s12;
	s15 =	ssub.s32 @!p1 $0x0, s12  }
0x34: {  	s12 =	smov.u32 s10;
	s11 =	sadd.s32 $0x1, s11;
	[sflag:s13] =	ssyncset.done @!p1 $0x0  }
0x35: {  	s10 =	smov.u32 s9;
	s9 =	smov.u32 s14;
	[sflag:s13] =	ssyncadd.s32 @!p1 s15  }
.LBB2_1:
0x36: {  	p1 =	sgt.u32 s11, s6  }
0x37: {  	s13 =	sand.u32 @!p1 $0x1FFFFFF, s9  }
0x38: {  	p2 =	sgt.s32 @!p1 s9, $0x2698;
	s14 =	smulhi.u32 @!p1 $0x34630B5, s13  }
0x39: {  	s15 =	smov.u32 s9;
	s16 =	sshra.s32 @!p1 s9, $0x1F;
	p2 =	por !p2, p1  }
0x3a: {  	s16 =	sand.u32 @!p1 s16, s9;
	s15 =	simm.s32 @p2 $0x2698;
	s14 =	sshrl.u32 @!p1 s14, $0x7  }
0x3b: {  	s15 =	ssub.s32 @!p1 s15, s16;
	s14 =	smul.u32 @!p1 $0x2718, s14  }
0x3c: {  	s16 =	sxor.u32 @!p1 $0xFFFFFFFF, s11;
	s15 =	sadd.s32 @!p1 $0xFFFFD968, s15  }
0x3d: {  	s16 =	sshll.u32 @!p1 s16, $0xE;
	s13 =	ssub.s32 @!p1 s13, s14;
	s14 =	sshll.u32 @!p1 s15, $0x9  }
0x3e: {  	s16 =	sand.u32 @!p1 $0x4000, s16;
	p2 =	sgt.s32 @!p1 s15, $0x7F;
	s14 =	ssub.s32 @!p1 $0x10000, s14  }
0x3f: {  	p2 =	por !p2, p1;
	s13 =	sshll.u32 @!p1 s13, $0x4;
	s14 =	sshrl.u32 @!p1 s14, $0x2  }
0x40: {  	s15 =	simm.s32 @!p1 $0x0;
	s13 =	sadd.s32 @!p1 s2, s13;
	s14 =	simm.s32 @!p2 $0x0  }
0x41: {  	[tilespmem:s16], [sflag:$0x1] =	stream.linear.gather @!p1 [hbm4b:s13+s15], s14, $0x38;
	[tilespmem:$0x10000] =	vst v63  }
0x42: {  	p1 =	seq.s32 s11, $0x0  }
0x43: {  	p2 =	sge.u32 @!p1 s11, s7  }
0x44: {  	p1 =	por p1, p2  }
.Ltmp2:
0x45: {  	_ = 	snop;
	(pc) =	sbr.rel @p1 .LBB2_9-.Ltmp2, $1  }
0x46: {  	_ =	sdelay $0x3  }
0x47: {  	p1 =	sgt.s32 s10, $0x2698;
	s13 =	smov.u32 s10;
	s14 =	sshra.s32 s10, $0x1F  }
0x48: {  	s13 =	simm.s32 @!p1 $0x2698;
	s14 =	sand.u32 s14, s10  }
0x49: {  	s13 =	ssub.s32 s13, s14  }
0x4a: {  	s13 =	sadd.s32 $0xFFFFD968, s13  }
0x4b: {  	s31 =	sshll.u32 s13, $0x9  }
0x4c: {  	s14 =	ssub.s32 $0x10000, s31  }
0x4d: {  	p1 =	sgt.s32 s13, $0x7F;
	s13 =	sshrl.u32 s14, $0x2;
	s14 =	sadd.s32 $0x80, s10  }
0x4e: {  	s13 =	simm.s32 @p1 $0x0;
	p1 =	slt.s32 s14, $0x2711  }
0x4f: {  	s14 =	simm.s32 @!p1 $0x2711  }
0x50: {  	s16 =	ssub.s32 s14, s10  }
0x51: {  	p1 =	slt.s32 s16, $0x1  }
.Ltmp3:
0x52: {  	_ = 	snop;
	(pc) =	sbr.rel @p1 .LBB2_8-.Ltmp3, $4  }
0x53: {  	_ = 	snop  }
0x54: {  	s15 =	sshll.u32 s11, $0xE;
	_ =	swait.ge [sflag:s5], s13  }
0x55: {  	s15 =	sand.u32 $0x4000, s15;
	s17 =	ssub.s32 $0x0, s13;
	[sflag:s5] =	ssyncset.done $0x0  }
0x56: {  	s14 =	sor.u32 $0x8000, s15;
	[sflag:s5] =	ssyncadd.s32 s17  }
0x57: {  	p2 =	sne.s32 s16, $0x1  }
.Ltmp4:
0x58: {  	v1 =	vmov s15;
	v0 =	vmov s14;
	(pc) =	sbr.rel @!p2 .LBB2_4-.Ltmp4, $3  }
0x59: {  	_ =	sdelay $0x1  }
0x5a: {  	s17 =	simm.s32 $0x0  }
0x5b: {  	s23 =	sadd.s32 $0xFFFFFFFF, s16;
	p1 =	por $0x0, $0x0;
	s15 =	sand.u32 $0x3F80, s17  }
0x5c: {  	_ =	sdelay $0x3  }
0x5d: {  	v6 =	vld.idx.msk [tilespmem:v1+s15+$0x0 ss:$0x1], $0xffff;
	s24 =	sor.u32 $0x70, s15  }
0x5e: {  	s16 =	sor.u32 $0x10, s15;
	v8 =	vld.idx.msk [tilespmem:v1+s24+$0x0 ss:$0x1], $0xffff  }
0x5f: {  	s17 =	sor.u32 $0x20, s15;
	p2 =	sne.s32 s23, $0x1;
	v2 =	vld.idx.msk [tilespmem:v1+s16+$0x0 ss:$0x1], $0xffff  }
.Ltmp5:
0x60: {  	s18 =	sor.u32 $0x30, s15;
	v4 =	vld.idx.msk [tilespmem:v1+s17+$0x0 ss:$0x1], $0xffff;
	(pc) =	sbr.rel @!p2 .LBB2_7-.Ltmp5, $4  }
0x61: {  	s19 =	sor.u32 $0x40, s15;
	v3 =	vld.idx.msk [tilespmem:v1+s18+$0x0 ss:$0x1], $0xffff  }
0x62: {  	s21 =	sor.u32 $0x60, s15;
	v5 =	vld.idx.msk [tilespmem:v1+s19+$0x0 ss:$0x1], $0xffff  }
0x63: {  	s20 =	sor.u32 $0x50, s15;
	s22 =	simm.s32 $0x80;
	v7 =	vld.idx.msk [tilespmem:v1+s21+$0x0 ss:$0x1], $0xffff;
	[tilespmem:v0+s15+$0x0 ss:$0x1] =	vst.idx.msk $0xffff, v6  }
0x64: {  	s23 =	sadd.s32 $0xFFFFFFFF, s23;
	p1 =	por $0x1, $0x1;
	v6 =	vld.idx.msk [tilespmem:v1+s20+$0x0 ss:$0x1], $0xffff;
	s15 =	sand.u32 $0x3F80, s22;
	[tilespmem:v0+s24+$0x0 ss:$0x1] =	vst.idx.msk $0xffff, v8  }
.LBB2_6:
0x65: {  	p2 =	sne.s32 s23, $0x1;
	v8 =	vld.idx.msk [tilespmem:v1+s15+$0x0 ss:$0x1], $0xffff;
	s24 =	sor.u32 $0x70, s15;
	[tilespmem:v0+s16+$0x0 ss:$0x1] =	vst.idx.msk $0xffff, v2;
	s16 =	sor.u32 $0x10, s15  }
0x66: {  	s25 =	sor.u32 $0x30, s15;
	s26 =	sor.u32 $0x40, s15;
	v9 =	vld.idx.msk [tilespmem:v1+s24+$0x0 ss:$0x1], $0xffff;
	[tilespmem:v0+s17+$0x0 ss:$0x1] =	vst.idx.msk $0xffff, v4;
	s17 =	sor.u32 $0x20, s15  }
0x67: {  	s28 =	sor.u32 $0x50, s15;
	s29 =	sor.u32 $0x60, s15;
	v2 =	vld.idx.msk [tilespmem:v1+s16+$0x0 ss:$0x1], $0xffff;
	[tilespmem:v0+s18+$0x0 ss:$0x1] =	vst.idx.msk $0xffff, v3;
	s18 =	smov.u32 s25  }
.Ltmp6:
0x68: {  	v4 =	vld.idx.msk [tilespmem:v1+s17+$0x0 ss:$0x1], $0xffff;
	[tilespmem:v0+s19+$0x0 ss:$0x1] =	vst.idx.msk $0xffff, v5;
	s19 =	smov.u32 s26;
	(pc) =	sbr.rel @p2 .LBB2_6-.Ltmp6, $4  }
0x69: {  	v3 =	vld.idx.msk [tilespmem:v1+s18+$0x0 ss:$0x1], $0xffff;
	[tilespmem:v0+s20+$0x0 ss:$0x1] =	vst.idx.msk $0xffff, v6;
	s20 =	smov.u32 s28  }
0x6a: {  	v5 =	vld.idx.msk [tilespmem:v1+s19+$0x0 ss:$0x1], $0xffff;
	[tilespmem:v0+s21+$0x0 ss:$0x1] =	vst.idx.msk $0xffff, v7;
	s21 =	smov.u32 s29  }
0x6b: {  	s22 =	sadd.s32 $0x80, s22;
	[tilespmem:v0+s15+$0x0 ss:$0x1] =	vst.idx.msk $0xffff, v8;
	v6 =	vld.idx.msk [tilespmem:v1+s20+$0x0 ss:$0x1], $0xffff  }
0x6c: {  	s23 =	sadd.s32 $0xFFFFFFFF, s23;
	s15 =	sand.u32 $0x3F80, s22;
	v7 =	vld.idx.msk [tilespmem:v1+s21+$0x0 ss:$0x1], $0xffff;
	[tilespmem:v0+s24+$0x0 ss:$0x1] =	vst.idx.msk $0xffff, v9  }
.Ltmp7:
0x6d: {  	_ = 	snop;
	(pc) =	sbr.rel .LBB2_7-.Ltmp7, $1  }
0x6e: {  	_ =	sdelay $0x3  }
.LBB2_10:
0x6f: {  	_ =	sfence.sel $0x180000  }
0x70: {  	s2 =	simm.s32 $0x1;
	[bflag:$0x0] =	sbarrier.arrive $0xFFFF  }
0x71: {  	s31 =	simm.s32 $0x2;
	[sflag:s2] =	ssyncpa.u1 $0x1  }
0x72: {  	[sflag:s31] =	ssyncpa.u1 $0x1  }
0x73: {  	_ =	strace $0x90000056  }
0x74: {  	s0 =	sadd.s32 @!p0 $0x100000, s0;
	[bflag:$0x2] =	sbarrier.arrive $0xFFFF  }
0x75: {  	[sflag:s0] =	ssyncadd.tile.s32 @!p0 $0x1;
	s0 =	simm.s32 @!p0 $0x3F  }
0x76: {  	_ =	swait.ge @!p0 [sflag:s0], s1  }
0x77: {  	s1 =	ssub.s32 @!p0 $0x0, s1;
	[sflag:s0] =	ssyncset.done @!p0 $0x0  }
0x78: {  	[sflag:s0] =	ssyncadd.s32 @!p0 s1  }
0x79: {  	[bflag:$0x3] =	sbarrier.arrive $0xFFFF  }
0x7a: {  	_ =	shalt  }
.Lfunc_end2:
execute1_lowered:
.L_overlay_start_2:
0x7b: {  	(tag) =	ssettag $0x2  }
0x7c: {  	s2 =	rddreg [dreg:$0x0]  }
0x7d: {  	s3 =	rddreg [dreg:$0x1];
	_ =	strace $0x80000059;
	s0 =	simm.s32 $0x1  }
0x7e: {  	v0 =	vimm.s32 $0x0;
	[sflag:s0] =	ssyncpa.u1 $0x0;
	s0 =	simm.s32 $0x108  }
0x7f: {  	[tilespmem:s0+$0x70] =	vst v0  }
0x80: {  	[tilespmem:s0+$0x60] =	vst v0  }
0x81: {  	[tilespmem:s0+$0x50] =	vst v0  }
0x82: {  	[tilespmem:s0+$0x40] =	vst v0  }
0x83: {  	s1 =	sadd.s32 $0x16BE00, s2;
	[tilespmem:s0+$0x30] =	vst v0  }
0x84: {  	s15 =	sadd.s32 $0x501E00, s2;
	s6 =	sadd.s32 $0x13C8800, s2;
	[tilespmem:s0+$0x20] =	vst v0  }
0x85: {  	s14 =	sadd.s32 $0x50BC00, s2;
	s5 =	sand.u32 $0x1, s3;
	s3 =	simm.s32 $0x40;
	[tilespmem:s0+$0x10] =	vst v0  }
.LBB3_1:
0x86: {  	s3 =	sadd.s32 $0x40, s3;
	[tilespmem:s0+$0x0] =	vst v0;
	s0 =	sadd.s32 $0x80, s0  }
0x87: {  	p0 =	slt.u32 s3, $0x3C40;
	[tilespmem:s0+$0x70] =	vst v0  }
0x88: {  	[tilespmem:s0+$0x60] =	vst v0  }
.Ltmp8:
0x89: {  	[tilespmem:s0+$0x50] =	vst v0;
	(pc) =	sbr.rel @p0 .LBB3_1-.Ltmp8, $4  }
0x8a: {  	[tilespmem:s0+$0x40] =	vst v0  }
0x8b: {  	[tilespmem:s0+$0x30] =	vst v0  }
0x8c: {  	[tilespmem:s0+$0x20] =	vst v0  }
0x8d: {  	[tilespmem:s0+$0x10] =	vst v0  }
0x8e: {  	s9 =	stileid.u32  }
0x8f: {  	s2 =	smul.u32 $0x29, s9  }
0x90: {  	s3 =	smin.u32 s9, $0xB  }
0x91: {  	s2 =	sadd.s32 s3, s2  }
0x92: {  	p0 =	slt.u32 s9, $0xB;
	s7 =	smul.u32 $0xF0, s2;
	s2 =	simm.s32 $0x2760  }
0x93: {  	s2 =	simm.s32 @!p0 $0x2670  }
0x94: {  	s2 =	sadd.s32 s2, s7  }
0x95: {  	s8 =	smin.u32 s2, $0x27140  }
0x96: {  	s2 =	ssub.s32 s8, s7  }
0x97: {  	p0 =	sgt.s32 s2, $0x0  }
0x98: {  	s29 =	simm.s32 $0x2;
	s10 =	simm.s32 $0x9;
	s2 =	simm.s32 @!p0 $0x0  }
0x99: {  	s4 =	simm.s32 $0xA;
	s11 =	simm.s32 $0xB;
	s28 =	smulhi.u32 $0x88888889, s2  }
0x9a: {  	[dreg:$0x4] =	wrdreg s5;
	s31 =	smul.u32 $0x4E28, s5;
	s12 =	simm.s32 $0x1  }
0x9b: {  	s22 =	simm.s32 $0x0;
	s18 =	simm.s32 $0xC;
	s30 =	sshrl.u32 s28, $0x7  }
0x9c: {  	s20 =	simm.s32 $0x0;
	s21 =	simm.s32 $0x0;
	s3 =	smul.u32 $0xF0, s30  }
.Ltmp9:
0x9d: {  	[tilespmem:s0+$0x0] =	vst v0;
	v0 =	vimm.s32 $0xFFFFFFFF;
	[sflag:s29] =	ssyncpa.u1 $0x0;
	s16 =	sshll.u32 s9, $0x8;
	(pc) =	sbr.rel .LBB3_3-.Ltmp9, $4  }
0x9e: {  	[tilespmem:$0xF208] =	vst v0;
	[sflag:s10] =	ssyncpa.u1 $0x0;
	p0 =	sne.s32 s2, s3;
	s2 =	simm.s32 $0x1  }
0x9f: {  	s14 =	sadd.s32 s31, s14;
	[sflag:s4] =	ssyncpa.u1 $0x0;
	s2 =	simm.s32 @!p0 $0x0  }
0xa0: {  	s15 =	sadd.s32 s31, s15;
	[sflag:s11] =	ssyncpa.u1 $0x0;
	s13 =	sadd.s32 s2, s30  }
0xa1: {  	v0 =	vlaneseq.u32;
	s19 =	smov.u32 s7;
	p0 =	por $0x0, $0x0;
	s17 =	sadd.s32 $0x1, s13  }
.LBB3_18:
0xa2: {  	s0 =	sshrl.u32 s31, $0x2  }
.LBB3_20:
0xa3: {  	_ =	swait.ge [sflag:s18], s0  }
0xa4: {  	s31 =	ssub.s32 $0x0, s0;
	v1 =	vmov s24;
	vm0 =	veq.s32 v0, $0x0;
	[sflag:s18] =	ssyncset.done $0x0  }
0xa5: {  	vm15 =	veq.s32 v0, $0x2;
	v1 =	vsel vm0, s30, v1;
	[sflag:s18] =	ssyncadd.s32 s31  }
0xa6: {  	v1 =	vsel vm15, s22, v1;
	[sflag:s18] =	ssyncpa.u1 $0x1  }
0xa7: {  	[tilespmem:$0xF208] =	vst v1  }
.LBB3_21:
0xa8: {  	s0 =	sadd.s32 $0xF0, s19  }
0xa9: {  	s2 =	smov.u32 s7;
	p1 =	slt.s32 s0, s8  }
0xaa: {  	s2 =	smov.u32 @p1 s0;
	p1 =	sne.s32 s21, s17  }
.Ltmp10:
0xab: {  	_ = 	snop;
	(pc) =	sbr.rel @!p1 .LBB3_22-.Ltmp10, $3  }
0xac: {  	_ =	sdelay $0x1  }
0xad: {  	s22 =	smov.u32 s20;
	s31 =	sadd.s32 $0x1, s21;
	s20 =	smov.u32 s19  }
0xae: {  	p0 =	por !p0, !p0;
	s21 =	smov.u32 s31;
	s19 =	smov.u32 s2  }
.LBB3_3:
0xaf: {  	p1 =	sge.u32 s21, s13  }
0xb0: {  	s0 =	smulhi.u32 @!p1 $0xAAAAAAAB, s21  }
0xb1: {  	s2 =	smov.u32 s19;
	p2 =	sgt.s32 @!p1 s19, $0x27050  }
0xb2: {  	s3 =	sshra.s32 @!p1 s19, $0x1F;
	p2 =	por !p2, p1;
	s0 =	sshrl.u32 @!p1 s0, $0x1  }
0xb3: {  	s3 =	sand.u32 @!p1 s3, s19;
	s2 =	simm.s32 @p2 $0x27050;
	s0 =	smul.u32 @!p1 $0x3, s0  }
0xb4: {  	s2 =	ssub.s32 @!p1 s2, s3  }
0xb5: {  	s2 =	sadd.s32 @!p1 $0xFFFD8FB0, s2;
	s0 =	ssub.s32 @!p1 s21, s0  }
0xb6: {  	s3 =	sshll.u32 @!p1 s2, $0x2;
	p2 =	sgt.s32 @!p1 s2, $0xEF;
	s0 =	smul.u32 @!p1 $0x3C0, s0  }
0xb7: {  	s4 =	sand.u32 @!p1 $0x7, s19;
	s2 =	ssub.s32 @!p1 $0x3C0, s3;
	p2 =	por !p2, p1  }
0xb8: {  	s3 =	sshrl.u32 @!p1 s19, $0x3;
	s2 =	sshrl.u32 @!p1 s2, $0x2;
	s0 =	sshrl.u32 @!p1 s0, $0x2  }
0xb9: {  	s3 =	sadd.s32 @!p1 s3, s14;
	s2 =	simm.s32 @!p2 $0x0;
	s0 =	sadd.s32 @!p1 $0x10248, s0  }
0xba: {  	[tilespmem:s0], [sflag:$0xA] =	stream.linear.gather @!p1 [hbm4b:s3+s4], s2, $0x38;
	[tilespmem:$0x1F6F8] =	vst v63  }
0xbb: {  	s0 =	sadd.s32 $0xFFFFFFFF, s21  }
0xbc: {  	p1 =	sge.u32 s0, s13  }
0xbd: {  	p2 =	sgt.s32 @!p1 s20, $0x27050  }
0xbe: {  	s2 =	smov.u32 s20;
	s3 =	sshra.s32 @!p1 s20, $0x1F;
	p2 =	por !p2, p1  }
0xbf: {  	s3 =	sand.u32 @!p1 s3, s20;
	s2 =	simm.s32 @p2 $0x27050  }
0xc0: {  	s2 =	ssub.s32 @!p1 s2, s3  }
0xc1: {  	s2 =	sadd.s32 @!p1 $0xFFFD8FB0, s2  }
0xc2: {  	s4 =	sand.u32 @!p1 $0x1, s0;
	s3 =	sshll.u32 @!p1 s2, $0x2  }
0xc3: {  	p2 =	sgt.s32 @!p1 s2, $0xEF;
	s2 =	ssub.s32 @!p1 $0x3C0, s3;
	s3 =	smulhi.u32 @!p1 $0xAAAAAAAB, s0  }
0xc4: {  	s23 =	smul.u32 @!p1 $0x3C0, s4;
	p2 =	por !p2, p1;
	s2 =	sshrl.u32 @!p1 s2, $0x2  }
0xc5: {  	s5 =	simm.s32 @!p1 $0xA;
	s2 =	simm.s32 @!p2 $0x0;
	s3 =	sshrl.u32 @!p1 s3, $0x1  }
0xc6: {  	s23 =	sshrl.u32 @!p1 s23, $0x2;
	_ =	swait.ge @!p1 [sflag:s5], s2;
	s3 =	smul.u32 @!p1 $0x3, s3  }
0xc7: {  	s23 =	sadd.s32 @!p1 $0x10518, s23;
	s24 =	ssub.s32 @!p1 $0x0, s2;
	[sflag:s5] =	ssyncset.done @!p1 $0x0  }
0xc8: {  	[sflag:s5] =	ssyncadd.s32 @!p1 s24;
	s5 =	sshrl.u32 @!p1 s20, $0x3;
	s0 =	ssub.s32 @!p1 s0, s3  }
0xc9: {  	s24 =	sand.u32 @!p1 $0x7, s20;
	s5 =	sadd.s32 @!p1 s5, s15;
	s0 =	smul.u32 @!p1 $0x3C0, s0  }
0xca: {  	[tilespmem:s23], [sflag:$0xB] =	stream.linear.gather @!p1 [hbm4b:s5+s24], s2, $0x38;
	[tilespmem:$0x1F6F8] =	vst v63  }
0xcb: {  	s3 =	ssub.s32 @!p1 $0x27140, s20;
	s2 =	smul.u32 @!p1 $0x1E000, s4  }
0xcc: {  	p2 =	slt.s32 @!p1 s3, $0xF0  }
0xcd: {  	p2 =	por !p2, p1;
	s0 =	sshrl.u32 @!p1 s0, $0x2;
	s2 =	sshrl.u32 @!p1 s2, $0x2  }
0xce: {  	s3 =	simm.s32 @p2 $0xF0;
	s0 =	sadd.s32 @!p1 $0x10248, s0;
	s2 =	sor.u32 @!p1 $0x106F8, s2  }
0xcf: {  	[tilespmem:s2], [sflag:$0x9] =	stream.indirect.gather @!p1 [hbm4b:s6+s3], $0x80, s0, s3, $0xb8;
	[tilespmem:$0x1F6F8] =	vst v63  }
0xd0: {  	p1 =	slt.u32 s21, $0x2  }
.Ltmp11:
0xd1: {  	_ = 	snop;
	(pc) =	sbr.rel @p1 .LBB3_21-.Ltmp11, $1  }
0xd2: {  	_ =	sdelay $0x3  }
0xd3: {  	p1 =	sgt.s32 s22, $0x27050  }
0xd4: {  	s0 =	smov.u32 s22;
	s2 =	sshra.s32 s22, $0x1F;
	s3 =	ssub.s32 $0x27140, s22  }
0xd5: {  	s0 =	simm.s32 @!p1 $0x27050;
	s2 =	sand.u32 s2, s22;
	p1 =	slt.s32 s3, $0xF0  }
0xd6: {  	s0 =	ssub.s32 s0, s2;
	s3 =	simm.s32 @!p1 $0xF0  }
0xd7: {  	s0 =	sadd.s32 $0xFFFD8FB0, s0;
	s25 =	sshll.u32 s3, $0x7  }
0xd8: {  	s26 =	sshll.u32 s0, $0x2;
	s2 =	sand.u32 $0x3FFFFF80, s25  }
0xd9: {  	p1 =	sgt.s32 s0, $0xEF;
	s29 =	ssub.s32 $0x3C0, s26;
	_ =	swait.ge [sflag:s10], s2  }
0xda: {  	s2 =	ssub.s32 $0x0, s2;
	[sflag:s10] =	ssyncset.done $0x0;
	s0 =	sshrl.u32 s29, $0x2  }
0xdb: {  	[sflag:s10] =	ssyncadd.s32 s2;
	s0 =	simm.s32 @p1 $0x0  }
0xdc: {  	_ =	swait.ge [sflag:s11], s0  }
0xdd: {  	s0 =	ssub.s32 $0x0, s0;
	[sflag:s11] =	ssyncset.done $0x0  }
0xde: {  	[sflag:s11] =	ssyncadd.s32 s0  }
0xdf: {  	v1 =	vld [tilespmem:$0xF208];
	_ =	sdelay $0x4  }
0xe0: {  	(v2sf) =	vpush v1, $0x0  }
0xe1: {  	(v2sf) =	vpush v1, $0x1  }
0xe2: {  	(v2sf) =	vpush v1, $0x2;
	_ =	sdelay $0x3  }
0xe3: {  	s0 =	sadd.s32 $0xF0, s22  }
0xe4: {  	s2 =	ssub.s32 $0x4E280, s22;
	p1 =	slt.s32 s8, s0  }
0xe5: {  	s0 =	smov.u32 @p1 s8;
	p1 =	sgt.s32 s2, $0x0  }
0xe6: {  	s26 =	ssub.s32 s0, s22;
	s2 =	simm.s32 @!p1 $0x0  }
0xe7: {  	p1 =	slt.s32 s2, s26  }
0xe8: {  	s26 =	smov.u32 @p1 s2  }
0xe9: {  	s25 =	simm.s32 $0x1;
	p1 =	slt.s32 s26, $0x1  }
.Ltmp12:
0xea: {  	s25 =	simm.s32 @!p0 $0x0;
	(pc) =	sbr.rel @p1 .LBB3_8-.Ltmp12, $4  }
0xeb: {  	s31 =	smul.u32 $0x3C0, s25  }
0xec: {  	s28 =	spop (v2sf)  }
0xed: {  	s0 =	sshrl.u32 s31, $0x2;
	s30 =	spop (v2sf)  }
0xee: {  	s23 =	sadd.s32 $0x10518, s0;
	s22 =	spop (v2sf)  }
0xef: {  	s0 =	smin.u32 s26, $0x10  }
0xf0: {  	v1 =	vmov s0  }
0xf1: {  	p2 =	sgt.s32 s26, $0x10;
	vm1 =	vgt.u32 v1, v0  }
.Ltmp13:
0xf2: {  	_ = 	snop;
	(pc) =	sbr.rel @!p2 .LBB3_7-.Ltmp13, $2  }
0xf3: {  	_ =	sdelay $0x2  }
0xf4: {  	s4 =	simm.s32 $0x10;
	s24 =	sadd.s32 $0xFFFFFFF0, s26;
	s0 =	smov.u32 s23;
	vm0 =	vmmov vm1  }
.LBB3_6:
0xf5: {  	s2 =	smin.u32 s24, $0x10;
	s4 =	sadd.s32 $0x10, s4;
	v1 =	vld.msk [tilespmem:s0+$0x0 ss:$0x1], vm1  }
0xf6: {  	v2 =	vmov s2;
	p2 =	slt.s32 s4, s26  }
0xf7: {  	vm1 =	vgt.u32 v2, v0  }
.Ltmp14:
0xf8: {  	(pc) =	sbr.rel @p2 .LBB3_6-.Ltmp14, $3  }
0xf9: {  	_ =	sdelay $0x1  }
0xfa: {  	v1 =	vshll.u32 v1, $0x4  }
0xfb: {  	s24 =	sadd.s32 $0xFFFFFFF0, s24;
	[tilespmem:s0+$0x0] =	vst.msk vm0, v1;
	s0 =	sadd.s32 $0x10, s0;
	vm0 =	vmmov vm1  }
.LBB3_7:
0xfc: {  	_ =	sdelay $0x4  }
0xfd: {  	v1 =	vld.msk [tilespmem:s0+$0x0 ss:$0x1], vm1;
	_ =	sdelay $0x4  }
0xfe: {  	v1 =	vshll.u32 v1, $0x4  }
0xff: {  	[tilespmem:s0+$0x0] =	vst.msk vm0, v1  }
.LBB3_8:
0x100: {  	s0 =	sand.u32 $0x1, s21  }
0x101: {  	s2 =	smul.u32 $0x7800, s0  }
0x102: {  	p2 =	sne.s32 s30, $0xFFFFFFFF  }
0x103: {  	v1 =	vld @!p2 [tilespmem:s2+$0x106F8];
	_ =	sdelay $0x2  }
0x104: {  	s0 =	smul.u32 $0xF0, s0;
	_ =	sdelay $0x1  }
0x105: {  	v2 =	vld.msk @!p2 [tilespmem:s0+$0x10518], $0x1;
	[tilespmem:$0x108] =	vst @!p2 v1  }
0x106: {  	v1 =	vld @!p2 [tilespmem:s2+$0x10708];
	_ =	sdelay $0x4  }
0x107: {  	[tilespmem:$0x118] =	vst @!p2 v1  }
0x108: {  	v1 =	vld @!p2 [tilespmem:s2+$0x10718];
	_ =	sdelay $0x4  }
0x109: {  	[tilespmem:$0x128] =	vst @!p2 v1  }
0x10a: {  	v1 =	vld @!p2 [tilespmem:s2+$0x10728];
	_ =	sdelay $0x4  }
0x10b: {  	[tilespmem:$0x138] =	vst @!p2 v1  }
0x10c: {  	v1 =	vld @!p2 [tilespmem:s2+$0x10738];
	_ =	sdelay $0x4  }
0x10d: {  	[tilespmem:$0x148] =	vst @!p2 v1  }
0x10e: {  	(v2sf) =	vpush @!p2 v2, $0x0;
	v1 =	vld @!p2 [tilespmem:s2+$0x10748];
	_ =	sdelay $0x4  }
0x10f: {  	[tilespmem:$0x158] =	vst @!p2 v1  }
0x110: {  	v1 =	vld @!p2 [tilespmem:s2+$0x10758];
	_ =	sdelay $0x4  }
0x111: {  	[tilespmem:$0x168] =	vst @!p2 v1  }
0x112: {  	v1 =	vld @!p2 [tilespmem:s2+$0x10768]  }
.Ltmp15:
0x113: {  	_ = 	snop;
	(pc) =	sbr.rel @p1 .LBB3_19-.Ltmp15, $4  }
0x114: {  	_ = 	snop  }
0x115: {  	s29 =	spop @!p2 (v2sf)  }
0x116: {  	s22 =	simm.s32 @!p2 $0x0;
	s24 =	smov.u32 s29  }
0x117: {  	s29 =	smov.u32 @p2 s28;
	s24 =	smov.u32 @p2 s30;
	[tilespmem:$0x178] =	vst @!p2 v1;
	[sflag:s18] =	ssyncpa.u1 $0x0  }
0x118: {  	v1 =	vld.msk [tilespmem:s23+$0x0], $0x1;
	_ =	sdelay $0x4  }
0x119: {  	(v2sf) =	vpush v1, $0x0;
	_ =	sdelay $0xe  }
0x11a: {  	s2 =	smul.u32 $0x1E000, s25;
	s0 =	spop (v2sf)  }
0x11b: {  	s26 =	ssub.s32 $0x0, s26;
	p1 =	seq.s32 s29, s0  }
0x11c: {  	s30 =	sadd.s32 $0x1, s26;
	s2 =	sshrl.u32 s2, $0x2;
	p2 =	sgt.s32 @!p1 s29, $0x0  }
0x11d: {  	s25 =	sor.u32 $0x10738, s2;
	s2 =	smov.u32 s29;
	p2 =	por !p2, p1  }
0x11e: {  	s2 =	simm.s32 @p2 $0x0;
	p2 =	seq.s32 s30, $0x0  }
.Ltmp16:
0x11f: {  	_ = 	snop;
	(pc) =	sbr.rel @p2 .LBB3_11-.Ltmp16, $4  }
0x120: {  	_ = 	snop  }
0x121: {  	s28 =	simm.s32 $0x0;
	s31 =	sadd.s32 $0x1, s23;
	s2 =	smin.u32 @!p1 s2, $0x27170  }
0x122: {  	s4 =	simm.s32 @!p1 $0x1;
	s5 =	simm.s32 @!p1 $0x7988;
	s3 =	sand.u32 @!p1 $0x3FFF8, s2  }
0x123: {  	s4 =	smov.u32 @p1 s28;
	s2 =	sand.u32 @!p1 $0x7, s2;
	s3 =	sadd.s32 @!p1 s1, s3  }
.LBB3_10:
0x124: {  	s9 =	smov.u32 s4  }
0x125: {  	[tilespmem:s5], [sflag:$0x2] =	stream.linear.gather @!p1 [hbm4b:s3+s2], $0x80, $0x38;
	[tilespmem:$0x1F6F8] =	vst v63  }
0x126: {  	s30 =	sadd.s32 $0x1, s30;
	s2 =	smov.u32 s0;
	v1 =	vld.msk [tilespmem:s31+$0x0], $0x1  }
0x127: {  	p2 =	seq.s32 s30, $0x0;
	_ =	sdelay $0x3  }
0x128: {  	(v2sf) =	vpush v1, $0x0;
	_ =	sdelay $0xe  }
0x129: {  	s0 =	spop (v2sf)  }
0x12a: {  	p1 =	seq.s32 s2, s0  }
0x12b: {  	p3 =	sgt.s32 @!p1 s2, $0x0;
	s3 =	sshll.u32 @!p1 s4, $0x9;
	s4 =	sadd.s32 @!p1 $0x1, s4  }
.Ltmp17:
0x12c: {  	p3 =	por !p3, p1;
	s3 =	sshra.s32 @!p1 s3, $0x2;
	(pc) =	sbr.rel @!p2 .LBB3_10-.Ltmp17, $4  }
0x12d: {  	s4 =	smov.u32 @p1 s9;
	s2 =	simm.s32 @p3 $0x0;
	s5 =	sadd.s32 @!p1 $0x7988, s3  }
0x12e: {  	s2 =	smin.u32 @!p1 s2, $0x27170  }
0x12f: {  	s3 =	sand.u32 @!p1 $0x3FFF8, s2;
	s2 =	sand.u32 @!p1 $0x7, s2  }
0x130: {  	s31 =	sadd.s32 $0x1, s31;
	s3 =	sadd.s32 @!p1 s1, s3  }
.LBB3_11:
0x131: {  	[tilespmem:s5], [sflag:$0x2] =	stream.linear.gather @!p1 [hbm4b:s3+s2], $0x80, $0x38;
	[tilespmem:$0x1F6F8] =	vst v63  }
.Ltmp18:
0x132: {  	s0 =	sshll.u32 s4, $0x7;
	(pc) =	sbr.rel .LBB3_12-.Ltmp18, $4  }
0x133: {  	s30 =	simm.s32 $0x2;
	s0 =	sand.u32 $0x3FFFFF80, s0  }
0x134: {  	_ =	swait.ge [sflag:s30], s0  }
0x135: {  	s0 =	ssub.s32 $0x0, s0;
	[sflag:s30] =	ssyncset.done $0x0  }
0x136: {  	s31 =	simm.s32 $0x0;
	[sflag:s30] =	ssyncadd.s32 s0  }
.LBB3_13:
0x137: {  	s0 =	sshra.s32 s0, $0x2;
	v1 =	vld [tilespmem:s25+$0xFFFFFFC0]  }
0x138: {  	v2 =	vld [tilespmem:s0+$0x108];
	_ =	sdelay $0x4  }
0x139: {  	v1 =	vmax.f32 v1, v2  }
0x13a: {  	v2 =	vld [tilespmem:s0+$0x118];
	[tilespmem:s0+$0x108] =	vst v1  }
0x13b: {  	v1 =	vld [tilespmem:s25+$0xFFFFFFD0];
	_ =	sdelay $0x4  }
0x13c: {  	v1 =	vmax.f32 v1, v2  }
0x13d: {  	v2 =	vld [tilespmem:s0+$0x128];
	[tilespmem:s0+$0x118] =	vst v1  }
0x13e: {  	v1 =	vld [tilespmem:s25+$0xFFFFFFE0];
	_ =	sdelay $0x4  }
0x13f: {  	v1 =	vmax.f32 v1, v2  }
0x140: {  	v2 =	vld [tilespmem:s0+$0x138];
	[tilespmem:s0+$0x128] =	vst v1  }
0x141: {  	v1 =	vld [tilespmem:s25+$0xFFFFFFF0];
	_ =	sdelay $0x4  }
0x142: {  	v1 =	vmax.f32 v1, v2  }
0x143: {  	v2 =	vld [tilespmem:s0+$0x148];
	[tilespmem:s0+$0x138] =	vst v1  }
0x144: {  	v1 =	vld [tilespmem:s25+$0x0];
	_ =	sdelay $0x4  }
0x145: {  	v1 =	vmax.f32 v1, v2  }
0x146: {  	v2 =	vld [tilespmem:s0+$0x158];
	[tilespmem:s0+$0x148] =	vst v1  }
0x147: {  	v1 =	vld [tilespmem:s25+$0x10];
	_ =	sdelay $0x4  }
0x148: {  	v1 =	vmax.f32 v1, v2  }
0x149: {  	v2 =	vld [tilespmem:s0+$0x168];
	[tilespmem:s0+$0x158] =	vst v1  }
0x14a: {  	v1 =	vld [tilespmem:s25+$0x20];
	_ =	sdelay $0x4  }
0x14b: {  	v1 =	vmax.f32 v1, v2  }
0x14c: {  	v2 =	vld [tilespmem:s0+$0x178];
	[tilespmem:s0+$0x168] =	vst v1  }
0x14d: {  	v1 =	vld [tilespmem:s25+$0x30];
	_ =	sdelay $0x4  }
0x14e: {  	v1 =	vmax.f32 v1, v2  }
0x14f: {  	[tilespmem:s0+$0x178] =	vst v1  }
.LBB3_17:
0x150: {  	s26 =	sadd.s32 $0x1, s26  }
0x151: {  	p1 =	seq.s32 s26, $0x0  }
.Ltmp19:
0x152: {  	_ = 	snop;
	(pc) =	sbr.rel @p1 .LBB3_18-.Ltmp19, $2  }
0x153: {  	_ =	sdelay $0x2  }
0x154: {  	s23 =	sadd.s32 $0x1, s23;
	s25 =	sadd.s32 $0x80, s25;
	s29 =	smov.u32 s30  }
.LBB3_12:
0x155: {  	v1 =	vld.msk [tilespmem:s23+$0x0], $0x1;
	_ =	sdelay $0x4  }
0x156: {  	(v2sf) =	vpush v1, $0x0;
	_ =	sdelay $0xe  }
0x157: {  	s30 =	spop (v2sf)  }
0x158: {  	p1 =	sne.s32 s29, s30  }
.Ltmp20:
0x159: {  	_ = 	snop;
	(pc) =	sbr.rel @!p1 .LBB3_13-.Ltmp20, $2  }
0x15a: {  	_ =	sdelay $0x2  }
0x15b: {  	s0 =	sshll.u32 s22, $0x9  }
0x15c: {  	p1 =	seq.s32 s29, s24  }
.Ltmp21:
0x15d: {  	_ = 	snop;
	(pc) =	sbr.rel @!p1 .LBB3_15-.Ltmp21, $1  }
0x15e: {  	_ =	sdelay $0x3  }
0x15f: {  	s0 =	sshra.s32 s0, $0x2  }
.Ltmp22:
0x160: {  	s0 =	sadd.s32 $0x108, s0;
	(pc) =	sbr.rel .LBB3_16-.Ltmp22, $4  }
0x161: {  	[spmem:s16] =	stream.linear.scatter [tilespmem:s0], [sflag:$0x1], $0x80, $0x38;
	[tilespmem:$0x1F6F8] =	vst v63  }
0x162: {  	_ =	swait.ge [sflag:s12], $0x80  }
0x163: {  	[sflag:s12] =	ssyncset.done $0x0  }
0x164: {  	[sflag:s12] =	ssyncadd.s32 $0xFFFFFF80  }
.LBB3_15:
0x165: {  	s2 =	sshll.u32 s28, $0x9;
	s0 =	sshra.s32 s0, $0x2  }
0x166: {  	s2 =	sshra.s32 s2, $0x2;
	v2 =	vld [tilespmem:s0+$0x108]  }
0x167: {  	v1 =	vld [tilespmem:s2+$0x7988];
	_ =	sdelay $0x4  }
0x168: {  	v1 =	vmax.f32 v1, v2  }
0x169: {  	v2 =	vld [tilespmem:s0+$0x118];
	[tilespmem:s0+$0x108] =	vst v1  }
0x16a: {  	v1 =	vld [tilespmem:s2+$0x7998];
	_ =	sdelay $0x4  }
0x16b: {  	v1 =	vmax.f32 v1, v2  }
0x16c: {  	v2 =	vld [tilespmem:s0+$0x128];
	[tilespmem:s0+$0x118] =	vst v1  }
0x16d: {  	v1 =	vld [tilespmem:s2+$0x79A8];
	_ =	sdelay $0x4  }
0x16e: {  	v1 =	vmax.f32 v1, v2  }
0x16f: {  	v2 =	vld [tilespmem:s0+$0x138];
	[tilespmem:s0+$0x128] =	vst v1  }
0x170: {  	v1 =	vld [tilespmem:s2+$0x79B8];
	_ =	sdelay $0x4  }
0x171: {  	v1 =	vmax.f32 v1, v2  }
0x172: {  	v2 =	vld [tilespmem:s0+$0x148];
	[tilespmem:s0+$0x138] =	vst v1  }
0x173: {  	v1 =	vld [tilespmem:s2+$0x79C8];
	_ =	sdelay $0x4  }
0x174: {  	v1 =	vmax.f32 v1, v2  }
0x175: {  	v2 =	vld [tilespmem:s0+$0x158];
	[tilespmem:s0+$0x148] =	vst v1  }
0x176: {  	v1 =	vld [tilespmem:s2+$0x79D8];
	_ =	sdelay $0x4  }
0x177: {  	v1 =	vmax.f32 v1, v2  }
0x178: {  	v2 =	vld [tilespmem:s0+$0x168];
	[tilespmem:s0+$0x158] =	vst v1  }
0x179: {  	v1 =	vld [tilespmem:s2+$0x79E8];
	_ =	sdelay $0x4  }
0x17a: {  	v1 =	vmax.f32 v1, v2  }
0x17b: {  	v2 =	vld [tilespmem:s0+$0x178];
	[tilespmem:s0+$0x168] =	vst v1  }
0x17c: {  	v1 =	vld [tilespmem:s2+$0x79F8];
	_ =	sdelay $0x3  }
0x17d: {  	p1 =	sgt.u32 s29, $0x27170  }
0x17e: {  	s2 =	sand.u32 @!p1 $0x3FFF8, s29;
	v1 =	vmax.f32 v1, v2  }
0x17f: {  	s3 =	sadd.s32 $0x108, s0;
	[tilespmem:s0+$0x178] =	vst v1;
	s0 =	sadd.s32 @!p1 s1, s2;
	s2 =	sand.u32 @!p1 $0x7, s29  }
0x180: {  	[hbm4b:s0+s2] =	stream.linear.scatter @!p1 [tilespmem:s3], [sflag:$0xC], $0x80, $0x38;
	[tilespmem:$0x1F6F8] =	vst v63  }
0x181: {  	s0 =	simm.s32 $0x0  }
0x182: {  	s0 =	simm.s32 @!p1 $0x200  }
0x183: {  	s31 =	sadd.s32 s0, s31  }
.LBB3_16:
0x184: {  	s0 =	sadd.s32 $0x1, s22  }
0x185: {  	s2 =	smulhi.u32 $0x88888889, s0;
	_ =	sdelay $0x1  }
0x186: {  	v1 =	vld [tilespmem:s25+$0xFFFFFFC0];
	s2 =	sshrl.u32 s2, $0x7  }
0x187: {  	s2 =	smul.u32 $0xF0, s2;
	_ =	sdelay $0x1  }
0x188: {  	s22 =	ssub.s32 s0, s2  }
0x189: {  	s0 =	sshll.u32 s22, $0x7  }
0x18a: {  	[tilespmem:s0+$0x108] =	vst v1  }
0x18b: {  	v1 =	vld [tilespmem:s25+$0xFFFFFFD0];
	_ =	sdelay $0x4  }
0x18c: {  	[tilespmem:s0+$0x118] =	vst v1  }
0x18d: {  	v1 =	vld [tilespmem:s25+$0xFFFFFFE0];
	_ =	sdelay $0x4  }
0x18e: {  	[tilespmem:s0+$0x128] =	vst v1  }
0x18f: {  	v1 =	vld [tilespmem:s25+$0xFFFFFFF0];
	_ =	sdelay $0x4  }
0x190: {  	[tilespmem:s0+$0x138] =	vst v1  }
0x191: {  	v1 =	vld [tilespmem:s25+$0x0];
	_ =	sdelay $0x4  }
0x192: {  	[tilespmem:s0+$0x148] =	vst v1  }
0x193: {  	v1 =	vld [tilespmem:s25+$0x10];
	_ =	sdelay $0x4  }
0x194: {  	[tilespmem:s0+$0x158] =	vst v1  }
0x195: {  	v1 =	vld [tilespmem:s25+$0x20];
	_ =	sdelay $0x4  }
0x196: {  	[tilespmem:s0+$0x168] =	vst v1  }
0x197: {  	v1 =	vld [tilespmem:s25+$0x30]  }
.Ltmp23:
0x198: {  	_ = 	snop;
	(pc) =	sbr.rel .LBB3_17-.Ltmp23, $2  }
0x199: {  	_ =	sdelay $0x2  }
0x19a: {  	s28 =	sadd.s32 $0x1, s28;
	[tilespmem:s0+$0x178] =	vst v1  }
.LBB3_19:
.Ltmp24:
0x19b: {  	(pc) =	sbr.rel .LBB3_20-.Ltmp24, $4  }
0x19c: {  	_ = 	snop  }
0x19d: {  	s0 =	simm.s32 $0x2  }
0x19e: {  	_ =	swait.ge [sflag:s0], $0x0  }
0x19f: {  	s30 =	smov.u32 s29;
	[sflag:s0] =	ssyncset.done $0x0;
	s0 =	simm.s32 $0x0  }
.LBB3_22:
0x1a0: {  	_ =	sfence.sel $0x180000  }
0x1a1: {  	s0 =	simm.s32 $0x9;
	[bflag:$0x0] =	sbarrier.arrive $0xFFFF  }
0x1a2: {  	s24 =	simm.s32 $0xA;
	[sflag:s0] =	ssyncpa.u1 $0x1  }
0x1a3: {  	s25 =	simm.s32 $0xB;
	[sflag:s24] =	ssyncpa.u1 $0x1  }
0x1a4: {  	s26 =	simm.s32 $0x2;
	[sflag:s25] =	ssyncpa.u1 $0x1  }
0x1a5: {  	[sflag:s26] =	ssyncpa.u1 $0x1  }
0x1a6: {  	v0 =	vld [tilespmem:$0xF208];
	_ =	sdelay $0x4  }
0x1a7: {  	(v2sf) =	vpush v0, $0x0  }
0x1a8: {  	(v2sf) =	vpush v0, $0x1;
	_ =	sdelay $0x1  }
0x1a9: {  	(v2sf) =	vpush v0, $0x2;
	_ =	sdelay $0xb  }
0x1aa: {  	s0 =	spop (v2sf)  }
0x1ab: {  	s2 =	spop (v2sf)  }
0x1ac: {  	s3 =	smov.u32 s0;
	p0 =	sne.s32 s0, s2  }
0x1ad: {  	s4 =	spop (v2sf);
	s3 =	simm.s32 @!p0 $0xFFFFFFFF  }
0x1ae: {  	v2 =	vimm.s32 $0x1;
	v3 =	vlaneseq.u32;
	p0 =	seq.s32 s4, $0xFFFFFFFF;
	v1 =	vmov s3  }
0x1af: {  	s16 =	stileid.u32;
	v0 =	vperm.xlane v0, v2;
	p1 =	sne.s32 @!p0 s0, s2;
	v1 =	vperm.xlane v1, v3  }
0x1b0: {  	vm0 =	vcmask $0x3F04;
	s6 =	simm.s32 $0xF208;
	s0 =	simm.s32 @!p0 $0x1;
	p1 =	por !p1, p0  }
0x1b1: {  	s3 =	sshll.u32 s16, $0x1;
	s2 =	sshll.u32 @!p0 s4, $0x9;
	s0 =	simm.s32 @p1 $0x0;
	v0 =	vsel vm0, v1, v0  }
0x1b2: {  	s5 =	sor.u32 $0x1000, s3;
	s2 =	sshra.s32 @!p0 s2, $0x2;
	s0 =	sor.u32 @!p0 s0, s3;
	[tilespmem:$0xF208] =	vst v0  }
0x1b3: {  	[spmem:s5] =	stream.linear.scatter [tilespmem:s6], [sflag:$0x1], $0x2, $0x38;
	[tilespmem:$0x1F6F8] =	vst v63  }
0x1b4: {  	s2 =	sadd.s32 @!p0 $0x108, s2;
	s0 =	sshll.u32 @!p0 s0, $0x7  }
0x1b5: {  	[spmem:s0] =	stream.linear.scatter @!p0 [tilespmem:s2], [sflag:$0x1], $0x80, $0x38;
	[tilespmem:$0x1F6F8] =	vst v63  }
0x1b6: {  	s0 =	simm.s32 @!p0 $0x82  }
0x1b7: {  	s28 =	simm.s32 $0x1;
	s0 =	simm.s32 @p0 $0x2  }
0x1b8: {  	_ =	swait.ge [sflag:s28], s0  }
0x1b9: {  	s0 =	ssub.s32 $0x0, s0;
	[sflag:s28] =	ssyncset.done $0x0  }
0x1ba: {  	p0 =	sne.s32 s16, $0x0;
	[sflag:s28] =	ssyncadd.s32 s0  }
.Ltmp25:
0x1bb: {  	_ =	sfence.stream.spmem;
	(pc) =	sbr.rel @p0 .LBB3_39-.Ltmp25, $4  }
0x1bc: {  	s29 =	simm.s32 $0x3;
	[bflag:$0x0] =	sbarrier.arrive $0xFFFF  }
0x1bd: {  	s30 =	simm.s32 $0x4;
	[sflag:s29] =	ssyncpa.u1 $0x1  }
0x1be: {  	s31 =	simm.s32 $0x3C;
	[sflag:s30] =	ssyncpa.u1 $0x1  }
0x1bf: {  	s15 =	rddreg [dreg:$0x4];
	[sflag:s31] =	ssyncpa.u1 $0x1  }
0x1c0: {  	_ =	sfence.stream.spmem;
	s0 =	simm.s32 $0x5  }
0x1c1: {  	s2 =	simm.s32 $0x1000;
	s3 =	simm.s32 $0xF218;
	[sflag:s0] =	ssyncpa.u1 $0x0  }
0x1c2: {  	[tilespmem:s3], [sflag:$0x5] =	stream.linear.gather [spmem:s2], $0x20, $0x38;
	[tilespmem:$0x1F6F8] =	vst v63  }
0x1c3: {  	s26 =	simm.s32 $0x0;
	s28 =	simm.s32 $0xF238  }
0x1c4: {  	[tilespmem:s28], [sflag:$0x5] =	stream.linear.gather [spmem:s26], $0x1000, $0x38;
	[tilespmem:$0x1F6F8] =	vst v63  }
0x1c5: {  	_ =	swait.ge [sflag:s0], $0x1020  }
0x1c6: {  	[sflag:s0] =	ssyncset.done $0x0  }
0x1c7: {  	s29 =	simm.s32 $0x0;
	[sflag:s0] =	ssyncadd.s32 $0xFFFFEFE0  }
0x1c8: {  	v0 =	vld.msk [tilespmem:s29+$0xF218], $0x1;
	_ =	sdelay $0x1  }
0x1c9: {  	s30 =	simm.s32 $0x1  }
0x1ca: {  	v1 =	vld.msk [tilespmem:s30+$0xF218], $0x1;
	_ =	sdelay $0x1  }
0x1cb: {  	(v2sf) =	vpush v0, $0x0;
	_ =	sdelay $0x2  }
0x1cc: {  	(v2sf) =	vpush v1, $0x0;
	_ =	sdelay $0x2  }
0x1cd: {  	s31 =	simm.s32 $0x2  }
0x1ce: {  	v0 =	vld.msk [tilespmem:s31+$0xF218], $0x1;
	_ =	sdelay $0x2  }
0x1cf: {  	s4 =	simm.s32 $0xFFFFFFFF;
	s5 =	simm.s32 $0xFFFFFFFF;
	s0 =	simm.s32 $0xC  }
.LBB3_24:
0x1d0: {  	s2 =	smov.u32 s5;
	s3 =	smov.u32 s4  }
0x1d1: {  	s4 =	sshra.s32 s0, $0x2;
	p1 =	sne.s32 s0, $0x7C;
	s0 =	sadd.s32 $0x4, s0;
	(v2sf) =	vpush v0, $0x0  }
0x1d2: {  	v0 =	vld.msk [tilespmem:s4+$0xF218], $0x1  }
.Ltmp26:
0x1d3: {  	(pc) =	sbr.rel @p1 .LBB3_24-.Ltmp26, $4  }
0x1d4: {  	s5 =	spop (v2sf)  }
0x1d5: {  	p2 =	sne.s32 s3, $0xFFFFFFFF;
	s4 =	smov.u32 s5  }
0x1d6: {  	p3 =	seq.s32 s5, $0xFFFFFFFF;
	s4 =	smov.u32 @p2 s3  }
0x1d7: {  	s5 =	smov.u32 @p3 s2;
	s4 =	smov.u32 @p3 s3  }
0x1d8: {  	(v2sf) =	vpush v0, $0x0;
	_ =	sdelay $0x8  }
0x1d9: {  	s0 =	spop (v2sf)  }
0x1da: {  	p1 =	sne.s32 s4, $0xFFFFFFFF;
	s2 =	smov.u32 s0  }
0x1db: {  	s9 =	simm.s32 $0x6;
	p2 =	seq.s32 s0, $0xFFFFFFFF;
	s2 =	smov.u32 @p1 s4  }
0x1dc: {  	s6 =	simm.s32 $0x0;
	s2 =	smov.u32 @p2 s4;
	s3 =	spop (v2sf)  }
0x1dd: {  	s0 =	smov.u32 @p2 s5;
	p1 =	sne.s32 s2, $0xFFFFFFFF;
	s4 =	smov.u32 s3  }
.Ltmp27:
0x1de: {  	p2 =	seq.s32 s3, $0xFFFFFFFF;
	s4 =	smov.u32 @p1 s2;
	(pc) =	sbr.rel .LBB3_26-.Ltmp27, $4  }
0x1df: {  	s10 =	simm.s32 $0xF188;
	s4 =	smov.u32 @p2 s2;
	s7 =	spop (v2sf)  }
0x1e0: {  	s11 =	simm.s32 $0x0;
	p1 =	sne.s32 s4, $0xFFFFFFFF;
	s8 =	smov.u32 s7  }
0x1e1: {  	s3 =	smov.u32 @p2 s0;
	p2 =	seq.s32 s7, $0xFFFFFFFF;
	s8 =	smov.u32 @p1 s4  }
0x1e2: {  	[sflag:s9] =	ssyncpa.u1 $0x0;
	s7 =	smov.u32 @p2 s3;
	s8 =	smov.u32 @p2 s4  }
.LBB3_32:
0x1e3: {  	p1 =	sgt.u32 s12, $0x27170  }
0x1e4: {  	p2 =	seq.s32 @!p1 s12, s8  }
0x1e5: {  	p1 =	por p1, p2  }
0x1e6: {  	p2 =	sne.s32 @!p1 s12, s7  }
0x1e7: {  	p1 =	por p1, !p2  }
0x1e8: {  	s0 =	sshll.u32 @p1 s11, $0x9  }
0x1e9: {  	s0 =	sand.u32 @!p1 $0x3FFF8, s12  }
0x1ea: {  	s2 =	sand.u32 @!p1 $0x7, s12;
	s0 =	sadd.s32 @!p1 s1, s0  }
0x1eb: {  	[tilespmem:s10], [sflag:$0x6] =	stream.linear.gather @!p1 [hbm4b:s0+s2], $0x80, $0x38;
	[tilespmem:$0x1F6F8] =	vst v63  }
0x1ec: {  	_ =	swait.ge @!p1 [sflag:s9], $0x80  }
0x1ed: {  	[sflag:s9] =	ssyncset.done @!p1 $0x0  }
0x1ee: {  	s0 =	sshll.u32 @!p1 s11, $0x9;
	[sflag:s9] =	ssyncadd.s32 @!p1 $0xFFFFFF80  }
0x1ef: {  	s2 =	sshrl.u32 @!p1 s0, $0x2;
	v1 =	vld @!p1 [tilespmem:$0xF188]  }
0x1f0: {  	v2 =	vld @!p1 [tilespmem:s2+$0xF238];
	_ =	sdelay $0x4  }
0x1f1: {  	v1 =	vmax.f32 @!p1 v1, v2  }
0x1f2: {  	v2 =	vld @!p1 [tilespmem:s2+$0xF248];
	[tilespmem:s2+$0xF238] =	vst @!p1 v1  }
0x1f3: {  	v1 =	vld @!p1 [tilespmem:$0xF198];
	_ =	sdelay $0x4  }
0x1f4: {  	v1 =	vmax.f32 @!p1 v1, v2  }
0x1f5: {  	v2 =	vld @!p1 [tilespmem:s2+$0xF258];
	[tilespmem:s2+$0xF248] =	vst @!p1 v1  }
0x1f6: {  	v1 =	vld @!p1 [tilespmem:$0xF1A8];
	_ =	sdelay $0x4  }
0x1f7: {  	v1 =	vmax.f32 @!p1 v1, v2  }
0x1f8: {  	v2 =	vld @!p1 [tilespmem:s2+$0xF268];
	[tilespmem:s2+$0xF258] =	vst @!p1 v1  }
0x1f9: {  	v1 =	vld @!p1 [tilespmem:$0xF1B8];
	_ =	sdelay $0x4  }
0x1fa: {  	v1 =	vmax.f32 @!p1 v1, v2  }
0x1fb: {  	v2 =	vld @!p1 [tilespmem:s2+$0xF278];
	[tilespmem:s2+$0xF268] =	vst @!p1 v1  }
0x1fc: {  	v1 =	vld @!p1 [tilespmem:$0xF1C8];
	_ =	sdelay $0x4  }
0x1fd: {  	v1 =	vmax.f32 @!p1 v1, v2  }
0x1fe: {  	v2 =	vld @!p1 [tilespmem:s2+$0xF288];
	[tilespmem:s2+$0xF278] =	vst @!p1 v1  }
0x1ff: {  	v1 =	vld @!p1 [tilespmem:$0xF1D8];
	_ =	sdelay $0x4  }
0x200: {  	v1 =	vmax.f32 @!p1 v1, v2  }
0x201: {  	v2 =	vld @!p1 [tilespmem:s2+$0xF298];
	[tilespmem:s2+$0xF288] =	vst @!p1 v1  }
0x202: {  	v1 =	vld @!p1 [tilespmem:$0xF1E8];
	_ =	sdelay $0x4  }
0x203: {  	v1 =	vmax.f32 @!p1 v1, v2  }
0x204: {  	v2 =	vld @!p1 [tilespmem:s2+$0xF2A8];
	[tilespmem:s2+$0xF298] =	vst @!p1 v1  }
0x205: {  	v1 =	vld @!p1 [tilespmem:$0xF1F8];
	_ =	sdelay $0x4  }
0x206: {  	v1 =	vmax.f32 @!p1 v1, v2  }
0x207: {  	[tilespmem:s2+$0xF2A8] =	vst @!p1 v1  }
0x208: {  	s0 =	sshrl.u32 s0, $0x2;
	[tilespmem:s6+$0xF218] =	vst.msk $0x1, v0  }
0x209: {  	v0 =	vld [tilespmem:s0+$0xF238];
	_ =	sdelay $0x2  }
0x20a: {  	s31 =	sshll.u32 s6, $0x9  }
0x20b: {  	s2 =	sshra.s32 s31, $0x2  }
0x20c: {  	[tilespmem:s2+$0xF238] =	vst v0  }
0x20d: {  	v0 =	vld [tilespmem:s0+$0xF248];
	_ =	sdelay $0x4  }
0x20e: {  	[tilespmem:s2+$0xF248] =	vst v0  }
0x20f: {  	v0 =	vld [tilespmem:s0+$0xF258];
	_ =	sdelay $0x4  }
0x210: {  	[tilespmem:s2+$0xF258] =	vst v0  }
0x211: {  	v0 =	vld [tilespmem:s0+$0xF268];
	_ =	sdelay $0x4  }
0x212: {  	[tilespmem:s2+$0xF268] =	vst v0  }
0x213: {  	v0 =	vld [tilespmem:s0+$0xF278];
	_ =	sdelay $0x4  }
0x214: {  	[tilespmem:s2+$0xF278] =	vst v0  }
0x215: {  	v0 =	vld [tilespmem:s0+$0xF288];
	_ =	sdelay $0x4  }
0x216: {  	[tilespmem:s2+$0xF288] =	vst v0  }
0x217: {  	v0 =	vld [tilespmem:s0+$0xF298];
	_ =	sdelay $0x4  }
0x218: {  	[tilespmem:s2+$0xF298] =	vst v0  }
0x219: {  	v0 =	vld [tilespmem:s0+$0xF2A8];
	_ =	sdelay $0x4  }
0x21a: {  	s6 =	sadd.s32 $0x1, s6;
	[tilespmem:s2+$0xF2A8] =	vst v0  }
.LBB3_33:
0x21b: {  	s11 =	sadd.s32 $0x1, s11  }
0x21c: {  	p1 =	sne.s32 s11, $0x20  }
.Ltmp28:
0x21d: {  	_ = 	snop;
	(pc) =	sbr.rel @!p1 .LBB3_34-.Ltmp28, $1  }
0x21e: {  	_ =	sdelay $0x3  }
.LBB3_26:
0x21f: {  	v0 =	vld.msk [tilespmem:s11+$0xF218], $0x1;
	_ =	sdelay $0x4  }
0x220: {  	(v2sf) =	vpush v0, $0x0;
	_ =	sdelay $0xe  }
0x221: {  	s12 =	spop (v2sf)  }
0x222: {  	p1 =	seq.s32 s12, $0xFFFFFFFF  }
.Ltmp29:
0x223: {  	_ = 	snop;
	(pc) =	sbr.rel @p1 .LBB3_33-.Ltmp29, $1  }
0x224: {  	_ =	sdelay $0x3  }
0x225: {  	p1 =	slt.s32 s6, $0x1  }
.Ltmp30:
0x226: {  	_ = 	snop;
	(pc) =	sbr.rel @p1 .LBB3_32-.Ltmp30, $1  }
0x227: {  	_ =	sdelay $0x3  }
0x228: {  	s13 =	simm.s32 $0xF218;
	p1 =	por $0x0, $0x0  }
0x229: {  	v1 =	vld.msk @!p1 [tilespmem:s13+$0x0], $0x1;
	_ =	sdelay $0x4  }
0x22a: {  	(v2sf) =	vpush @!p1 v1, $0x0;
	_ =	sdelay $0xd  }
0x22b: {  	p3 =	sne.s32 s6, $0x1  }
.Ltmp31:
0x22c: {  	s0 =	spop @!p1 (v2sf);
	(pc) =	sbr.rel @!p3 .LBB3_30-.Ltmp31, $4  }
0x22d: {  	p2 =	seq.s32 @!p1 s12, s0  }
0x22e: {  	s14 =	simm.s32 $0x0;
	p2 =	por !p2, p1  }
0x22f: {  	s2 =	simm.s32 $0xFFFFFFFF;
	s14 =	simm.s32 @p2 $0xFFFFFFFF  }
0x230: {  	s0 =	simm.s32 $0x1;
	s14 =	smov.u32 @p1 s2  }
.LBB3_29:
0x231: {  	s2 =	smov.u32 s14;
	p1 =	sne.s32 s14, $0xFFFFFFFF  }
0x232: {  	s13 =	sadd.s32 $0x1, s13;
	s14 =	smov.u32 s0;
	s0 =	sadd.s32 $0x1, s0  }
0x233: {  	p2 =	sne.s32 s6, s0;
	v1 =	vld.msk @!p1 [tilespmem:s13+$0x0], $0x1;
	_ =	sdelay $0x4  }
0x234: {  	(v2sf) =	vpush @!p1 v1, $0x0;
	_ =	sdelay $0xe  }
.Ltmp32:
0x235: {  	s3 =	spop @!p1 (v2sf);
	(pc) =	sbr.rel @p2 .LBB3_29-.Ltmp32, $4  }
0x236: {  	p3 =	seq.s32 @!p1 s12, s3  }
0x237: {  	p3 =	por !p3, p1  }
0x238: {  	s14 =	simm.s32 @p3 $0xFFFFFFFF  }
0x239: {  	s14 =	smov.u32 @p1 s2  }
.LBB3_30:
0x23a: {  	p1 =	seq.s32 s14, $0xFFFFFFFF  }
.Ltmp33:
0x23b: {  	_ = 	snop;
	(pc) =	sbr.rel @p1 .LBB3_32-.Ltmp33, $1  }
0x23c: {  	_ =	sdelay $0x3  }
0x23d: {  	s0 =	sshll.u32 s11, $0x7  }
0x23e: {  	s2 =	sshll.u32 s14, $0x9;
	s0 =	sand.u32 $0x3FFFFF80, s0  }
0x23f: {  	s2 =	sshra.s32 s2, $0x2;
	v0 =	vld [tilespmem:s0+$0xF238]  }
0x240: {  	v1 =	vld [tilespmem:s2+$0xF238];
	_ =	sdelay $0x4  }
0x241: {  	v0 =	vmax.f32 v0, v1  }
0x242: {  	v57 =	vld [tilespmem:s2+$0xF248];
	[tilespmem:s2+$0xF238] =	vst v0  }
0x243: {  	v0 =	vld [tilespmem:s0+$0xF248];
	_ =	sdelay $0x4  }
0x244: {  	v0 =	vmax.f32 v0, v57  }
0x245: {  	v58 =	vld [tilespmem:s2+$0xF258];
	[tilespmem:s2+$0xF248] =	vst v0  }
0x246: {  	v0 =	vld [tilespmem:s0+$0xF258];
	_ =	sdelay $0x4  }
0x247: {  	v0 =	vmax.f32 v0, v58  }
0x248: {  	v59 =	vld [tilespmem:s2+$0xF268];
	[tilespmem:s2+$0xF258] =	vst v0  }
0x249: {  	v0 =	vld [tilespmem:s0+$0xF268];
	_ =	sdelay $0x4  }
0x24a: {  	v0 =	vmax.f32 v0, v59  }
0x24b: {  	v60 =	vld [tilespmem:s2+$0xF278];
	[tilespmem:s2+$0xF268] =	vst v0  }
0x24c: {  	v0 =	vld [tilespmem:s0+$0xF278];
	_ =	sdelay $0x4  }
0x24d: {  	v0 =	vmax.f32 v0, v60  }
0x24e: {  	v61 =	vld [tilespmem:s2+$0xF288];
	[tilespmem:s2+$0xF278] =	vst v0  }
0x24f: {  	v0 =	vld [tilespmem:s0+$0xF288];
	_ =	sdelay $0x4  }
0x250: {  	v0 =	vmax.f32 v0, v61  }
0x251: {  	v62 =	vld [tilespmem:s2+$0xF298];
	[tilespmem:s2+$0xF288] =	vst v0  }
0x252: {  	v0 =	vld [tilespmem:s0+$0xF298];
	_ =	sdelay $0x4  }
0x253: {  	v0 =	vmax.f32 v0, v62  }
0x254: {  	v63 =	vld [tilespmem:s2+$0xF2A8];
	[tilespmem:s2+$0xF298] =	vst v0  }
0x255: {  	v0 =	vld [tilespmem:s0+$0xF2A8];
	_ =	sdelay $0x1  }
.Ltmp34:
0x256: {  	_ = 	snop;
	(pc) =	sbr.rel .LBB3_33-.Ltmp34, $3  }
0x257: {  	_ =	sdelay $0x1  }
0x258: {  	v0 =	vmax.f32 v0, v63  }
0x259: {  	[tilespmem:s2+$0xF2A8] =	vst v0  }
.LBB3_34:
0x25a: {  	s0 =	simm.s32 $0x6;
	p1 =	seq.s32 s6, $0x0  }
0x25b: {  	[sflag:s0] =	ssyncpa.u1 $0x1;
	v0 =	vimm.s32 @p1 $0xFFFFFFFF  }
0x25c: {  	s9 =	sadd.s32 $0xFFFFFFFF, s6;
	[tilespmem:$0x10238] =	vst @p1 v0  }
0x25d: {  	v0 =	vld.msk @!p1 [tilespmem:s9+$0xF218], $0x1;
	_ =	sdelay $0x1  }
0x25e: {  	v1 =	vld.msk @!p1 [tilespmem:$0xF218], $0x1;
	_ =	sdelay $0x2  }
0x25f: {  	p2 =	seq.s32 @!p1 s9, $0x0;
	v0 =	vbroadcast @!p1 v0, $0x0  }
0x260: {  	vm0 =	vmmov @!p1 $0x1;
	p2 =	por !p2, p1  }
0x261: {  	v1 =	vnsel @!p1 vm0, $0xFFFFFFFF, v1;
	vm0 =	vcmask @!p1 $0x308;
	v0 =	vpsel !p2, $0xFFFFFFFF, v0  }
0x262: {  	p2 =	sne.s32 @!p1 s8, s7;
	v0 =	vsel @!p1 vm0, v1, v0  }
0x263: {  	s0 =	simm.s32 @!p1 $0xF238;
	s2 =	simm.s32 @!p1 $0x0;
	p3 =	por !p2, p1;
	[tilespmem:$0x10238] =	vst @!p1 v0  }
0x264: {  	[spmem:s2] =	stream.linear.scatter @!p1 [tilespmem:s0], [sflag:$0x1], $0x80, $0x38;
	[tilespmem:$0x1F6F8] =	vst v63  }
0x265: {  	s0 =	sshll.u32 @!p3 s9, $0x9  }
0x266: {  	s0 =	sshra.s32 @!p3 s0, $0x2  }
0x267: {  	s2 =	simm.s32 @!p3 $0x80;
	s0 =	sadd.s32 @!p3 $0xF238, s0  }
0x268: {  	[spmem:s2] =	stream.linear.scatter @!p3 [tilespmem:s0], [sflag:$0x1], $0x80, $0x38;
	[tilespmem:$0x1F6F8] =	vst v63  }
0x269: {  	s0 =	simm.s32 @!p3 $0x1  }
0x26a: {  	_ =	swait.ge @!p3 [sflag:s0], $0x100  }
0x26b: {  	p1 =	por p2, p1;
	[sflag:s0] =	ssyncset.done @!p3 $0x0  }
0x26c: {  	[sflag:s0] =	ssyncadd.s32 @!p3 $0xFFFFFF00;
	s0 =	simm.s32 @!p1 $0x1  }
0x26d: {  	_ =	swait.ge @!p1 [sflag:s0], $0x80  }
0x26e: {  	s29 =	simm.s32 $0x10238;
	[sflag:s0] =	ssyncset.done @!p1 $0x0  }
0x26f: {  	s30 =	simm.s32 $0x1000;
	s31 =	simm.s32 $0x1;
	[sflag:s0] =	ssyncadd.s32 @!p1 $0xFFFFFF80  }
0x270: {  	[spmem:s30] =	stream.linear.scatter [tilespmem:s29], [sflag:$0x1], $0x10, $0x38;
	[tilespmem:$0x1F6F8] =	vst v63  }
0x271: {  	_ =	swait.ge [sflag:s31], $0x10  }
0x272: {  	[sflag:s31] =	ssyncset.done $0x0  }
0x273: {  	p1 =	seq.s32 s15, $0x0;
	s8 =	rddreg [dreg:$0x1];
	[sflag:s31] =	ssyncadd.s32 $0xFFFFFFF0  }
0x274: {  	s2 =	sshll.u32 @p1 s8, $0xE;
	s7 =	rddreg [dreg:$0x2]  }
0x275: {  	s0 =	sadd.s32 @p1 $0x15C3C, s2;
	s2 =	sshll.u32 @p1 s7, $0x11  }
0x276: {  	_ =	sfence.stream.spmem;
	s0 =	sor.u32 @p1 s2, s0  }
0x277: {  	[sflag:s0] =	ssyncadd.remote.s32 @p1 $0x1;
	s0 =	simm.s32 @p1 $0x4  }
0x278: {  	s3 =	simm.s32 @!p1 $0x3C;
	s2 =	sand.u32 $0xFFFFFFFE, s8;
	_ =	swait.ge @p1 [sflag:s0], $0x22  }
0x279: {  	s4 =	simm.s32 @!p1 $0x0;
	s2 =	sadd.s32 @!p1 $0x4, s2;
	[sflag:s0] =	ssyncset.done @p1 $0x0  }
0x27a: {  	s5 =	simm.s32 @!p1 $0x100;
	[sflag:s0] =	ssyncadd.s32 @p1 $0xFFFFFFDE;
	s0 =	sshll.u32 @!p1 s2, $0x1A  }
0x27b: {  	s2 =	sshll.u32 @!p1 s2, $0xD;
	s0 =	sor.u32 @!p1 s0, s7;
	_ =	swait.eq @!p1 [sflag:s3], $0x1  }
0x27c: {  	s2 =	sor.u32 @!p1 $0x1C04, s2;
	s3 =	simm.s32 @!p1 $0x1C03;
	s0 =	sor.u32 @!p1 $0x80004000, s0  }
0x27d: {  	[spmem:s5], [sflag:s2] =	dma.general @!p1 [spmem:s4], [sflag:s3], length:$0x20, [dreg:$0x0], stride_count:$0x0, ici_dest:s0, dma_misc:DstOpCode:WRITE  }
0x27e: {  	p2 =	slt.s32 s9, $0x2;
	s4 =	simm.s32 @!p1 $0x200;
	s5 =	simm.s32 @!p1 $0x202  }
0x27f: {  	[spmem:s5], [sflag:s2] =	dma.general @!p1 [spmem:s4], [sflag:s3], length:$0x2, [dreg:$0x0], stride_count:$0x0, ici_dest:s0, dma_misc:DstOpCode:WRITE  }
.Ltmp35:
0x280: {  	s0 =	simm.s32 @!p1 $0x3;
	(pc) =	sbr.rel @p2 .LBB3_38-.Ltmp35, $4  }
0x281: {  	s2 =	sshll.u32 @!p1 s8, $0xE;
	_ =	swait.ge @!p1 [sflag:s0], $0x22  }
0x282: {  	s3 =	sshll.u32 @!p1 s7, $0x11;
	s2 =	sadd.s32 @!p1 $0x11C3C, s2;
	[sflag:s0] =	ssyncset.done @!p1 $0x0  }
0x283: {  	[sflag:s0] =	ssyncadd.s32 @!p1 $0xFFFFFFDE;
	s0 =	sor.u32 @!p1 s3, s2  }
0x284: {  	[sflag:s0] =	ssyncadd.remote.s32 @!p1 $0xFFFFFFFF;
	s0 =	simm.s32 $0x0  }
0x285: {  	s0 =	simm.s32 $0xF219  }
0x286: {  	v0 =	vld.msk [tilespmem:s0+$0x0], $0x1;
	_ =	sdelay $0x4  }
0x287: {  	(v2sf) =	vpush v0, $0x0;
	_ =	sdelay $0xb  }
0x288: {  	s31 =	sadd.s32 $0xFFFFFFFE, s6  }
0x289: {  	s0 =	sadd.s32 $0xFFFFFFFF, s31  }
0x28a: {  	p2 =	sne.s32 s0, $0x0  }
.Ltmp36:
0x28b: {  	s2 =	spop (v2sf);
	(pc) =	sbr.rel @!p2 .LBB3_37-.Ltmp36, $4  }
0x28c: {  	s4 =	simm.s32 $0xF2B8;
	s7 =	simm.s32 $0x0;
	p1 =	sgt.u32 s2, $0x27170  }
0x28d: {  	s5 =	simm.s32 $0x0;
	s6 =	simm.s32 $0xF21A;
	s3 =	sand.u32 @!p1 $0x3FFF8, s2  }
0x28e: {  	s2 =	sand.u32 @!p1 $0x7, s2;
	s7 =	simm.s32 @!p1 $0x200;
	s3 =	sadd.s32 @!p1 s1, s3  }
0x28f: {  	[hbm4b:s3+s2] =	stream.linear.scatter @!p1 [tilespmem:s4], [sflag:$0x5], $0x80, $0x38;
	[tilespmem:$0x1F6F8] =	vst v63  }
.LBB3_36:
0x290: {  	v0 =	vld.msk [tilespmem:s6+$0x0], $0x1;
	s0 =	sadd.s32 $0xFFFFFFFF, s0;
	s5 =	sadd.s32 s5, s7  }
0x291: {  	p1 =	sne.s32 s0, $0x0;
	_ =	sdelay $0x3  }
0x292: {  	(v2sf) =	vpush v0, $0x0;
	_ =	sdelay $0xe  }
.Ltmp37:
0x293: {  	s2 =	spop (v2sf);
	(pc) =	sbr.rel @p1 .LBB3_36-.Ltmp37, $4  }
0x294: {  	s7 =	simm.s32 $0x0;
	p2 =	sgt.u32 s2, $0x27170  }
0x295: {  	s4 =	sadd.s32 $0x80, s4;
	s7 =	simm.s32 @!p2 $0x200;
	s3 =	sand.u32 @!p2 $0x3FFF8, s2  }
0x296: {  	s6 =	sadd.s32 $0x1, s6;
	s2 =	sand.u32 @!p2 $0x7, s2;
	s3 =	sadd.s32 @!p2 s1, s3  }
0x297: {  	[hbm4b:s3+s2] =	stream.linear.scatter @!p2 [tilespmem:s4], [sflag:$0x5], $0x80, $0x38;
	[tilespmem:$0x1F6F8] =	vst v63  }
.LBB3_37:
0x298: {  	s0 =	sadd.s32 s5, s7  }
0x299: {  	s0 =	sshrl.u32 s0, $0x2  }
.LBB3_38:
0x29a: {  	s2 =	simm.s32 $0x5  }
0x29b: {  	_ =	swait.ge [sflag:s2], s0  }
0x29c: {  	s31 =	ssub.s32 $0x0, s0;
	[sflag:s2] =	ssyncset.done $0x0  }
0x29d: {  	[sflag:s2] =	ssyncadd.s32 s31  }
0x29e: {  	[sflag:s2] =	ssyncpa.u1 $0x1  }
.LBB3_39:
0x29f: {  	s0 =	sor.u32 s15, s16  }
0x2a0: {  	p1 =	sne.s32 s0, $0x0  }
.Ltmp38:
0x2a1: {  	_ = 	snop;
	(pc) =	sbr.rel @p1 .LBB3_54-.Ltmp38, $3  }
0x2a2: {  	_ =	sdelay $0x1  }
0x2a3: {  	[bflag:$0x0] =	sbarrier.arrive $0xFFFF  }
0x2a4: {  	_ =	sfence  }
0x2a5: {  	s0 =	simm.s32 $0x7  }
0x2a6: {  	s2 =	simm.s32 $0x1000;
	s3 =	simm.s32 $0xF218;
	[sflag:s0] =	ssyncpa.u1 $0x0  }
0x2a7: {  	[tilespmem:s3], [sflag:$0x7] =	stream.linear.gather [spmem:s2], $0x20, $0x38;
	[tilespmem:$0x1F6F8] =	vst v63  }
0x2a8: {  	s30 =	simm.s32 $0xF238;
	s2 =	simm.s32 $0x0  }
0x2a9: {  	[tilespmem:s30], [sflag:$0x7] =	stream.linear.gather [spmem:s2], $0x1000, $0x38;
	[tilespmem:$0x1F6F8] =	vst v63  }
.Ltmp39:
0x2aa: {  	_ = 	snop;
	(pc) =	sbr.rel .LBB3_41-.Ltmp39, $4  }
0x2ab: {  	_ =	swait.ge [sflag:s0], $0x1020  }
0x2ac: {  	[sflag:s0] =	ssyncset.done $0x0  }
0x2ad: {  	s31 =	simm.s32 $0x8;
	[sflag:s0] =	ssyncadd.s32 $0xFFFFEFE0  }
0x2ae: {  	s3 =	simm.s32 $0x0;
	[sflag:s31] =	ssyncpa.u1 $0x0  }
.LBB3_47:
0x2af: {  	p1 =	slt.u32 s4, $0x27171  }
0x2b0: {  	s0 =	sand.u32 @p1 $0x3FFF8, s4  }
0x2b1: {  	s4 =	sand.u32 @p1 $0x7, s4;
	s5 =	simm.s32 @p1 $0xF188;
	s0 =	sadd.s32 @p1 s1, s0  }
0x2b2: {  	[tilespmem:s5], [sflag:$0x8] =	stream.linear.gather @p1 [hbm4b:s0+s4], $0x80, $0x38;
	[tilespmem:$0x1F6F8] =	vst v63  }
0x2b3: {  	s0 =	simm.s32 @p1 $0x8  }
0x2b4: {  	_ =	swait.ge @p1 [sflag:s0], $0x80  }
0x2b5: {  	[sflag:s0] =	ssyncset.done @p1 $0x0  }
0x2b6: {  	[sflag:s0] =	ssyncadd.s32 @p1 $0xFFFFFF80;
	s0 =	sshll.u32 @p1 s3, $0x9  }
0x2b7: {  	s4 =	sshrl.u32 @p1 s0, $0x2;
	v1 =	vld @p1 [tilespmem:$0xF188]  }
0x2b8: {  	v2 =	vld @p1 [tilespmem:s4+$0xF238];
	_ =	sdelay $0x4  }
0x2b9: {  	v1 =	vmax.f32 @p1 v1, v2  }
0x2ba: {  	v2 =	vld @p1 [tilespmem:s4+$0xF248];
	[tilespmem:s4+$0xF238] =	vst @p1 v1  }
0x2bb: {  	v1 =	vld @p1 [tilespmem:$0xF198];
	_ =	sdelay $0x4  }
0x2bc: {  	v1 =	vmax.f32 @p1 v1, v2  }
0x2bd: {  	v2 =	vld @p1 [tilespmem:s4+$0xF258];
	[tilespmem:s4+$0xF248] =	vst @p1 v1  }
0x2be: {  	v1 =	vld @p1 [tilespmem:$0xF1A8];
	_ =	sdelay $0x4  }
0x2bf: {  	v1 =	vmax.f32 @p1 v1, v2  }
0x2c0: {  	v2 =	vld @p1 [tilespmem:s4+$0xF268];
	[tilespmem:s4+$0xF258] =	vst @p1 v1  }
0x2c1: {  	v1 =	vld @p1 [tilespmem:$0xF1B8];
	_ =	sdelay $0x4  }
0x2c2: {  	v1 =	vmax.f32 @p1 v1, v2  }
0x2c3: {  	v2 =	vld @p1 [tilespmem:s4+$0xF278];
	[tilespmem:s4+$0xF268] =	vst @p1 v1  }
0x2c4: {  	v1 =	vld @p1 [tilespmem:$0xF1C8];
	_ =	sdelay $0x4  }
0x2c5: {  	v1 =	vmax.f32 @p1 v1, v2  }
0x2c6: {  	v2 =	vld @p1 [tilespmem:s4+$0xF288];
	[tilespmem:s4+$0xF278] =	vst @p1 v1  }
0x2c7: {  	v1 =	vld @p1 [tilespmem:$0xF1D8];
	_ =	sdelay $0x4  }
0x2c8: {  	v1 =	vmax.f32 @p1 v1, v2  }
0x2c9: {  	v2 =	vld @p1 [tilespmem:s4+$0xF298];
	[tilespmem:s4+$0xF288] =	vst @p1 v1  }
0x2ca: {  	v1 =	vld @p1 [tilespmem:$0xF1E8];
	_ =	sdelay $0x4  }
0x2cb: {  	v1 =	vmax.f32 @p1 v1, v2  }
0x2cc: {  	v2 =	vld @p1 [tilespmem:s4+$0xF2A8];
	[tilespmem:s4+$0xF298] =	vst @p1 v1  }
0x2cd: {  	v1 =	vld @p1 [tilespmem:$0xF1F8];
	_ =	sdelay $0x4  }
0x2ce: {  	s5 =	sshll.u32 @!p1 s3, $0x9;
	v1 =	vmax.f32 @p1 v1, v2  }
0x2cf: {  	s5 =	smov.u32 @p1 s0;
	[tilespmem:s4+$0xF2A8] =	vst @p1 v1  }
0x2d0: {  	s0 =	sshrl.u32 s5, $0x2;
	[tilespmem:s2+$0xF218] =	vst.msk $0x1, v0  }
0x2d1: {  	v0 =	vld [tilespmem:s0+$0xF238];
	_ =	sdelay $0x2  }
0x2d2: {  	s31 =	sshll.u32 s2, $0x9  }
0x2d3: {  	s4 =	sshra.s32 s31, $0x2  }
0x2d4: {  	[tilespmem:s4+$0xF238] =	vst v0  }
0x2d5: {  	v0 =	vld [tilespmem:s0+$0xF248];
	_ =	sdelay $0x4  }
0x2d6: {  	[tilespmem:s4+$0xF248] =	vst v0  }
0x2d7: {  	v0 =	vld [tilespmem:s0+$0xF258];
	_ =	sdelay $0x4  }
0x2d8: {  	[tilespmem:s4+$0xF258] =	vst v0  }
0x2d9: {  	v0 =	vld [tilespmem:s0+$0xF268];
	_ =	sdelay $0x4  }
0x2da: {  	[tilespmem:s4+$0xF268] =	vst v0  }
0x2db: {  	v0 =	vld [tilespmem:s0+$0xF278];
	_ =	sdelay $0x4  }
0x2dc: {  	[tilespmem:s4+$0xF278] =	vst v0  }
0x2dd: {  	v0 =	vld [tilespmem:s0+$0xF288];
	_ =	sdelay $0x4  }
0x2de: {  	[tilespmem:s4+$0xF288] =	vst v0  }
0x2df: {  	v0 =	vld [tilespmem:s0+$0xF298];
	_ =	sdelay $0x4  }
0x2e0: {  	[tilespmem:s4+$0xF298] =	vst v0  }
0x2e1: {  	v0 =	vld [tilespmem:s0+$0xF2A8];
	_ =	sdelay $0x4  }
0x2e2: {  	s2 =	sadd.s32 $0x1, s2;
	[tilespmem:s4+$0xF2A8] =	vst v0  }
.LBB3_48:
0x2e3: {  	s3 =	sadd.s32 $0x1, s3  }
0x2e4: {  	p1 =	sne.s32 s3, $0x20  }
.Ltmp40:
0x2e5: {  	_ = 	snop;
	(pc) =	sbr.rel @!p1 .LBB3_49-.Ltmp40, $1  }
0x2e6: {  	_ =	sdelay $0x3  }
.LBB3_41:
0x2e7: {  	v0 =	vld.msk [tilespmem:s3+$0xF218], $0x1;
	_ =	sdelay $0x4  }
0x2e8: {  	(v2sf) =	vpush v0, $0x0;
	_ =	sdelay $0xe  }
0x2e9: {  	s4 =	spop (v2sf)  }
0x2ea: {  	p1 =	seq.s32 s4, $0xFFFFFFFF  }
.Ltmp41:
0x2eb: {  	_ = 	snop;
	(pc) =	sbr.rel @p1 .LBB3_48-.Ltmp41, $1  }
0x2ec: {  	_ =	sdelay $0x3  }
0x2ed: {  	p1 =	slt.s32 s2, $0x1  }
.Ltmp42:
0x2ee: {  	_ = 	snop;
	(pc) =	sbr.rel @p1 .LBB3_47-.Ltmp42, $1  }
0x2ef: {  	_ =	sdelay $0x3  }
0x2f0: {  	s5 =	simm.s32 $0xF218;
	p1 =	por $0x0, $0x0  }
0x2f1: {  	v1 =	vld.msk @!p1 [tilespmem:s5+$0x0], $0x1;
	_ =	sdelay $0x4  }
0x2f2: {  	(v2sf) =	vpush @!p1 v1, $0x0;
	_ =	sdelay $0xd  }
0x2f3: {  	p3 =	sne.s32 s2, $0x1  }
.Ltmp43:
0x2f4: {  	s0 =	spop @!p1 (v2sf);
	(pc) =	sbr.rel @!p3 .LBB3_45-.Ltmp43, $4  }
0x2f5: {  	p2 =	seq.s32 @!p1 s4, s0  }
0x2f6: {  	s6 =	simm.s32 $0x0;
	p2 =	por !p2, p1  }
0x2f7: {  	s7 =	simm.s32 $0xFFFFFFFF;
	s6 =	simm.s32 @p2 $0xFFFFFFFF  }
0x2f8: {  	s0 =	simm.s32 $0x1;
	s6 =	smov.u32 @p1 s7  }
.LBB3_44:
0x2f9: {  	s7 =	smov.u32 s6;
	p1 =	sne.s32 s6, $0xFFFFFFFF  }
0x2fa: {  	s5 =	sadd.s32 $0x1, s5;
	s6 =	smov.u32 s0;
	s0 =	sadd.s32 $0x1, s0  }
0x2fb: {  	p2 =	sne.s32 s2, s0;
	v1 =	vld.msk @!p1 [tilespmem:s5+$0x0], $0x1;
	_ =	sdelay $0x4  }
0x2fc: {  	(v2sf) =	vpush @!p1 v1, $0x0;
	_ =	sdelay $0xe  }
.Ltmp44:
0x2fd: {  	s8 =	spop @!p1 (v2sf);
	(pc) =	sbr.rel @p2 .LBB3_44-.Ltmp44, $4  }
0x2fe: {  	p3 =	seq.s32 @!p1 s4, s8  }
0x2ff: {  	p3 =	por !p3, p1  }
0x300: {  	s6 =	simm.s32 @p3 $0xFFFFFFFF  }
0x301: {  	s6 =	smov.u32 @p1 s7  }
.LBB3_45:
0x302: {  	p1 =	seq.s32 s6, $0xFFFFFFFF  }
.Ltmp45:
0x303: {  	_ = 	snop;
	(pc) =	sbr.rel @p1 .LBB3_47-.Ltmp45, $1  }
0x304: {  	_ =	sdelay $0x3  }
0x305: {  	s0 =	sshll.u32 s3, $0x7  }
0x306: {  	s4 =	sshll.u32 s6, $0x9;
	s0 =	sand.u32 $0x3FFFFF80, s0  }
0x307: {  	s4 =	sshra.s32 s4, $0x2;
	v0 =	vld [tilespmem:s0+$0xF238]  }
0x308: {  	v1 =	vld [tilespmem:s4+$0xF238];
	_ =	sdelay $0x4  }
0x309: {  	v0 =	vmax.f32 v0, v1  }
0x30a: {  	v57 =	vld [tilespmem:s4+$0xF248];
	[tilespmem:s4+$0xF238] =	vst v0  }
0x30b: {  	v0 =	vld [tilespmem:s0+$0xF248];
	_ =	sdelay $0x4  }
0x30c: {  	v0 =	vmax.f32 v0, v57  }
0x30d: {  	v58 =	vld [tilespmem:s4+$0xF258];
	[tilespmem:s4+$0xF248] =	vst v0  }
0x30e: {  	v0 =	vld [tilespmem:s0+$0xF258];
	_ =	sdelay $0x4  }
0x30f: {  	v0 =	vmax.f32 v0, v58  }
0x310: {  	v59 =	vld [tilespmem:s4+$0xF268];
	[tilespmem:s4+$0xF258] =	vst v0  }
0x311: {  	v0 =	vld [tilespmem:s0+$0xF268];
	_ =	sdelay $0x4  }
0x312: {  	v0 =	vmax.f32 v0, v59  }
0x313: {  	v60 =	vld [tilespmem:s4+$0xF278];
	[tilespmem:s4+$0xF268] =	vst v0  }
0x314: {  	v0 =	vld [tilespmem:s0+$0xF278];
	_ =	sdelay $0x4  }
0x315: {  	v0 =	vmax.f32 v0, v60  }
0x316: {  	v61 =	vld [tilespmem:s4+$0xF288];
	[tilespmem:s4+$0xF278] =	vst v0  }
0x317: {  	v0 =	vld [tilespmem:s0+$0xF288];
	_ =	sdelay $0x4  }
0x318: {  	v0 =	vmax.f32 v0, v61  }
0x319: {  	v62 =	vld [tilespmem:s4+$0xF298];
	[tilespmem:s4+$0xF288] =	vst v0  }
0x31a: {  	v0 =	vld [tilespmem:s0+$0xF298];
	_ =	sdelay $0x4  }
0x31b: {  	v0 =	vmax.f32 v0, v62  }
0x31c: {  	v63 =	vld [tilespmem:s4+$0xF2A8];
	[tilespmem:s4+$0xF298] =	vst v0  }
0x31d: {  	v0 =	vld [tilespmem:s0+$0xF2A8];
	_ =	sdelay $0x1  }
.Ltmp46:
0x31e: {  	_ = 	snop;
	(pc) =	sbr.rel .LBB3_48-.Ltmp46, $3  }
0x31f: {  	_ =	sdelay $0x1  }
0x320: {  	v0 =	vmax.f32 v0, v63  }
0x321: {  	[tilespmem:s4+$0xF2A8] =	vst v0  }
.LBB3_49:
0x322: {  	p1 =	slt.s32 s2, $0x1  }
.Ltmp47:
0x323: {  	_ = 	snop;
	(pc) =	sbr.rel @p1 .LBB3_53-.Ltmp47, $3  }
0x324: {  	_ =	sdelay $0x1  }
0x325: {  	s0 =	simm.s32 $0x8  }
0x326: {  	s3 =	simm.s32 $0x0;
	[sflag:s0] =	ssyncpa.u1 $0x1  }
0x327: {  	s0 =	simm.s32 $0xF218  }
0x328: {  	v0 =	vld.msk [tilespmem:s0+$0x0], $0x1;
	_ =	sdelay $0x4  }
0x329: {  	(v2sf) =	vpush v0, $0x0;
	_ =	sdelay $0xe  }
0x32a: {  	s0 =	sadd.s32 $0xFFFFFFFF, s2;
	s5 =	spop (v2sf)  }
0x32b: {  	p2 =	sne.s32 s0, $0x0;
	p1 =	sgt.u32 s5, $0x27170  }
.Ltmp48:
0x32c: {  	s6 =	sand.u32 @!p1 $0x3FFF8, s5;
	(pc) =	sbr.rel @!p2 .LBB3_52-.Ltmp48, $4  }
0x32d: {  	s4 =	simm.s32 $0xF238;
	s5 =	sand.u32 @!p1 $0x7, s5;
	s2 =	sadd.s32 @!p1 s1, s6  }
0x32e: {  	[hbm4b:s2+s5] =	stream.linear.scatter @!p1 [tilespmem:s4], [sflag:$0x7], $0x80, $0x38;
	[tilespmem:$0x1F6F8] =	vst v63  }
0x32f: {  	s5 =	simm.s32 $0x0  }
0x330: {  	s2 =	simm.s32 $0xF219;
	s5 =	simm.s32 @!p1 $0x200  }
.LBB3_51:
0x331: {  	v0 =	vld.msk [tilespmem:s2+$0x0], $0x1;
	s0 =	sadd.s32 $0xFFFFFFFF, s0;
	s3 =	sadd.s32 s3, s5  }
0x332: {  	p1 =	sne.s32 s0, $0x0;
	_ =	sdelay $0x3  }
0x333: {  	(v2sf) =	vpush v0, $0x0;
	_ =	sdelay $0xe  }
.Ltmp49:
0x334: {  	s6 =	spop (v2sf);
	(pc) =	sbr.rel @p1 .LBB3_51-.Ltmp49, $4  }
0x335: {  	s5 =	simm.s32 $0x0;
	p2 =	sgt.u32 s6, $0x27170  }
0x336: {  	s4 =	sadd.s32 $0x80, s4;
	s5 =	simm.s32 @!p2 $0x200;
	s7 =	sand.u32 @!p2 $0x3FFF8, s6  }
0x337: {  	s2 =	sadd.s32 $0x1, s2;
	s6 =	sand.u32 @!p2 $0x7, s6;
	s7 =	sadd.s32 @!p2 s1, s7  }
0x338: {  	[hbm4b:s7+s6] =	stream.linear.scatter @!p2 [tilespmem:s4], [sflag:$0x7], $0x80, $0x38;
	[tilespmem:$0x1F6F8] =	vst v63  }
.LBB3_52:
0x339: {  	s0 =	sadd.s32 s3, s5  }
0x33a: {  	s3 =	sshrl.u32 s0, $0x2  }
.LBB3_53:
0x33b: {  	s0 =	simm.s32 $0x7  }
0x33c: {  	_ =	swait.ge [sflag:s0], s3  }
0x33d: {  	s1 =	ssub.s32 $0x0, s3;
	[sflag:s0] =	ssyncset.done $0x0  }
0x33e: {  	[sflag:s0] =	ssyncadd.s32 s1  }
0x33f: {  	[sflag:s0] =	ssyncpa.u1 $0x1  }
.LBB3_54:
0x340: {  	_ =	sfence;
	s0 =	simm.s32 $0x1  }
0x341: {  	[sflag:s0] =	ssyncpa.u1 $0x1  }
0x342: {  	_ =	strace $0x90000059  }
0x343: {  	[bflag:$0x2] =	sbarrier.arrive $0xFFFF  }
0x344: {  	s0 =	rddreg [dreg:$0x3]  }
0x345: {  	s0 =	sadd.s32 @!p0 $0x100000, s0  }
0x346: {  	[sflag:s0] =	ssyncadd.tile.s32 @!p0 $0x1;
	_ =	shalt  }
.Lfunc_end3:
_tile_overlayer_lowered:
.L_overlay_start_3:
0x347: {  	(tag) =	ssettag $0x3  }
0x348: {  	s0 =	rddreg [dreg:$0x0];
	s2 =	stileid.u32  }
0x349: {  	s1 =	rddreg [dreg:$0x1];
	p0 =	sne.s32 s2, $0x0  }
0x34a: {  	s3 =	rddreg [dreg:$0x2];
	[bflag:$0x3] =	sbarrier.arrive $0xFFFF;
	s2 =	simm.s32 @!p0 $0x1C01  }
0x34b: {  	[timem:s3], [sflag:s2] =	dma.local @!p0 [hbm:s0], s1  }
0x34c: {  	s0 =	simm.s32 @!p0 $0x1  }
0x34d: {  	_ =	swait.ge @!p0 [sflag:s0], s1  }
0x34e: {  	s1 =	ssub.s32 @!p0 $0x0, s1;
	[sflag:s0] =	ssyncset.done @!p0 $0x0  }
0x34f: {  	[sflag:s0] =	ssyncadd.s32 @!p0 s1  }
0x350: {  	[bflag:$0x3] =	sbarrier.arrive $0xFFFF  }
0x351: {  	_ =	shalt  }

// kernel: scatter_offload_async_start.9
scs
__scs_entry_jumppad:
0x0: {  	(pc) =	sbr.rel $0x88, $3  }
0x1: {  	(tag) =	ssettag $0x0;
	lr =	simm.s32 $0x1  }
0x2: {  	[smem:$0x3F7A] =	sst lr;
	_ =	strace $0xD0000000  }
0x3: {  	_ = 	snop  }
0x4: {  	_ = 	snop  }
0x5: {  	_ = 	snop  }
0x6: {  	_ = 	snop  }
0x7: {  	_ = 	snop  }
__scs_overlays_trampoline_lowered:
0x8: {  	[smem:$0x3F89] =	sst s0  }
0x9: {  	[smem:$0x3F8A] =	sst s1  }
0xa: {  	[smem:$0x3F8B] =	sst s2  }
0xb: {  	[smem:$0x3F8C] =	sst s3  }
0xc: {  	[smem:$0x3F8D] =	sst s4  }
0xd: {  	[smem:$0x3F8E] =	sst s5  }
0xe: {  	[smem:$0x3F8F] =	sst s6  }
0xf: {  	[smem:$0x3F90] =	sst s7  }
0x10: {  	[smem:$0x3F91] =	sst s8  }
0x11: {  	[smem:$0x3F92] =	sst s9;
	s0 =	simm.s32 @!p0 $0x0  }
0x12: {  	s1 =	sld [smem:$0x3F78];
	s0 =	simm.s32 @p0 $0x1  }
0x13: {  	[smem:$0x3F93] =	sst s0;
	s0 =	simm.s32 @!p1 $0x0  }
0x14: {  	s2 =	sld [smem:$0x3F77];
	s0 =	simm.s32 @p1 $0x1  }
0x15: {  	[smem:$0x3F94] =	sst s0;
	s0 =	simm.s32 @!p2 $0x0  }
0x16: {  	s3 =	sld [smem:$0x3FDB];
	s0 =	simm.s32 @p2 $0x1  }
0x17: {  	s4 =	simm.s32 $0x1BF5;
	[smem:$0x3F96] =	sst s0  }
0x18: {  	s0 =	sld [smem:$0x3F79];
	_ =	swait.ge [sflag:s4], $0x0  }
0x19: {  	s7 =	sld [smem:$0x3F7A]  }
0x1a: {  	s8 =	sadd.s32 $0xFFFFE003, lr  }
0x1b: {  	s9 =	sadd.s32 $0xFFFFFEF7, lr;
	s5 =	simm.s32 $0xFFFFFFFF;
	p2 =	slt.u32 s8, $0xFFFFF086  }
0x1c: {  	p1 =	slt.u32 s9, $0xF7A;
	s5 =	simm.s32 @!p2 $0x0  }
0x1d: {  	s5 =	simm.s32 @p1 $0x1;
	p0 =	seq.s32 s7, s2  }
0x1e: {  	s7 =	smul.u32 @!p0 $0xF7A, s2;
	p2 =	seq.s32 @!p0 s5, $0x0  }
0x1f: {  	s9 =	smul.u32 $0xF7A, s1;
	s8 =	simm.s32 @!p0 $0x1BF5;
	p2 =	por !p2, p0  }
0x20: {  	[sflag:s8] =	ssyncset.s32 @!p0 $0xFFFFF086;
	s6 =	sadd.s32 @!p0 s3, s7;
	s7 =	simm.s32 @!p0 $0x108  }
0x21: {  	s3 =	sadd.s32 s3, s9;
	s6 =	sadd.s32 @!p0 $0x88, s6;
	s7 =	simm.s32 @p2 $0x1082  }
0x22: {  	[simem:s7], [sflag:s8] =	dma.local @!p0 [hbm:s6], $0xF7A  }
0x23: {  	s9 =	sor.u32 $0xD0000000, s2;
	s6 =	simm.s32 $0x108;
	_ =	swait.ge @!p0 [sflag:s8], $0x0  }
0x24: {  	s3 =	sadd.s32 $0x88, s3;
	s6 =	simm.s32 @!p1 $0x1082;
	[sflag:s4] =	ssyncset.s32 $0xFFFFF086  }
0x25: {  	[simem:s6], [sflag:s4] =	dma.local [hbm:s3], $0xF7A  }
0x26: {  	[smem:$0x3F7A] =	sst s1;
	(tag) =	ssettag s2;
	_ =	strace s9  }
0x27: {  	s1 =	sld [smem:$0x3F8A]  }
0x28: {  	s2 =	sld [smem:$0x3F8B]  }
0x29: {  	s4 =	sld [smem:$0x3F8D]  }
0x2a: {  	p0 =	seq.s32 s5, $0x0;
	s5 =	sld [smem:$0x3F8E]  }
0x2b: {  	s6 =	sld [smem:$0x3F8F]  }
0x2c: {  	s7 =	sld [smem:$0x3F90]  }
0x2d: {  	s3 =	simm.s32 $0x108;
	s8 =	sld [smem:$0x3F91]  }
0x2e: {  	s3 =	simm.s32 @!p0 $0x1082;
	s9 =	sld [smem:$0x3F92]  }
0x2f: {  	lr =	sadd.s32 s0, s3;
	s0 =	sld [smem:$0x3F89]  }
0x30: {  	s3 =	sld [smem:$0x3F8C]  }
0x31: {  	[smem:$0x3F95] =	sst s10  }
0x32: {  	s10 =	sld [smem:$0x3F93];
	_ =	sdelay $0x3  }
0x33: {  	p0 =	seq.s32 s10, $0x1;
	s10 =	sld [smem:$0x3F95];
	_ =	sdelay $0x3  }
0x34: {  	[smem:$0x3F95] =	sst s10  }
0x35: {  	s10 =	sld [smem:$0x3F94];
	_ =	sdelay $0x3  }
0x36: {  	p1 =	seq.s32 s10, $0x1;
	s10 =	sld [smem:$0x3F95];
	_ =	sdelay $0x3  }
0x37: {  	[smem:$0x3F95] =	sst s10  }
0x38: {  	s10 =	sld [smem:$0x3F96]  }
0x39: {  	_ = 	snop;
	(pc) =	sbr.ind lr, $3  }
0x3a: {  	_ = 	snop  }
0x3b: {  	_ = 	snop  }
0x3c: {  	p2 =	seq.s32 s10, $0x1;
	s10 =	sld [smem:$0x3F95]  }
0x3d: {  	_ =	shalt  }
0x3e: {  	_ =	shalt  }
0x3f: {  	_ =	shalt  }
0x40: {  	_ =	shalt  }
0x41: {  	_ =	shalt  }
0x42: {  	_ =	shalt  }
0x43: {  	_ =	shalt  }
0x44: {  	_ =	shalt  }
0x45: {  	_ =	shalt  }
0x46: {  	_ =	shalt  }
0x47: {  	_ =	shalt  }
0x48: {  	_ =	shalt  }
0x49: {  	_ =	shalt  }
0x4a: {  	_ =	shalt  }
0x4b: {  	_ =	shalt  }
0x4c: {  	_ =	shalt  }
0x4d: {  	_ =	shalt  }
0x4e: {  	_ =	shalt  }
0x4f: {  	_ =	shalt  }
0x50: {  	_ =	shalt  }
0x51: {  	_ =	shalt  }
0x52: {  	_ =	shalt  }
0x53: {  	_ =	shalt  }
0x54: {  	_ =	shalt  }
0x55: {  	_ =	shalt  }
0x56: {  	_ =	shalt  }
0x57: {  	_ =	shalt  }
0x58: {  	_ =	shalt  }
0x59: {  	_ =	shalt  }
0x5a: {  	_ =	shalt  }
0x5b: {  	_ =	shalt  }
0x5c: {  	_ =	shalt  }
0x5d: {  	_ =	shalt  }
0x5e: {  	_ =	shalt  }
0x5f: {  	_ =	shalt  }
0x60: {  	_ =	shalt  }
0x61: {  	_ =	shalt  }
0x62: {  	_ =	shalt  }
0x63: {  	_ =	shalt  }
0x64: {  	_ =	shalt  }
0x65: {  	_ =	shalt  }
0x66: {  	_ =	shalt  }
0x67: {  	_ =	shalt  }
0x68: {  	_ =	shalt  }
0x69: {  	_ =	shalt  }
0x6a: {  	_ =	shalt  }
0x6b: {  	_ =	shalt  }
0x6c: {  	_ =	shalt  }
0x6d: {  	_ =	shalt  }
0x6e: {  	_ =	shalt  }
0x6f: {  	_ =	shalt  }
0x70: {  	_ =	shalt  }
0x71: {  	_ =	shalt  }
0x72: {  	_ =	shalt  }
0x73: {  	_ =	shalt  }
0x74: {  	_ =	shalt  }
0x75: {  	_ =	shalt  }
0x76: {  	_ =	shalt  }
0x77: {  	_ =	shalt  }
0x78: {  	_ =	shalt  }
0x79: {  	_ =	shalt  }
0x7a: {  	_ =	shalt  }
0x7b: {  	_ =	shalt  }
0x7c: {  	_ =	shalt  }
0x7d: {  	_ =	shalt  }
0x7e: {  	_ =	shalt  }
0x7f: {  	_ =	shalt  }
0x80: {  	_ =	shalt  }
0x81: {  	_ =	shalt  }
0x82: {  	_ =	shalt  }
0x83: {  	_ =	shalt  }
0x84: {  	_ =	shalt  }
0x85: {  	_ =	shalt  }
0x86: {  	_ =	shalt  }
0x87: {  	_ =	shalt  }
.Lfunc_end0:
.L_simem_size_0:
called_computation.2_lowered:
.L_overlay_start_0:
0x88: {  	s2 =	sld [smem:$0x3FD9]  }
0x89: {  	s3 =	sld [smem:$0x3FFE];
	_ =	sdelay $0x1  }
0x8a: {  	s1 =	srdreg.scid  }
0x8b: {  	s0 =	sand.u32 $0x1, s1  }
0x8c: {  	s12 =	sshll.u32 s0, $0xA;
	s2 =	sadd.s32 s3, s2  }
0x8d: {  	s2 =	sadd.s32 s2, s12  }
0x8e: {  	[smem:$0x3FA1] =	sst s2  }
0x8f: {  	_ = 	snop  }
0x90: {  	(tm) =	ssettm $0x1  }
0x91: {  	s13 =	sld [smem:$0x3FFB];
	_ =	sdelay $0x3  }
0x92: {  	_ =	strace s13  }
0x93: {  	s2 =	sld [smem:$0x3FFC];
	_ =	sdelay $0x3  }
0x94: {  	_ =	strace s2  }
0x95: {  	s2 =	sld [smem:$0x3FFD];
	_ =	sdelay $0x3  }
0x96: {  	_ =	strace s2  }
0x97: {  	_ =	strace $0x8FFFFFFF  }
0x98: {  	s14 =	sld [smem:$0x3FDB];
	_ =	sdelay $0x1  }
0x99: {  	s15 =	simm.s32 $_scs_section_size  }
0x9a: {  	s4 =	simm.s32 $_size__tile_overlayer_lowered;
	s5 =	simm.s32 $_tile_overlayer_lowered  }
0x9b: {  	s19 =	simm.s32 $0x1BFF;
	s17 =	sshll.u32 s5, $0x1;
	s6 =	sadd.s32 s15, s14  }
0x9c: {  	s20 =	simm.s32 $0x0;
	s16 =	sshll.u32 s4, $0x1;
	s18 =	sadd.s32 s17, s6  }
0x9d: {  	[timem:s20], [sflag:s19] =	dma.local [hbm:s18], s16  }
0x9e: {  	_ =	swait.ge [sflag:s19], s16  }
0x9f: {  	s3 =	ssub.s32 $0x0, s16;
	[sflag:s19] =	ssyncset.done $0x0  }
0xa0: {  	[sflag:s19] =	ssyncadd.s32 s3;
	_ =	sdelay $0x1  }
0xa1: {  	s21 =	simm.s32 $0x1B8B  }
0xa2: {  	_ =	swait.ge [sflag:s21], $0x1  }
0xa3: {  	[sflag:s21] =	ssyncset.done $0x0  }
0xa4: {  	[sflag:s21] =	ssyncadd.s32 $0xFFFFFFFF  }
0xa5: {  	s3 =	sld [smem:$0x0]  }
0xa6: {  	s4 =	sand.u32 $0xFFFFFFFE, s1  }
0xa7: {  	p0 =	sne.s32 s1, s4  }
0xa8: {  	s4 =	sshll.u32 @p0 s4, $0xE  }
0xa9: {  	s5 =	sadd.s32 @p0 $0x11B8D, s4;
	s7 =	sshll.u32 @p0 s3, $0x11  }
0xaa: {  	s5 =	sor.u32 @p0 s7, s5  }
0xab: {  	[sflag:s5] =	ssyncadd.remote.s32 @p0 $0x1;
	_ =	sdelay $0x1  }
0xac: {  	s5 =	simm.s32 @p0 $0x1B8D  }
0xad: {  	_ =	swait.eq @p0 [sflag:s5], $0x1  }
0xae: {  	[sflag:s5] =	ssyncadd.s32 @p0 $0xFFFFFFFF  }
0xaf: {  	s7 =	sshll.u32 @!p0 s1, $0xE  }
0xb0: {  	s7 =	sor.u32 @!p0 $0x4000, s7;
	s5 =	simm.s32 @!p0 $0x1B8D  }
0xb1: {  	s9 =	sshll.u32 @!p0 s3, $0x11;
	s8 =	sadd.s32 @!p0 $0x11B8D, s7;
	_ =	swait.eq @!p0 [sflag:s5], $0x1  }
0xb2: {  	[sflag:s5] =	ssyncadd.s32 @!p0 $0xFFFFFFFF;
	s5 =	sor.u32 @!p0 s9, s8  }
0xb3: {  	s23 =	simm.s32 $0x1B8E;
	s22 =	sld [smem:$0x3FFE];
	[sflag:s5] =	ssyncadd.remote.s32 @!p0 $0x1  }
0xb4: {  	s24 =	simm.s32 $execute0_lowered;
	[smem:$0x3FD2] =	sst s23  }
0xb5: {  	s8 =	sshll.u32 s24, $0x1;
	_ =	strace $0x8000004F;
	[dreg:$0x1] =	wrdreg $0xFFFFFFFF  }
0xb6: {  	s25 =	simm.s32 $_size_execute0_lowered;
	s8 =	sadd.s32 s6, s8;
	[dreg:$0x0] =	wrdreg $0x0  }
0xb7: {  	s9 =	sshll.u32 s25, $0x1;
	[dreg:$0x2] =	wrdreg s8  }
0xb8: {  	[dreg:$0x3] =	wrdreg s9  }
0xb9: {  	[dreg:$0x4] =	wrdreg $0xC0  }
0xba: {  	s26 =	simm.s32 $execute1_lowered;
	_ =	task [dreg:s20], $0x5FFFF  }
0xbb: {  	s8 =	sshll.u32 s26, $0x1;
	[dreg:$0x1] =	wrdreg $0xFFFFFFFF  }
0xbc: {  	s6 =	sadd.s32 s6, s8;
	[dreg:$0x0] =	wrdreg $0x60  }
0xbd: {  	[dreg:$0x2] =	wrdreg s6  }
0xbe: {  	[dreg:$0x3] =	wrdreg s22  }
0xbf: {  	[dreg:$0x4] =	wrdreg $0xC  }
0xc0: {  	_ =	task.clear_ibuf [dreg:s20], $0x5FFFF;
	_ =	strace $0x9000004F  }
0xc1: {  	s28 =	simm.s32 $0xC;
	_ =	strace $0x80000051  }
0xc2: {  	_ =	swait.ge [sflag:s28], $0x1  }
0xc3: {  	[sflag:s28] =	ssyncadd.s32 $0xFFFFFFFF  }
0xc4: {  	_ =	strace $0x90000051  }
0xc5: {  	s6 =	sld [smem:$0x0];
	_ =	sdelay $0x3  }
0xc6: {  	s4 =	sadd.s32 @p0 $0x11BF3, s4;
	s8 =	sshll.u32 @p0 s6, $0x11  }
0xc7: {  	s4 =	sor.u32 @p0 s8, s4  }
0xc8: {  	[sflag:s4] =	ssyncadd.remote.s32 @p0 $0x1;
	_ =	sdelay $0x1  }
0xc9: {  	s4 =	simm.s32 @p0 $0x1BF3  }
0xca: {  	_ =	swait.eq @p0 [sflag:s4], $0x1  }
0xcb: {  	[sflag:s4] =	ssyncadd.s32 @p0 $0xFFFFFFFF;
	_ =	sdelay $0x1  }
0xcc: {  	s4 =	simm.s32 @!p0 $0x1BF3  }
0xcd: {  	s7 =	sadd.s32 @!p0 $0x11BF3, s7;
	s6 =	sshll.u32 @!p0 s6, $0x11;
	_ =	swait.eq @!p0 [sflag:s4], $0x1  }
0xce: {  	[sflag:s4] =	ssyncadd.s32 @!p0 $0xFFFFFFFF;
	s4 =	sor.u32 @!p0 s6, s7  }
0xcf: {  	[sflag:s4] =	ssyncadd.remote.s32 @!p0 $0x1  }
0xd0: {  	_ =	strace $0x80000052;
	[dreg:$0x1] =	wrdreg $0xFFFFFFFF  }
0xd1: {  	[dreg:$0x0] =	wrdreg $0x2030  }
0xd2: {  	[dreg:$0x2] =	wrdreg s22  }
0xd3: {  	[dreg:$0x3] =	wrdreg s1  }
0xd4: {  	[dreg:$0x4] =	wrdreg s3  }
0xd5: {  	[dreg:$0x5] =	wrdreg $0xD  }
0xd6: {  	_ =	task.clear_ibuf [dreg:s20], $0x6FFFF;
	_ =	strace $0x90000052  }
0xd7: {  	s29 =	simm.s32 $0xD;
	_ =	strace $0x80000054  }
0xd8: {  	_ =	swait.ge [sflag:s29], $0x1  }
0xd9: {  	[sflag:s29] =	ssyncadd.s32 $0xFFFFFFFF  }
0xda: {  	_ =	strace $0x90000054  }
0xdb: {  	_ =	sfence  }
0xdc: {  	s30 =	sld [smem:$0x0];
	_ =	sdelay $0x2  }
0xdd: {  	s31 =	sshll.u32 s1, $0xD;
	s1 =	sshrl.u32 s1, $0x2  }
0xde: {  	s4 =	sand.u32 $0x4000, s31;
	s1 =	sadd.s32 s1, s30  }
0xdf: {  	s0 =	sor.u32 s4, s0;
	s1 =	sshll.u32 s1, $0x11  }
0xe0: {  	s0 =	sor.u32 s1, s0  }
0xe1: {  	s0 =	sadd.s32 $0x8F2B, s0  }
0xe2: {  	[sflag:s0] =	ssyncadd.remote.s32 $0x1  }
0xe3: {  	_ =	sfence.sel $0xFFFF  }
0xe4: {  	[dreg:$0x0] =	wrdreg $0xFFFFFFFF;
	(pc) =	sbr.abs _section_cstart, $3  }
0xe5: {  	[dreg:$0x1] =	wrdreg $0xFFFFFFFF  }
0xe6: {  	_ =	task.clear_ibuf [dreg:s20], $0x2FFFF;
	_ =	strace $0x9FFFFFFF  }
0xe7: {  	(tm) =	ssettm $0x7FFFFFFF  }
tec
execute0_lowered:
.L_overlay_start_1:
0x0: {  	(tag) =	ssettag $0x1  }
0x1: {  	s2 =	rddreg [dreg:$0x0]  }
0x2: {  	s4 =	rddreg [dreg:$0x1]  }
0x3: {  	s0 =	rddreg [dreg:$0x2];
	s3 =	stileid.u32  }
0x4: {  	[bflag:$0x3] =	sbarrier.arrive $0xFFFF;
	s1 =	simm.s32 $_size_execute1_lowered;
	s29 =	srdreg.scid  }
0x5: {  	s7 =	simm.s32 $0x2;
	s8 =	simm.s32 $0x0;
	p0 =	sne.s32 s3, $0x0  }
0x6: {  	s1 =	sshll.u32 s1, $0x1;
	s5 =	simm.s32 @!p0 $0x1C3F;
	s6 =	simm.s32 @!p0 $0x4060  }
0x7: {  	[timem:s6], [sflag:s5] =	dma.local @!p0 [hbm:s2], s1  }
0x8: {  	s12 =	simm.s32 $0x0;
	s10 =	simm.s32 $0x0;
	s2 =	sshll.u32 s29, $0x7  }
.Ltmp0:
0x9: {  	s3 =	sshll.u32 s3, $0x8;
	s30 =	sand.u32 $0x80, s2;
	(pc) =	sbr.rel .LBB2_1-.Ltmp0, $4  }
0xa: {  	s11 =	simm.s32 $0x0;
	_ =	strace $0x80000050;
	s3 =	sor.u32 s3, s30  }
0xb: {  	s5 =	simm.s32 $0x1;
	s2 =	sadd.s32 $0x11DA00, s4;
	s31 =	ssub.s32 $0x2700, s3  }
0xc: {  	s4 =	sadd.s32 $0x144C00, s4;
	[sflag:s5] =	ssyncpa.u1 $0x0;
	s6 =	sshrl.u32 s31, $0xC  }
0xd: {  	[sflag:s7] =	ssyncpa.u1 $0x0;
	s9 =	smov.u32 s3;
	s7 =	sadd.s32 $0x2, s6  }
.LBB2_4:
0xe: {  	_ = 	snop  }
.LBB2_7:
0xf: {  	_ =	sdelay $0x3  }
0x10: {  	[tilespmem:v0+s16+$0x0 ss:$0x1] =	vst.idx.msk @p1 $0xffff, v2  }
0x11: {  	v56 =	vld.idx.msk [tilespmem:v1+s15+$0x0 ss:$0x1], $0xffff;
	s24 =	sor.u32 $0x70, s15;
	[tilespmem:v0+s17+$0x0 ss:$0x1] =	vst.idx.msk @p1 $0xffff, v4  }
0x12: {  	s25 =	sor.u32 $0x10, s15;
	[tilespmem:v0+s18+$0x0 ss:$0x1] =	vst.idx.msk @p1 $0xffff, v3;
	v57 =	vld.idx.msk [tilespmem:v1+s24+$0x0 ss:$0x1], $0xffff  }
0x13: {  	s26 =	sor.u32 $0x20, s15;
	[tilespmem:v0+s19+$0x0 ss:$0x1] =	vst.idx.msk @p1 $0xffff, v5;
	v58 =	vld.idx.msk [tilespmem:v1+s25+$0x0 ss:$0x1], $0xffff  }
0x14: {  	s28 =	sor.u32 $0x30, s15;
	[tilespmem:v0+s20+$0x0 ss:$0x1] =	vst.idx.msk @p1 $0xffff, v6;
	v59 =	vld.idx.msk [tilespmem:v1+s26+$0x0 ss:$0x1], $0xffff  }
0x15: {  	s29 =	sor.u32 $0x40, s15;
	[tilespmem:v0+s21+$0x0 ss:$0x1] =	vst.idx.msk @p1 $0xffff, v7;
	v60 =	vld.idx.msk [tilespmem:v1+s28+$0x0 ss:$0x1], $0xffff  }
0x16: {  	s30 =	sor.u32 $0x50, s15;
	v61 =	vld.idx.msk [tilespmem:v1+s29+$0x0 ss:$0x1], $0xffff;
	[tilespmem:v0+s15+$0x0 ss:$0x1] =	vst.idx.msk $0xffff, v56  }
0x17: {  	s31 =	sor.u32 $0x60, s15;
	v62 =	vld.idx.msk [tilespmem:v1+s30+$0x0 ss:$0x1], $0xffff;
	[tilespmem:v0+s24+$0x0 ss:$0x1] =	vst.idx.msk $0xffff, v57  }
0x18: {  	v63 =	vld.idx.msk [tilespmem:v1+s31+$0x0 ss:$0x1], $0xffff;
	[tilespmem:v0+s25+$0x0 ss:$0x1] =	vst.idx.msk $0xffff, v58  }
0x19: {  	[tilespmem:v0+s26+$0x0 ss:$0x1] =	vst.idx.msk $0xffff, v59  }
0x1a: {  	[tilespmem:v0+s28+$0x0 ss:$0x1] =	vst.idx.msk $0xffff, v60  }
0x1b: {  	[tilespmem:v0+s29+$0x0 ss:$0x1] =	vst.idx.msk $0xffff, v61  }
0x1c: {  	[tilespmem:v0+s30+$0x0 ss:$0x1] =	vst.idx.msk $0xffff, v62  }
0x1d: {  	[tilespmem:v0+s31+$0x0 ss:$0x1] =	vst.idx.msk $0xffff, v63  }
.LBB2_8:
0x1e: {  	s15 =	sand.u32 $0x1FFFFFF, s10  }
0x1f: {  	s16 =	smulhi.u32 $0x34630B5, s15;
	_ =	sdelay $0x1  }
0x20: {  	s16 =	sshrl.u32 s16, $0x7  }
0x21: {  	s16 =	smul.u32 $0x2718, s16;
	_ =	sdelay $0x1  }
0x22: {  	s15 =	ssub.s32 s15, s16  }
0x23: {  	s15 =	sshll.u32 s15, $0x4  }
0x24: {  	s15 =	sadd.s32 s4, s15  }
0x25: {  	[hbm4b:s15+s8] =	stream.linear.scatter [tilespmem:s14], [sflag:$0x2], s13, $0x38;
	[tilespmem:$0x10000] =	vst v63  }
.LBB2_9:
0x26: {  	p1 =	slt.u32 s11, $0x2  }
0x27: {  	p2 =	sgt.s32 @!p1 s12, $0x2698  }
0x28: {  	s13 =	smov.u32 s12;
	s14 =	sshra.s32 @!p1 s12, $0x1F;
	p2 =	por !p2, p1  }
0x29: {  	s12 =	sand.u32 @!p1 s14, s12;
	s13 =	simm.s32 @p2 $0x2698  }
0x2a: {  	s12 =	ssub.s32 @!p1 s13, s12  }
0x2b: {  	s12 =	sadd.s32 @!p1 $0xFFFFD968, s12  }
0x2c: {  	s13 =	sshll.u32 @!p1 s12, $0x9  }
0x2d: {  	p2 =	sgt.s32 @!p1 s12, $0x7F;
	s12 =	ssub.s32 @!p1 $0x10000, s13  }
0x2e: {  	s14 =	sadd.s32 $0x1000, s9;
	p2 =	por !p2, p1;
	s12 =	sshrl.u32 @!p1 s12, $0x2  }
0x2f: {  	s12 =	simm.s32 @!p2 $0x0;
	p2 =	sgt.s32 s14, $0x2710  }
0x30: {  	s14 =	smov.u32 @p2 s3;
	p2 =	sne.s32 s11, s7  }
.Ltmp1:
0x31: {  	_ = 	snop;
	(pc) =	sbr.rel @!p2 .LBB2_10-.Ltmp1, $4  }
0x32: {  	s13 =	simm.s32 @!p1 $0x2  }
0x33: {  	_ =	swait.ge @!p1 [sflag:s13], s12;
	s15 =	ssub.s32 @!p1 $0x0, s12  }
0x34: {  	s12 =	smov.u32 s10;
	s11 =	sadd.s32 $0x1, s11;
	[sflag:s13] =	ssyncset.done @!p1 $0x0  }
0x35: {  	s10 =	smov.u32 s9;
	s9 =	smov.u32 s14;
	[sflag:s13] =	ssyncadd.s32 @!p1 s15  }
.LBB2_1:
0x36: {  	p1 =	sgt.u32 s11, s6  }
0x37: {  	s13 =	sand.u32 @!p1 $0x1FFFFFF, s9  }
0x38: {  	p2 =	sgt.s32 @!p1 s9, $0x2698;
	s14 =	smulhi.u32 @!p1 $0x34630B5, s13  }
0x39: {  	s15 =	smov.u32 s9;
	s16 =	sshra.s32 @!p1 s9, $0x1F;
	p2 =	por !p2, p1  }
0x3a: {  	s16 =	sand.u32 @!p1 s16, s9;
	s15 =	simm.s32 @p2 $0x2698;
	s14 =	sshrl.u32 @!p1 s14, $0x7  }
0x3b: {  	s15 =	ssub.s32 @!p1 s15, s16;
	s14 =	smul.u32 @!p1 $0x2718, s14  }
0x3c: {  	s16 =	sxor.u32 @!p1 $0xFFFFFFFF, s11;
	s15 =	sadd.s32 @!p1 $0xFFFFD968, s15  }
0x3d: {  	s16 =	sshll.u32 @!p1 s16, $0xE;
	s13 =	ssub.s32 @!p1 s13, s14;
	s14 =	sshll.u32 @!p1 s15, $0x9  }
0x3e: {  	s16 =	sand.u32 @!p1 $0x4000, s16;
	p2 =	sgt.s32 @!p1 s15, $0x7F;
	s14 =	ssub.s32 @!p1 $0x10000, s14  }
0x3f: {  	p2 =	por !p2, p1;
	s13 =	sshll.u32 @!p1 s13, $0x4;
	s14 =	sshrl.u32 @!p1 s14, $0x2  }
0x40: {  	s15 =	simm.s32 @!p1 $0x0;
	s13 =	sadd.s32 @!p1 s2, s13;
	s14 =	simm.s32 @!p2 $0x0  }
0x41: {  	[tilespmem:s16], [sflag:$0x1] =	stream.linear.gather @!p1 [hbm4b:s13+s15], s14, $0x38;
	[tilespmem:$0x10000] =	vst v63  }
0x42: {  	p1 =	seq.s32 s11, $0x0  }
0x43: {  	p2 =	sge.u32 @!p1 s11, s7  }
0x44: {  	p1 =	por p1, p2  }
.Ltmp2:
0x45: {  	_ = 	snop;
	(pc) =	sbr.rel @p1 .LBB2_9-.Ltmp2, $1  }
0x46: {  	_ =	sdelay $0x3  }
0x47: {  	p1 =	sgt.s32 s10, $0x2698;
	s13 =	smov.u32 s10;
	s14 =	sshra.s32 s10, $0x1F  }
0x48: {  	s13 =	simm.s32 @!p1 $0x2698;
	s14 =	sand.u32 s14, s10  }
0x49: {  	s13 =	ssub.s32 s13, s14  }
0x4a: {  	s13 =	sadd.s32 $0xFFFFD968, s13  }
0x4b: {  	s31 =	sshll.u32 s13, $0x9  }
0x4c: {  	s14 =	ssub.s32 $0x10000, s31  }
0x4d: {  	p1 =	sgt.s32 s13, $0x7F;
	s13 =	sshrl.u32 s14, $0x2;
	s14 =	sadd.s32 $0x80, s10  }
0x4e: {  	s13 =	simm.s32 @p1 $0x0;
	p1 =	slt.s32 s14, $0x2711  }
0x4f: {  	s14 =	simm.s32 @!p1 $0x2711  }
0x50: {  	s16 =	ssub.s32 s14, s10  }
0x51: {  	p1 =	slt.s32 s16, $0x1  }
.Ltmp3:
0x52: {  	_ = 	snop;
	(pc) =	sbr.rel @p1 .LBB2_8-.Ltmp3, $4  }
0x53: {  	_ = 	snop  }
0x54: {  	s15 =	sshll.u32 s11, $0xE;
	_ =	swait.ge [sflag:s5], s13  }
0x55: {  	s15 =	sand.u32 $0x4000, s15;
	s17 =	ssub.s32 $0x0, s13;
	[sflag:s5] =	ssyncset.done $0x0  }
0x56: {  	s14 =	sor.u32 $0x8000, s15;
	[sflag:s5] =	ssyncadd.s32 s17  }
0x57: {  	p2 =	sne.s32 s16, $0x1  }
.Ltmp4:
0x58: {  	v1 =	vmov s15;
	v0 =	vmov s14;
	(pc) =	sbr.rel @!p2 .LBB2_4-.Ltmp4, $3  }
0x59: {  	_ =	sdelay $0x1  }
0x5a: {  	s17 =	simm.s32 $0x0  }
0x5b: {  	s23 =	sadd.s32 $0xFFFFFFFF, s16;
	p1 =	por $0x0, $0x0;
	s15 =	sand.u32 $0x3F80, s17  }
0x5c: {  	_ =	sdelay $0x3  }
0x5d: {  	v6 =	vld.idx.msk [tilespmem:v1+s15+$0x0 ss:$0x1], $0xffff;
	s24 =	sor.u32 $0x70, s15  }
0x5e: {  	s16 =	sor.u32 $0x10, s15;
	v8 =	vld.idx.msk [tilespmem:v1+s24+$0x0 ss:$0x1], $0xffff  }
0x5f: {  	s17 =	sor.u32 $0x20, s15;
	p2 =	sne.s32 s23, $0x1;
	v2 =	vld.idx.msk [tilespmem:v1+s16+$0x0 ss:$0x1], $0xffff  }
.Ltmp5:
0x60: {  	s18 =	sor.u32 $0x30, s15;
	v4 =	vld.idx.msk [tilespmem:v1+s17+$0x0 ss:$0x1], $0xffff;
	(pc) =	sbr.rel @!p2 .LBB2_7-.Ltmp5, $4  }
0x61: {  	s19 =	sor.u32 $0x40, s15;
	v3 =	vld.idx.msk [tilespmem:v1+s18+$0x0 ss:$0x1], $0xffff  }
0x62: {  	s21 =	sor.u32 $0x60, s15;
	v5 =	vld.idx.msk [tilespmem:v1+s19+$0x0 ss:$0x1], $0xffff  }
0x63: {  	s20 =	sor.u32 $0x50, s15;
	s22 =	simm.s32 $0x80;
	v7 =	vld.idx.msk [tilespmem:v1+s21+$0x0 ss:$0x1], $0xffff;
	[tilespmem:v0+s15+$0x0 ss:$0x1] =	vst.idx.msk $0xffff, v6  }
0x64: {  	s23 =	sadd.s32 $0xFFFFFFFF, s23;
	p1 =	por $0x1, $0x1;
	v6 =	vld.idx.msk [tilespmem:v1+s20+$0x0 ss:$0x1], $0xffff;
	s15 =	sand.u32 $0x3F80, s22;
	[tilespmem:v0+s24+$0x0 ss:$0x1] =	vst.idx.msk $0xffff, v8  }
.LBB2_6:
0x65: {  	p2 =	sne.s32 s23, $0x1;
	v8 =	vld.idx.msk [tilespmem:v1+s15+$0x0 ss:$0x1], $0xffff;
	s24 =	sor.u32 $0x70, s15;
	[tilespmem:v0+s16+$0x0 ss:$0x1] =	vst.idx.msk $0xffff, v2;
	s16 =	sor.u32 $0x10, s15  }
0x66: {  	s25 =	sor.u32 $0x30, s15;
	s26 =	sor.u32 $0x40, s15;
	v9 =	vld.idx.msk [tilespmem:v1+s24+$0x0 ss:$0x1], $0xffff;
	[tilespmem:v0+s17+$0x0 ss:$0x1] =	vst.idx.msk $0xffff, v4;
	s17 =	sor.u32 $0x20, s15  }
0x67: {  	s28 =	sor.u32 $0x50, s15;
	s29 =	sor.u32 $0x60, s15;
	v2 =	vld.idx.msk [tilespmem:v1+s16+$0x0 ss:$0x1], $0xffff;
	[tilespmem:v0+s18+$0x0 ss:$0x1] =	vst.idx.msk $0xffff, v3;
	s18 =	smov.u32 s25  }
.Ltmp6:
0x68: {  	v4 =	vld.idx.msk [tilespmem:v1+s17+$0x0 ss:$0x1], $0xffff;
	[tilespmem:v0+s19+$0x0 ss:$0x1] =	vst.idx.msk $0xffff, v5;
	s19 =	smov.u32 s26;
	(pc) =	sbr.rel @p2 .LBB2_6-.Ltmp6, $4  }
0x69: {  	v3 =	vld.idx.msk [tilespmem:v1+s18+$0x0 ss:$0x1], $0xffff;
	[tilespmem:v0+s20+$0x0 ss:$0x1] =	vst.idx.msk $0xffff, v6;
	s20 =	smov.u32 s28  }
0x6a: {  	v5 =	vld.idx.msk [tilespmem:v1+s19+$0x0 ss:$0x1], $0xffff;
	[tilespmem:v0+s21+$0x0 ss:$0x1] =	vst.idx.msk $0xffff, v7;
	s21 =	smov.u32 s29  }
0x6b: {  	s22 =	sadd.s32 $0x80, s22;
	[tilespmem:v0+s15+$0x0 ss:$0x1] =	vst.idx.msk $0xffff, v8;
	v6 =	vld.idx.msk [tilespmem:v1+s20+$0x0 ss:$0x1], $0xffff  }
0x6c: {  	s23 =	sadd.s32 $0xFFFFFFFF, s23;
	s15 =	sand.u32 $0x3F80, s22;
	v7 =	vld.idx.msk [tilespmem:v1+s21+$0x0 ss:$0x1], $0xffff;
	[tilespmem:v0+s24+$0x0 ss:$0x1] =	vst.idx.msk $0xffff, v9  }
.Ltmp7:
0x6d: {  	_ = 	snop;
	(pc) =	sbr.rel .LBB2_7-.Ltmp7, $1  }
0x6e: {  	_ =	sdelay $0x3  }
.LBB2_10:
0x6f: {  	_ =	sfence.sel $0x180000  }
0x70: {  	s2 =	simm.s32 $0x1;
	[bflag:$0x0] =	sbarrier.arrive $0xFFFF  }
0x71: {  	s31 =	simm.s32 $0x2;
	[sflag:s2] =	ssyncpa.u1 $0x1  }
0x72: {  	[sflag:s31] =	ssyncpa.u1 $0x1  }
0x73: {  	_ =	strace $0x90000050  }
0x74: {  	s0 =	sadd.s32 @!p0 $0x100000, s0;
	[bflag:$0x2] =	sbarrier.arrive $0xFFFF  }
0x75: {  	[sflag:s0] =	ssyncadd.tile.s32 @!p0 $0x1;
	s0 =	simm.s32 @!p0 $0x3F  }
0x76: {  	_ =	swait.ge @!p0 [sflag:s0], s1  }
0x77: {  	s1 =	ssub.s32 @!p0 $0x0, s1;
	[sflag:s0] =	ssyncset.done @!p0 $0x0  }
0x78: {  	[sflag:s0] =	ssyncadd.s32 @!p0 s1  }
0x79: {  	[bflag:$0x3] =	sbarrier.arrive $0xFFFF  }
0x7a: {  	_ =	shalt  }
.Lfunc_end2:
execute1_lowered:
.L_overlay_start_2:
0x7b: {  	(tag) =	ssettag $0x2  }
0x7c: {  	s2 =	rddreg [dreg:$0x0]  }
0x7d: {  	s3 =	rddreg [dreg:$0x1];
	_ =	strace $0x80000053;
	s0 =	simm.s32 $0x1  }
0x7e: {  	v0 =	vimm.s32 $0x0;
	[sflag:s0] =	ssyncpa.u1 $0x0;
	s0 =	simm.s32 $0x108  }
0x7f: {  	[tilespmem:s0+$0x70] =	vst v0  }
0x80: {  	[tilespmem:s0+$0x60] =	vst v0  }
0x81: {  	[tilespmem:s0+$0x50] =	vst v0  }
0x82: {  	[tilespmem:s0+$0x40] =	vst v0  }
0x83: {  	s1 =	sadd.s32 $0x144C00, s2;
	[tilespmem:s0+$0x30] =	vst v0  }
0x84: {  	s15 =	sadd.s32 $0x501E00, s2;
	s6 =	sadd.s32 $0x18AB000, s2;
	[tilespmem:s0+$0x20] =	vst v0  }
0x85: {  	s14 =	sadd.s32 $0x50BC00, s2;
	s5 =	sand.u32 $0x1, s3;
	s3 =	simm.s32 $0x40;
	[tilespmem:s0+$0x10] =	vst v0  }
.LBB3_1:
0x86: {  	s3 =	sadd.s32 $0x40, s3;
	[tilespmem:s0+$0x0] =	vst v0;
	s0 =	sadd.s32 $0x80, s0  }
0x87: {  	p0 =	slt.u32 s3, $0x3C40;
	[tilespmem:s0+$0x70] =	vst v0  }
0x88: {  	[tilespmem:s0+$0x60] =	vst v0  }
.Ltmp8:
0x89: {  	[tilespmem:s0+$0x50] =	vst v0;
	(pc) =	sbr.rel @p0 .LBB3_1-.Ltmp8, $4  }
0x8a: {  	[tilespmem:s0+$0x40] =	vst v0  }
0x8b: {  	[tilespmem:s0+$0x30] =	vst v0  }
0x8c: {  	[tilespmem:s0+$0x20] =	vst v0  }
0x8d: {  	[tilespmem:s0+$0x10] =	vst v0  }
0x8e: {  	s9 =	stileid.u32  }
0x8f: {  	s2 =	smul.u32 $0x29, s9  }
0x90: {  	s3 =	smin.u32 s9, $0xB  }
0x91: {  	s2 =	sadd.s32 s3, s2  }
0x92: {  	p0 =	slt.u32 s9, $0xB;
	s7 =	smul.u32 $0xF0, s2;
	s2 =	simm.s32 $0x2760  }
0x93: {  	s2 =	simm.s32 @!p0 $0x2670  }
0x94: {  	s2 =	sadd.s32 s2, s7  }
0x95: {  	s8 =	smin.u32 s2, $0x27140  }
0x96: {  	s2 =	ssub.s32 s8, s7  }
0x97: {  	p0 =	sgt.s32 s2, $0x0  }
0x98: {  	s29 =	simm.s32 $0x2;
	s10 =	simm.s32 $0x9;
	s2 =	simm.s32 @!p0 $0x0  }
0x99: {  	s4 =	simm.s32 $0xA;
	s11 =	simm.s32 $0xB;
	s28 =	smulhi.u32 $0x88888889, s2  }
0x9a: {  	[dreg:$0x4] =	wrdreg s5;
	s31 =	smul.u32 $0x4E28, s5;
	s12 =	simm.s32 $0x1  }
0x9b: {  	s22 =	simm.s32 $0x0;
	s18 =	simm.s32 $0xC;
	s30 =	sshrl.u32 s28, $0x7  }
0x9c: {  	s20 =	simm.s32 $0x0;
	s21 =	simm.s32 $0x0;
	s3 =	smul.u32 $0xF0, s30  }
.Ltmp9:
0x9d: {  	[tilespmem:s0+$0x0] =	vst v0;
	v0 =	vimm.s32 $0xFFFFFFFF;
	[sflag:s29] =	ssyncpa.u1 $0x0;
	s16 =	sshll.u32 s9, $0x8;
	(pc) =	sbr.rel .LBB3_3-.Ltmp9, $4  }
0x9e: {  	[tilespmem:$0xF208] =	vst v0;
	[sflag:s10] =	ssyncpa.u1 $0x0;
	p0 =	sne.s32 s2, s3;
	s2 =	simm.s32 $0x1  }
0x9f: {  	s14 =	sadd.s32 s31, s14;
	[sflag:s4] =	ssyncpa.u1 $0x0;
	s2 =	simm.s32 @!p0 $0x0  }
0xa0: {  	s15 =	sadd.s32 s31, s15;
	[sflag:s11] =	ssyncpa.u1 $0x0;
	s13 =	sadd.s32 s2, s30  }
0xa1: {  	v0 =	vlaneseq.u32;
	s19 =	smov.u32 s7;
	p0 =	por $0x0, $0x0;
	s17 =	sadd.s32 $0x1, s13  }
.LBB3_18:
0xa2: {  	s0 =	sshrl.u32 s31, $0x2  }
.LBB3_20:
0xa3: {  	_ =	swait.ge [sflag:s18], s0  }
0xa4: {  	s31 =	ssub.s32 $0x0, s0;
	v1 =	vmov s24;
	vm0 =	veq.s32 v0, $0x0;
	[sflag:s18] =	ssyncset.done $0x0  }
0xa5: {  	vm15 =	veq.s32 v0, $0x2;
	v1 =	vsel vm0, s30, v1;
	[sflag:s18] =	ssyncadd.s32 s31  }
0xa6: {  	v1 =	vsel vm15, s22, v1;
	[sflag:s18] =	ssyncpa.u1 $0x1  }
0xa7: {  	[tilespmem:$0xF208] =	vst v1  }
.LBB3_21:
0xa8: {  	s0 =	sadd.s32 $0xF0, s19  }
0xa9: {  	s2 =	smov.u32 s7;
	p1 =	slt.s32 s0, s8  }
0xaa: {  	s2 =	smov.u32 @p1 s0;
	p1 =	sne.s32 s21, s17  }
.Ltmp10:
0xab: {  	_ = 	snop;
	(pc) =	sbr.rel @!p1 .LBB3_22-.Ltmp10, $3  }
0xac: {  	_ =	sdelay $0x1  }
0xad: {  	s22 =	smov.u32 s20;
	s31 =	sadd.s32 $0x1, s21;
	s20 =	smov.u32 s19  }
0xae: {  	p0 =	por !p0, !p0;
	s21 =	smov.u32 s31;
	s19 =	smov.u32 s2  }
.LBB3_3:
0xaf: {  	p1 =	sge.u32 s21, s13  }
0xb0: {  	s0 =	smulhi.u32 @!p1 $0xAAAAAAAB, s21  }
0xb1: {  	s2 =	smov.u32 s19;
	p2 =	sgt.s32 @!p1 s19, $0x27050  }
0xb2: {  	s3 =	sshra.s32 @!p1 s19, $0x1F;
	p2 =	por !p2, p1;
	s0 =	sshrl.u32 @!p1 s0, $0x1  }
0xb3: {  	s3 =	sand.u32 @!p1 s3, s19;
	s2 =	simm.s32 @p2 $0x27050;
	s0 =	smul.u32 @!p1 $0x3, s0  }
0xb4: {  	s2 =	ssub.s32 @!p1 s2, s3  }
0xb5: {  	s2 =	sadd.s32 @!p1 $0xFFFD8FB0, s2;
	s0 =	ssub.s32 @!p1 s21, s0  }
0xb6: {  	s3 =	sshll.u32 @!p1 s2, $0x2;
	p2 =	sgt.s32 @!p1 s2, $0xEF;
	s0 =	smul.u32 @!p1 $0x3C0, s0  }
0xb7: {  	s4 =	sand.u32 @!p1 $0x7, s19;
	s2 =	ssub.s32 @!p1 $0x3C0, s3;
	p2 =	por !p2, p1  }
0xb8: {  	s3 =	sshrl.u32 @!p1 s19, $0x3;
	s2 =	sshrl.u32 @!p1 s2, $0x2;
	s0 =	sshrl.u32 @!p1 s0, $0x2  }
0xb9: {  	s3 =	sadd.s32 @!p1 s3, s14;
	s2 =	simm.s32 @!p2 $0x0;
	s0 =	sadd.s32 @!p1 $0x10248, s0  }
0xba: {  	[tilespmem:s0], [sflag:$0xA] =	stream.linear.gather @!p1 [hbm4b:s3+s4], s2, $0x38;
	[tilespmem:$0x1F6F8] =	vst v63  }
0xbb: {  	s0 =	sadd.s32 $0xFFFFFFFF, s21  }
0xbc: {  	p1 =	sge.u32 s0, s13  }
0xbd: {  	p2 =	sgt.s32 @!p1 s20, $0x27050  }
0xbe: {  	s2 =	smov.u32 s20;
	s3 =	sshra.s32 @!p1 s20, $0x1F;
	p2 =	por !p2, p1  }
0xbf: {  	s3 =	sand.u32 @!p1 s3, s20;
	s2 =	simm.s32 @p2 $0x27050  }
0xc0: {  	s2 =	ssub.s32 @!p1 s2, s3  }
0xc1: {  	s2 =	sadd.s32 @!p1 $0xFFFD8FB0, s2  }
0xc2: {  	s4 =	sand.u32 @!p1 $0x1, s0;
	s3 =	sshll.u32 @!p1 s2, $0x2  }
0xc3: {  	p2 =	sgt.s32 @!p1 s2, $0xEF;
	s2 =	ssub.s32 @!p1 $0x3C0, s3;
	s3 =	smulhi.u32 @!p1 $0xAAAAAAAB, s0  }
0xc4: {  	s23 =	smul.u32 @!p1 $0x3C0, s4;
	p2 =	por !p2, p1;
	s2 =	sshrl.u32 @!p1 s2, $0x2  }
0xc5: {  	s5 =	simm.s32 @!p1 $0xA;
	s2 =	simm.s32 @!p2 $0x0;
	s3 =	sshrl.u32 @!p1 s3, $0x1  }
0xc6: {  	s23 =	sshrl.u32 @!p1 s23, $0x2;
	_ =	swait.ge @!p1 [sflag:s5], s2;
	s3 =	smul.u32 @!p1 $0x3, s3  }
0xc7: {  	s23 =	sadd.s32 @!p1 $0x10518, s23;
	s24 =	ssub.s32 @!p1 $0x0, s2;
	[sflag:s5] =	ssyncset.done @!p1 $0x0  }
0xc8: {  	[sflag:s5] =	ssyncadd.s32 @!p1 s24;
	s5 =	sshrl.u32 @!p1 s20, $0x3;
	s0 =	ssub.s32 @!p1 s0, s3  }
0xc9: {  	s24 =	sand.u32 @!p1 $0x7, s20;
	s5 =	sadd.s32 @!p1 s5, s15;
	s0 =	smul.u32 @!p1 $0x3C0, s0  }
0xca: {  	[tilespmem:s23], [sflag:$0xB] =	stream.linear.gather @!p1 [hbm4b:s5+s24], s2, $0x38;
	[tilespmem:$0x1F6F8] =	vst v63  }
0xcb: {  	s3 =	ssub.s32 @!p1 $0x27140, s20;
	s2 =	smul.u32 @!p1 $0x1E000, s4  }
0xcc: {  	p2 =	slt.s32 @!p1 s3, $0xF0  }
0xcd: {  	p2 =	por !p2, p1;
	s0 =	sshrl.u32 @!p1 s0, $0x2;
	s2 =	sshrl.u32 @!p1 s2, $0x2  }
0xce: {  	s3 =	simm.s32 @p2 $0xF0;
	s0 =	sadd.s32 @!p1 $0x10248, s0;
	s2 =	sor.u32 @!p1 $0x106F8, s2  }
0xcf: {  	[tilespmem:s2], [sflag:$0x9] =	stream.indirect.gather @!p1 [hbm4b:s6+s3], $0x80, s0, s3, $0xb8;
	[tilespmem:$0x1F6F8] =	vst v63  }
0xd0: {  	p1 =	slt.u32 s21, $0x2  }
.Ltmp11:
0xd1: {  	_ = 	snop;
	(pc) =	sbr.rel @p1 .LBB3_21-.Ltmp11, $1  }
0xd2: {  	_ =	sdelay $0x3  }
0xd3: {  	p1 =	sgt.s32 s22, $0x27050  }
0xd4: {  	s0 =	smov.u32 s22;
	s2 =	sshra.s32 s22, $0x1F;
	s3 =	ssub.s32 $0x27140, s22  }
0xd5: {  	s0 =	simm.s32 @!p1 $0x27050;
	s2 =	sand.u32 s2, s22;
	p1 =	slt.s32 s3, $0xF0  }
0xd6: {  	s0 =	ssub.s32 s0, s2;
	s3 =	simm.s32 @!p1 $0xF0  }
0xd7: {  	s0 =	sadd.s32 $0xFFFD8FB0, s0;
	s25 =	sshll.u32 s3, $0x7  }
0xd8: {  	s26 =	sshll.u32 s0, $0x2;
	s2 =	sand.u32 $0x3FFFFF80, s25  }
0xd9: {  	p1 =	sgt.s32 s0, $0xEF;
	s29 =	ssub.s32 $0x3C0, s26;
	_ =	swait.ge [sflag:s10], s2  }
0xda: {  	s2 =	ssub.s32 $0x0, s2;
	[sflag:s10] =	ssyncset.done $0x0;
	s0 =	sshrl.u32 s29, $0x2  }
0xdb: {  	[sflag:s10] =	ssyncadd.s32 s2;
	s0 =	simm.s32 @p1 $0x0  }
0xdc: {  	_ =	swait.ge [sflag:s11], s0  }
0xdd: {  	s0 =	ssub.s32 $0x0, s0;
	[sflag:s11] =	ssyncset.done $0x0  }
0xde: {  	[sflag:s11] =	ssyncadd.s32 s0  }
0xdf: {  	v1 =	vld [tilespmem:$0xF208];
	_ =	sdelay $0x4  }
0xe0: {  	(v2sf) =	vpush v1, $0x0  }
0xe1: {  	(v2sf) =	vpush v1, $0x1  }
0xe2: {  	(v2sf) =	vpush v1, $0x2;
	_ =	sdelay $0x3  }
0xe3: {  	s0 =	sadd.s32 $0xF0, s22  }
0xe4: {  	s2 =	ssub.s32 $0x4E280, s22;
	p1 =	slt.s32 s8, s0  }
0xe5: {  	s0 =	smov.u32 @p1 s8;
	p1 =	sgt.s32 s2, $0x0  }
0xe6: {  	s26 =	ssub.s32 s0, s22;
	s2 =	simm.s32 @!p1 $0x0  }
0xe7: {  	p1 =	slt.s32 s2, s26  }
0xe8: {  	s26 =	smov.u32 @p1 s2  }
0xe9: {  	s25 =	simm.s32 $0x1;
	p1 =	slt.s32 s26, $0x1  }
.Ltmp12:
0xea: {  	s25 =	simm.s32 @!p0 $0x0;
	(pc) =	sbr.rel @p1 .LBB3_8-.Ltmp12, $4  }
0xeb: {  	s31 =	smul.u32 $0x3C0, s25  }
0xec: {  	s28 =	spop (v2sf)  }
0xed: {  	s0 =	sshrl.u32 s31, $0x2;
	s30 =	spop (v2sf)  }
0xee: {  	s23 =	sadd.s32 $0x10518, s0;
	s22 =	spop (v2sf)  }
0xef: {  	s0 =	smin.u32 s26, $0x10  }
0xf0: {  	v1 =	vmov s0  }
0xf1: {  	p2 =	sgt.s32 s26, $0x10;
	vm1 =	vgt.u32 v1, v0  }
.Ltmp13:
0xf2: {  	_ = 	snop;
	(pc) =	sbr.rel @!p2 .LBB3_7-.Ltmp13, $2  }
0xf3: {  	_ =	sdelay $0x2  }
0xf4: {  	s4 =	simm.s32 $0x10;
	s24 =	sadd.s32 $0xFFFFFFF0, s26;
	s0 =	smov.u32 s23;
	vm0 =	vmmov vm1  }
.LBB3_6:
0xf5: {  	s2 =	smin.u32 s24, $0x10;
	s4 =	sadd.s32 $0x10, s4;
	v1 =	vld.msk [tilespmem:s0+$0x0 ss:$0x1], vm1  }
0xf6: {  	v2 =	vmov s2;
	p2 =	slt.s32 s4, s26  }
0xf7: {  	vm1 =	vgt.u32 v2, v0  }
.Ltmp14:
0xf8: {  	(pc) =	sbr.rel @p2 .LBB3_6-.Ltmp14, $3  }
0xf9: {  	_ =	sdelay $0x1  }
0xfa: {  	v1 =	vshll.u32 v1, $0x4  }
0xfb: {  	s24 =	sadd.s32 $0xFFFFFFF0, s24;
	[tilespmem:s0+$0x0] =	vst.msk vm0, v1;
	s0 =	sadd.s32 $0x10, s0;
	vm0 =	vmmov vm1  }
.LBB3_7:
0xfc: {  	_ =	sdelay $0x4  }
0xfd: {  	v1 =	vld.msk [tilespmem:s0+$0x0 ss:$0x1], vm1;
	_ =	sdelay $0x4  }
0xfe: {  	v1 =	vshll.u32 v1, $0x4  }
0xff: {  	[tilespmem:s0+$0x0] =	vst.msk vm0, v1  }
.LBB3_8:
0x100: {  	s0 =	sand.u32 $0x1, s21  }
0x101: {  	s2 =	smul.u32 $0x7800, s0  }
0x102: {  	p2 =	sne.s32 s30, $0xFFFFFFFF  }
0x103: {  	v1 =	vld @!p2 [tilespmem:s2+$0x106F8];
	_ =	sdelay $0x2  }
0x104: {  	s0 =	smul.u32 $0xF0, s0;
	_ =	sdelay $0x1  }
0x105: {  	v2 =	vld.msk @!p2 [tilespmem:s0+$0x10518], $0x1;
	[tilespmem:$0x108] =	vst @!p2 v1  }
0x106: {  	v1 =	vld @!p2 [tilespmem:s2+$0x10708];
	_ =	sdelay $0x4  }
0x107: {  	[tilespmem:$0x118] =	vst @!p2 v1  }
0x108: {  	v1 =	vld @!p2 [tilespmem:s2+$0x10718];
	_ =	sdelay $0x4  }
0x109: {  	[tilespmem:$0x128] =	vst @!p2 v1  }
0x10a: {  	v1 =	vld @!p2 [tilespmem:s2+$0x10728];
	_ =	sdelay $0x4  }
0x10b: {  	[tilespmem:$0x138] =	vst @!p2 v1  }
0x10c: {  	v1 =	vld @!p2 [tilespmem:s2+$0x10738];
	_ =	sdelay $0x4  }
0x10d: {  	[tilespmem:$0x148] =	vst @!p2 v1  }
0x10e: {  	(v2sf) =	vpush @!p2 v2, $0x0;
	v1 =	vld @!p2 [tilespmem:s2+$0x10748];
	_ =	sdelay $0x4  }
0x10f: {  	[tilespmem:$0x158] =	vst @!p2 v1  }
0x110: {  	v1 =	vld @!p2 [tilespmem:s2+$0x10758];
	_ =	sdelay $0x4  }
0x111: {  	[tilespmem:$0x168] =	vst @!p2 v1  }
0x112: {  	v1 =	vld @!p2 [tilespmem:s2+$0x10768]  }
.Ltmp15:
0x113: {  	_ = 	snop;
	(pc) =	sbr.rel @p1 .LBB3_19-.Ltmp15, $4  }
0x114: {  	_ = 	snop  }
0x115: {  	s29 =	spop @!p2 (v2sf)  }
0x116: {  	s22 =	simm.s32 @!p2 $0x0;
	s24 =	smov.u32 s29  }
0x117: {  	s29 =	smov.u32 @p2 s28;
	s24 =	smov.u32 @p2 s30;
	[tilespmem:$0x178] =	vst @!p2 v1;
	[sflag:s18] =	ssyncpa.u1 $0x0  }
0x118: {  	v1 =	vld.msk [tilespmem:s23+$0x0], $0x1;
	_ =	sdelay $0x4  }
0x119: {  	(v2sf) =	vpush v1, $0x0;
	_ =	sdelay $0xe  }
0x11a: {  	s2 =	smul.u32 $0x1E000, s25;
	s0 =	spop (v2sf)  }
0x11b: {  	s26 =	ssub.s32 $0x0, s26;
	p1 =	seq.s32 s29, s0  }
0x11c: {  	s30 =	sadd.s32 $0x1, s26;
	s2 =	sshrl.u32 s2, $0x2;
	p2 =	sgt.s32 @!p1 s29, $0x0  }
0x11d: {  	s25 =	sor.u32 $0x10738, s2;
	s2 =	smov.u32 s29;
	p2 =	por !p2, p1  }
0x11e: {  	s2 =	simm.s32 @p2 $0x0;
	p2 =	seq.s32 s30, $0x0  }
.Ltmp16:
0x11f: {  	_ = 	snop;
	(pc) =	sbr.rel @p2 .LBB3_11-.Ltmp16, $4  }
0x120: {  	_ = 	snop  }
0x121: {  	s28 =	simm.s32 $0x0;
	s31 =	sadd.s32 $0x1, s23;
	s2 =	smin.u32 @!p1 s2, $0x27170  }
0x122: {  	s4 =	simm.s32 @!p1 $0x1;
	s5 =	simm.s32 @!p1 $0x7988;
	s3 =	sand.u32 @!p1 $0x3FFF8, s2  }
0x123: {  	s4 =	smov.u32 @p1 s28;
	s2 =	sand.u32 @!p1 $0x7, s2;
	s3 =	sadd.s32 @!p1 s1, s3  }
.LBB3_10:
0x124: {  	s9 =	smov.u32 s4  }
0x125: {  	[tilespmem:s5], [sflag:$0x2] =	stream.linear.gather @!p1 [hbm4b:s3+s2], $0x80, $0x38;
	[tilespmem:$0x1F6F8] =	vst v63  }
0x126: {  	s30 =	sadd.s32 $0x1, s30;
	s2 =	smov.u32 s0;
	v1 =	vld.msk [tilespmem:s31+$0x0], $0x1  }
0x127: {  	p2 =	seq.s32 s30, $0x0;
	_ =	sdelay $0x3  }
0x128: {  	(v2sf) =	vpush v1, $0x0;
	_ =	sdelay $0xe  }
0x129: {  	s0 =	spop (v2sf)  }
0x12a: {  	p1 =	seq.s32 s2, s0  }
0x12b: {  	p3 =	sgt.s32 @!p1 s2, $0x0;
	s3 =	sshll.u32 @!p1 s4, $0x9;
	s4 =	sadd.s32 @!p1 $0x1, s4  }
.Ltmp17:
0x12c: {  	p3 =	por !p3, p1;
	s3 =	sshra.s32 @!p1 s3, $0x2;
	(pc) =	sbr.rel @!p2 .LBB3_10-.Ltmp17, $4  }
0x12d: {  	s4 =	smov.u32 @p1 s9;
	s2 =	simm.s32 @p3 $0x0;
	s5 =	sadd.s32 @!p1 $0x7988, s3  }
0x12e: {  	s2 =	smin.u32 @!p1 s2, $0x27170  }
0x12f: {  	s3 =	sand.u32 @!p1 $0x3FFF8, s2;
	s2 =	sand.u32 @!p1 $0x7, s2  }
0x130: {  	s31 =	sadd.s32 $0x1, s31;
	s3 =	sadd.s32 @!p1 s1, s3  }
.LBB3_11:
0x131: {  	[tilespmem:s5], [sflag:$0x2] =	stream.linear.gather @!p1 [hbm4b:s3+s2], $0x80, $0x38;
	[tilespmem:$0x1F6F8] =	vst v63  }
.Ltmp18:
0x132: {  	s0 =	sshll.u32 s4, $0x7;
	(pc) =	sbr.rel .LBB3_12-.Ltmp18, $4  }
0x133: {  	s30 =	simm.s32 $0x2;
	s0 =	sand.u32 $0x3FFFFF80, s0  }
0x134: {  	_ =	swait.ge [sflag:s30], s0  }
0x135: {  	s0 =	ssub.s32 $0x0, s0;
	[sflag:s30] =	ssyncset.done $0x0  }
0x136: {  	s31 =	simm.s32 $0x0;
	[sflag:s30] =	ssyncadd.s32 s0  }
.LBB3_13:
0x137: {  	s0 =	sshra.s32 s0, $0x2;
	v1 =	vld [tilespmem:s25+$0xFFFFFFC0]  }
0x138: {  	v2 =	vld [tilespmem:s0+$0x108];
	_ =	sdelay $0x4  }
0x139: {  	v1 =	vmax.f32 v1, v2  }
0x13a: {  	v2 =	vld [tilespmem:s0+$0x118];
	[tilespmem:s0+$0x108] =	vst v1  }
0x13b: {  	v1 =	vld [tilespmem:s25+$0xFFFFFFD0];
	_ =	sdelay $0x4  }
0x13c: {  	v1 =	vmax.f32 v1, v2  }
0x13d: {  	v2 =	vld [tilespmem:s0+$0x128];
	[tilespmem:s0+$0x118] =	vst v1  }
0x13e: {  	v1 =	vld [tilespmem:s25+$0xFFFFFFE0];
	_ =	sdelay $0x4  }
0x13f: {  	v1 =	vmax.f32 v1, v2  }
0x140: {  	v2 =	vld [tilespmem:s0+$0x138];
	[tilespmem:s0+$0x128] =	vst v1  }
0x141: {  	v1 =	vld [tilespmem:s25+$0xFFFFFFF0];
	_ =	sdelay $0x4  }
0x142: {  	v1 =	vmax.f32 v1, v2  }
0x143: {  	v2 =	vld [tilespmem:s0+$0x148];
	[tilespmem:s0+$0x138] =	vst v1  }
0x144: {  	v1 =	vld [tilespmem:s25+$0x0];
	_ =	sdelay $0x4  }
0x145: {  	v1 =	vmax.f32 v1, v2  }
0x146: {  	v2 =	vld [tilespmem:s0+$0x158];
	[tilespmem:s0+$0x148] =	vst v1  }
0x147: {  	v1 =	vld [tilespmem:s25+$0x10];
	_ =	sdelay $0x4  }
0x148: {  	v1 =	vmax.f32 v1, v2  }
0x149: {  	v2 =	vld [tilespmem:s0+$0x168];
	[tilespmem:s0+$0x158] =	vst v1  }
0x14a: {  	v1 =	vld [tilespmem:s25+$0x20];
	_ =	sdelay $0x4  }
0x14b: {  	v1 =	vmax.f32 v1, v2  }
0x14c: {  	v2 =	vld [tilespmem:s0+$0x178];
	[tilespmem:s0+$0x168] =	vst v1  }
0x14d: {  	v1 =	vld [tilespmem:s25+$0x30];
	_ =	sdelay $0x4  }
0x14e: {  	v1 =	vmax.f32 v1, v2  }
0x14f: {  	[tilespmem:s0+$0x178] =	vst v1  }
.LBB3_17:
0x150: {  	s26 =	sadd.s32 $0x1, s26  }
0x151: {  	p1 =	seq.s32 s26, $0x0  }
.Ltmp19:
0x152: {  	_ = 	snop;
	(pc) =	sbr.rel @p1 .LBB3_18-.Ltmp19, $2  }
0x153: {  	_ =	sdelay $0x2  }
0x154: {  	s23 =	sadd.s32 $0x1, s23;
	s25 =	sadd.s32 $0x80, s25;
	s29 =	smov.u32 s30  }
.LBB3_12:
0x155: {  	v1 =	vld.msk [tilespmem:s23+$0x0], $0x1;
	_ =	sdelay $0x4  }
0x156: {  	(v2sf) =	vpush v1, $0x0;
	_ =	sdelay $0xe  }
0x157: {  	s30 =	spop (v2sf)  }
0x158: {  	p1 =	sne.s32 s29, s30  }
.Ltmp20:
0x159: {  	_ = 	snop;
	(pc) =	sbr.rel @!p1 .LBB3_13-.Ltmp20, $2  }
0x15a: {  	_ =	sdelay $0x2  }
0x15b: {  	s0 =	sshll.u32 s22, $0x9  }
0x15c: {  	p1 =	seq.s32 s29, s24  }
.Ltmp21:
0x15d: {  	_ = 	snop;
	(pc) =	sbr.rel @!p1 .LBB3_15-.Ltmp21, $1  }
0x15e: {  	_ =	sdelay $0x3  }
0x15f: {  	s0 =	sshra.s32 s0, $0x2  }
.Ltmp22:
0x160: {  	s0 =	sadd.s32 $0x108, s0;
	(pc) =	sbr.rel .LBB3_16-.Ltmp22, $4  }
0x161: {  	[spmem:s16] =	stream.linear.scatter [tilespmem:s0], [sflag:$0x1], $0x80, $0x38;
	[tilespmem:$0x1F6F8] =	vst v63  }
0x162: {  	_ =	swait.ge [sflag:s12], $0x80  }
0x163: {  	[sflag:s12] =	ssyncset.done $0x0  }
0x164: {  	[sflag:s12] =	ssyncadd.s32 $0xFFFFFF80  }
.LBB3_15:
0x165: {  	s2 =	sshll.u32 s28, $0x9;
	s0 =	sshra.s32 s0, $0x2  }
0x166: {  	s2 =	sshra.s32 s2, $0x2;
	v2 =	vld [tilespmem:s0+$0x108]  }
0x167: {  	v1 =	vld [tilespmem:s2+$0x7988];
	_ =	sdelay $0x4  }
0x168: {  	v1 =	vmax.f32 v1, v2  }
0x169: {  	v2 =	vld [tilespmem:s0+$0x118];
	[tilespmem:s0+$0x108] =	vst v1  }
0x16a: {  	v1 =	vld [tilespmem:s2+$0x7998];
	_ =	sdelay $0x4  }
0x16b: {  	v1 =	vmax.f32 v1, v2  }
0x16c: {  	v2 =	vld [tilespmem:s0+$0x128];
	[tilespmem:s0+$0x118] =	vst v1  }
0x16d: {  	v1 =	vld [tilespmem:s2+$0x79A8];
	_ =	sdelay $0x4  }
0x16e: {  	v1 =	vmax.f32 v1, v2  }
0x16f: {  	v2 =	vld [tilespmem:s0+$0x138];
	[tilespmem:s0+$0x128] =	vst v1  }
0x170: {  	v1 =	vld [tilespmem:s2+$0x79B8];
	_ =	sdelay $0x4  }
0x171: {  	v1 =	vmax.f32 v1, v2  }
0x172: {  	v2 =	vld [tilespmem:s0+$0x148];
	[tilespmem:s0+$0x138] =	vst v1  }
0x173: {  	v1 =	vld [tilespmem:s2+$0x79C8];
	_ =	sdelay $0x4  }
0x174: {  	v1 =	vmax.f32 v1, v2  }
0x175: {  	v2 =	vld [tilespmem:s0+$0x158];
	[tilespmem:s0+$0x148] =	vst v1  }
0x176: {  	v1 =	vld [tilespmem:s2+$0x79D8];
	_ =	sdelay $0x4  }
0x177: {  	v1 =	vmax.f32 v1, v2  }
0x178: {  	v2 =	vld [tilespmem:s0+$0x168];
	[tilespmem:s0+$0x158] =	vst v1  }
0x179: {  	v1 =	vld [tilespmem:s2+$0x79E8];
	_ =	sdelay $0x4  }
0x17a: {  	v1 =	vmax.f32 v1, v2  }
0x17b: {  	v2 =	vld [tilespmem:s0+$0x178];
	[tilespmem:s0+$0x168] =	vst v1  }
0x17c: {  	v1 =	vld [tilespmem:s2+$0x79F8];
	_ =	sdelay $0x3  }
0x17d: {  	p1 =	sgt.u32 s29, $0x27170  }
0x17e: {  	s2 =	sand.u32 @!p1 $0x3FFF8, s29;
	v1 =	vmax.f32 v1, v2  }
0x17f: {  	s3 =	sadd.s32 $0x108, s0;
	[tilespmem:s0+$0x178] =	vst v1;
	s0 =	sadd.s32 @!p1 s1, s2;
	s2 =	sand.u32 @!p1 $0x7, s29  }
0x180: {  	[hbm4b:s0+s2] =	stream.linear.scatter @!p1 [tilespmem:s3], [sflag:$0xC], $0x80, $0x38;
	[tilespmem:$0x1F6F8] =	vst v63  }
0x181: {  	s0 =	simm.s32 $0x0  }
0x182: {  	s0 =	simm.s32 @!p1 $0x200  }
0x183: {  	s31 =	sadd.s32 s0, s31  }
.LBB3_16:
0x184: {  	s0 =	sadd.s32 $0x1, s22  }
0x185: {  	s2 =	smulhi.u32 $0x88888889, s0;
	_ =	sdelay $0x1  }
0x186: {  	v1 =	vld [tilespmem:s25+$0xFFFFFFC0];
	s2 =	sshrl.u32 s2, $0x7  }
0x187: {  	s2 =	smul.u32 $0xF0, s2;
	_ =	sdelay $0x1  }
0x188: {  	s22 =	ssub.s32 s0, s2  }
0x189: {  	s0 =	sshll.u32 s22, $0x7  }
0x18a: {  	[tilespmem:s0+$0x108] =	vst v1  }
0x18b: {  	v1 =	vld [tilespmem:s25+$0xFFFFFFD0];
	_ =	sdelay $0x4  }
0x18c: {  	[tilespmem:s0+$0x118] =	vst v1  }
0x18d: {  	v1 =	vld [tilespmem:s25+$0xFFFFFFE0];
	_ =	sdelay $0x4  }
0x18e: {  	[tilespmem:s0+$0x128] =	vst v1  }
0x18f: {  	v1 =	vld [tilespmem:s25+$0xFFFFFFF0];
	_ =	sdelay $0x4  }
0x190: {  	[tilespmem:s0+$0x138] =	vst v1  }
0x191: {  	v1 =	vld [tilespmem:s25+$0x0];
	_ =	sdelay $0x4  }
0x192: {  	[tilespmem:s0+$0x148] =	vst v1  }
0x193: {  	v1 =	vld [tilespmem:s25+$0x10];
	_ =	sdelay $0x4  }
0x194: {  	[tilespmem:s0+$0x158] =	vst v1  }
0x195: {  	v1 =	vld [tilespmem:s25+$0x20];
	_ =	sdelay $0x4  }
0x196: {  	[tilespmem:s0+$0x168] =	vst v1  }
0x197: {  	v1 =	vld [tilespmem:s25+$0x30]  }
.Ltmp23:
0x198: {  	_ = 	snop;
	(pc) =	sbr.rel .LBB3_17-.Ltmp23, $2  }
0x199: {  	_ =	sdelay $0x2  }
0x19a: {  	s28 =	sadd.s32 $0x1, s28;
	[tilespmem:s0+$0x178] =	vst v1  }
.LBB3_19:
.Ltmp24:
0x19b: {  	(pc) =	sbr.rel .LBB3_20-.Ltmp24, $4  }
0x19c: {  	_ = 	snop  }
0x19d: {  	s0 =	simm.s32 $0x2  }
0x19e: {  	_ =	swait.ge [sflag:s0], $0x0  }
0x19f: {  	s30 =	smov.u32 s29;
	[sflag:s0] =	ssyncset.done $0x0;
	s0 =	simm.s32 $0x0  }
.LBB3_22:
0x1a0: {  	_ =	sfence.sel $0x180000  }
0x1a1: {  	s0 =	simm.s32 $0x9;
	[bflag:$0x0] =	sbarrier.arrive $0xFFFF  }
0x1a2: {  	s24 =	simm.s32 $0xA;
	[sflag:s0] =	ssyncpa.u1 $0x1  }
0x1a3: {  	s25 =	simm.s32 $0xB;
	[sflag:s24] =	ssyncpa.u1 $0x1  }
0x1a4: {  	s26 =	simm.s32 $0x2;
	[sflag:s25] =	ssyncpa.u1 $0x1  }
0x1a5: {  	[sflag:s26] =	ssyncpa.u1 $0x1  }
0x1a6: {  	v0 =	vld [tilespmem:$0xF208];
	_ =	sdelay $0x4  }
0x1a7: {  	(v2sf) =	vpush v0, $0x0  }
0x1a8: {  	(v2sf) =	vpush v0, $0x1;
	_ =	sdelay $0x1  }
0x1a9: {  	(v2sf) =	vpush v0, $0x2;
	_ =	sdelay $0xb  }
0x1aa: {  	s0 =	spop (v2sf)  }
0x1ab: {  	s2 =	spop (v2sf)  }
0x1ac: {  	s3 =	smov.u32 s0;
	p0 =	sne.s32 s0, s2  }
0x1ad: {  	s4 =	spop (v2sf);
	s3 =	simm.s32 @!p0 $0xFFFFFFFF  }
0x1ae: {  	v2 =	vimm.s32 $0x1;
	v3 =	vlaneseq.u32;
	p0 =	seq.s32 s4, $0xFFFFFFFF;
	v1 =	vmov s3  }
0x1af: {  	s16 =	stileid.u32;
	v0 =	vperm.xlane v0, v2;
	p1 =	sne.s32 @!p0 s0, s2;
	v1 =	vperm.xlane v1, v3  }
0x1b0: {  	vm0 =	vcmask $0x3F04;
	s6 =	simm.s32 $0xF208;
	s0 =	simm.s32 @!p0 $0x1;
	p1 =	por !p1, p0  }
0x1b1: {  	s3 =	sshll.u32 s16, $0x1;
	s2 =	sshll.u32 @!p0 s4, $0x9;
	s0 =	simm.s32 @p1 $0x0;
	v0 =	vsel vm0, v1, v0  }
0x1b2: {  	s5 =	sor.u32 $0x1000, s3;
	s2 =	sshra.s32 @!p0 s2, $0x2;
	s0 =	sor.u32 @!p0 s0, s3;
	[tilespmem:$0xF208] =	vst v0  }
0x1b3: {  	[spmem:s5] =	stream.linear.scatter [tilespmem:s6], [sflag:$0x1], $0x2, $0x38;
	[tilespmem:$0x1F6F8] =	vst v63  }
0x1b4: {  	s2 =	sadd.s32 @!p0 $0x108, s2;
	s0 =	sshll.u32 @!p0 s0, $0x7  }
0x1b5: {  	[spmem:s0] =	stream.linear.scatter @!p0 [tilespmem:s2], [sflag:$0x1], $0x80, $0x38;
	[tilespmem:$0x1F6F8] =	vst v63  }
0x1b6: {  	s0 =	simm.s32 @!p0 $0x82  }
0x1b7: {  	s28 =	simm.s32 $0x1;
	s0 =	simm.s32 @p0 $0x2  }
0x1b8: {  	_ =	swait.ge [sflag:s28], s0  }
0x1b9: {  	s0 =	ssub.s32 $0x0, s0;
	[sflag:s28] =	ssyncset.done $0x0  }
0x1ba: {  	p0 =	sne.s32 s16, $0x0;
	[sflag:s28] =	ssyncadd.s32 s0  }
.Ltmp25:
0x1bb: {  	_ =	sfence.stream.spmem;
	(pc) =	sbr.rel @p0 .LBB3_39-.Ltmp25, $4  }
0x1bc: {  	s29 =	simm.s32 $0x3;
	[bflag:$0x0] =	sbarrier.arrive $0xFFFF  }
0x1bd: {  	s30 =	simm.s32 $0x4;
	[sflag:s29] =	ssyncpa.u1 $0x1  }
0x1be: {  	s31 =	simm.s32 $0x3C;
	[sflag:s30] =	ssyncpa.u1 $0x1  }
0x1bf: {  	s15 =	rddreg [dreg:$0x4];
	[sflag:s31] =	ssyncpa.u1 $0x1  }
0x1c0: {  	_ =	sfence.stream.spmem;
	s0 =	simm.s32 $0x5  }
0x1c1: {  	s2 =	simm.s32 $0x1000;
	s3 =	simm.s32 $0xF218;
	[sflag:s0] =	ssyncpa.u1 $0x0  }
0x1c2: {  	[tilespmem:s3], [sflag:$0x5] =	stream.linear.gather [spmem:s2], $0x20, $0x38;
	[tilespmem:$0x1F6F8] =	vst v63  }
0x1c3: {  	s26 =	simm.s32 $0x0;
	s28 =	simm.s32 $0xF238  }
0x1c4: {  	[tilespmem:s28], [sflag:$0x5] =	stream.linear.gather [spmem:s26], $0x1000, $0x38;
	[tilespmem:$0x1F6F8] =	vst v63  }
0x1c5: {  	_ =	swait.ge [sflag:s0], $0x1020  }
0x1c6: {  	[sflag:s0] =	ssyncset.done $0x0  }
0x1c7: {  	s29 =	simm.s32 $0x0;
	[sflag:s0] =	ssyncadd.s32 $0xFFFFEFE0  }
0x1c8: {  	v0 =	vld.msk [tilespmem:s29+$0xF218], $0x1;
	_ =	sdelay $0x1  }
0x1c9: {  	s30 =	simm.s32 $0x1  }
0x1ca: {  	v1 =	vld.msk [tilespmem:s30+$0xF218], $0x1;
	_ =	sdelay $0x1  }
0x1cb: {  	(v2sf) =	vpush v0, $0x0;
	_ =	sdelay $0x2  }
0x1cc: {  	(v2sf) =	vpush v1, $0x0;
	_ =	sdelay $0x2  }
0x1cd: {  	s31 =	simm.s32 $0x2  }
0x1ce: {  	v0 =	vld.msk [tilespmem:s31+$0xF218], $0x1;
	_ =	sdelay $0x2  }
0x1cf: {  	s4 =	simm.s32 $0xFFFFFFFF;
	s5 =	simm.s32 $0xFFFFFFFF;
	s0 =	simm.s32 $0xC  }
.LBB3_24:
0x1d0: {  	s2 =	smov.u32 s5;
	s3 =	smov.u32 s4  }
0x1d1: {  	s4 =	sshra.s32 s0, $0x2;
	p1 =	sne.s32 s0, $0x7C;
	s0 =	sadd.s32 $0x4, s0;
	(v2sf) =	vpush v0, $0x0  }
0x1d2: {  	v0 =	vld.msk [tilespmem:s4+$0xF218], $0x1  }
.Ltmp26:
0x1d3: {  	(pc) =	sbr.rel @p1 .LBB3_24-.Ltmp26, $4  }
0x1d4: {  	s5 =	spop (v2sf)  }
0x1d5: {  	p2 =	sne.s32 s3, $0xFFFFFFFF;
	s4 =	smov.u32 s5  }
0x1d6: {  	p3 =	seq.s32 s5, $0xFFFFFFFF;
	s4 =	smov.u32 @p2 s3  }
0x1d7: {  	s5 =	smov.u32 @p3 s2;
	s4 =	smov.u32 @p3 s3  }
0x1d8: {  	(v2sf) =	vpush v0, $0x0;
	_ =	sdelay $0x8  }
0x1d9: {  	s0 =	spop (v2sf)  }
0x1da: {  	p1 =	sne.s32 s4, $0xFFFFFFFF;
	s2 =	smov.u32 s0  }
0x1db: {  	s9 =	simm.s32 $0x6;
	p2 =	seq.s32 s0, $0xFFFFFFFF;
	s2 =	smov.u32 @p1 s4  }
0x1dc: {  	s6 =	simm.s32 $0x0;
	s2 =	smov.u32 @p2 s4;
	s3 =	spop (v2sf)  }
0x1dd: {  	s0 =	smov.u32 @p2 s5;
	p1 =	sne.s32 s2, $0xFFFFFFFF;
	s4 =	smov.u32 s3  }
.Ltmp27:
0x1de: {  	p2 =	seq.s32 s3, $0xFFFFFFFF;
	s4 =	smov.u32 @p1 s2;
	(pc) =	sbr.rel .LBB3_26-.Ltmp27, $4  }
0x1df: {  	s10 =	simm.s32 $0xF188;
	s4 =	smov.u32 @p2 s2;
	s7 =	spop (v2sf)  }
0x1e0: {  	s11 =	simm.s32 $0x0;
	p1 =	sne.s32 s4, $0xFFFFFFFF;
	s8 =	smov.u32 s7  }
0x1e1: {  	s3 =	smov.u32 @p2 s0;
	p2 =	seq.s32 s7, $0xFFFFFFFF;
	s8 =	smov.u32 @p1 s4  }
0x1e2: {  	[sflag:s9] =	ssyncpa.u1 $0x0;
	s7 =	smov.u32 @p2 s3;
	s8 =	smov.u32 @p2 s4  }
.LBB3_32:
0x1e3: {  	p1 =	sgt.u32 s12, $0x27170  }
0x1e4: {  	p2 =	seq.s32 @!p1 s12, s8  }
0x1e5: {  	p1 =	por p1, p2  }
0x1e6: {  	p2 =	sne.s32 @!p1 s12, s7  }
0x1e7: {  	p1 =	por p1, !p2  }
0x1e8: {  	s0 =	sshll.u32 @p1 s11, $0x9  }
0x1e9: {  	s0 =	sand.u32 @!p1 $0x3FFF8, s12  }
0x1ea: {  	s2 =	sand.u32 @!p1 $0x7, s12;
	s0 =	sadd.s32 @!p1 s1, s0  }
0x1eb: {  	[tilespmem:s10], [sflag:$0x6] =	stream.linear.gather @!p1 [hbm4b:s0+s2], $0x80, $0x38;
	[tilespmem:$0x1F6F8] =	vst v63  }
0x1ec: {  	_ =	swait.ge @!p1 [sflag:s9], $0x80  }
0x1ed: {  	[sflag:s9] =	ssyncset.done @!p1 $0x0  }
0x1ee: {  	s0 =	sshll.u32 @!p1 s11, $0x9;
	[sflag:s9] =	ssyncadd.s32 @!p1 $0xFFFFFF80  }
0x1ef: {  	s2 =	sshrl.u32 @!p1 s0, $0x2;
	v1 =	vld @!p1 [tilespmem:$0xF188]  }
0x1f0: {  	v2 =	vld @!p1 [tilespmem:s2+$0xF238];
	_ =	sdelay $0x4  }
0x1f1: {  	v1 =	vmax.f32 @!p1 v1, v2  }
0x1f2: {  	v2 =	vld @!p1 [tilespmem:s2+$0xF248];
	[tilespmem:s2+$0xF238] =	vst @!p1 v1  }
0x1f3: {  	v1 =	vld @!p1 [tilespmem:$0xF198];
	_ =	sdelay $0x4  }
0x1f4: {  	v1 =	vmax.f32 @!p1 v1, v2  }
0x1f5: {  	v2 =	vld @!p1 [tilespmem:s2+$0xF258];
	[tilespmem:s2+$0xF248] =	vst @!p1 v1  }
0x1f6: {  	v1 =	vld @!p1 [tilespmem:$0xF1A8];
	_ =	sdelay $0x4  }
0x1f7: {  	v1 =	vmax.f32 @!p1 v1, v2  }
0x1f8: {  	v2 =	vld @!p1 [tilespmem:s2+$0xF268];
	[tilespmem:s2+$0xF258] =	vst @!p1 v1  }
0x1f9: {  	v1 =	vld @!p1 [tilespmem:$0xF1B8];
	_ =	sdelay $0x4  }
0x1fa: {  	v1 =	vmax.f32 @!p1 v1, v2  }
0x1fb: {  	v2 =	vld @!p1 [tilespmem:s2+$0xF278];
	[tilespmem:s2+$0xF268] =	vst @!p1 v1  }
0x1fc: {  	v1 =	vld @!p1 [tilespmem:$0xF1C8];
	_ =	sdelay $0x4  }
0x1fd: {  	v1 =	vmax.f32 @!p1 v1, v2  }
0x1fe: {  	v2 =	vld @!p1 [tilespmem:s2+$0xF288];
	[tilespmem:s2+$0xF278] =	vst @!p1 v1  }
0x1ff: {  	v1 =	vld @!p1 [tilespmem:$0xF1D8];
	_ =	sdelay $0x4  }
0x200: {  	v1 =	vmax.f32 @!p1 v1, v2  }
0x201: {  	v2 =	vld @!p1 [tilespmem:s2+$0xF298];
	[tilespmem:s2+$0xF288] =	vst @!p1 v1  }
0x202: {  	v1 =	vld @!p1 [tilespmem:$0xF1E8];
	_ =	sdelay $0x4  }
0x203: {  	v1 =	vmax.f32 @!p1 v1, v2  }
0x204: {  	v2 =	vld @!p1 [tilespmem:s2+$0xF2A8];
	[tilespmem:s2+$0xF298] =	vst @!p1 v1  }
0x205: {  	v1 =	vld @!p1 [tilespmem:$0xF1F8];
	_ =	sdelay $0x4  }
0x206: {  	v1 =	vmax.f32 @!p1 v1, v2  }
0x207: {  	[tilespmem:s2+$0xF2A8] =	vst @!p1 v1  }
0x208: {  	s0 =	sshrl.u32 s0, $0x2;
	[tilespmem:s6+$0xF218] =	vst.msk $0x1, v0  }
0x209: {  	v0 =	vld [tilespmem:s0+$0xF238];
	_ =	sdelay $0x2  }
0x20a: {  	s31 =	sshll.u32 s6, $0x9  }
0x20b: {  	s2 =	sshra.s32 s31, $0x2  }
0x20c: {  	[tilespmem:s2+$0xF238] =	vst v0  }
0x20d: {  	v0 =	vld [tilespmem:s0+$0xF248];
	_ =	sdelay $0x4  }
0x20e: {  	[tilespmem:s2+$0xF248] =	vst v0  }
0x20f: {  	v0 =	vld [tilespmem:s0+$0xF258];
	_ =	sdelay $0x4  }
0x210: {  	[tilespmem:s2+$0xF258] =	vst v0  }
0x211: {  	v0 =	vld [tilespmem:s0+$0xF268];
	_ =	sdelay $0x4  }
0x212: {  	[tilespmem:s2+$0xF268] =	vst v0  }
0x213: {  	v0 =	vld [tilespmem:s0+$0xF278];
	_ =	sdelay $0x4  }
0x214: {  	[tilespmem:s2+$0xF278] =	vst v0  }
0x215: {  	v0 =	vld [tilespmem:s0+$0xF288];
	_ =	sdelay $0x4  }
0x216: {  	[tilespmem:s2+$0xF288] =	vst v0  }
0x217: {  	v0 =	vld [tilespmem:s0+$0xF298];
	_ =	sdelay $0x4  }
0x218: {  	[tilespmem:s2+$0xF298] =	vst v0  }
0x219: {  	v0 =	vld [tilespmem:s0+$0xF2A8];
	_ =	sdelay $0x4  }
0x21a: {  	s6 =	sadd.s32 $0x1, s6;
	[tilespmem:s2+$0xF2A8] =	vst v0  }
.LBB3_33:
0x21b: {  	s11 =	sadd.s32 $0x1, s11  }
0x21c: {  	p1 =	sne.s32 s11, $0x20  }
.Ltmp28:
0x21d: {  	_ = 	snop;
	(pc) =	sbr.rel @!p1 .LBB3_34-.Ltmp28, $1  }
0x21e: {  	_ =	sdelay $0x3  }
.LBB3_26:
0x21f: {  	v0 =	vld.msk [tilespmem:s11+$0xF218], $0x1;
	_ =	sdelay $0x4  }
0x220: {  	(v2sf) =	vpush v0, $0x0;
	_ =	sdelay $0xe  }
0x221: {  	s12 =	spop (v2sf)  }
0x222: {  	p1 =	seq.s32 s12, $0xFFFFFFFF  }
.Ltmp29:
0x223: {  	_ = 	snop;
	(pc) =	sbr.rel @p1 .LBB3_33-.Ltmp29, $1  }
0x224: {  	_ =	sdelay $0x3  }
0x225: {  	p1 =	slt.s32 s6, $0x1  }
.Ltmp30:
0x226: {  	_ = 	snop;
	(pc) =	sbr.rel @p1 .LBB3_32-.Ltmp30, $1  }
0x227: {  	_ =	sdelay $0x3  }
0x228: {  	s13 =	simm.s32 $0xF218;
	p1 =	por $0x0, $0x0  }
0x229: {  	v1 =	vld.msk @!p1 [tilespmem:s13+$0x0], $0x1;
	_ =	sdelay $0x4  }
0x22a: {  	(v2sf) =	vpush @!p1 v1, $0x0;
	_ =	sdelay $0xd  }
0x22b: {  	p3 =	sne.s32 s6, $0x1  }
.Ltmp31:
0x22c: {  	s0 =	spop @!p1 (v2sf);
	(pc) =	sbr.rel @!p3 .LBB3_30-.Ltmp31, $4  }
0x22d: {  	p2 =	seq.s32 @!p1 s12, s0  }
0x22e: {  	s14 =	simm.s32 $0x0;
	p2 =	por !p2, p1  }
0x22f: {  	s2 =	simm.s32 $0xFFFFFFFF;
	s14 =	simm.s32 @p2 $0xFFFFFFFF  }
0x230: {  	s0 =	simm.s32 $0x1;
	s14 =	smov.u32 @p1 s2  }
.LBB3_29:
0x231: {  	s2 =	smov.u32 s14;
	p1 =	sne.s32 s14, $0xFFFFFFFF  }
0x232: {  	s13 =	sadd.s32 $0x1, s13;
	s14 =	smov.u32 s0;
	s0 =	sadd.s32 $0x1, s0  }
0x233: {  	p2 =	sne.s32 s6, s0;
	v1 =	vld.msk @!p1 [tilespmem:s13+$0x0], $0x1;
	_ =	sdelay $0x4  }
0x234: {  	(v2sf) =	vpush @!p1 v1, $0x0;
	_ =	sdelay $0xe  }
.Ltmp32:
0x235: {  	s3 =	spop @!p1 (v2sf);
	(pc) =	sbr.rel @p2 .LBB3_29-.Ltmp32, $4  }
0x236: {  	p3 =	seq.s32 @!p1 s12, s3  }
0x237: {  	p3 =	por !p3, p1  }
0x238: {  	s14 =	simm.s32 @p3 $0xFFFFFFFF  }
0x239: {  	s14 =	smov.u32 @p1 s2  }
.LBB3_30:
0x23a: {  	p1 =	seq.s32 s14, $0xFFFFFFFF  }
.Ltmp33:
0x23b: {  	_ = 	snop;
	(pc) =	sbr.rel @p1 .LBB3_32-.Ltmp33, $1  }
0x23c: {  	_ =	sdelay $0x3  }
0x23d: {  	s0 =	sshll.u32 s11, $0x7  }
0x23e: {  	s2 =	sshll.u32 s14, $0x9;
	s0 =	sand.u32 $0x3FFFFF80, s0  }
0x23f: {  	s2 =	sshra.s32 s2, $0x2;
	v0 =	vld [tilespmem:s0+$0xF238]  }
0x240: {  	v1 =	vld [tilespmem:s2+$0xF238];
	_ =	sdelay $0x4  }
0x241: {  	v0 =	vmax.f32 v0, v1  }
0x242: {  	v57 =	vld [tilespmem:s2+$0xF248];
	[tilespmem:s2+$0xF238] =	vst v0  }
0x243: {  	v0 =	vld [tilespmem:s0+$0xF248];
	_ =	sdelay $0x4  }
0x244: {  	v0 =	vmax.f32 v0, v57  }
0x245: {  	v58 =	vld [tilespmem:s2+$0xF258];
	[tilespmem:s2+$0xF248] =	vst v0  }
0x246: {  	v0 =	vld [tilespmem:s0+$0xF258];
	_ =	sdelay $0x4  }
0x247: {  	v0 =	vmax.f32 v0, v58  }
0x248: {  	v59 =	vld [tilespmem:s2+$0xF268];
	[tilespmem:s2+$0xF258] =	vst v0  }
0x249: {  	v0 =	vld [tilespmem:s0+$0xF268];
	_ =	sdelay $0x4  }
0x24a: {  	v0 =	vmax.f32 v0, v59  }
0x24b: {  	v60 =	vld [tilespmem:s2+$0xF278];
	[tilespmem:s2+$0xF268] =	vst v0  }
0x24c: {  	v0 =	vld [tilespmem:s0+$0xF278];
	_ =	sdelay $0x4  }
0x24d: {  	v0 =	vmax.f32 v0, v60  }
0x24e: {  	v61 =	vld [tilespmem:s2+$0xF288];
	[tilespmem:s2+$0xF278] =	vst v0  }
0x24f: {  	v0 =	vld [tilespmem:s0+$0xF288];
	_ =	sdelay $0x4  }
0x250: {  	v0 =	vmax.f32 v0, v61  }
0x251: {  	v62 =	vld [tilespmem:s2+$0xF298];
	[tilespmem:s2+$0xF288] =	vst v0  }
0x252: {  	v0 =	vld [tilespmem:s0+$0xF298];
	_ =	sdelay $0x4  }
0x253: {  	v0 =	vmax.f32 v0, v62  }
0x254: {  	v63 =	vld [tilespmem:s2+$0xF2A8];
	[tilespmem:s2+$0xF298] =	vst v0  }
0x255: {  	v0 =	vld [tilespmem:s0+$0xF2A8];
	_ =	sdelay $0x1  }
.Ltmp34:
0x256: {  	_ = 	snop;
	(pc) =	sbr.rel .LBB3_33-.Ltmp34, $3  }
0x257: {  	_ =	sdelay $0x1  }
0x258: {  	v0 =	vmax.f32 v0, v63  }
0x259: {  	[tilespmem:s2+$0xF2A8] =	vst v0  }
.LBB3_34:
0x25a: {  	s0 =	simm.s32 $0x6;
	p1 =	seq.s32 s6, $0x0  }
0x25b: {  	[sflag:s0] =	ssyncpa.u1 $0x1;
	v0 =	vimm.s32 @p1 $0xFFFFFFFF  }
0x25c: {  	s9 =	sadd.s32 $0xFFFFFFFF, s6;
	[tilespmem:$0x10238] =	vst @p1 v0  }
0x25d: {  	v0 =	vld.msk @!p1 [tilespmem:s9+$0xF218], $0x1;
	_ =	sdelay $0x1  }
0x25e: {  	v1 =	vld.msk @!p1 [tilespmem:$0xF218], $0x1;
	_ =	sdelay $0x2  }
0x25f: {  	p2 =	seq.s32 @!p1 s9, $0x0;
	v0 =	vbroadcast @!p1 v0, $0x0  }
0x260: {  	vm0 =	vmmov @!p1 $0x1;
	p2 =	por !p2, p1  }
0x261: {  	v1 =	vnsel @!p1 vm0, $0xFFFFFFFF, v1;
	vm0 =	vcmask @!p1 $0x308;
	v0 =	vpsel !p2, $0xFFFFFFFF, v0  }
0x262: {  	p2 =	sne.s32 @!p1 s8, s7;
	v0 =	vsel @!p1 vm0, v1, v0  }
0x263: {  	s0 =	simm.s32 @!p1 $0xF238;
	s2 =	simm.s32 @!p1 $0x0;
	p3 =	por !p2, p1;
	[tilespmem:$0x10238] =	vst @!p1 v0  }
0x264: {  	[spmem:s2] =	stream.linear.scatter @!p1 [tilespmem:s0], [sflag:$0x1], $0x80, $0x38;
	[tilespmem:$0x1F6F8] =	vst v63  }
0x265: {  	s0 =	sshll.u32 @!p3 s9, $0x9  }
0x266: {  	s0 =	sshra.s32 @!p3 s0, $0x2  }
0x267: {  	s2 =	simm.s32 @!p3 $0x80;
	s0 =	sadd.s32 @!p3 $0xF238, s0  }
0x268: {  	[spmem:s2] =	stream.linear.scatter @!p3 [tilespmem:s0], [sflag:$0x1], $0x80, $0x38;
	[tilespmem:$0x1F6F8] =	vst v63  }
0x269: {  	s0 =	simm.s32 @!p3 $0x1  }
0x26a: {  	_ =	swait.ge @!p3 [sflag:s0], $0x100  }
0x26b: {  	p1 =	por p2, p1;
	[sflag:s0] =	ssyncset.done @!p3 $0x0  }
0x26c: {  	[sflag:s0] =	ssyncadd.s32 @!p3 $0xFFFFFF00;
	s0 =	simm.s32 @!p1 $0x1  }
0x26d: {  	_ =	swait.ge @!p1 [sflag:s0], $0x80  }
0x26e: {  	s29 =	simm.s32 $0x10238;
	[sflag:s0] =	ssyncset.done @!p1 $0x0  }
0x26f: {  	s30 =	simm.s32 $0x1000;
	s31 =	simm.s32 $0x1;
	[sflag:s0] =	ssyncadd.s32 @!p1 $0xFFFFFF80  }
0x270: {  	[spmem:s30] =	stream.linear.scatter [tilespmem:s29], [sflag:$0x1], $0x10, $0x38;
	[tilespmem:$0x1F6F8] =	vst v63  }
0x271: {  	_ =	swait.ge [sflag:s31], $0x10  }
0x272: {  	[sflag:s31] =	ssyncset.done $0x0  }
0x273: {  	p1 =	seq.s32 s15, $0x0;
	s8 =	rddreg [dreg:$0x1];
	[sflag:s31] =	ssyncadd.s32 $0xFFFFFFF0  }
0x274: {  	s2 =	sshll.u32 @p1 s8, $0xE;
	s7 =	rddreg [dreg:$0x2]  }
0x275: {  	s0 =	sadd.s32 @p1 $0x15C3C, s2;
	s2 =	sshll.u32 @p1 s7, $0x11  }
0x276: {  	_ =	sfence.stream.spmem;
	s0 =	sor.u32 @p1 s2, s0  }
0x277: {  	[sflag:s0] =	ssyncadd.remote.s32 @p1 $0x1;
	s0 =	simm.s32 @p1 $0x4  }
0x278: {  	s3 =	simm.s32 @!p1 $0x3C;
	s2 =	sand.u32 $0xFFFFFFFE, s8;
	_ =	swait.ge @p1 [sflag:s0], $0x22  }
0x279: {  	s4 =	simm.s32 @!p1 $0x0;
	s2 =	sadd.s32 @!p1 $0x4, s2;
	[sflag:s0] =	ssyncset.done @p1 $0x0  }
0x27a: {  	s5 =	simm.s32 @!p1 $0x100;
	[sflag:s0] =	ssyncadd.s32 @p1 $0xFFFFFFDE;
	s0 =	sshll.u32 @!p1 s2, $0x1A  }
0x27b: {  	s2 =	sshll.u32 @!p1 s2, $0xD;
	s0 =	sor.u32 @!p1 s0, s7;
	_ =	swait.eq @!p1 [sflag:s3], $0x1  }
0x27c: {  	s2 =	sor.u32 @!p1 $0x1C04, s2;
	s3 =	simm.s32 @!p1 $0x1C03;
	s0 =	sor.u32 @!p1 $0x80004000, s0  }
0x27d: {  	[spmem:s5], [sflag:s2] =	dma.general @!p1 [spmem:s4], [sflag:s3], length:$0x20, [dreg:$0x0], stride_count:$0x0, ici_dest:s0, dma_misc:DstOpCode:WRITE  }
0x27e: {  	p2 =	slt.s32 s9, $0x2;
	s4 =	simm.s32 @!p1 $0x200;
	s5 =	simm.s32 @!p1 $0x202  }
0x27f: {  	[spmem:s5], [sflag:s2] =	dma.general @!p1 [spmem:s4], [sflag:s3], length:$0x2, [dreg:$0x0], stride_count:$0x0, ici_dest:s0, dma_misc:DstOpCode:WRITE  }
.Ltmp35:
0x280: {  	s0 =	simm.s32 @!p1 $0x3;
	(pc) =	sbr.rel @p2 .LBB3_38-.Ltmp35, $4  }
0x281: {  	s2 =	sshll.u32 @!p1 s8, $0xE;
	_ =	swait.ge @!p1 [sflag:s0], $0x22  }
0x282: {  	s3 =	sshll.u32 @!p1 s7, $0x11;
	s2 =	sadd.s32 @!p1 $0x11C3C, s2;
	[sflag:s0] =	ssyncset.done @!p1 $0x0  }
0x283: {  	[sflag:s0] =	ssyncadd.s32 @!p1 $0xFFFFFFDE;
	s0 =	sor.u32 @!p1 s3, s2  }
0x284: {  	[sflag:s0] =	ssyncadd.remote.s32 @!p1 $0xFFFFFFFF;
	s0 =	simm.s32 $0x0  }
0x285: {  	s0 =	simm.s32 $0xF219  }
0x286: {  	v0 =	vld.msk [tilespmem:s0+$0x0], $0x1;
	_ =	sdelay $0x4  }
0x287: {  	(v2sf) =	vpush v0, $0x0;
	_ =	sdelay $0xb  }
0x288: {  	s31 =	sadd.s32 $0xFFFFFFFE, s6  }
0x289: {  	s0 =	sadd.s32 $0xFFFFFFFF, s31  }
0x28a: {  	p2 =	sne.s32 s0, $0x0  }
.Ltmp36:
0x28b: {  	s2 =	spop (v2sf);
	(pc) =	sbr.rel @!p2 .LBB3_37-.Ltmp36, $4  }
0x28c: {  	s4 =	simm.s32 $0xF2B8;
	s7 =	simm.s32 $0x0;
	p1 =	sgt.u32 s2, $0x27170  }
0x28d: {  	s5 =	simm.s32 $0x0;
	s6 =	simm.s32 $0xF21A;
	s3 =	sand.u32 @!p1 $0x3FFF8, s2  }
0x28e: {  	s2 =	sand.u32 @!p1 $0x7, s2;
	s7 =	simm.s32 @!p1 $0x200;
	s3 =	sadd.s32 @!p1 s1, s3  }
0x28f: {  	[hbm4b:s3+s2] =	stream.linear.scatter @!p1 [tilespmem:s4], [sflag:$0x5], $0x80, $0x38;
	[tilespmem:$0x1F6F8] =	vst v63  }
.LBB3_36:
0x290: {  	v0 =	vld.msk [tilespmem:s6+$0x0], $0x1;
	s0 =	sadd.s32 $0xFFFFFFFF, s0;
	s5 =	sadd.s32 s5, s7  }
0x291: {  	p1 =	sne.s32 s0, $0x0;
	_ =	sdelay $0x3  }
0x292: {  	(v2sf) =	vpush v0, $0x0;
	_ =	sdelay $0xe  }
.Ltmp37:
0x293: {  	s2 =	spop (v2sf);
	(pc) =	sbr.rel @p1 .LBB3_36-.Ltmp37, $4  }
0x294: {  	s7 =	simm.s32 $0x0;
	p2 =	sgt.u32 s2, $0x27170  }
0x295: {  	s4 =	sadd.s32 $0x80, s4;
	s7 =	simm.s32 @!p2 $0x200;
	s3 =	sand.u32 @!p2 $0x3FFF8, s2  }
0x296: {  	s6 =	sadd.s32 $0x1, s6;
	s2 =	sand.u32 @!p2 $0x7, s2;
	s3 =	sadd.s32 @!p2 s1, s3  }
0x297: {  	[hbm4b:s3+s2] =	stream.linear.scatter @!p2 [tilespmem:s4], [sflag:$0x5], $0x80, $0x38;
	[tilespmem:$0x1F6F8] =	vst v63  }
.LBB3_37:
0x298: {  	s0 =	sadd.s32 s5, s7  }
0x299: {  	s0 =	sshrl.u32 s0, $0x2  }
.LBB3_38:
0x29a: {  	s2 =	simm.s32 $0x5  }
0x29b: {  	_ =	swait.ge [sflag:s2], s0  }
0x29c: {  	s31 =	ssub.s32 $0x0, s0;
	[sflag:s2] =	ssyncset.done $0x0  }
0x29d: {  	[sflag:s2] =	ssyncadd.s32 s31  }
0x29e: {  	[sflag:s2] =	ssyncpa.u1 $0x1  }
.LBB3_39:
0x29f: {  	s0 =	sor.u32 s15, s16  }
0x2a0: {  	p1 =	sne.s32 s0, $0x0  }
.Ltmp38:
0x2a1: {  	_ = 	snop;
	(pc) =	sbr.rel @p1 .LBB3_54-.Ltmp38, $3  }
0x2a2: {  	_ =	sdelay $0x1  }
0x2a3: {  	[bflag:$0x0] =	sbarrier.arrive $0xFFFF  }
0x2a4: {  	_ =	sfence  }
0x2a5: {  	s0 =	simm.s32 $0x7  }
0x2a6: {  	s2 =	simm.s32 $0x1000;
	s3 =	simm.s32 $0xF218;
	[sflag:s0] =	ssyncpa.u1 $0x0  }
0x2a7: {  	[tilespmem:s3], [sflag:$0x7] =	stream.linear.gather [spmem:s2], $0x20, $0x38;
	[tilespmem:$0x1F6F8] =	vst v63  }
0x2a8: {  	s30 =	simm.s32 $0xF238;
	s2 =	simm.s32 $0x0  }
0x2a9: {  	[tilespmem:s30], [sflag:$0x7] =	stream.linear.gather [spmem:s2], $0x1000, $0x38;
	[tilespmem:$0x1F6F8] =	vst v63  }
.Ltmp39:
0x2aa: {  	_ = 	snop;
	(pc) =	sbr.rel .LBB3_41-.Ltmp39, $4  }
0x2ab: {  	_ =	swait.ge [sflag:s0], $0x1020  }
0x2ac: {  	[sflag:s0] =	ssyncset.done $0x0  }
0x2ad: {  	s31 =	simm.s32 $0x8;
	[sflag:s0] =	ssyncadd.s32 $0xFFFFEFE0  }
0x2ae: {  	s3 =	simm.s32 $0x0;
	[sflag:s31] =	ssyncpa.u1 $0x0  }
.LBB3_47:
0x2af: {  	p1 =	slt.u32 s4, $0x27171  }
0x2b0: {  	s0 =	sand.u32 @p1 $0x3FFF8, s4  }
0x2b1: {  	s4 =	sand.u32 @p1 $0x7, s4;
	s5 =	simm.s32 @p1 $0xF188;
	s0 =	sadd.s32 @p1 s1, s0  }
0x2b2: {  	[tilespmem:s5], [sflag:$0x8] =	stream.linear.gather @p1 [hbm4b:s0+s4], $0x80, $0x38;
	[tilespmem:$0x1F6F8] =	vst v63  }
0x2b3: {  	s0 =	simm.s32 @p1 $0x8  }
0x2b4: {  	_ =	swait.ge @p1 [sflag:s0], $0x80  }
0x2b5: {  	[sflag:s0] =	ssyncset.done @p1 $0x0  }
0x2b6: {  	[sflag:s0] =	ssyncadd.s32 @p1 $0xFFFFFF80;
	s0 =	sshll.u32 @p1 s3, $0x9  }
0x2b7: {  	s4 =	sshrl.u32 @p1 s0, $0x2;
	v1 =	vld @p1 [tilespmem:$0xF188]  }
0x2b8: {  	v2 =	vld @p1 [tilespmem:s4+$0xF238];
	_ =	sdelay $0x4  }
0x2b9: {  	v1 =	vmax.f32 @p1 v1, v2  }
0x2ba: {  	v2 =	vld @p1 [tilespmem:s4+$0xF248];
	[tilespmem:s4+$0xF238] =	vst @p1 v1  }
0x2bb: {  	v1 =	vld @p1 [tilespmem:$0xF198];
	_ =	sdelay $0x4  }
0x2bc: {  	v1 =	vmax.f32 @p1 v1, v2  }
0x2bd: {  	v2 =	vld @p1 [tilespmem:s4+$0xF258];
	[tilespmem:s4+$0xF248] =	vst @p1 v1  }
0x2be: {  	v1 =	vld @p1 [tilespmem:$0xF1A8];
	_ =	sdelay $0x4  }
0x2bf: {  	v1 =	vmax.f32 @p1 v1, v2  }
0x2c0: {  	v2 =	vld @p1 [tilespmem:s4+$0xF268];
	[tilespmem:s4+$0xF258] =	vst @p1 v1  }
0x2c1: {  	v1 =	vld @p1 [tilespmem:$0xF1B8];
	_ =	sdelay $0x4  }
0x2c2: {  	v1 =	vmax.f32 @p1 v1, v2  }
0x2c3: {  	v2 =	vld @p1 [tilespmem:s4+$0xF278];
	[tilespmem:s4+$0xF268] =	vst @p1 v1  }
0x2c4: {  	v1 =	vld @p1 [tilespmem:$0xF1C8];
	_ =	sdelay $0x4  }
0x2c5: {  	v1 =	vmax.f32 @p1 v1, v2  }
0x2c6: {  	v2 =	vld @p1 [tilespmem:s4+$0xF288];
	[tilespmem:s4+$0xF278] =	vst @p1 v1  }
0x2c7: {  	v1 =	vld @p1 [tilespmem:$0xF1D8];
	_ =	sdelay $0x4  }
0x2c8: {  	v1 =	vmax.f32 @p1 v1, v2  }
0x2c9: {  	v2 =	vld @p1 [tilespmem:s4+$0xF298];
	[tilespmem:s4+$0xF288] =	vst @p1 v1  }
0x2ca: {  	v1 =	vld @p1 [tilespmem:$0xF1E8];
	_ =	sdelay $0x4  }
0x2cb: {  	v1 =	vmax.f32 @p1 v1, v2  }
0x2cc: {  	v2 =	vld @p1 [tilespmem:s4+$0xF2A8];
	[tilespmem:s4+$0xF298] =	vst @p1 v1  }
0x2cd: {  	v1 =	vld @p1 [tilespmem:$0xF1F8];
	_ =	sdelay $0x4  }
0x2ce: {  	s5 =	sshll.u32 @!p1 s3, $0x9;
	v1 =	vmax.f32 @p1 v1, v2  }
0x2cf: {  	s5 =	smov.u32 @p1 s0;
	[tilespmem:s4+$0xF2A8] =	vst @p1 v1  }
0x2d0: {  	s0 =	sshrl.u32 s5, $0x2;
	[tilespmem:s2+$0xF218] =	vst.msk $0x1, v0  }
0x2d1: {  	v0 =	vld [tilespmem:s0+$0xF238];
	_ =	sdelay $0x2  }
0x2d2: {  	s31 =	sshll.u32 s2, $0x9  }
0x2d3: {  	s4 =	sshra.s32 s31, $0x2  }
0x2d4: {  	[tilespmem:s4+$0xF238] =	vst v0  }
0x2d5: {  	v0 =	vld [tilespmem:s0+$0xF248];
	_ =	sdelay $0x4  }
0x2d6: {  	[tilespmem:s4+$0xF248] =	vst v0  }
0x2d7: {  	v0 =	vld [tilespmem:s0+$0xF258];
	_ =	sdelay $0x4  }
0x2d8: {  	[tilespmem:s4+$0xF258] =	vst v0  }
0x2d9: {  	v0 =	vld [tilespmem:s0+$0xF268];
	_ =	sdelay $0x4  }
0x2da: {  	[tilespmem:s4+$0xF268] =	vst v0  }
0x2db: {  	v0 =	vld [tilespmem:s0+$0xF278];
	_ =	sdelay $0x4  }
0x2dc: {  	[tilespmem:s4+$0xF278] =	vst v0  }
0x2dd: {  	v0 =	vld [tilespmem:s0+$0xF288];
	_ =	sdelay $0x4  }
0x2de: {  	[tilespmem:s4+$0xF288] =	vst v0  }
0x2df: {  	v0 =	vld [tilespmem:s0+$0xF298];
	_ =	sdelay $0x4  }
0x2e0: {  	[tilespmem:s4+$0xF298] =	vst v0  }
0x2e1: {  	v0 =	vld [tilespmem:s0+$0xF2A8];
	_ =	sdelay $0x4  }
0x2e2: {  	s2 =	sadd.s32 $0x1, s2;
	[tilespmem:s4+$0xF2A8] =	vst v0  }
.LBB3_48:
0x2e3: {  	s3 =	sadd.s32 $0x1, s3  }
0x2e4: {  	p1 =	sne.s32 s3, $0x20  }
.Ltmp40:
0x2e5: {  	_ = 	snop;
	(pc) =	sbr.rel @!p1 .LBB3_49-.Ltmp40, $1  }
0x2e6: {  	_ =	sdelay $0x3  }
.LBB3_41:
0x2e7: {  	v0 =	vld.msk [tilespmem:s3+$0xF218], $0x1;
	_ =	sdelay $0x4  }
0x2e8: {  	(v2sf) =	vpush v0, $0x0;
	_ =	sdelay $0xe  }
0x2e9: {  	s4 =	spop (v2sf)  }
0x2ea: {  	p1 =	seq.s32 s4, $0xFFFFFFFF  }
.Ltmp41:
0x2eb: {  	_ = 	snop;
	(pc) =	sbr.rel @p1 .LBB3_48-.Ltmp41, $1  }
0x2ec: {  	_ =	sdelay $0x3  }
0x2ed: {  	p1 =	slt.s32 s2, $0x1  }
.Ltmp42:
0x2ee: {  	_ = 	snop;
	(pc) =	sbr.rel @p1 .LBB3_47-.Ltmp42, $1  }
0x2ef: {  	_ =	sdelay $0x3  }
0x2f0: {  	s5 =	simm.s32 $0xF218;
	p1 =	por $0x0, $0x0  }
0x2f1: {  	v1 =	vld.msk @!p1 [tilespmem:s5+$0x0], $0x1;
	_ =	sdelay $0x4  }
0x2f2: {  	(v2sf) =	vpush @!p1 v1, $0x0;
	_ =	sdelay $0xd  }
0x2f3: {  	p3 =	sne.s32 s2, $0x1  }
.Ltmp43:
0x2f4: {  	s0 =	spop @!p1 (v2sf);
	(pc) =	sbr.rel @!p3 .LBB3_45-.Ltmp43, $4  }
0x2f5: {  	p2 =	seq.s32 @!p1 s4, s0  }
0x2f6: {  	s6 =	simm.s32 $0x0;
	p2 =	por !p2, p1  }
0x2f7: {  	s7 =	simm.s32 $0xFFFFFFFF;
	s6 =	simm.s32 @p2 $0xFFFFFFFF  }
0x2f8: {  	s0 =	simm.s32 $0x1;
	s6 =	smov.u32 @p1 s7  }
.LBB3_44:
0x2f9: {  	s7 =	smov.u32 s6;
	p1 =	sne.s32 s6, $0xFFFFFFFF  }
0x2fa: {  	s5 =	sadd.s32 $0x1, s5;
	s6 =	smov.u32 s0;
	s0 =	sadd.s32 $0x1, s0  }
0x2fb: {  	p2 =	sne.s32 s2, s0;
	v1 =	vld.msk @!p1 [tilespmem:s5+$0x0], $0x1;
	_ =	sdelay $0x4  }
0x2fc: {  	(v2sf) =	vpush @!p1 v1, $0x0;
	_ =	sdelay $0xe  }
.Ltmp44:
0x2fd: {  	s8 =	spop @!p1 (v2sf);
	(pc) =	sbr.rel @p2 .LBB3_44-.Ltmp44, $4  }
0x2fe: {  	p3 =	seq.s32 @!p1 s4, s8  }
0x2ff: {  	p3 =	por !p3, p1  }
0x300: {  	s6 =	simm.s32 @p3 $0xFFFFFFFF  }
0x301: {  	s6 =	smov.u32 @p1 s7  }
.LBB3_45:
0x302: {  	p1 =	seq.s32 s6, $0xFFFFFFFF  }
.Ltmp45:
0x303: {  	_ = 	snop;
	(pc) =	sbr.rel @p1 .LBB3_47-.Ltmp45, $1  }
0x304: {  	_ =	sdelay $0x3  }
0x305: {  	s0 =	sshll.u32 s3, $0x7  }
0x306: {  	s4 =	sshll.u32 s6, $0x9;
	s0 =	sand.u32 $0x3FFFFF80, s0  }
0x307: {  	s4 =	sshra.s32 s4, $0x2;
	v0 =	vld [tilespmem:s0+$0xF238]  }
0x308: {  	v1 =	vld [tilespmem:s4+$0xF238];
	_ =	sdelay $0x4  }
0x309: {  	v0 =	vmax.f32 v0, v1  }
0x30a: {  	v57 =	vld [tilespmem:s4+$0xF248];
	[tilespmem:s4+$0xF238] =	vst v0  }
0x30b: {  	v0 =	vld [tilespmem:s0+$0xF248];
	_ =	sdelay $0x4  }
0x30c: {  	v0 =	vmax.f32 v0, v57  }
0x30d: {  	v58 =	vld [tilespmem:s4+$0xF258];
	[tilespmem:s4+$0xF248] =	vst v0  }
0x30e: {  	v0 =	vld [tilespmem:s0+$0xF258];
	_ =	sdelay $0x4  }
0x30f: {  	v0 =	vmax.f32 v0, v58  }
0x310: {  	v59 =	vld [tilespmem:s4+$0xF268];
	[tilespmem:s4+$0xF258] =	vst v0  }
0x311: {  	v0 =	vld [tilespmem:s0+$0xF268];
	_ =	sdelay $0x4  }
0x312: {  	v0 =	vmax.f32 v0, v59  }
0x313: {  	v60 =	vld [tilespmem:s4+$0xF278];
	[tilespmem:s4+$0xF268] =	vst v0  }
0x314: {  	v0 =	vld [tilespmem:s0+$0xF278];
	_ =	sdelay $0x4  }
0x315: {  	v0 =	vmax.f32 v0, v60  }
0x316: {  	v61 =	vld [tilespmem:s4+$0xF288];
	[tilespmem:s4+$0xF278] =	vst v0  }
0x317: {  	v0 =	vld [tilespmem:s0+$0xF288];
	_ =	sdelay $0x4  }
0x318: {  	v0 =	vmax.f32 v0, v61  }
0x319: {  	v62 =	vld [tilespmem:s4+$0xF298];
	[tilespmem:s4+$0xF288] =	vst v0  }
0x31a: {  	v0 =	vld [tilespmem:s0+$0xF298];
	_ =	sdelay $0x4  }
0x31b: {  	v0 =	vmax.f32 v0, v62  }
0x31c: {  	v63 =	vld [tilespmem:s4+$0xF2A8];
	[tilespmem:s4+$0xF298] =	vst v0  }
0x31d: {  	v0 =	vld [tilespmem:s0+$0xF2A8];
	_ =	sdelay $0x1  }
.Ltmp46:
0x31e: {  	_ = 	snop;
	(pc) =	sbr.rel .LBB3_48-.Ltmp46, $3  }
0x31f: {  	_ =	sdelay $0x1  }
0x320: {  	v0 =	vmax.f32 v0, v63  }
0x321: {  	[tilespmem:s4+$0xF2A8] =	vst v0  }
.LBB3_49:
0x322: {  	p1 =	slt.s32 s2, $0x1  }
.Ltmp47:
0x323: {  	_ = 	snop;
	(pc) =	sbr.rel @p1 .LBB3_53-.Ltmp47, $3  }
0x324: {  	_ =	sdelay $0x1  }
0x325: {  	s0 =	simm.s32 $0x8  }
0x326: {  	s3 =	simm.s32 $0x0;
	[sflag:s0] =	ssyncpa.u1 $0x1  }
0x327: {  	s0 =	simm.s32 $0xF218  }
0x328: {  	v0 =	vld.msk [tilespmem:s0+$0x0], $0x1;
	_ =	sdelay $0x4  }
0x329: {  	(v2sf) =	vpush v0, $0x0;
	_ =	sdelay $0xe  }
0x32a: {  	s0 =	sadd.s32 $0xFFFFFFFF, s2;
	s5 =	spop (v2sf)  }
0x32b: {  	p2 =	sne.s32 s0, $0x0;
	p1 =	sgt.u32 s5, $0x27170  }
.Ltmp48:
0x32c: {  	s6 =	sand.u32 @!p1 $0x3FFF8, s5;
	(pc) =	sbr.rel @!p2 .LBB3_52-.Ltmp48, $4  }
0x32d: {  	s4 =	simm.s32 $0xF238;
	s5 =	sand.u32 @!p1 $0x7, s5;
	s2 =	sadd.s32 @!p1 s1, s6  }
0x32e: {  	[hbm4b:s2+s5] =	stream.linear.scatter @!p1 [tilespmem:s4], [sflag:$0x7], $0x80, $0x38;
	[tilespmem:$0x1F6F8] =	vst v63  }
0x32f: {  	s5 =	simm.s32 $0x0  }
0x330: {  	s2 =	simm.s32 $0xF219;
	s5 =	simm.s32 @!p1 $0x200  }
.LBB3_51:
0x331: {  	v0 =	vld.msk [tilespmem:s2+$0x0], $0x1;
	s0 =	sadd.s32 $0xFFFFFFFF, s0;
	s3 =	sadd.s32 s3, s5  }
0x332: {  	p1 =	sne.s32 s0, $0x0;
	_ =	sdelay $0x3  }
0x333: {  	(v2sf) =	vpush v0, $0x0;
	_ =	sdelay $0xe  }
.Ltmp49:
0x334: {  	s6 =	spop (v2sf);
	(pc) =	sbr.rel @p1 .LBB3_51-.Ltmp49, $4  }
0x335: {  	s5 =	simm.s32 $0x0;
	p2 =	sgt.u32 s6, $0x27170  }
0x336: {  	s4 =	sadd.s32 $0x80, s4;
	s5 =	simm.s32 @!p2 $0x200;
	s7 =	sand.u32 @!p2 $0x3FFF8, s6  }
0x337: {  	s2 =	sadd.s32 $0x1, s2;
	s6 =	sand.u32 @!p2 $0x7, s6;
	s7 =	sadd.s32 @!p2 s1, s7  }
0x338: {  	[hbm4b:s7+s6] =	stream.linear.scatter @!p2 [tilespmem:s4], [sflag:$0x7], $0x80, $0x38;
	[tilespmem:$0x1F6F8] =	vst v63  }
.LBB3_52:
0x339: {  	s0 =	sadd.s32 s3, s5  }
0x33a: {  	s3 =	sshrl.u32 s0, $0x2  }
.LBB3_53:
0x33b: {  	s0 =	simm.s32 $0x7  }
0x33c: {  	_ =	swait.ge [sflag:s0], s3  }
0x33d: {  	s1 =	ssub.s32 $0x0, s3;
	[sflag:s0] =	ssyncset.done $0x0  }
0x33e: {  	[sflag:s0] =	ssyncadd.s32 s1  }
0x33f: {  	[sflag:s0] =	ssyncpa.u1 $0x1  }
.LBB3_54:
0x340: {  	_ =	sfence;
	s0 =	simm.s32 $0x1  }
0x341: {  	[sflag:s0] =	ssyncpa.u1 $0x1  }
0x342: {  	_ =	strace $0x90000053  }
0x343: {  	[bflag:$0x2] =	sbarrier.arrive $0xFFFF  }
0x344: {  	s0 =	rddreg [dreg:$0x3]  }
0x345: {  	s0 =	sadd.s32 @!p0 $0x100000, s0  }
0x346: {  	[sflag:s0] =	ssyncadd.tile.s32 @!p0 $0x1;
	_ =	shalt  }
.Lfunc_end3:
_tile_overlayer_lowered:
.L_overlay_start_3:
0x347: {  	(tag) =	ssettag $0x3  }
0x348: {  	s0 =	rddreg [dreg:$0x0];
	s2 =	stileid.u32  }
0x349: {  	s1 =	rddreg [dreg:$0x1];
	p0 =	sne.s32 s2, $0x0  }
0x34a: {  	s3 =	rddreg [dreg:$0x2];
	[bflag:$0x3] =	sbarrier.arrive $0xFFFF;
	s2 =	simm.s32 @!p0 $0x1C01  }
0x34b: {  	[timem:s3], [sflag:s2] =	dma.local @!p0 [hbm:s0], s1  }
0x34c: {  	s0 =	simm.s32 @!p0 $0x1  }
0x34d: {  	_ =	swait.ge @!p0 [sflag:s0], s1  }
0x34e: {  	s1 =	ssub.s32 @!p0 $0x0, s1;
	[sflag:s0] =	ssyncset.done @!p0 $0x0  }
0x34f: {  	[sflag:s0] =	ssyncadd.s32 @!p0 s1  }
0x350: {  	[bflag:$0x3] =	sbarrier.arrive $0xFFFF  }
0x351: {  	_ =	shalt  }

</sc_bundles>
